<compile_context>
chip_gen: v7x
topology: tpu7x:2x2x1
jax: 0.10.2.dev20260603
libtpu: 0.0.44.dev20260713+nightly
codegen_flags: <defaults>
</compile_context>

<pallas_src>
import functools

import jax
import jax.numpy as jnp
from jax import lax
from jax.experimental import pallas as pl
from jax.experimental.pallas import tpu as pltpu
from jax.experimental.pallas import tpu_sc as plsc

NUM_EXPERTS = 8
D_MODEL = 1024
D_BEH = 64
D_FF = 2048
TOKENS = 8192

TILE = 256
NUM_TILES = TOKENS // TILE + NUM_EXPERTS
PAD = NUM_TILES * TILE

NUM_WORKERS = 32
CHUNK = 32


def _route(position_index):
    pi = position_index.astype(jnp.int32)
    onehot = (pi[:, None] == jnp.arange(NUM_EXPERTS, dtype=jnp.int32)[None, :])
    ranks_all = jnp.cumsum(onehot.astype(jnp.int32), axis=0)
    counts = ranks_all[-1]
    rank = jnp.take_along_axis(ranks_all, pi[:, None], axis=1)[:, 0] - 1
    tiles_per_e = (counts + TILE - 1) // TILE
    pad_start = (jnp.concatenate([jnp.zeros((1,), jnp.int32),
                                  jnp.cumsum(tiles_per_e)])[:NUM_EXPERTS]
                 * TILE).astype(jnp.int32)
    dest = pad_start[pi] + rank
    src_idx = (jnp.arange(PAD, dtype=jnp.int32) % TOKENS).at[dest].set(
        jnp.arange(TOKENS, dtype=jnp.int32))
    tile_starts = jnp.arange(NUM_TILES, dtype=jnp.int32) * TILE
    tile_expert = (jnp.searchsorted(pad_start, tile_starts, side="right")
                   .astype(jnp.int32) - 1)
    tile_expert = jnp.clip(tile_expert, 0, NUM_EXPERTS - 1)
    return dest, src_idx, tile_expert


def _sc_mesh():
    return plsc.VectorSubcoreMesh(core_axis_name="c", subcore_axis_name="s")


def _dispatch_gather(hidden_states, src_idx):
    rows_per_w = PAD // NUM_WORKERS
    n_chunks = rows_per_w // CHUNK

    @functools.partial(
        pl.kernel,
        out_type=jax.ShapeDtypeStruct((PAD, D_MODEL), jnp.float32),
        mesh=_sc_mesh(),
        scratch_types=[pltpu.VMEM((2, CHUNK), jnp.int32),
                       pltpu.VMEM((2, CHUNK, D_MODEL), jnp.float32),
                       pltpu.SemaphoreType.DMA,
                       pltpu.SemaphoreType.DMA],
    )
    def k(hid_hbm, src_hbm, out_h, idx_v, rows_v, s0, s1):
        wid = lax.axis_index("s") * 2 + lax.axis_index("c")
        base = wid * rows_per_w
        sems = (s0, s1)

        def start(c):
            b = c % 2
            off = base + c * CHUNK
            pltpu.sync_copy(src_hbm.at[pl.ds(off, CHUNK)], idx_v.at[b])
            return pltpu.async_copy(hid_hbm.at[idx_v.at[b]], rows_v.at[b],
                                    sems[b])

        pend = {0: start(0)}
        for c in range(n_chunks):
            if c + 1 < n_chunks:
                pend[c + 1] = start(c + 1)
            pend.pop(c).wait()
            b = c % 2
            off = base + c * CHUNK
            pltpu.sync_copy(rows_v.at[b], out_h.at[pl.ds(off, CHUNK)])

    return k(hidden_states, src_idx)


def _combine_gather(out_sorted, dest):
    rows_per_w = TOKENS // NUM_WORKERS
    n_chunks = rows_per_w // CHUNK

    @functools.partial(
        pl.kernel,
        out_type=jax.ShapeDtypeStruct((TOKENS, D_MODEL), jnp.float32),
        mesh=_sc_mesh(),
        scratch_types=[pltpu.VMEM((2, CHUNK), jnp.int32),
                       pltpu.VMEM((2, CHUNK, D_MODEL), jnp.float32),
                       pltpu.SemaphoreType.DMA,
                       pltpu.SemaphoreType.DMA],
    )
    def k(osort_hbm, dest_hbm, out_hbm, idx_v, rows_v, s0, s1):
        wid = lax.axis_index("s") * 2 + lax.axis_index("c")
        base = wid * rows_per_w
        sems = (s0, s1)

        def start(c):
            b = c % 2
            off = base + c * CHUNK
            pltpu.sync_copy(dest_hbm.at[pl.ds(off, CHUNK)], idx_v.at[b])
            return pltpu.async_copy(osort_hbm.at[idx_v.at[b]], rows_v.at[b],
                                    sems[b])

        pend = {0: start(0)}
        for c in range(n_chunks):
            if c + 1 < n_chunks:
                pend[c + 1] = start(c + 1)
            pend.pop(c).wait()
            b = c % 2
            off = base + c * CHUNK
            pltpu.sync_copy(rows_v.at[b], out_hbm.at[pl.ds(off, CHUNK)])

    return k(out_sorted, dest)


def _mlp_body(te_ref, xh_ref, bidx_ref, bt_ref, wgh_ref, wgb_ref, wuh_ref,
              wub_ref, wd_ref, out_ref):
    bf = jnp.bfloat16
    xh = xh_ref[...].astype(bf)
    bidx = bidx_ref[0, 0, :]
    onehot = (bidx[:, None]
              == lax.broadcasted_iota(jnp.int32, (TILE, bt_ref.shape[0]), 1))
    xb = jnp.dot(onehot.astype(jnp.float32), bt_ref[...],
                 preferred_element_type=jnp.float32).astype(bf)
    g = (jnp.dot(xh, wgh_ref[0].astype(bf), preferred_element_type=jnp.float32)
         + jnp.dot(xb, wgb_ref[0].astype(bf),
                   preferred_element_type=jnp.float32))
    u = (jnp.dot(xh, wuh_ref[0].astype(bf), preferred_element_type=jnp.float32)
         + jnp.dot(xb, wub_ref[0].astype(bf),
                   preferred_element_type=jnp.float32))
    a = ((g * lax.logistic(g)) * u).astype(bf)
    partial = jnp.dot(a, wd_ref[0].astype(bf),
                      preferred_element_type=jnp.float32)
    f = pl.program_id(1)

    @pl.when(f == 0)
    def _():
        out_ref[...] = partial

    @pl.when(f != 0)
    def _():
        out_ref[...] += partial


def _grouped_mlp(xh, bidx_sorted, behavior_table, W_gate, W_up, W_down,
                 tile_expert):
    boff = D_MODEL // D_BEH
    nff = 2
    ff = D_FF // nff
    grid_spec = pltpu.PrefetchScalarGridSpec(
        num_scalar_prefetch=1,
        grid=(NUM_TILES, nff),
        in_specs=[
            pl.BlockSpec((TILE, D_MODEL), lambda i, f, te: (i, 0)),
            pl.BlockSpec((1, 1, TILE), lambda i, f, te: (i, 0, 0)),
            pl.BlockSpec(behavior_table.shape, lambda i, f, te: (0, 0)),
            pl.BlockSpec((1, D_MODEL, ff), lambda i, f, te: (te[i], 0, f)),
            pl.BlockSpec((1, D_BEH, ff), lambda i, f, te: (te[i], boff, f)),
            pl.BlockSpec((1, D_MODEL, ff), lambda i, f, te: (te[i], 0, f)),
            pl.BlockSpec((1, D_BEH, ff), lambda i, f, te: (te[i], boff, f)),
            pl.BlockSpec((1, ff, D_MODEL), lambda i, f, te: (te[i], f, 0)),
        ],
        out_specs=pl.BlockSpec((TILE, D_MODEL), lambda i, f, te: (i, 0)),
    )
    return pl.pallas_call(
        _mlp_body,
        grid_spec=grid_spec,
        out_shape=jax.ShapeDtypeStruct((PAD, D_MODEL), jnp.float32),
        compiler_params=pltpu.CompilerParams(
            vmem_limit_bytes=100 * 1024 * 1024),
    )(tile_expert, xh, bidx_sorted, behavior_table,
      W_gate, W_gate, W_up, W_up, W_down)


@jax.jit
def kernel(hidden_states, position_index, behavior_index, behavior_table,
           W_gate, W_up, W_down):
    dest, src_idx, tile_expert = _route(position_index)
    bidx_sorted = (behavior_index.astype(jnp.int32)[src_idx]
                   .reshape(NUM_TILES, 1, TILE))
    xh = _dispatch_gather(hidden_states, src_idx)
    out_sorted = _grouped_mlp(xh, bidx_sorted, behavior_table,
                              W_gate, W_up, W_down, tile_expert)
    return _combine_gather(out_sorted, dest)

# --- scband reference (transcript-rebuilt; emitter-appended) ---
"""Pipeline reference for scband-my-qwen3-sparse-mlp-16569983828102 (READ-ONLY COPY).

The authoritative reference and input builder live on the scoring server;
editing this copy changes nothing except your own understanding.
"""

import jax, jax.numpy as jnp
import numpy as np

NUM_EXPERTS = 8
D_MODEL = 1024          # moe_intermediate_size (token hidden dim)
D_BEH = 64              # behavior_embedding_dim
D_IN = D_MODEL + D_BEH  # expert input dim with behavior injection
D_FF = 2048             # intermediate_size
NUM_BEH = 16 + 1        # num_behavior + 1
TOKENS = 8192


def setup_inputs(seed: int = 0) -> dict:
    key = jax.random.key(seed)
    ks = jax.random.split(key, 8)
    hidden_states = jax.random.normal(ks[0], (TOKENS, D_MODEL), dtype=jnp.float32)
    position_index = jax.random.randint(ks[1], (TOKENS,), 0, NUM_EXPERTS, dtype=jnp.int64 if jax.config.jax_enable_x64 else jnp.int32)
    behavior_index = jax.random.randint(ks[2], (TOKENS,), 0, NUM_BEH, dtype=jnp.int64 if jax.config.jax_enable_x64 else jnp.int32)
    behavior_table = jax.random.normal(ks[3], (NUM_BEH, D_BEH), dtype=jnp.float32) * 0.02
    W_gate = jax.random.normal(ks[4], (NUM_EXPERTS, D_IN, D_FF), dtype=jnp.float32) * 0.02
    W_up = jax.random.normal(ks[5], (NUM_EXPERTS, D_IN, D_FF), dtype=jnp.float32) * 0.02
    W_down = jax.random.normal(ks[6], (NUM_EXPERTS, D_FF, D_MODEL), dtype=jnp.float32) * 0.02
    return {
        "hidden_states": hidden_states,
        "position_index": position_index,
        "behavior_index": behavior_index,
        "behavior_table": behavior_table,
        "W_gate": W_gate,
        "W_up": W_up,
        "W_down": W_down,
    }


def _expert_mlp(h, wg, wu, wd):
    # gate_proj -> silu, up_proj, elementwise product, down_proj (dropout_rate=0.0 -> identity)
    return (jax.nn.silu(h @ wg) * (h @ wu)) @ wd


def reference(hidden_states, position_index, behavior_index, behavior_table, W_gate, W_up, W_down):
    # behavior injection: embedding lookup + concat
    beh_emb = jnp.take(behavior_table, behavior_index, axis=0)
    h = jnp.concatenate([hidden_states, beh_emb], axis=-1)
    next_states = jnp.zeros_like(hidden_states)
    for e in range(NUM_EXPERTS):
        mask = (position_index == e)[:, None]
        expert_out = _expert_mlp(h, W_gate[e], W_up[e], W_down[e])
        next_states = next_states + jnp.where(mask, expert_out, 0.0)
    return next_states

if __name__ == "__main__":
    import jax
    _d = setup_inputs()
    print(jax.jit(kernel)(*tuple(_d.values())))

</pallas_src>

<mosaic_0001>
#map = affine_map<(d0, d1) -> (0, 0)>
#map1 = affine_map<(d0, d1) -> (0)>
module attributes {stable_mosaic.version = 14 : i64} {
  func.func @k(%arg0: i32, %arg1: i32, %arg2: memref<8192x1024xf32, #tpu.memory_space<hbm>>, %arg3: memref<10240xi32, #tpu.memory_space<hbm>>, %arg4: memref<10240x1024xf32, #tpu.memory_space<hbm>>, %arg5: memref<2x32xi32, #tpu.memory_space<vmem>>, %arg6: memref<2x32x1024xf32, #tpu.memory_space<vmem>>, %arg7: memref<!tpu.dma_semaphore, #tpu.memory_space<semaphore_mem>>, %arg8: memref<!tpu.dma_semaphore, #tpu.memory_space<semaphore_mem>>) attributes {dimension_semantics = [#tpu.dimension_semantics<core_parallel>, #tpu.dimension_semantics<subcore_parallel>], iteration_bounds = array<i64: 2, 16>, scalar_prefetch = 0 : i64, scratch_operands = 4 : i64, tpu.core_type = #tpu.core_type<sc_vector_subcore>, window_params = [{transform_indices = #map}, {transform_indices = #map1}, {transform_indices = #map}]} {
    %mul3A = arith.constant 2 : i32
    %mul3A_0 = arith.muli %arg1, %mul3A : i32
    %add3A = arith.addi %mul3A_0, %arg0 : i32
    %mul3A_1 = arith.constant 320 : i32
    %mul3A_2 = arith.muli %add3A, %mul3A_1 : i32
    %add3A_3 = arith.constant 0 : i32
    %add3A_4 = arith.addi %mul3A_2, %add3A_3 : i32
    %run_scoped3A = arith.constant 0 : i32
    "tpu.region"() ({
      %run_scoped3A_300 = tpu.sem_alloc : memref<!tpu.dma_semaphore, #tpu.memory_space<semaphore_mem>>
      %dma_start3A_301 = arith.constant 0 : i32
      %dma_start3A_302 = tpu.memref_slice %arg5[%run_scoped3A, %dma_start3A_301] : memref<2x32xi32, #tpu.memory_space<vmem>> -> memref<1x32xi32, #tpu.memory_space<vmem>>
      %dma_start3A_303 = tpu.memref_squeeze %dma_start3A_302 : memref<1x32xi32, #tpu.memory_space<vmem>> -> memref<32xi32, #tpu.memory_space<vmem>>
      %dma_start3A_304 = tpu.memref_slice %arg3[%add3A_4] : memref<10240xi32, #tpu.memory_space<hbm>> -> memref<32xi32, #tpu.memory_space<hbm>>
      %dma_start3A_305 = arith.constant 0 : i32
      %dma_start3A_306 = tpu.memref_slice %arg5[%run_scoped3A, %dma_start3A_305] : memref<2x32xi32, #tpu.memory_space<vmem>> -> memref<1x32xi32, #tpu.memory_space<vmem>>
      %dma_start3A_307 = tpu.memref_squeeze %dma_start3A_306 : memref<1x32xi32, #tpu.memory_space<vmem>> -> memref<32xi32, #tpu.memory_space<vmem>>
      %dma_start3A_308 = tpu.memref_slice %arg3[%add3A_4] : memref<10240xi32, #tpu.memory_space<hbm>> -> memref<32xi32, #tpu.memory_space<hbm>>
      tpu.enqueue_dma source(%dma_start3A_308 : memref<32xi32, #tpu.memory_space<hbm>>) target(%dma_start3A_307 : memref<32xi32, #tpu.memory_space<vmem>>) target_semaphore(%run_scoped3A_300 : memref<!tpu.dma_semaphore, #tpu.memory_space<semaphore_mem>>)
      %dma_wait3A_309 = arith.constant 0 : i32
      %dma_wait3A_310 = tpu.memref_slice %arg5[%run_scoped3A, %dma_wait3A_309] : memref<2x32xi32, #tpu.memory_space<vmem>> -> memref<1x32xi32, #tpu.memory_space<vmem>>
      %dma_wait3A_311 = tpu.memref_squeeze %dma_wait3A_310 : memref<1x32xi32, #tpu.memory_space<vmem>> -> memref<32xi32, #tpu.memory_space<vmem>>
      %dma_wait3A_312 = tpu.memref_slice %arg3[%add3A_4] : memref<10240xi32, #tpu.memory_space<hbm>> -> memref<32xi32, #tpu.memory_space<hbm>>
      %dma_wait3A_313 = arith.constant 0 : i32
      %dma_wait3A_314 = tpu.memref_slice %arg5[%run_scoped3A, %dma_wait3A_313] : memref<2x32xi32, #tpu.memory_space<vmem>> -> memref<1x32xi32, #tpu.memory_space<vmem>>
      %dma_wait3A_315 = tpu.memref_squeeze %dma_wait3A_314 : memref<1x32xi32, #tpu.memory_space<vmem>> -> memref<32xi32, #tpu.memory_space<vmem>>
      %dma_wait3A_316 = tpu.memref_slice %arg3[%add3A_4] : memref<10240xi32, #tpu.memory_space<hbm>> -> memref<32xi32, #tpu.memory_space<hbm>>
      tpu.wait_dma2 semaphore(%run_scoped3A_300 : memref<!tpu.dma_semaphore, #tpu.memory_space<semaphore_mem>>) src(%dma_wait3A_316 : memref<32xi32, #tpu.memory_space<hbm>>) dst(%dma_wait3A_315 : memref<32xi32, #tpu.memory_space<vmem>>)
      tpu.yield
    }) : () -> ()
    %dma_start3A = arith.constant 0 : i32
    %dma_start3A_5 = arith.constant 0 : i32
    %dma_start3A_6 = arith.constant 0 : i32
    %dma_start3A_7 = arith.constant 0 : i32
    %dma_start3A_8 = tpu.memref_slice %arg6[%dma_start3A_5, %dma_start3A_6, %dma_start3A_7] : memref<2x32x1024xf32, #tpu.memory_space<vmem>> -> memref<1x32x1024xf32, #tpu.memory_space<vmem>>
    %dma_start3A_9 = tpu.memref_squeeze %dma_start3A_8 : memref<1x32x1024xf32, #tpu.memory_space<vmem>> -> memref<32x1024xf32, #tpu.memory_space<vmem>>
    %dma_start3A_10 = arith.constant 0 : i32
    %dma_start3A_11 = tpu.memref_slice %arg5[%dma_start3A, %dma_start3A_10] : memref<2x32xi32, #tpu.memory_space<vmem>> -> memref<1x32xi32, #tpu.memory_space<vmem>>
    %dma_start3A_12 = tpu.memref_squeeze %dma_start3A_11 : memref<1x32xi32, #tpu.memory_space<vmem>> -> memref<32xi32, #tpu.memory_space<vmem>>
    %dma_start3A_13 = arith.constant 0 : i32
    %dma_start3A_14 = arith.constant 0 : i32
    %dma_start3A_15 = tpu.memref_slice %arg2[%dma_start3A_13, %dma_start3A_14] : memref<8192x1024xf32, #tpu.memory_space<hbm>> -> memref<8192x1024xf32, #tpu.memory_space<hbm>>
    tpu.enqueue_indirect_dma source(%dma_start3A_15 : memref<8192x1024xf32, #tpu.memory_space<hbm>>) target(%dma_start3A_9 : memref<32x1024xf32, #tpu.memory_space<vmem>>) offsets(%dma_start3A_12 : memref<32xi32, #tpu.memory_space<vmem>>) semaphore(%arg7 : memref<!tpu.dma_semaphore, #tpu.memory_space<semaphore_mem>>)
    %add3A_16 = arith.constant 32 : i32
    %add3A_17 = arith.addi %mul3A_2, %add3A_16 : i32
    %run_scoped3A_18 = arith.constant 1 : i32
    "tpu.region"() ({
      %run_scoped3A_300 = tpu.sem_alloc : memref<!tpu.dma_semaphore, #tpu.memory_space<semaphore_mem>>
      %dma_start3A_301 = arith.constant 0 : i32
      %dma_start3A_302 = tpu.memref_slice %arg5[%run_scoped3A_18, %dma_start3A_301] : memref<2x32xi32, #tpu.memory_space<vmem>> -> memref<1x32xi32, #tpu.memory_space<vmem>>
      %dma_start3A_303 = tpu.memref_squeeze %dma_start3A_302 : memref<1x32xi32, #tpu.memory_space<vmem>> -> memref<32xi32, #tpu.memory_space<vmem>>
      %dma_start3A_304 = tpu.memref_slice %arg3[%add3A_17] : memref<10240xi32, #tpu.memory_space<hbm>> -> memref<32xi32, #tpu.memory_space<hbm>>
      %dma_start3A_305 = arith.constant 0 : i32
      %dma_start3A_306 = tpu.memref_slice %arg5[%run_scoped3A_18, %dma_start3A_305] : memref<2x32xi32, #tpu.memory_space<vmem>> -> memref<1x32xi32, #tpu.memory_space<vmem>>
      %dma_start3A_307 = tpu.memref_squeeze %dma_start3A_306 : memref<1x32xi32, #tpu.memory_space<vmem>> -> memref<32xi32, #tpu.memory_space<vmem>>
      %dma_start3A_308 = tpu.memref_slice %arg3[%add3A_17] : memref<10240xi32, #tpu.memory_space<hbm>> -> memref<32xi32, #tpu.memory_space<hbm>>
      tpu.enqueue_dma source(%dma_start3A_308 : memref<32xi32, #tpu.memory_space<hbm>>) target(%dma_start3A_307 : memref<32xi32, #tpu.memory_space<vmem>>) target_semaphore(%run_scoped3A_300 : memref<!tpu.dma_semaphore, #tpu.memory_space<semaphore_mem>>)
      %dma_wait3A_309 = arith.constant 0 : i32
      %dma_wait3A_310 = tpu.memref_slice %arg5[%run_scoped3A_18, %dma_wait3A_309] : memref<2x32xi32, #tpu.memory_space<vmem>> -> memref<1x32xi32, #tpu.memory_space<vmem>>
      %dma_wait3A_311 = tpu.memref_squeeze %dma_wait3A_310 : memref<1x32xi32, #tpu.memory_space<vmem>> -> memref<32xi32, #tpu.memory_space<vmem>>
      %dma_wait3A_312 = tpu.memref_slice %arg3[%add3A_17] : memref<10240xi32, #tpu.memory_space<hbm>> -> memref<32xi32, #tpu.memory_space<hbm>>
      %dma_wait3A_313 = arith.constant 0 : i32
      %dma_wait3A_314 = tpu.memref_slice %arg5[%run_scoped3A_18, %dma_wait3A_313] : memref<2x32xi32, #tpu.memory_space<vmem>> -> memref<1x32xi32, #tpu.memory_space<vmem>>
      %dma_wait3A_315 = tpu.memref_squeeze %dma_wait3A_314 : memref<1x32xi32, #tpu.memory_space<vmem>> -> memref<32xi32, #tpu.memory_space<vmem>>
      %dma_wait3A_316 = tpu.memref_slice %arg3[%add3A_17] : memref<10240xi32, #tpu.memory_space<hbm>> -> memref<32xi32, #tpu.memory_space<hbm>>
      tpu.wait_dma2 semaphore(%run_scoped3A_300 : memref<!tpu.dma_semaphore, #tpu.memory_space<semaphore_mem>>) src(%dma_wait3A_316 : memref<32xi32, #tpu.memory_space<hbm>>) dst(%dma_wait3A_315 : memref<32xi32, #tpu.memory_space<vmem>>)
      tpu.yield
    }) : () -> ()
    %dma_start3A_19 = arith.constant 1 : i32
    %dma_start3A_20 = arith.constant 1 : i32
    %dma_start3A_21 = arith.constant 0 : i32
    %dma_start3A_22 = arith.constant 0 : i32
    %dma_start3A_23 = tpu.memref_slice %arg6[%dma_start3A_20, %dma_start3A_21, %dma_start3A_22] : memref<2x32x1024xf32, #tpu.memory_space<vmem>> -> memref<1x32x1024xf32, #tpu.memory_space<vmem>>
    %dma_start3A_24 = tpu.memref_squeeze %dma_start3A_23 : memref<1x32x1024xf32, #tpu.memory_space<vmem>> -> memref<32x1024xf32, #tpu.memory_space<vmem>>
    %dma_start3A_25 = arith.constant 0 : i32
    %dma_start3A_26 = tpu.memref_slice %arg5[%dma_start3A_19, %dma_start3A_25] : memref<2x32xi32, #tpu.memory_space<vmem>> -> memref<1x32xi32, #tpu.memory_space<vmem>>
    %dma_start3A_27 = tpu.memref_squeeze %dma_start3A_26 : memref<1x32xi32, #tpu.memory_space<vmem>> -> memref<32xi32, #tpu.memory_space<vmem>>
    %dma_start3A_28 = arith.constant 0 : i32
    %dma_start3A_29 = arith.constant 0 : i32
    %dma_start3A_30 = tpu.memref_slice %arg2[%dma_start3A_28, %dma_start3A_29] : memref<8192x1024xf32, #tpu.memory_space<hbm>> -> memref<8192x1024xf32, #tpu.memory_space<hbm>>
    tpu.enqueue_indirect_dma source(%dma_start3A_30 : memref<8192x1024xf32, #tpu.memory_space<hbm>>) target(%dma_start3A_24 : memref<32x1024xf32, #tpu.memory_space<vmem>>) offsets(%dma_start3A_27 : memref<32xi32, #tpu.memory_space<vmem>>) semaphore(%arg8 : memref<!tpu.dma_semaphore, #tpu.memory_space<semaphore_mem>>)
    %dma_wait3A = arith.constant 0 : i32
    %dma_wait3A_31 = arith.constant 0 : i32
    %dma_wait3A_32 = arith.constant 0 : i32
    %dma_wait3A_33 = arith.constant 0 : i32
    %dma_wait3A_34 = tpu.memref_slice %arg6[%dma_wait3A_31, %dma_wait3A_32, %dma_wait3A_33] : memref<2x32x1024xf32, #tpu.memory_space<vmem>> -> memref<1x32x1024xf32, #tpu.memory_space<vmem>>
    %dma_wait3A_35 = tpu.memref_squeeze %dma_wait3A_34 : memref<1x32x1024xf32, #tpu.memory_space<vmem>> -> memref<32x1024xf32, #tpu.memory_space<vmem>>
    %dma_wait3A_36 = arith.constant 0 : i32
    %dma_wait3A_37 = tpu.memref_slice %arg5[%dma_wait3A, %dma_wait3A_36] : memref<2x32xi32, #tpu.memory_space<vmem>> -> memref<1x32xi32, #tpu.memory_space<vmem>>
    %dma_wait3A_38 = tpu.memref_squeeze %dma_wait3A_37 : memref<1x32xi32, #tpu.memory_space<vmem>> -> memref<32xi32, #tpu.memory_space<vmem>>
    %dma_wait3A_39 = arith.constant 0 : i32
    %dma_wait3A_40 = arith.constant 0 : i32
    %dma_wait3A_41 = tpu.memref_slice %arg2[%dma_wait3A_39, %dma_wait3A_40] : memref<8192x1024xf32, #tpu.memory_space<hbm>> -> memref<8192x1024xf32, #tpu.memory_space<hbm>>
    tpu.wait_indirect_dma semaphore(%arg7 : memref<!tpu.dma_semaphore, #tpu.memory_space<semaphore_mem>>) src(%dma_wait3A_41 : memref<8192x1024xf32, #tpu.memory_space<hbm>>) dst(%dma_wait3A_35 : memref<32x1024xf32, #tpu.memory_space<vmem>>)
    %add3A_42 = arith.constant 0 : i32
    %add3A_43 = arith.addi %mul3A_2, %add3A_42 : i32
    %run_scoped3A_44 = arith.constant 0 : i32
    "tpu.region"() ({
      %run_scoped3A_300 = tpu.sem_alloc : memref<!tpu.dma_semaphore, #tpu.memory_space<semaphore_mem>>
      %dma_start3A_301 = arith.constant 0 : i32
      %dma_start3A_302 = arith.constant 0 : i32
      %dma_start3A_303 = tpu.memref_slice %arg6[%run_scoped3A_44, %dma_start3A_301, %dma_start3A_302] : memref<2x32x1024xf32, #tpu.memory_space<vmem>> -> memref<1x32x1024xf32, #tpu.memory_space<vmem>>
      %dma_start3A_304 = tpu.memref_squeeze %dma_start3A_303 : memref<1x32x1024xf32, #tpu.memory_space<vmem>> -> memref<32x1024xf32, #tpu.memory_space<vmem>>
      %dma_start3A_305 = arith.constant 0 : i32
      %dma_start3A_306 = tpu.memref_slice %arg4[%add3A_43, %dma_start3A_305] : memref<10240x1024xf32, #tpu.memory_space<hbm>> -> memref<32x1024xf32, #tpu.memory_space<hbm>>
      %dma_start3A_307 = arith.constant 0 : i32
      %dma_start3A_308 = tpu.memref_slice %arg4[%add3A_43, %dma_start3A_307] : memref<10240x1024xf32, #tpu.memory_space<hbm>> -> memref<32x1024xf32, #tpu.memory_space<hbm>>
      %dma_start3A_309 = arith.constant 0 : i32
      %dma_start3A_310 = arith.constant 0 : i32
      %dma_start3A_311 = tpu.memref_slice %arg6[%run_scoped3A_44, %dma_start3A_309, %dma_start3A_310] : memref<2x32x1024xf32, #tpu.memory_space<vmem>> -> memref<1x32x1024xf32, #tpu.memory_space<vmem>>
      %dma_start3A_312 = tpu.memref_squeeze %dma_start3A_311 : memref<1x32x1024xf32, #tpu.memory_space<vmem>> -> memref<32x1024xf32, #tpu.memory_space<vmem>>
      tpu.enqueue_dma source(%dma_start3A_312 : memref<32x1024xf32, #tpu.memory_space<vmem>>) target(%dma_start3A_308 : memref<32x1024xf32, #tpu.memory_space<hbm>>) target_semaphore(%run_scoped3A_300 : memref<!tpu.dma_semaphore, #tpu.memory_space<semaphore_mem>>)
      %dma_wait3A_313 = arith.constant 0 : i32
      %dma_wait3A_314 = arith.constant 0 : i32
      %dma_wait3A_315 = tpu.memref_slice %arg6[%run_scoped3A_44, %dma_wait3A_313, %dma_wait3A_314] : memref<2x32x1024xf32, #tpu.memory_space<vmem>> -> memref<1x32x1024xf32, #tpu.memory_space<vmem>>
      %dma_wait3A_316 = tpu.memref_squeeze %dma_wait3A_315 : memref<1x32x1024xf32, #tpu.memory_space<vmem>> -> memref<32x1024xf32, #tpu.memory_space<vmem>>
      %dma_wait3A_317 = arith.constant 0 : i32
      %dma_wait3A_318 = tpu.memref_slice %arg4[%add3A_43, %dma_wait3A_317] : memref<10240x1024xf32, #tpu.memory_space<hbm>> -> memref<32x1024xf32, #tpu.memory_space<hbm>>
      %dma_wait3A_319 = arith.constant 0 : i32
      %dma_wait3A_320 = tpu.memref_slice %arg4[%add3A_43, %dma_wait3A_319] : memref<10240x1024xf32, #tpu.memory_space<hbm>> -> memref<32x1024xf32, #tpu.memory_space<hbm>>
      %dma_wait3A_321 = arith.constant 0 : i32
      %dma_wait3A_322 = arith.constant 0 : i32
      %dma_wait3A_323 = tpu.memref_slice %arg6[%run_scoped3A_44, %dma_wait3A_321, %dma_wait3A_322] : memref<2x32x1024xf32, #tpu.memory_space<vmem>> -> memref<1x32x1024xf32, #tpu.memory_space<vmem>>
      %dma_wait3A_324 = tpu.memref_squeeze %dma_wait3A_323 : memref<1x32x1024xf32, #tpu.memory_space<vmem>> -> memref<32x1024xf32, #tpu.memory_space<vmem>>
      tpu.wait_dma2 semaphore(%run_scoped3A_300 : memref<!tpu.dma_semaphore, #tpu.memory_space<semaphore_mem>>) src(%dma_wait3A_324 : memref<32x1024xf32, #tpu.memory_space<vmem>>) dst(%dma_wait3A_320 : memref<32x1024xf32, #tpu.memory_space<hbm>>)
      tpu.yield
    }) : () -> ()
    %add3A_45 = arith.constant 64 : i32
    %add3A_46 = arith.addi %mul3A_2, %add3A_45 : i32
    %run_scoped3A_47 = arith.constant 0 : i32
    "tpu.region"() ({
      %run_scoped3A_300 = tpu.sem_alloc : memref<!tpu.dma_semaphore, #tpu.memory_space<semaphore_mem>>
      %dma_start3A_301 = arith.constant 0 : i32
      %dma_start3A_302 = tpu.memref_slice %arg5[%run_scoped3A_47, %dma_start3A_301] : memref<2x32xi32, #tpu.memory_space<vmem>> -> memref<1x32xi32, #tpu.memory_space<vmem>>
      %dma_start3A_303 = tpu.memref_squeeze %dma_start3A_302 : memref<1x32xi32, #tpu.memory_space<vmem>> -> memref<32xi32, #tpu.memory_space<vmem>>
      %dma_start3A_304 = tpu.memref_slice %arg3[%add3A_46] : memref<10240xi32, #tpu.memory_space<hbm>> -> memref<32xi32, #tpu.memory_space<hbm>>
      %dma_start3A_305 = arith.constant 0 : i32
      %dma_start3A_306 = tpu.memref_slice %arg5[%run_scoped3A_47, %dma_start3A_305] : memref<2x32xi32, #tpu.memory_space<vmem>> -> memref<1x32xi32, #tpu.memory_space<vmem>>
      %dma_start3A_307 = tpu.memref_squeeze %dma_start3A_306 : memref<1x32xi32, #tpu.memory_space<vmem>> -> memref<32xi32, #tpu.memory_space<vmem>>
      %dma_start3A_308 = tpu.memref_slice %arg3[%add3A_46] : memref<10240xi32, #tpu.memory_space<hbm>> -> memref<32xi32, #tpu.memory_space<hbm>>
      tpu.enqueue_dma source(%dma_start3A_308 : memref<32xi32, #tpu.memory_space<hbm>>) target(%dma_start3A_307 : memref<32xi32, #tpu.memory_space<vmem>>) target_semaphore(%run_scoped3A_300 : memref<!tpu.dma_semaphore, #tpu.memory_space<semaphore_mem>>)
      %dma_wait3A_309 = arith.constant 0 : i32
      %dma_wait3A_310 = tpu.memref_slice %arg5[%run_scoped3A_47, %dma_wait3A_309] : memref<2x32xi32, #tpu.memory_space<vmem>> -> memref<1x32xi32, #tpu.memory_space<vmem>>
      %dma_wait3A_311 = tpu.memref_squeeze %dma_wait3A_310 : memref<1x32xi32, #tpu.memory_space<vmem>> -> memref<32xi32, #tpu.memory_space<vmem>>
      %dma_wait3A_312 = tpu.memref_slice %arg3[%add3A_46] : memref<10240xi32, #tpu.memory_space<hbm>> -> memref<32xi32, #tpu.memory_space<hbm>>
      %dma_wait3A_313 = arith.constant 0 : i32
      %dma_wait3A_314 = tpu.memref_slice %arg5[%run_scoped3A_47, %dma_wait3A_313] : memref<2x32xi32, #tpu.memory_space<vmem>> -> memref<1x32xi32, #tpu.memory_space<vmem>>
      %dma_wait3A_315 = tpu.memref_squeeze %dma_wait3A_314 : memref<1x32xi32, #tpu.memory_space<vmem>> -> memref<32xi32, #tpu.memory_space<vmem>>
      %dma_wait3A_316 = tpu.memref_slice %arg3[%add3A_46] : memref<10240xi32, #tpu.memory_space<hbm>> -> memref<32xi32, #tpu.memory_space<hbm>>
      tpu.wait_dma2 semaphore(%run_scoped3A_300 : memref<!tpu.dma_semaphore, #tpu.memory_space<semaphore_mem>>) src(%dma_wait3A_316 : memref<32xi32, #tpu.memory_space<hbm>>) dst(%dma_wait3A_315 : memref<32xi32, #tpu.memory_space<vmem>>)
      tpu.yield
    }) : () -> ()
    %dma_start3A_48 = arith.constant 0 : i32
    %dma_start3A_49 = arith.constant 0 : i32
    %dma_start3A_50 = arith.constant 0 : i32
    %dma_start3A_51 = arith.constant 0 : i32
    %dma_start3A_52 = tpu.memref_slice %arg6[%dma_start3A_49, %dma_start3A_50, %dma_start3A_51] : memref<2x32x1024xf32, #tpu.memory_space<vmem>> -> memref<1x32x1024xf32, #tpu.memory_space<vmem>>
    %dma_start3A_53 = tpu.memref_squeeze %dma_start3A_52 : memref<1x32x1024xf32, #tpu.memory_space<vmem>> -> memref<32x1024xf32, #tpu.memory_space<vmem>>
    %dma_start3A_54 = arith.constant 0 : i32
    %dma_start3A_55 = tpu.memref_slice %arg5[%dma_start3A_48, %dma_start3A_54] : memref<2x32xi32, #tpu.memory_space<vmem>> -> memref<1x32xi32, #tpu.memory_space<vmem>>
    %dma_start3A_56 = tpu.memref_squeeze %dma_start3A_55 : memref<1x32xi32, #tpu.memory_space<vmem>> -> memref<32xi32, #tpu.memory_space<vmem>>
    %dma_start3A_57 = arith.constant 0 : i32
    %dma_start3A_58 = arith.constant 0 : i32
    %dma_start3A_59 = tpu.memref_slice %arg2[%dma_start3A_57, %dma_start3A_58] : memref<8192x1024xf32, #tpu.memory_space<hbm>> -> memref<8192x1024xf32, #tpu.memory_space<hbm>>
    tpu.enqueue_indirect_dma source(%dma_start3A_59 : memref<8192x1024xf32, #tpu.memory_space<hbm>>) target(%dma_start3A_53 : memref<32x1024xf32, #tpu.memory_space<vmem>>) offsets(%dma_start3A_56 : memref<32xi32, #tpu.memory_space<vmem>>) semaphore(%arg7 : memref<!tpu.dma_semaphore, #tpu.memory_space<semaphore_mem>>)
    %dma_wait3A_60 = arith.constant 1 : i32
    %dma_wait3A_61 = arith.constant 1 : i32
    %dma_wait3A_62 = arith.constant 0 : i32
    %dma_wait3A_63 = arith.constant 0 : i32
    %dma_wait3A_64 = tpu.memref_slice %arg6[%dma_wait3A_61, %dma_wait3A_62, %dma_wait3A_63] : memref<2x32x1024xf32, #tpu.memory_space<vmem>> -> memref<1x32x1024xf32, #tpu.memory_space<vmem>>
    %dma_wait3A_65 = tpu.memref_squeeze %dma_wait3A_64 : memref<1x32x1024xf32, #tpu.memory_space<vmem>> -> memref<32x1024xf32, #tpu.memory_space<vmem>>
    %dma_wait3A_66 = arith.constant 0 : i32
    %dma_wait3A_67 = tpu.memref_slice %arg5[%dma_wait3A_60, %dma_wait3A_66] : memref<2x32xi32, #tpu.memory_space<vmem>> -> memref<1x32xi32, #tpu.memory_space<vmem>>
    %dma_wait3A_68 = tpu.memref_squeeze %dma_wait3A_67 : memref<1x32xi32, #tpu.memory_space<vmem>> -> memref<32xi32, #tpu.memory_space<vmem>>
    %dma_wait3A_69 = arith.constant 0 : i32
    %dma_wait3A_70 = arith.constant 0 : i32
    %dma_wait3A_71 = tpu.memref_slice %arg2[%dma_wait3A_69, %dma_wait3A_70] : memref<8192x1024xf32, #tpu.memory_space<hbm>> -> memref<8192x1024xf32, #tpu.memory_space<hbm>>
    tpu.wait_indirect_dma semaphore(%arg8 : memref<!tpu.dma_semaphore, #tpu.memory_space<semaphore_mem>>) src(%dma_wait3A_71 : memref<8192x1024xf32, #tpu.memory_space<hbm>>) dst(%dma_wait3A_65 : memref<32x1024xf32, #tpu.memory_space<vmem>>)
    %add3A_72 = arith.constant 32 : i32
    %add3A_73 = arith.addi %mul3A_2, %add3A_72 : i32
    %run_scoped3A_74 = arith.constant 1 : i32
    "tpu.region"() ({
      %run_scoped3A_300 = tpu.sem_alloc : memref<!tpu.dma_semaphore, #tpu.memory_space<semaphore_mem>>
      %dma_start3A_301 = arith.constant 0 : i32
      %dma_start3A_302 = arith.constant 0 : i32
      %dma_start3A_303 = tpu.memref_slice %arg6[%run_scoped3A_74, %dma_start3A_301, %dma_start3A_302] : memref<2x32x1024xf32, #tpu.memory_space<vmem>> -> memref<1x32x1024xf32, #tpu.memory_space<vmem>>
      %dma_start3A_304 = tpu.memref_squeeze %dma_start3A_303 : memref<1x32x1024xf32, #tpu.memory_space<vmem>> -> memref<32x1024xf32, #tpu.memory_space<vmem>>
      %dma_start3A_305 = arith.constant 0 : i32
      %dma_start3A_306 = tpu.memref_slice %arg4[%add3A_73, %dma_start3A_305] : memref<10240x1024xf32, #tpu.memory_space<hbm>> -> memref<32x1024xf32, #tpu.memory_space<hbm>>
      %dma_start3A_307 = arith.constant 0 : i32
      %dma_start3A_308 = tpu.memref_slice %arg4[%add3A_73, %dma_start3A_307] : memref<10240x1024xf32, #tpu.memory_space<hbm>> -> memref<32x1024xf32, #tpu.memory_space<hbm>>
      %dma_start3A_309 = arith.constant 0 : i32
      %dma_start3A_310 = arith.constant 0 : i32
      %dma_start3A_311 = tpu.memref_slice %arg6[%run_scoped3A_74, %dma_start3A_309, %dma_start3A_310] : memref<2x32x1024xf32, #tpu.memory_space<vmem>> -> memref<1x32x1024xf32, #tpu.memory_space<vmem>>
      %dma_start3A_312 = tpu.memref_squeeze %dma_start3A_311 : memref<1x32x1024xf32, #tpu.memory_space<vmem>> -> memref<32x1024xf32, #tpu.memory_space<vmem>>
      tpu.enqueue_dma source(%dma_start3A_312 : memref<32x1024xf32, #tpu.memory_space<vmem>>) target(%dma_start3A_308 : memref<32x1024xf32, #tpu.memory_space<hbm>>) target_semaphore(%run_scoped3A_300 : memref<!tpu.dma_semaphore, #tpu.memory_space<semaphore_mem>>)
      %dma_wait3A_313 = arith.constant 0 : i32
      %dma_wait3A_314 = arith.constant 0 : i32
      %dma_wait3A_315 = tpu.memref_slice %arg6[%run_scoped3A_74, %dma_wait3A_313, %dma_wait3A_314] : memref<2x32x1024xf32, #tpu.memory_space<vmem>> -> memref<1x32x1024xf32, #tpu.memory_space<vmem>>
      %dma_wait3A_316 = tpu.memref_squeeze %dma_wait3A_315 : memref<1x32x1024xf32, #tpu.memory_space<vmem>> -> memref<32x1024xf32, #tpu.memory_space<vmem>>
      %dma_wait3A_317 = arith.constant 0 : i32
      %dma_wait3A_318 = tpu.memref_slice %arg4[%add3A_73, %dma_wait3A_317] : memref<10240x1024xf32, #tpu.memory_space<hbm>> -> memref<32x1024xf32, #tpu.memory_space<hbm>>
      %dma_wait3A_319 = arith.constant 0 : i32
      %dma_wait3A_320 = tpu.memref_slice %arg4[%add3A_73, %dma_wait3A_319] : memref<10240x1024xf32, #tpu.memory_space<hbm>> -> memref<32x1024xf32, #tpu.memory_space<hbm>>
      %dma_wait3A_321 = arith.constant 0 : i32
      %dma_wait3A_322 = arith.constant 0 : i32
      %dma_wait3A_323 = tpu.memref_slice %arg6[%run_scoped3A_74, %dma_wait3A_321, %dma_wait3A_322] : memref<2x32x1024xf32, #tpu.memory_space<vmem>> -> memref<1x32x1024xf32, #tpu.memory_space<vmem>>
      %dma_wait3A_324 = tpu.memref_squeeze %dma_wait3A_323 : memref<1x32x1024xf32, #tpu.memory_space<vmem>> -> memref<32x1024xf32, #tpu.memory_space<vmem>>
      tpu.wait_dma2 semaphore(%run_scoped3A_300 : memref<!tpu.dma_semaphore, #tpu.memory_space<semaphore_mem>>) src(%dma_wait3A_324 : memref<32x1024xf32, #tpu.memory_space<vmem>>) dst(%dma_wait3A_320 : memref<32x1024xf32, #tpu.memory_space<hbm>>)
      tpu.yield
    }) : () -> ()
    %add3A_75 = arith.constant 96 : i32
    %add3A_76 = arith.addi %mul3A_2, %add3A_75 : i32
    %run_scoped3A_77 = arith.constant 1 : i32
    "tpu.region"() ({
      %run_scoped3A_300 = tpu.sem_alloc : memref<!tpu.dma_semaphore, #tpu.memory_space<semaphore_mem>>
      %dma_start3A_301 = arith.constant 0 : i32
      %dma_start3A_302 = tpu.memref_slice %arg5[%run_scoped3A_77, %dma_start3A_301] : memref<2x32xi32, #tpu.memory_space<vmem>> -> memref<1x32xi32, #tpu.memory_space<vmem>>
      %dma_start3A_303 = tpu.memref_squeeze %dma_start3A_302 : memref<1x32xi32, #tpu.memory_space<vmem>> -> memref<32xi32, #tpu.memory_space<vmem>>
      %dma_start3A_304 = tpu.memref_slice %arg3[%add3A_76] : memref<10240xi32, #tpu.memory_space<hbm>> -> memref<32xi32, #tpu.memory_space<hbm>>
      %dma_start3A_305 = arith.constant 0 : i32
      %dma_start3A_306 = tpu.memref_slice %arg5[%run_scoped3A_77, %dma_start3A_305] : memref<2x32xi32, #tpu.memory_space<vmem>> -> memref<1x32xi32, #tpu.memory_space<vmem>>
      %dma_start3A_307 = tpu.memref_squeeze %dma_start3A_306 : memref<1x32xi32, #tpu.memory_space<vmem>> -> memref<32xi32, #tpu.memory_space<vmem>>
      %dma_start3A_308 = tpu.memref_slice %arg3[%add3A_76] : memref<10240xi32, #tpu.memory_space<hbm>> -> memref<32xi32, #tpu.memory_space<hbm>>
      tpu.enqueue_dma source(%dma_start3A_308 : memref<32xi32, #tpu.memory_space<hbm>>) target(%dma_start3A_307 : memref<32xi32, #tpu.memory_space<vmem>>) target_semaphore(%run_scoped3A_300 : memref<!tpu.dma_semaphore, #tpu.memory_space<semaphore_mem>>)
      %dma_wait3A_309 = arith.constant 0 : i32
      %dma_wait3A_310 = tpu.memref_slice %arg5[%run_scoped3A_77, %dma_wait3A_309] : memref<2x32xi32, #tpu.memory_space<vmem>> -> memref<1x32xi32, #tpu.memory_space<vmem>>
      %dma_wait3A_311 = tpu.memref_squeeze %dma_wait3A_310 : memref<1x32xi32, #tpu.memory_space<vmem>> -> memref<32xi32, #tpu.memory_space<vmem>>
      %dma_wait3A_312 = tpu.memref_slice %arg3[%add3A_76] : memref<10240xi32, #tpu.memory_space<hbm>> -> memref<32xi32, #tpu.memory_space<hbm>>
      %dma_wait3A_313 = arith.constant 0 : i32
      %dma_wait3A_314 = tpu.memref_slice %arg5[%run_scoped3A_77, %dma_wait3A_313] : memref<2x32xi32, #tpu.memory_space<vmem>> -> memref<1x32xi32, #tpu.memory_space<vmem>>
      %dma_wait3A_315 = tpu.memref_squeeze %dma_wait3A_314 : memref<1x32xi32, #tpu.memory_space<vmem>> -> memref<32xi32, #tpu.memory_space<vmem>>
      %dma_wait3A_316 = tpu.memref_slice %arg3[%add3A_76] : memref<10240xi32, #tpu.memory_space<hbm>> -> memref<32xi32, #tpu.memory_space<hbm>>
      tpu.wait_dma2 semaphore(%run_scoped3A_300 : memref<!tpu.dma_semaphore, #tpu.memory_space<semaphore_mem>>) src(%dma_wait3A_316 : memref<32xi32, #tpu.memory_space<hbm>>) dst(%dma_wait3A_315 : memref<32xi32, #tpu.memory_space<vmem>>)
      tpu.yield
    }) : () -> ()
    %dma_start3A_78 = arith.constant 1 : i32
    %dma_start3A_79 = arith.constant 1 : i32
    %dma_start3A_80 = arith.constant 0 : i32
    %dma_start3A_81 = arith.constant 0 : i32
    %dma_start3A_82 = tpu.memref_slice %arg6[%dma_start3A_79, %dma_start3A_80, %dma_start3A_81] : memref<2x32x1024xf32, #tpu.memory_space<vmem>> -> memref<1x32x1024xf32, #tpu.memory_space<vmem>>
    %dma_start3A_83 = tpu.memref_squeeze %dma_start3A_82 : memref<1x32x1024xf32, #tpu.memory_space<vmem>> -> memref<32x1024xf32, #tpu.memory_space<vmem>>
    %dma_start3A_84 = arith.constant 0 : i32
    %dma_start3A_85 = tpu.memref_slice %arg5[%dma_start3A_78, %dma_start3A_84] : memref<2x32xi32, #tpu.memory_space<vmem>> -> memref<1x32xi32, #tpu.memory_space<vmem>>
    %dma_start3A_86 = tpu.memref_squeeze %dma_start3A_85 : memref<1x32xi32, #tpu.memory_space<vmem>> -> memref<32xi32, #tpu.memory_space<vmem>>
    %dma_start3A_87 = arith.constant 0 : i32
    %dma_start3A_88 = arith.constant 0 : i32
    %dma_start3A_89 = tpu.memref_slice %arg2[%dma_start3A_87, %dma_start3A_88] : memref<8192x1024xf32, #tpu.memory_space<hbm>> -> memref<8192x1024xf32, #tpu.memory_space<hbm>>
    tpu.enqueue_indirect_dma source(%dma_start3A_89 : memref<8192x1024xf32, #tpu.memory_space<hbm>>) target(%dma_start3A_83 : memref<32x1024xf32, #tpu.memory_space<vmem>>) offsets(%dma_start3A_86 : memref<32xi32, #tpu.memory_space<vmem>>) semaphore(%arg8 : memref<!tpu.dma_semaphore, #tpu.memory_space<semaphore_mem>>)
    %dma_wait3A_90 = arith.constant 0 : i32
    %dma_wait3A_91 = arith.constant 0 : i32
    %dma_wait3A_92 = arith.constant 0 : i32
    %dma_wait3A_93 = arith.constant 0 : i32
    %dma_wait3A_94 = tpu.memref_slice %arg6[%dma_wait3A_91, %dma_wait3A_92, %dma_wait3A_93] : memref<2x32x1024xf32, #tpu.memory_space<vmem>> -> memref<1x32x1024xf32, #tpu.memory_space<vmem>>
    %dma_wait3A_95 = tpu.memref_squeeze %dma_wait3A_94 : memref<1x32x1024xf32, #tpu.memory_space<vmem>> -> memref<32x1024xf32, #tpu.memory_space<vmem>>
    %dma_wait3A_96 = arith.constant 0 : i32
    %dma_wait3A_97 = tpu.memref_slice %arg5[%dma_wait3A_90, %dma_wait3A_96] : memref<2x32xi32, #tpu.memory_space<vmem>> -> memref<1x32xi32, #tpu.memory_space<vmem>>
    %dma_wait3A_98 = tpu.memref_squeeze %dma_wait3A_97 : memref<1x32xi32, #tpu.memory_space<vmem>> -> memref<32xi32, #tpu.memory_space<vmem>>
    %dma_wait3A_99 = arith.constant 0 : i32
    %dma_wait3A_100 = arith.constant 0 : i32
    %dma_wait3A_101 = tpu.memref_slice %arg2[%dma_wait3A_99, %dma_wait3A_100] : memref<8192x1024xf32, #tpu.memory_space<hbm>> -> memref<8192x1024xf32, #tpu.memory_space<hbm>>
    tpu.wait_indirect_dma semaphore(%arg7 : memref<!tpu.dma_semaphore, #tpu.memory_space<semaphore_mem>>) src(%dma_wait3A_101 : memref<8192x1024xf32, #tpu.memory_space<hbm>>) dst(%dma_wait3A_95 : memref<32x1024xf32, #tpu.memory_space<vmem>>)
    %add3A_102 = arith.constant 64 : i32
    %add3A_103 = arith.addi %mul3A_2, %add3A_102 : i32
    %run_scoped3A_104 = arith.constant 0 : i32
    "tpu.region"() ({
      %run_scoped3A_300 = tpu.sem_alloc : memref<!tpu.dma_semaphore, #tpu.memory_space<semaphore_mem>>
      %dma_start3A_301 = arith.constant 0 : i32
      %dma_start3A_302 = arith.constant 0 : i32
      %dma_start3A_303 = tpu.memref_slice %arg6[%run_scoped3A_104, %dma_start3A_301, %dma_start3A_302] : memref<2x32x1024xf32, #tpu.memory_space<vmem>> -> memref<1x32x1024xf32, #tpu.memory_space<vmem>>
      %dma_start3A_304 = tpu.memref_squeeze %dma_start3A_303 : memref<1x32x1024xf32, #tpu.memory_space<vmem>> -> memref<32x1024xf32, #tpu.memory_space<vmem>>
      %dma_start3A_305 = arith.constant 0 : i32
      %dma_start3A_306 = tpu.memref_slice %arg4[%add3A_103, %dma_start3A_305] : memref<10240x1024xf32, #tpu.memory_space<hbm>> -> memref<32x1024xf32, #tpu.memory_space<hbm>>
      %dma_start3A_307 = arith.constant 0 : i32
      %dma_start3A_308 = tpu.memref_slice %arg4[%add3A_103, %dma_start3A_307] : memref<10240x1024xf32, #tpu.memory_space<hbm>> -> memref<32x1024xf32, #tpu.memory_space<hbm>>
      %dma_start3A_309 = arith.constant 0 : i32
      %dma_start3A_310 = arith.constant 0 : i32
      %dma_start3A_311 = tpu.memref_slice %arg6[%run_scoped3A_104, %dma_start3A_309, %dma_start3A_310] : memref<2x32x1024xf32, #tpu.memory_space<vmem>> -> memref<1x32x1024xf32, #tpu.memory_space<vmem>>
      %dma_start3A_312 = tpu.memref_squeeze %dma_start3A_311 : memref<1x32x1024xf32, #tpu.memory_space<vmem>> -> memref<32x1024xf32, #tpu.memory_space<vmem>>
      tpu.enqueue_dma source(%dma_start3A_312 : memref<32x1024xf32, #tpu.memory_space<vmem>>) target(%dma_start3A_308 : memref<32x1024xf32, #tpu.memory_space<hbm>>) target_semaphore(%run_scoped3A_300 : memref<!tpu.dma_semaphore, #tpu.memory_space<semaphore_mem>>)
      %dma_wait3A_313 = arith.constant 0 : i32
      %dma_wait3A_314 = arith.constant 0 : i32
      %dma_wait3A_315 = tpu.memref_slice %arg6[%run_scoped3A_104, %dma_wait3A_313, %dma_wait3A_314] : memref<2x32x1024xf32, #tpu.memory_space<vmem>> -> memref<1x32x1024xf32, #tpu.memory_space<vmem>>
      %dma_wait3A_316 = tpu.memref_squeeze %dma_wait3A_315 : memref<1x32x1024xf32, #tpu.memory_space<vmem>> -> memref<32x1024xf32, #tpu.memory_space<vmem>>
      %dma_wait3A_317 = arith.constant 0 : i32
      %dma_wait3A_318 = tpu.memref_slice %arg4[%add3A_103, %dma_wait3A_317] : memref<10240x1024xf32, #tpu.memory_space<hbm>> -> memref<32x1024xf32, #tpu.memory_space<hbm>>
      %dma_wait3A_319 = arith.constant 0 : i32
      %dma_wait3A_320 = tpu.memref_slice %arg4[%add3A_103, %dma_wait3A_319] : memref<10240x1024xf32, #tpu.memory_space<hbm>> -> memref<32x1024xf32, #tpu.memory_space<hbm>>
      %dma_wait3A_321 = arith.constant 0 : i32
      %dma_wait3A_322 = arith.constant 0 : i32
      %dma_wait3A_323 = tpu.memref_slice %arg6[%run_scoped3A_104, %dma_wait3A_321, %dma_wait3A_322] : memref<2x32x1024xf32, #tpu.memory_space<vmem>> -> memref<1x32x1024xf32, #tpu.memory_space<vmem>>
      %dma_wait3A_324 = tpu.memref_squeeze %dma_wait3A_323 : memref<1x32x1024xf32, #tpu.memory_space<vmem>> -> memref<32x1024xf32, #tpu.memory_space<vmem>>
      tpu.wait_dma2 semaphore(%run_scoped3A_300 : memref<!tpu.dma_semaphore, #tpu.memory_space<semaphore_mem>>) src(%dma_wait3A_324 : memref<32x1024xf32, #tpu.memory_space<vmem>>) dst(%dma_wait3A_320 : memref<32x1024xf32, #tpu.memory_space<hbm>>)
      tpu.yield
    }) : () -> ()
    %add3A_105 = arith.constant 128 : i32
    %add3A_106 = arith.addi %mul3A_2, %add3A_105 : i32
    %run_scoped3A_107 = arith.constant 0 : i32
    "tpu.region"() ({
      %run_scoped3A_300 = tpu.sem_alloc : memref<!tpu.dma_semaphore, #tpu.memory_space<semaphore_mem>>
      %dma_start3A_301 = arith.constant 0 : i32
      %dma_start3A_302 = tpu.memref_slice %arg5[%run_scoped3A_107, %dma_start3A_301] : memref<2x32xi32, #tpu.memory_space<vmem>> -> memref<1x32xi32, #tpu.memory_space<vmem>>
      %dma_start3A_303 = tpu.memref_squeeze %dma_start3A_302 : memref<1x32xi32, #tpu.memory_space<vmem>> -> memref<32xi32, #tpu.memory_space<vmem>>
      %dma_start3A_304 = tpu.memref_slice %arg3[%add3A_106] : memref<10240xi32, #tpu.memory_space<hbm>> -> memref<32xi32, #tpu.memory_space<hbm>>
      %dma_start3A_305 = arith.constant 0 : i32
      %dma_start3A_306 = tpu.memref_slice %arg5[%run_scoped3A_107, %dma_start3A_305] : memref<2x32xi32, #tpu.memory_space<vmem>> -> memref<1x32xi32, #tpu.memory_space<vmem>>
      %dma_start3A_307 = tpu.memref_squeeze %dma_start3A_306 : memref<1x32xi32, #tpu.memory_space<vmem>> -> memref<32xi32, #tpu.memory_space<vmem>>
      %dma_start3A_308 = tpu.memref_slice %arg3[%add3A_106] : memref<10240xi32, #tpu.memory_space<hbm>> -> memref<32xi32, #tpu.memory_space<hbm>>
      tpu.enqueue_dma source(%dma_start3A_308 : memref<32xi32, #tpu.memory_space<hbm>>) target(%dma_start3A_307 : memref<32xi32, #tpu.memory_space<vmem>>) target_semaphore(%run_scoped3A_300 : memref<!tpu.dma_semaphore, #tpu.memory_space<semaphore_mem>>)
      %dma_wait3A_309 = arith.constant 0 : i32
      %dma_wait3A_310 = tpu.memref_slice %arg5[%run_scoped3A_107, %dma_wait3A_309] : memref<2x32xi32, #tpu.memory_space<vmem>> -> memref<1x32xi32, #tpu.memory_space<vmem>>
      %dma_wait3A_311 = tpu.memref_squeeze %dma_wait3A_310 : memref<1x32xi32, #tpu.memory_space<vmem>> -> memref<32xi32, #tpu.memory_space<vmem>>
      %dma_wait3A_312 = tpu.memref_slice %arg3[%add3A_106] : memref<10240xi32, #tpu.memory_space<hbm>> -> memref<32xi32, #tpu.memory_space<hbm>>
      %dma_wait3A_313 = arith.constant 0 : i32
      %dma_wait3A_314 = tpu.memref_slice %arg5[%run_scoped3A_107, %dma_wait3A_313] : memref<2x32xi32, #tpu.memory_space<vmem>> -> memref<1x32xi32, #tpu.memory_space<vmem>>
      %dma_wait3A_315 = tpu.memref_squeeze %dma_wait3A_314 : memref<1x32xi32, #tpu.memory_space<vmem>> -> memref<32xi32, #tpu.memory_space<vmem>>
      %dma_wait3A_316 = tpu.memref_slice %arg3[%add3A_106] : memref<10240xi32, #tpu.memory_space<hbm>> -> memref<32xi32, #tpu.memory_space<hbm>>
      tpu.wait_dma2 semaphore(%run_scoped3A_300 : memref<!tpu.dma_semaphore, #tpu.memory_space<semaphore_mem>>) src(%dma_wait3A_316 : memref<32xi32, #tpu.memory_space<hbm>>) dst(%dma_wait3A_315 : memref<32xi32, #tpu.memory_space<vmem>>)
      tpu.yield
    }) : () -> ()
    %dma_start3A_108 = arith.constant 0 : i32
    %dma_start3A_109 = arith.constant 0 : i32
    %dma_start3A_110 = arith.constant 0 : i32
    %dma_start3A_111 = arith.constant 0 : i32
    %dma_start3A_112 = tpu.memref_slice %arg6[%dma_start3A_109, %dma_start3A_110, %dma_start3A_111] : memref<2x32x1024xf32, #tpu.memory_space<vmem>> -> memref<1x32x1024xf32, #tpu.memory_space<vmem>>
    %dma_start3A_113 = tpu.memref_squeeze %dma_start3A_112 : memref<1x32x1024xf32, #tpu.memory_space<vmem>> -> memref<32x1024xf32, #tpu.memory_space<vmem>>
    %dma_start3A_114 = arith.constant 0 : i32
    %dma_start3A_115 = tpu.memref_slice %arg5[%dma_start3A_108, %dma_start3A_114] : memref<2x32xi32, #tpu.memory_space<vmem>> -> memref<1x32xi32, #tpu.memory_space<vmem>>
    %dma_start3A_116 = tpu.memref_squeeze %dma_start3A_115 : memref<1x32xi32, #tpu.memory_space<vmem>> -> memref<32xi32, #tpu.memory_space<vmem>>
    %dma_start3A_117 = arith.constant 0 : i32
    %dma_start3A_118 = arith.constant 0 : i32
    %dma_start3A_119 = tpu.memref_slice %arg2[%dma_start3A_117, %dma_start3A_118] : memref<8192x1024xf32, #tpu.memory_space<hbm>> -> memref<8192x1024xf32, #tpu.memory_space<hbm>>
    tpu.enqueue_indirect_dma source(%dma_start3A_119 : memref<8192x1024xf32, #tpu.memory_space<hbm>>) target(%dma_start3A_113 : memref<32x1024xf32, #tpu.memory_space<vmem>>) offsets(%dma_start3A_116 : memref<32xi32, #tpu.memory_space<vmem>>) semaphore(%arg7 : memref<!tpu.dma_semaphore, #tpu.memory_space<semaphore_mem>>)
    %dma_wait3A_120 = arith.constant 1 : i32
    %dma_wait3A_121 = arith.constant 1 : i32
    %dma_wait3A_122 = arith.constant 0 : i32
    %dma_wait3A_123 = arith.constant 0 : i32
    %dma_wait3A_124 = tpu.memref_slice %arg6[%dma_wait3A_121, %dma_wait3A_122, %dma_wait3A_123] : memref<2x32x1024xf32, #tpu.memory_space<vmem>> -> memref<1x32x1024xf32, #tpu.memory_space<vmem>>
    %dma_wait3A_125 = tpu.memref_squeeze %dma_wait3A_124 : memref<1x32x1024xf32, #tpu.memory_space<vmem>> -> memref<32x1024xf32, #tpu.memory_space<vmem>>
    %dma_wait3A_126 = arith.constant 0 : i32
    %dma_wait3A_127 = tpu.memref_slice %arg5[%dma_wait3A_120, %dma_wait3A_126] : memref<2x32xi32, #tpu.memory_space<vmem>> -> memref<1x32xi32, #tpu.memory_space<vmem>>
    %dma_wait3A_128 = tpu.memref_squeeze %dma_wait3A_127 : memref<1x32xi32, #tpu.memory_space<vmem>> -> memref<32xi32, #tpu.memory_space<vmem>>
    %dma_wait3A_129 = arith.constant 0 : i32
    %dma_wait3A_130 = arith.constant 0 : i32
    %dma_wait3A_131 = tpu.memref_slice %arg2[%dma_wait3A_129, %dma_wait3A_130] : memref<8192x1024xf32, #tpu.memory_space<hbm>> -> memref<8192x1024xf32, #tpu.memory_space<hbm>>
    tpu.wait_indirect_dma semaphore(%arg8 : memref<!tpu.dma_semaphore, #tpu.memory_space<semaphore_mem>>) src(%dma_wait3A_131 : memref<8192x1024xf32, #tpu.memory_space<hbm>>) dst(%dma_wait3A_125 : memref<32x1024xf32, #tpu.memory_space<vmem>>)
    %add3A_132 = arith.constant 96 : i32
    %add3A_133 = arith.addi %mul3A_2, %add3A_132 : i32
    %run_scoped3A_134 = arith.constant 1 : i32
    "tpu.region"() ({
      %run_scoped3A_300 = tpu.sem_alloc : memref<!tpu.dma_semaphore, #tpu.memory_space<semaphore_mem>>
      %dma_start3A_301 = arith.constant 0 : i32
      %dma_start3A_302 = arith.constant 0 : i32
      %dma_start3A_303 = tpu.memref_slice %arg6[%run_scoped3A_134, %dma_start3A_301, %dma_start3A_302] : memref<2x32x1024xf32, #tpu.memory_space<vmem>> -> memref<1x32x1024xf32, #tpu.memory_space<vmem>>
      %dma_start3A_304 = tpu.memref_squeeze %dma_start3A_303 : memref<1x32x1024xf32, #tpu.memory_space<vmem>> -> memref<32x1024xf32, #tpu.memory_space<vmem>>
      %dma_start3A_305 = arith.constant 0 : i32
      %dma_start3A_306 = tpu.memref_slice %arg4[%add3A_133, %dma_start3A_305] : memref<10240x1024xf32, #tpu.memory_space<hbm>> -> memref<32x1024xf32, #tpu.memory_space<hbm>>
      %dma_start3A_307 = arith.constant 0 : i32
      %dma_start3A_308 = tpu.memref_slice %arg4[%add3A_133, %dma_start3A_307] : memref<10240x1024xf32, #tpu.memory_space<hbm>> -> memref<32x1024xf32, #tpu.memory_space<hbm>>
      %dma_start3A_309 = arith.constant 0 : i32
      %dma_start3A_310 = arith.constant 0 : i32
      %dma_start3A_311 = tpu.memref_slice %arg6[%run_scoped3A_134, %dma_start3A_309, %dma_start3A_310] : memref<2x32x1024xf32, #tpu.memory_space<vmem>> -> memref<1x32x1024xf32, #tpu.memory_space<vmem>>
      %dma_start3A_312 = tpu.memref_squeeze %dma_start3A_311 : memref<1x32x1024xf32, #tpu.memory_space<vmem>> -> memref<32x1024xf32, #tpu.memory_space<vmem>>
      tpu.enqueue_dma source(%dma_start3A_312 : memref<32x1024xf32, #tpu.memory_space<vmem>>) target(%dma_start3A_308 : memref<32x1024xf32, #tpu.memory_space<hbm>>) target_semaphore(%run_scoped3A_300 : memref<!tpu.dma_semaphore, #tpu.memory_space<semaphore_mem>>)
      %dma_wait3A_313 = arith.constant 0 : i32
      %dma_wait3A_314 = arith.constant 0 : i32
      %dma_wait3A_315 = tpu.memref_slice %arg6[%run_scoped3A_134, %dma_wait3A_313, %dma_wait3A_314] : memref<2x32x1024xf32, #tpu.memory_space<vmem>> -> memref<1x32x1024xf32, #tpu.memory_space<vmem>>
      %dma_wait3A_316 = tpu.memref_squeeze %dma_wait3A_315 : memref<1x32x1024xf32, #tpu.memory_space<vmem>> -> memref<32x1024xf32, #tpu.memory_space<vmem>>
      %dma_wait3A_317 = arith.constant 0 : i32
      %dma_wait3A_318 = tpu.memref_slice %arg4[%add3A_133, %dma_wait3A_317] : memref<10240x1024xf32, #tpu.memory_space<hbm>> -> memref<32x1024xf32, #tpu.memory_space<hbm>>
      %dma_wait3A_319 = arith.constant 0 : i32
      %dma_wait3A_320 = tpu.memref_slice %arg4[%add3A_133, %dma_wait3A_319] : memref<10240x1024xf32, #tpu.memory_space<hbm>> -> memref<32x1024xf32, #tpu.memory_space<hbm>>
      %dma_wait3A_321 = arith.constant 0 : i32
      %dma_wait3A_322 = arith.constant 0 : i32
      %dma_wait3A_323 = tpu.memref_slice %arg6[%run_scoped3A_134, %dma_wait3A_321, %dma_wait3A_322] : memref<2x32x1024xf32, #tpu.memory_space<vmem>> -> memref<1x32x1024xf32, #tpu.memory_space<vmem>>
      %dma_wait3A_324 = tpu.memref_squeeze %dma_wait3A_323 : memref<1x32x1024xf32, #tpu.memory_space<vmem>> -> memref<32x1024xf32, #tpu.memory_space<vmem>>
      tpu.wait_dma2 semaphore(%run_scoped3A_300 : memref<!tpu.dma_semaphore, #tpu.memory_space<semaphore_mem>>) src(%dma_wait3A_324 : memref<32x1024xf32, #tpu.memory_space<vmem>>) dst(%dma_wait3A_320 : memref<32x1024xf32, #tpu.memory_space<hbm>>)
      tpu.yield
    }) : () -> ()
    %add3A_135 = arith.constant 160 : i32
    %add3A_136 = arith.addi %mul3A_2, %add3A_135 : i32
    %run_scoped3A_137 = arith.constant 1 : i32
    "tpu.region"() ({
      %run_scoped3A_300 = tpu.sem_alloc : memref<!tpu.dma_semaphore, #tpu.memory_space<semaphore_mem>>
      %dma_start3A_301 = arith.constant 0 : i32
      %dma_start3A_302 = tpu.memref_slice %arg5[%run_scoped3A_137, %dma_start3A_301] : memref<2x32xi32, #tpu.memory_space<vmem>> -> memref<1x32xi32, #tpu.memory_space<vmem>>
      %dma_start3A_303 = tpu.memref_squeeze %dma_start3A_302 : memref<1x32xi32, #tpu.memory_space<vmem>> -> memref<32xi32, #tpu.memory_space<vmem>>
      %dma_start3A_304 = tpu.memref_slice %arg3[%add3A_136] : memref<10240xi32, #tpu.memory_space<hbm>> -> memref<32xi32, #tpu.memory_space<hbm>>
      %dma_start3A_305 = arith.constant 0 : i32
      %dma_start3A_306 = tpu.memref_slice %arg5[%run_scoped3A_137, %dma_start3A_305] : memref<2x32xi32, #tpu.memory_space<vmem>> -> memref<1x32xi32, #tpu.memory_space<vmem>>
      %dma_start3A_307 = tpu.memref_squeeze %dma_start3A_306 : memref<1x32xi32, #tpu.memory_space<vmem>> -> memref<32xi32, #tpu.memory_space<vmem>>
      %dma_start3A_308 = tpu.memref_slice %arg3[%add3A_136] : memref<10240xi32, #tpu.memory_space<hbm>> -> memref<32xi32, #tpu.memory_space<hbm>>
      tpu.enqueue_dma source(%dma_start3A_308 : memref<32xi32, #tpu.memory_space<hbm>>) target(%dma_start3A_307 : memref<32xi32, #tpu.memory_space<vmem>>) target_semaphore(%run_scoped3A_300 : memref<!tpu.dma_semaphore, #tpu.memory_space<semaphore_mem>>)
      %dma_wait3A_309 = arith.constant 0 : i32
      %dma_wait3A_310 = tpu.memref_slice %arg5[%run_scoped3A_137, %dma_wait3A_309] : memref<2x32xi32, #tpu.memory_space<vmem>> -> memref<1x32xi32, #tpu.memory_space<vmem>>
      %dma_wait3A_311 = tpu.memref_squeeze %dma_wait3A_310 : memref<1x32xi32, #tpu.memory_space<vmem>> -> memref<32xi32, #tpu.memory_space<vmem>>
      %dma_wait3A_312 = tpu.memref_slice %arg3[%add3A_136] : memref<10240xi32, #tpu.memory_space<hbm>> -> memref<32xi32, #tpu.memory_space<hbm>>
      %dma_wait3A_313 = arith.constant 0 : i32
      %dma_wait3A_314 = tpu.memref_slice %arg5[%run_scoped3A_137, %dma_wait3A_313] : memref<2x32xi32, #tpu.memory_space<vmem>> -> memref<1x32xi32, #tpu.memory_space<vmem>>
      %dma_wait3A_315 = tpu.memref_squeeze %dma_wait3A_314 : memref<1x32xi32, #tpu.memory_space<vmem>> -> memref<32xi32, #tpu.memory_space<vmem>>
      %dma_wait3A_316 = tpu.memref_slice %arg3[%add3A_136] : memref<10240xi32, #tpu.memory_space<hbm>> -> memref<32xi32, #tpu.memory_space<hbm>>
      tpu.wait_dma2 semaphore(%run_scoped3A_300 : memref<!tpu.dma_semaphore, #tpu.memory_space<semaphore_mem>>) src(%dma_wait3A_316 : memref<32xi32, #tpu.memory_space<hbm>>) dst(%dma_wait3A_315 : memref<32xi32, #tpu.memory_space<vmem>>)
      tpu.yield
    }) : () -> ()
    %dma_start3A_138 = arith.constant 1 : i32
    %dma_start3A_139 = arith.constant 1 : i32
    %dma_start3A_140 = arith.constant 0 : i32
    %dma_start3A_141 = arith.constant 0 : i32
    %dma_start3A_142 = tpu.memref_slice %arg6[%dma_start3A_139, %dma_start3A_140, %dma_start3A_141] : memref<2x32x1024xf32, #tpu.memory_space<vmem>> -> memref<1x32x1024xf32, #tpu.memory_space<vmem>>
    %dma_start3A_143 = tpu.memref_squeeze %dma_start3A_142 : memref<1x32x1024xf32, #tpu.memory_space<vmem>> -> memref<32x1024xf32, #tpu.memory_space<vmem>>
    %dma_start3A_144 = arith.constant 0 : i32
    %dma_start3A_145 = tpu.memref_slice %arg5[%dma_start3A_138, %dma_start3A_144] : memref<2x32xi32, #tpu.memory_space<vmem>> -> memref<1x32xi32, #tpu.memory_space<vmem>>
    %dma_start3A_146 = tpu.memref_squeeze %dma_start3A_145 : memref<1x32xi32, #tpu.memory_space<vmem>> -> memref<32xi32, #tpu.memory_space<vmem>>
    %dma_start3A_147 = arith.constant 0 : i32
    %dma_start3A_148 = arith.constant 0 : i32
    %dma_start3A_149 = tpu.memref_slice %arg2[%dma_start3A_147, %dma_start3A_148] : memref<8192x1024xf32, #tpu.memory_space<hbm>> -> memref<8192x1024xf32, #tpu.memory_space<hbm>>
    tpu.enqueue_indirect_dma source(%dma_start3A_149 : memref<8192x1024xf32, #tpu.memory_space<hbm>>) target(%dma_start3A_143 : memref<32x1024xf32, #tpu.memory_space<vmem>>) offsets(%dma_start3A_146 : memref<32xi32, #tpu.memory_space<vmem>>) semaphore(%arg8 : memref<!tpu.dma_semaphore, #tpu.memory_space<semaphore_mem>>)
    %dma_wait3A_150 = arith.constant 0 : i32
    %dma_wait3A_151 = arith.constant 0 : i32
    %dma_wait3A_152 = arith.constant 0 : i32
    %dma_wait3A_153 = arith.constant 0 : i32
    %dma_wait3A_154 = tpu.memref_slice %arg6[%dma_wait3A_151, %dma_wait3A_152, %dma_wait3A_153] : memref<2x32x1024xf32, #tpu.memory_space<vmem>> -> memref<1x32x1024xf32, #tpu.memory_space<vmem>>
    %dma_wait3A_155 = tpu.memref_squeeze %dma_wait3A_154 : memref<1x32x1024xf32, #tpu.memory_space<vmem>> -> memref<32x1024xf32, #tpu.memory_space<vmem>>
    %dma_wait3A_156 = arith.constant 0 : i32
    %dma_wait3A_157 = tpu.memref_slice %arg5[%dma_wait3A_150, %dma_wait3A_156] : memref<2x32xi32, #tpu.memory_space<vmem>> -> memref<1x32xi32, #tpu.memory_space<vmem>>
    %dma_wait3A_158 = tpu.memref_squeeze %dma_wait3A_157 : memref<1x32xi32, #tpu.memory_space<vmem>> -> memref<32xi32, #tpu.memory_space<vmem>>
    %dma_wait3A_159 = arith.constant 0 : i32
    %dma_wait3A_160 = arith.constant 0 : i32
    %dma_wait3A_161 = tpu.memref_slice %arg2[%dma_wait3A_159, %dma_wait3A_160] : memref<8192x1024xf32, #tpu.memory_space<hbm>> -> memref<8192x1024xf32, #tpu.memory_space<hbm>>
    tpu.wait_indirect_dma semaphore(%arg7 : memref<!tpu.dma_semaphore, #tpu.memory_space<semaphore_mem>>) src(%dma_wait3A_161 : memref<8192x1024xf32, #tpu.memory_space<hbm>>) dst(%dma_wait3A_155 : memref<32x1024xf32, #tpu.memory_space<vmem>>)
    %add3A_162 = arith.constant 128 : i32
    %add3A_163 = arith.addi %mul3A_2, %add3A_162 : i32
    %run_scoped3A_164 = arith.constant 0 : i32
    "tpu.region"() ({
      %run_scoped3A_300 = tpu.sem_alloc : memref<!tpu.dma_semaphore, #tpu.memory_space<semaphore_mem>>
      %dma_start3A_301 = arith.constant 0 : i32
      %dma_start3A_302 = arith.constant 0 : i32
      %dma_start3A_303 = tpu.memref_slice %arg6[%run_scoped3A_164, %dma_start3A_301, %dma_start3A_302] : memref<2x32x1024xf32, #tpu.memory_space<vmem>> -> memref<1x32x1024xf32, #tpu.memory_space<vmem>>
      %dma_start3A_304 = tpu.memref_squeeze %dma_start3A_303 : memref<1x32x1024xf32, #tpu.memory_space<vmem>> -> memref<32x1024xf32, #tpu.memory_space<vmem>>
      %dma_start3A_305 = arith.constant 0 : i32
      %dma_start3A_306 = tpu.memref_slice %arg4[%add3A_163, %dma_start3A_305] : memref<10240x1024xf32, #tpu.memory_space<hbm>> -> memref<32x1024xf32, #tpu.memory_space<hbm>>
      %dma_start3A_307 = arith.constant 0 : i32
      %dma_start3A_308 = tpu.memref_slice %arg4[%add3A_163, %dma_start3A_307] : memref<10240x1024xf32, #tpu.memory_space<hbm>> -> memref<32x1024xf32, #tpu.memory_space<hbm>>
      %dma_start3A_309 = arith.constant 0 : i32
      %dma_start3A_310 = arith.constant 0 : i32
      %dma_start3A_311 = tpu.memref_slice %arg6[%run_scoped3A_164, %dma_start3A_309, %dma_start3A_310] : memref<2x32x1024xf32, #tpu.memory_space<vmem>> -> memref<1x32x1024xf32, #tpu.memory_space<vmem>>
      %dma_start3A_312 = tpu.memref_squeeze %dma_start3A_311 : memref<1x32x1024xf32, #tpu.memory_space<vmem>> -> memref<32x1024xf32, #tpu.memory_space<vmem>>
      tpu.enqueue_dma source(%dma_start3A_312 : memref<32x1024xf32, #tpu.memory_space<vmem>>) target(%dma_start3A_308 : memref<32x1024xf32, #tpu.memory_space<hbm>>) target_semaphore(%run_scoped3A_300 : memref<!tpu.dma_semaphore, #tpu.memory_space<semaphore_mem>>)
      %dma_wait3A_313 = arith.constant 0 : i32
      %dma_wait3A_314 = arith.constant 0 : i32
      %dma_wait3A_315 = tpu.memref_slice %arg6[%run_scoped3A_164, %dma_wait3A_313, %dma_wait3A_314] : memref<2x32x1024xf32, #tpu.memory_space<vmem>> -> memref<1x32x1024xf32, #tpu.memory_space<vmem>>
      %dma_wait3A_316 = tpu.memref_squeeze %dma_wait3A_315 : memref<1x32x1024xf32, #tpu.memory_space<vmem>> -> memref<32x1024xf32, #tpu.memory_space<vmem>>
      %dma_wait3A_317 = arith.constant 0 : i32
      %dma_wait3A_318 = tpu.memref_slice %arg4[%add3A_163, %dma_wait3A_317] : memref<10240x1024xf32, #tpu.memory_space<hbm>> -> memref<32x1024xf32, #tpu.memory_space<hbm>>
      %dma_wait3A_319 = arith.constant 0 : i32
      %dma_wait3A_320 = tpu.memref_slice %arg4[%add3A_163, %dma_wait3A_319] : memref<10240x1024xf32, #tpu.memory_space<hbm>> -> memref<32x1024xf32, #tpu.memory_space<hbm>>
      %dma_wait3A_321 = arith.constant 0 : i32
      %dma_wait3A_322 = arith.constant 0 : i32
      %dma_wait3A_323 = tpu.memref_slice %arg6[%run_scoped3A_164, %dma_wait3A_321, %dma_wait3A_322] : memref<2x32x1024xf32, #tpu.memory_space<vmem>> -> memref<1x32x1024xf32, #tpu.memory_space<vmem>>
      %dma_wait3A_324 = tpu.memref_squeeze %dma_wait3A_323 : memref<1x32x1024xf32, #tpu.memory_space<vmem>> -> memref<32x1024xf32, #tpu.memory_space<vmem>>
      tpu.wait_dma2 semaphore(%run_scoped3A_300 : memref<!tpu.dma_semaphore, #tpu.memory_space<semaphore_mem>>) src(%dma_wait3A_324 : memref<32x1024xf32, #tpu.memory_space<vmem>>) dst(%dma_wait3A_320 : memref<32x1024xf32, #tpu.memory_space<hbm>>)
      tpu.yield
    }) : () -> ()
    %add3A_165 = arith.constant 192 : i32
    %add3A_166 = arith.addi %mul3A_2, %add3A_165 : i32
    %run_scoped3A_167 = arith.constant 0 : i32
    "tpu.region"() ({
      %run_scoped3A_300 = tpu.sem_alloc : memref<!tpu.dma_semaphore, #tpu.memory_space<semaphore_mem>>
      %dma_start3A_301 = arith.constant 0 : i32
      %dma_start3A_302 = tpu.memref_slice %arg5[%run_scoped3A_167, %dma_start3A_301] : memref<2x32xi32, #tpu.memory_space<vmem>> -> memref<1x32xi32, #tpu.memory_space<vmem>>
      %dma_start3A_303 = tpu.memref_squeeze %dma_start3A_302 : memref<1x32xi32, #tpu.memory_space<vmem>> -> memref<32xi32, #tpu.memory_space<vmem>>
      %dma_start3A_304 = tpu.memref_slice %arg3[%add3A_166] : memref<10240xi32, #tpu.memory_space<hbm>> -> memref<32xi32, #tpu.memory_space<hbm>>
      %dma_start3A_305 = arith.constant 0 : i32
      %dma_start3A_306 = tpu.memref_slice %arg5[%run_scoped3A_167, %dma_start3A_305] : memref<2x32xi32, #tpu.memory_space<vmem>> -> memref<1x32xi32, #tpu.memory_space<vmem>>
      %dma_start3A_307 = tpu.memref_squeeze %dma_start3A_306 : memref<1x32xi32, #tpu.memory_space<vmem>> -> memref<32xi32, #tpu.memory_space<vmem>>
      %dma_start3A_308 = tpu.memref_slice %arg3[%add3A_166] : memref<10240xi32, #tpu.memory_space<hbm>> -> memref<32xi32, #tpu.memory_space<hbm>>
      tpu.enqueue_dma source(%dma_start3A_308 : memref<32xi32, #tpu.memory_space<hbm>>) target(%dma_start3A_307 : memref<32xi32, #tpu.memory_space<vmem>>) target_semaphore(%run_scoped3A_300 : memref<!tpu.dma_semaphore, #tpu.memory_space<semaphore_mem>>)
      %dma_wait3A_309 = arith.constant 0 : i32
      %dma_wait3A_310 = tpu.memref_slice %arg5[%run_scoped3A_167, %dma_wait3A_309] : memref<2x32xi32, #tpu.memory_space<vmem>> -> memref<1x32xi32, #tpu.memory_space<vmem>>
      %dma_wait3A_311 = tpu.memref_squeeze %dma_wait3A_310 : memref<1x32xi32, #tpu.memory_space<vmem>> -> memref<32xi32, #tpu.memory_space<vmem>>
      %dma_wait3A_312 = tpu.memref_slice %arg3[%add3A_166] : memref<10240xi32, #tpu.memory_space<hbm>> -> memref<32xi32, #tpu.memory_space<hbm>>
      %dma_wait3A_313 = arith.constant 0 : i32
      %dma_wait3A_314 = tpu.memref_slice %arg5[%run_scoped3A_167, %dma_wait3A_313] : memref<2x32xi32, #tpu.memory_space<vmem>> -> memref<1x32xi32, #tpu.memory_space<vmem>>
      %dma_wait3A_315 = tpu.memref_squeeze %dma_wait3A_314 : memref<1x32xi32, #tpu.memory_space<vmem>> -> memref<32xi32, #tpu.memory_space<vmem>>
      %dma_wait3A_316 = tpu.memref_slice %arg3[%add3A_166] : memref<10240xi32, #tpu.memory_space<hbm>> -> memref<32xi32, #tpu.memory_space<hbm>>
      tpu.wait_dma2 semaphore(%run_scoped3A_300 : memref<!tpu.dma_semaphore, #tpu.memory_space<semaphore_mem>>) src(%dma_wait3A_316 : memref<32xi32, #tpu.memory_space<hbm>>) dst(%dma_wait3A_315 : memref<32xi32, #tpu.memory_space<vmem>>)
      tpu.yield
    }) : () -> ()
    %dma_start3A_168 = arith.constant 0 : i32
    %dma_start3A_169 = arith.constant 0 : i32
    %dma_start3A_170 = arith.constant 0 : i32
    %dma_start3A_171 = arith.constant 0 : i32
    %dma_start3A_172 = tpu.memref_slice %arg6[%dma_start3A_169, %dma_start3A_170, %dma_start3A_171] : memref<2x32x1024xf32, #tpu.memory_space<vmem>> -> memref<1x32x1024xf32, #tpu.memory_space<vmem>>
    %dma_start3A_173 = tpu.memref_squeeze %dma_start3A_172 : memref<1x32x1024xf32, #tpu.memory_space<vmem>> -> memref<32x1024xf32, #tpu.memory_space<vmem>>
    %dma_start3A_174 = arith.constant 0 : i32
    %dma_start3A_175 = tpu.memref_slice %arg5[%dma_start3A_168, %dma_start3A_174] : memref<2x32xi32, #tpu.memory_space<vmem>> -> memref<1x32xi32, #tpu.memory_space<vmem>>
    %dma_start3A_176 = tpu.memref_squeeze %dma_start3A_175 : memref<1x32xi32, #tpu.memory_space<vmem>> -> memref<32xi32, #tpu.memory_space<vmem>>
    %dma_start3A_177 = arith.constant 0 : i32
    %dma_start3A_178 = arith.constant 0 : i32
    %dma_start3A_179 = tpu.memref_slice %arg2[%dma_start3A_177, %dma_start3A_178] : memref<8192x1024xf32, #tpu.memory_space<hbm>> -> memref<8192x1024xf32, #tpu.memory_space<hbm>>
    tpu.enqueue_indirect_dma source(%dma_start3A_179 : memref<8192x1024xf32, #tpu.memory_space<hbm>>) target(%dma_start3A_173 : memref<32x1024xf32, #tpu.memory_space<vmem>>) offsets(%dma_start3A_176 : memref<32xi32, #tpu.memory_space<vmem>>) semaphore(%arg7 : memref<!tpu.dma_semaphore, #tpu.memory_space<semaphore_mem>>)
    %dma_wait3A_180 = arith.constant 1 : i32
    %dma_wait3A_181 = arith.constant 1 : i32
    %dma_wait3A_182 = arith.constant 0 : i32
    %dma_wait3A_183 = arith.constant 0 : i32
    %dma_wait3A_184 = tpu.memref_slice %arg6[%dma_wait3A_181, %dma_wait3A_182, %dma_wait3A_183] : memref<2x32x1024xf32, #tpu.memory_space<vmem>> -> memref<1x32x1024xf32, #tpu.memory_space<vmem>>
    %dma_wait3A_185 = tpu.memref_squeeze %dma_wait3A_184 : memref<1x32x1024xf32, #tpu.memory_space<vmem>> -> memref<32x1024xf32, #tpu.memory_space<vmem>>
    %dma_wait3A_186 = arith.constant 0 : i32
    %dma_wait3A_187 = tpu.memref_slice %arg5[%dma_wait3A_180, %dma_wait3A_186] : memref<2x32xi32, #tpu.memory_space<vmem>> -> memref<1x32xi32, #tpu.memory_space<vmem>>
    %dma_wait3A_188 = tpu.memref_squeeze %dma_wait3A_187 : memref<1x32xi32, #tpu.memory_space<vmem>> -> memref<32xi32, #tpu.memory_space<vmem>>
    %dma_wait3A_189 = arith.constant 0 : i32
    %dma_wait3A_190 = arith.constant 0 : i32
    %dma_wait3A_191 = tpu.memref_slice %arg2[%dma_wait3A_189, %dma_wait3A_190] : memref<8192x1024xf32, #tpu.memory_space<hbm>> -> memref<8192x1024xf32, #tpu.memory_space<hbm>>
    tpu.wait_indirect_dma semaphore(%arg8 : memref<!tpu.dma_semaphore, #tpu.memory_space<semaphore_mem>>) src(%dma_wait3A_191 : memref<8192x1024xf32, #tpu.memory_space<hbm>>) dst(%dma_wait3A_185 : memref<32x1024xf32, #tpu.memory_space<vmem>>)
    %add3A_192 = arith.constant 160 : i32
    %add3A_193 = arith.addi %mul3A_2, %add3A_192 : i32
    %run_scoped3A_194 = arith.constant 1 : i32
    "tpu.region"() ({
      %run_scoped3A_300 = tpu.sem_alloc : memref<!tpu.dma_semaphore, #tpu.memory_space<semaphore_mem>>
      %dma_start3A_301 = arith.constant 0 : i32
      %dma_start3A_302 = arith.constant 0 : i32
      %dma_start3A_303 = tpu.memref_slice %arg6[%run_scoped3A_194, %dma_start3A_301, %dma_start3A_302] : memref<2x32x1024xf32, #tpu.memory_space<vmem>> -> memref<1x32x1024xf32, #tpu.memory_space<vmem>>
      %dma_start3A_304 = tpu.memref_squeeze %dma_start3A_303 : memref<1x32x1024xf32, #tpu.memory_space<vmem>> -> memref<32x1024xf32, #tpu.memory_space<vmem>>
      %dma_start3A_305 = arith.constant 0 : i32
      %dma_start3A_306 = tpu.memref_slice %arg4[%add3A_193, %dma_start3A_305] : memref<10240x1024xf32, #tpu.memory_space<hbm>> -> memref<32x1024xf32, #tpu.memory_space<hbm>>
      %dma_start3A_307 = arith.constant 0 : i32
      %dma_start3A_308 = tpu.memref_slice %arg4[%add3A_193, %dma_start3A_307] : memref<10240x1024xf32, #tpu.memory_space<hbm>> -> memref<32x1024xf32, #tpu.memory_space<hbm>>
      %dma_start3A_309 = arith.constant 0 : i32
      %dma_start3A_310 = arith.constant 0 : i32
      %dma_start3A_311 = tpu.memref_slice %arg6[%run_scoped3A_194, %dma_start3A_309, %dma_start3A_310] : memref<2x32x1024xf32, #tpu.memory_space<vmem>> -> memref<1x32x1024xf32, #tpu.memory_space<vmem>>
      %dma_start3A_312 = tpu.memref_squeeze %dma_start3A_311 : memref<1x32x1024xf32, #tpu.memory_space<vmem>> -> memref<32x1024xf32, #tpu.memory_space<vmem>>
      tpu.enqueue_dma source(%dma_start3A_312 : memref<32x1024xf32, #tpu.memory_space<vmem>>) target(%dma_start3A_308 : memref<32x1024xf32, #tpu.memory_space<hbm>>) target_semaphore(%run_scoped3A_300 : memref<!tpu.dma_semaphore, #tpu.memory_space<semaphore_mem>>)
      %dma_wait3A_313 = arith.constant 0 : i32
      %dma_wait3A_314 = arith.constant 0 : i32
      %dma_wait3A_315 = tpu.memref_slice %arg6[%run_scoped3A_194, %dma_wait3A_313, %dma_wait3A_314] : memref<2x32x1024xf32, #tpu.memory_space<vmem>> -> memref<1x32x1024xf32, #tpu.memory_space<vmem>>
      %dma_wait3A_316 = tpu.memref_squeeze %dma_wait3A_315 : memref<1x32x1024xf32, #tpu.memory_space<vmem>> -> memref<32x1024xf32, #tpu.memory_space<vmem>>
      %dma_wait3A_317 = arith.constant 0 : i32
      %dma_wait3A_318 = tpu.memref_slice %arg4[%add3A_193, %dma_wait3A_317] : memref<10240x1024xf32, #tpu.memory_space<hbm>> -> memref<32x1024xf32, #tpu.memory_space<hbm>>
      %dma_wait3A_319 = arith.constant 0 : i32
      %dma_wait3A_320 = tpu.memref_slice %arg4[%add3A_193, %dma_wait3A_319] : memref<10240x1024xf32, #tpu.memory_space<hbm>> -> memref<32x1024xf32, #tpu.memory_space<hbm>>
      %dma_wait3A_321 = arith.constant 0 : i32
      %dma_wait3A_322 = arith.constant 0 : i32
      %dma_wait3A_323 = tpu.memref_slice %arg6[%run_scoped3A_194, %dma_wait3A_321, %dma_wait3A_322] : memref<2x32x1024xf32, #tpu.memory_space<vmem>> -> memref<1x32x1024xf32, #tpu.memory_space<vmem>>
      %dma_wait3A_324 = tpu.memref_squeeze %dma_wait3A_323 : memref<1x32x1024xf32, #tpu.memory_space<vmem>> -> memref<32x1024xf32, #tpu.memory_space<vmem>>
      tpu.wait_dma2 semaphore(%run_scoped3A_300 : memref<!tpu.dma_semaphore, #tpu.memory_space<semaphore_mem>>) src(%dma_wait3A_324 : memref<32x1024xf32, #tpu.memory_space<vmem>>) dst(%dma_wait3A_320 : memref<32x1024xf32, #tpu.memory_space<hbm>>)
      tpu.yield
    }) : () -> ()
    %add3A_195 = arith.constant 224 : i32
    %add3A_196 = arith.addi %mul3A_2, %add3A_195 : i32
    %run_scoped3A_197 = arith.constant 1 : i32
    "tpu.region"() ({
      %run_scoped3A_300 = tpu.sem_alloc : memref<!tpu.dma_semaphore, #tpu.memory_space<semaphore_mem>>
      %dma_start3A_301 = arith.constant 0 : i32
      %dma_start3A_302 = tpu.memref_slice %arg5[%run_scoped3A_197, %dma_start3A_301] : memref<2x32xi32, #tpu.memory_space<vmem>> -> memref<1x32xi32, #tpu.memory_space<vmem>>
      %dma_start3A_303 = tpu.memref_squeeze %dma_start3A_302 : memref<1x32xi32, #tpu.memory_space<vmem>> -> memref<32xi32, #tpu.memory_space<vmem>>
      %dma_start3A_304 = tpu.memref_slice %arg3[%add3A_196] : memref<10240xi32, #tpu.memory_space<hbm>> -> memref<32xi32, #tpu.memory_space<hbm>>
      %dma_start3A_305 = arith.constant 0 : i32
      %dma_start3A_306 = tpu.memref_slice %arg5[%run_scoped3A_197, %dma_start3A_305] : memref<2x32xi32, #tpu.memory_space<vmem>> -> memref<1x32xi32, #tpu.memory_space<vmem>>
      %dma_start3A_307 = tpu.memref_squeeze %dma_start3A_306 : memref<1x32xi32, #tpu.memory_space<vmem>> -> memref<32xi32, #tpu.memory_space<vmem>>
      %dma_start3A_308 = tpu.memref_slice %arg3[%add3A_196] : memref<10240xi32, #tpu.memory_space<hbm>> -> memref<32xi32, #tpu.memory_space<hbm>>
      tpu.enqueue_dma source(%dma_start3A_308 : memref<32xi32, #tpu.memory_space<hbm>>) target(%dma_start3A_307 : memref<32xi32, #tpu.memory_space<vmem>>) target_semaphore(%run_scoped3A_300 : memref<!tpu.dma_semaphore, #tpu.memory_space<semaphore_mem>>)
      %dma_wait3A_309 = arith.constant 0 : i32
      %dma_wait3A_310 = tpu.memref_slice %arg5[%run_scoped3A_197, %dma_wait3A_309] : memref<2x32xi32, #tpu.memory_space<vmem>> -> memref<1x32xi32, #tpu.memory_space<vmem>>
      %dma_wait3A_311 = tpu.memref_squeeze %dma_wait3A_310 : memref<1x32xi32, #tpu.memory_space<vmem>> -> memref<32xi32, #tpu.memory_space<vmem>>
      %dma_wait3A_312 = tpu.memref_slice %arg3[%add3A_196] : memref<10240xi32, #tpu.memory_space<hbm>> -> memref<32xi32, #tpu.memory_space<hbm>>
      %dma_wait3A_313 = arith.constant 0 : i32
      %dma_wait3A_314 = tpu.memref_slice %arg5[%run_scoped3A_197, %dma_wait3A_313] : memref<2x32xi32, #tpu.memory_space<vmem>> -> memref<1x32xi32, #tpu.memory_space<vmem>>
      %dma_wait3A_315 = tpu.memref_squeeze %dma_wait3A_314 : memref<1x32xi32, #tpu.memory_space<vmem>> -> memref<32xi32, #tpu.memory_space<vmem>>
      %dma_wait3A_316 = tpu.memref_slice %arg3[%add3A_196] : memref<10240xi32, #tpu.memory_space<hbm>> -> memref<32xi32, #tpu.memory_space<hbm>>
      tpu.wait_dma2 semaphore(%run_scoped3A_300 : memref<!tpu.dma_semaphore, #tpu.memory_space<semaphore_mem>>) src(%dma_wait3A_316 : memref<32xi32, #tpu.memory_space<hbm>>) dst(%dma_wait3A_315 : memref<32xi32, #tpu.memory_space<vmem>>)
      tpu.yield
    }) : () -> ()
    %dma_start3A_198 = arith.constant 1 : i32
    %dma_start3A_199 = arith.constant 1 : i32
    %dma_start3A_200 = arith.constant 0 : i32
    %dma_start3A_201 = arith.constant 0 : i32
    %dma_start3A_202 = tpu.memref_slice %arg6[%dma_start3A_199, %dma_start3A_200, %dma_start3A_201] : memref<2x32x1024xf32, #tpu.memory_space<vmem>> -> memref<1x32x1024xf32, #tpu.memory_space<vmem>>
    %dma_start3A_203 = tpu.memref_squeeze %dma_start3A_202 : memref<1x32x1024xf32, #tpu.memory_space<vmem>> -> memref<32x1024xf32, #tpu.memory_space<vmem>>
    %dma_start3A_204 = arith.constant 0 : i32
    %dma_start3A_205 = tpu.memref_slice %arg5[%dma_start3A_198, %dma_start3A_204] : memref<2x32xi32, #tpu.memory_space<vmem>> -> memref<1x32xi32, #tpu.memory_space<vmem>>
    %dma_start3A_206 = tpu.memref_squeeze %dma_start3A_205 : memref<1x32xi32, #tpu.memory_space<vmem>> -> memref<32xi32, #tpu.memory_space<vmem>>
    %dma_start3A_207 = arith.constant 0 : i32
    %dma_start3A_208 = arith.constant 0 : i32
    %dma_start3A_209 = tpu.memref_slice %arg2[%dma_start3A_207, %dma_start3A_208] : memref<8192x1024xf32, #tpu.memory_space<hbm>> -> memref<8192x1024xf32, #tpu.memory_space<hbm>>
    tpu.enqueue_indirect_dma source(%dma_start3A_209 : memref<8192x1024xf32, #tpu.memory_space<hbm>>) target(%dma_start3A_203 : memref<32x1024xf32, #tpu.memory_space<vmem>>) offsets(%dma_start3A_206 : memref<32xi32, #tpu.memory_space<vmem>>) semaphore(%arg8 : memref<!tpu.dma_semaphore, #tpu.memory_space<semaphore_mem>>)
    %dma_wait3A_210 = arith.constant 0 : i32
    %dma_wait3A_211 = arith.constant 0 : i32
    %dma_wait3A_212 = arith.constant 0 : i32
    %dma_wait3A_213 = arith.constant 0 : i32
    %dma_wait3A_214 = tpu.memref_slice %arg6[%dma_wait3A_211, %dma_wait3A_212, %dma_wait3A_213] : memref<2x32x1024xf32, #tpu.memory_space<vmem>> -> memref<1x32x1024xf32, #tpu.memory_space<vmem>>
    %dma_wait3A_215 = tpu.memref_squeeze %dma_wait3A_214 : memref<1x32x1024xf32, #tpu.memory_space<vmem>> -> memref<32x1024xf32, #tpu.memory_space<vmem>>
    %dma_wait3A_216 = arith.constant 0 : i32
    %dma_wait3A_217 = tpu.memref_slice %arg5[%dma_wait3A_210, %dma_wait3A_216] : memref<2x32xi32, #tpu.memory_space<vmem>> -> memref<1x32xi32, #tpu.memory_space<vmem>>
    %dma_wait3A_218 = tpu.memref_squeeze %dma_wait3A_217 : memref<1x32xi32, #tpu.memory_space<vmem>> -> memref<32xi32, #tpu.memory_space<vmem>>
    %dma_wait3A_219 = arith.constant 0 : i32
    %dma_wait3A_220 = arith.constant 0 : i32
    %dma_wait3A_221 = tpu.memref_slice %arg2[%dma_wait3A_219, %dma_wait3A_220] : memref<8192x1024xf32, #tpu.memory_space<hbm>> -> memref<8192x1024xf32, #tpu.memory_space<hbm>>
    tpu.wait_indirect_dma semaphore(%arg7 : memref<!tpu.dma_semaphore, #tpu.memory_space<semaphore_mem>>) src(%dma_wait3A_221 : memref<8192x1024xf32, #tpu.memory_space<hbm>>) dst(%dma_wait3A_215 : memref<32x1024xf32, #tpu.memory_space<vmem>>)
    %add3A_222 = arith.constant 192 : i32
    %add3A_223 = arith.addi %mul3A_2, %add3A_222 : i32
    %run_scoped3A_224 = arith.constant 0 : i32
    "tpu.region"() ({
      %run_scoped3A_300 = tpu.sem_alloc : memref<!tpu.dma_semaphore, #tpu.memory_space<semaphore_mem>>
      %dma_start3A_301 = arith.constant 0 : i32
      %dma_start3A_302 = arith.constant 0 : i32
      %dma_start3A_303 = tpu.memref_slice %arg6[%run_scoped3A_224, %dma_start3A_301, %dma_start3A_302] : memref<2x32x1024xf32, #tpu.memory_space<vmem>> -> memref<1x32x1024xf32, #tpu.memory_space<vmem>>
      %dma_start3A_304 = tpu.memref_squeeze %dma_start3A_303 : memref<1x32x1024xf32, #tpu.memory_space<vmem>> -> memref<32x1024xf32, #tpu.memory_space<vmem>>
      %dma_start3A_305 = arith.constant 0 : i32
      %dma_start3A_306 = tpu.memref_slice %arg4[%add3A_223, %dma_start3A_305] : memref<10240x1024xf32, #tpu.memory_space<hbm>> -> memref<32x1024xf32, #tpu.memory_space<hbm>>
      %dma_start3A_307 = arith.constant 0 : i32
      %dma_start3A_308 = tpu.memref_slice %arg4[%add3A_223, %dma_start3A_307] : memref<10240x1024xf32, #tpu.memory_space<hbm>> -> memref<32x1024xf32, #tpu.memory_space<hbm>>
      %dma_start3A_309 = arith.constant 0 : i32
      %dma_start3A_310 = arith.constant 0 : i32
      %dma_start3A_311 = tpu.memref_slice %arg6[%run_scoped3A_224, %dma_start3A_309, %dma_start3A_310] : memref<2x32x1024xf32, #tpu.memory_space<vmem>> -> memref<1x32x1024xf32, #tpu.memory_space<vmem>>
      %dma_start3A_312 = tpu.memref_squeeze %dma_start3A_311 : memref<1x32x1024xf32, #tpu.memory_space<vmem>> -> memref<32x1024xf32, #tpu.memory_space<vmem>>
      tpu.enqueue_dma source(%dma_start3A_312 : memref<32x1024xf32, #tpu.memory_space<vmem>>) target(%dma_start3A_308 : memref<32x1024xf32, #tpu.memory_space<hbm>>) target_semaphore(%run_scoped3A_300 : memref<!tpu.dma_semaphore, #tpu.memory_space<semaphore_mem>>)
      %dma_wait3A_313 = arith.constant 0 : i32
      %dma_wait3A_314 = arith.constant 0 : i32
      %dma_wait3A_315 = tpu.memref_slice %arg6[%run_scoped3A_224, %dma_wait3A_313, %dma_wait3A_314] : memref<2x32x1024xf32, #tpu.memory_space<vmem>> -> memref<1x32x1024xf32, #tpu.memory_space<vmem>>
      %dma_wait3A_316 = tpu.memref_squeeze %dma_wait3A_315 : memref<1x32x1024xf32, #tpu.memory_space<vmem>> -> memref<32x1024xf32, #tpu.memory_space<vmem>>
      %dma_wait3A_317 = arith.constant 0 : i32
      %dma_wait3A_318 = tpu.memref_slice %arg4[%add3A_223, %dma_wait3A_317] : memref<10240x1024xf32, #tpu.memory_space<hbm>> -> memref<32x1024xf32, #tpu.memory_space<hbm>>
      %dma_wait3A_319 = arith.constant 0 : i32
      %dma_wait3A_320 = tpu.memref_slice %arg4[%add3A_223, %dma_wait3A_319] : memref<10240x1024xf32, #tpu.memory_space<hbm>> -> memref<32x1024xf32, #tpu.memory_space<hbm>>
      %dma_wait3A_321 = arith.constant 0 : i32
      %dma_wait3A_322 = arith.constant 0 : i32
      %dma_wait3A_323 = tpu.memref_slice %arg6[%run_scoped3A_224, %dma_wait3A_321, %dma_wait3A_322] : memref<2x32x1024xf32, #tpu.memory_space<vmem>> -> memref<1x32x1024xf32, #tpu.memory_space<vmem>>
      %dma_wait3A_324 = tpu.memref_squeeze %dma_wait3A_323 : memref<1x32x1024xf32, #tpu.memory_space<vmem>> -> memref<32x1024xf32, #tpu.memory_space<vmem>>
      tpu.wait_dma2 semaphore(%run_scoped3A_300 : memref<!tpu.dma_semaphore, #tpu.memory_space<semaphore_mem>>) src(%dma_wait3A_324 : memref<32x1024xf32, #tpu.memory_space<vmem>>) dst(%dma_wait3A_320 : memref<32x1024xf32, #tpu.memory_space<hbm>>)
      tpu.yield
    }) : () -> ()
    %add3A_225 = arith.constant 256 : i32
    %add3A_226 = arith.addi %mul3A_2, %add3A_225 : i32
    %run_scoped3A_227 = arith.constant 0 : i32
    "tpu.region"() ({
      %run_scoped3A_300 = tpu.sem_alloc : memref<!tpu.dma_semaphore, #tpu.memory_space<semaphore_mem>>
      %dma_start3A_301 = arith.constant 0 : i32
      %dma_start3A_302 = tpu.memref_slice %arg5[%run_scoped3A_227, %dma_start3A_301] : memref<2x32xi32, #tpu.memory_space<vmem>> -> memref<1x32xi32, #tpu.memory_space<vmem>>
      %dma_start3A_303 = tpu.memref_squeeze %dma_start3A_302 : memref<1x32xi32, #tpu.memory_space<vmem>> -> memref<32xi32, #tpu.memory_space<vmem>>
      %dma_start3A_304 = tpu.memref_slice %arg3[%add3A_226] : memref<10240xi32, #tpu.memory_space<hbm>> -> memref<32xi32, #tpu.memory_space<hbm>>
      %dma_start3A_305 = arith.constant 0 : i32
      %dma_start3A_306 = tpu.memref_slice %arg5[%run_scoped3A_227, %dma_start3A_305] : memref<2x32xi32, #tpu.memory_space<vmem>> -> memref<1x32xi32, #tpu.memory_space<vmem>>
      %dma_start3A_307 = tpu.memref_squeeze %dma_start3A_306 : memref<1x32xi32, #tpu.memory_space<vmem>> -> memref<32xi32, #tpu.memory_space<vmem>>
      %dma_start3A_308 = tpu.memref_slice %arg3[%add3A_226] : memref<10240xi32, #tpu.memory_space<hbm>> -> memref<32xi32, #tpu.memory_space<hbm>>
      tpu.enqueue_dma source(%dma_start3A_308 : memref<32xi32, #tpu.memory_space<hbm>>) target(%dma_start3A_307 : memref<32xi32, #tpu.memory_space<vmem>>) target_semaphore(%run_scoped3A_300 : memref<!tpu.dma_semaphore, #tpu.memory_space<semaphore_mem>>)
      %dma_wait3A_309 = arith.constant 0 : i32
      %dma_wait3A_310 = tpu.memref_slice %arg5[%run_scoped3A_227, %dma_wait3A_309] : memref<2x32xi32, #tpu.memory_space<vmem>> -> memref<1x32xi32, #tpu.memory_space<vmem>>
      %dma_wait3A_311 = tpu.memref_squeeze %dma_wait3A_310 : memref<1x32xi32, #tpu.memory_space<vmem>> -> memref<32xi32, #tpu.memory_space<vmem>>
      %dma_wait3A_312 = tpu.memref_slice %arg3[%add3A_226] : memref<10240xi32, #tpu.memory_space<hbm>> -> memref<32xi32, #tpu.memory_space<hbm>>
      %dma_wait3A_313 = arith.constant 0 : i32
      %dma_wait3A_314 = tpu.memref_slice %arg5[%run_scoped3A_227, %dma_wait3A_313] : memref<2x32xi32, #tpu.memory_space<vmem>> -> memref<1x32xi32, #tpu.memory_space<vmem>>
      %dma_wait3A_315 = tpu.memref_squeeze %dma_wait3A_314 : memref<1x32xi32, #tpu.memory_space<vmem>> -> memref<32xi32, #tpu.memory_space<vmem>>
      %dma_wait3A_316 = tpu.memref_slice %arg3[%add3A_226] : memref<10240xi32, #tpu.memory_space<hbm>> -> memref<32xi32, #tpu.memory_space<hbm>>
      tpu.wait_dma2 semaphore(%run_scoped3A_300 : memref<!tpu.dma_semaphore, #tpu.memory_space<semaphore_mem>>) src(%dma_wait3A_316 : memref<32xi32, #tpu.memory_space<hbm>>) dst(%dma_wait3A_315 : memref<32xi32, #tpu.memory_space<vmem>>)
      tpu.yield
    }) : () -> ()
    %dma_start3A_228 = arith.constant 0 : i32
    %dma_start3A_229 = arith.constant 0 : i32
    %dma_start3A_230 = arith.constant 0 : i32
    %dma_start3A_231 = arith.constant 0 : i32
    %dma_start3A_232 = tpu.memref_slice %arg6[%dma_start3A_229, %dma_start3A_230, %dma_start3A_231] : memref<2x32x1024xf32, #tpu.memory_space<vmem>> -> memref<1x32x1024xf32, #tpu.memory_space<vmem>>
    %dma_start3A_233 = tpu.memref_squeeze %dma_start3A_232 : memref<1x32x1024xf32, #tpu.memory_space<vmem>> -> memref<32x1024xf32, #tpu.memory_space<vmem>>
    %dma_start3A_234 = arith.constant 0 : i32
    %dma_start3A_235 = tpu.memref_slice %arg5[%dma_start3A_228, %dma_start3A_234] : memref<2x32xi32, #tpu.memory_space<vmem>> -> memref<1x32xi32, #tpu.memory_space<vmem>>
    %dma_start3A_236 = tpu.memref_squeeze %dma_start3A_235 : memref<1x32xi32, #tpu.memory_space<vmem>> -> memref<32xi32, #tpu.memory_space<vmem>>
    %dma_start3A_237 = arith.constant 0 : i32
    %dma_start3A_238 = arith.constant 0 : i32
    %dma_start3A_239 = tpu.memref_slice %arg2[%dma_start3A_237, %dma_start3A_238] : memref<8192x1024xf32, #tpu.memory_space<hbm>> -> memref<8192x1024xf32, #tpu.memory_space<hbm>>
    tpu.enqueue_indirect_dma source(%dma_start3A_239 : memref<8192x1024xf32, #tpu.memory_space<hbm>>) target(%dma_start3A_233 : memref<32x1024xf32, #tpu.memory_space<vmem>>) offsets(%dma_start3A_236 : memref<32xi32, #tpu.memory_space<vmem>>) semaphore(%arg7 : memref<!tpu.dma_semaphore, #tpu.memory_space<semaphore_mem>>)
    %dma_wait3A_240 = arith.constant 1 : i32
    %dma_wait3A_241 = arith.constant 1 : i32
    %dma_wait3A_242 = arith.constant 0 : i32
    %dma_wait3A_243 = arith.constant 0 : i32
    %dma_wait3A_244 = tpu.memref_slice %arg6[%dma_wait3A_241, %dma_wait3A_242, %dma_wait3A_243] : memref<2x32x1024xf32, #tpu.memory_space<vmem>> -> memref<1x32x1024xf32, #tpu.memory_space<vmem>>
    %dma_wait3A_245 = tpu.memref_squeeze %dma_wait3A_244 : memref<1x32x1024xf32, #tpu.memory_space<vmem>> -> memref<32x1024xf32, #tpu.memory_space<vmem>>
    %dma_wait3A_246 = arith.constant 0 : i32
    %dma_wait3A_247 = tpu.memref_slice %arg5[%dma_wait3A_240, %dma_wait3A_246] : memref<2x32xi32, #tpu.memory_space<vmem>> -> memref<1x32xi32, #tpu.memory_space<vmem>>
    %dma_wait3A_248 = tpu.memref_squeeze %dma_wait3A_247 : memref<1x32xi32, #tpu.memory_space<vmem>> -> memref<32xi32, #tpu.memory_space<vmem>>
    %dma_wait3A_249 = arith.constant 0 : i32
    %dma_wait3A_250 = arith.constant 0 : i32
    %dma_wait3A_251 = tpu.memref_slice %arg2[%dma_wait3A_249, %dma_wait3A_250] : memref<8192x1024xf32, #tpu.memory_space<hbm>> -> memref<8192x1024xf32, #tpu.memory_space<hbm>>
    tpu.wait_indirect_dma semaphore(%arg8 : memref<!tpu.dma_semaphore, #tpu.memory_space<semaphore_mem>>) src(%dma_wait3A_251 : memref<8192x1024xf32, #tpu.memory_space<hbm>>) dst(%dma_wait3A_245 : memref<32x1024xf32, #tpu.memory_space<vmem>>)
    %add3A_252 = arith.constant 224 : i32
    %add3A_253 = arith.addi %mul3A_2, %add3A_252 : i32
    %run_scoped3A_254 = arith.constant 1 : i32
    "tpu.region"() ({
      %run_scoped3A_300 = tpu.sem_alloc : memref<!tpu.dma_semaphore, #tpu.memory_space<semaphore_mem>>
      %dma_start3A_301 = arith.constant 0 : i32
      %dma_start3A_302 = arith.constant 0 : i32
      %dma_start3A_303 = tpu.memref_slice %arg6[%run_scoped3A_254, %dma_start3A_301, %dma_start3A_302] : memref<2x32x1024xf32, #tpu.memory_space<vmem>> -> memref<1x32x1024xf32, #tpu.memory_space<vmem>>
      %dma_start3A_304 = tpu.memref_squeeze %dma_start3A_303 : memref<1x32x1024xf32, #tpu.memory_space<vmem>> -> memref<32x1024xf32, #tpu.memory_space<vmem>>
      %dma_start3A_305 = arith.constant 0 : i32
      %dma_start3A_306 = tpu.memref_slice %arg4[%add3A_253, %dma_start3A_305] : memref<10240x1024xf32, #tpu.memory_space<hbm>> -> memref<32x1024xf32, #tpu.memory_space<hbm>>
      %dma_start3A_307 = arith.constant 0 : i32
      %dma_start3A_308 = tpu.memref_slice %arg4[%add3A_253, %dma_start3A_307] : memref<10240x1024xf32, #tpu.memory_space<hbm>> -> memref<32x1024xf32, #tpu.memory_space<hbm>>
      %dma_start3A_309 = arith.constant 0 : i32
      %dma_start3A_310 = arith.constant 0 : i32
      %dma_start3A_311 = tpu.memref_slice %arg6[%run_scoped3A_254, %dma_start3A_309, %dma_start3A_310] : memref<2x32x1024xf32, #tpu.memory_space<vmem>> -> memref<1x32x1024xf32, #tpu.memory_space<vmem>>
      %dma_start3A_312 = tpu.memref_squeeze %dma_start3A_311 : memref<1x32x1024xf32, #tpu.memory_space<vmem>> -> memref<32x1024xf32, #tpu.memory_space<vmem>>
      tpu.enqueue_dma source(%dma_start3A_312 : memref<32x1024xf32, #tpu.memory_space<vmem>>) target(%dma_start3A_308 : memref<32x1024xf32, #tpu.memory_space<hbm>>) target_semaphore(%run_scoped3A_300 : memref<!tpu.dma_semaphore, #tpu.memory_space<semaphore_mem>>)
      %dma_wait3A_313 = arith.constant 0 : i32
      %dma_wait3A_314 = arith.constant 0 : i32
      %dma_wait3A_315 = tpu.memref_slice %arg6[%run_scoped3A_254, %dma_wait3A_313, %dma_wait3A_314] : memref<2x32x1024xf32, #tpu.memory_space<vmem>> -> memref<1x32x1024xf32, #tpu.memory_space<vmem>>
      %dma_wait3A_316 = tpu.memref_squeeze %dma_wait3A_315 : memref<1x32x1024xf32, #tpu.memory_space<vmem>> -> memref<32x1024xf32, #tpu.memory_space<vmem>>
      %dma_wait3A_317 = arith.constant 0 : i32
      %dma_wait3A_318 = tpu.memref_slice %arg4[%add3A_253, %dma_wait3A_317] : memref<10240x1024xf32, #tpu.memory_space<hbm>> -> memref<32x1024xf32, #tpu.memory_space<hbm>>
      %dma_wait3A_319 = arith.constant 0 : i32
      %dma_wait3A_320 = tpu.memref_slice %arg4[%add3A_253, %dma_wait3A_319] : memref<10240x1024xf32, #tpu.memory_space<hbm>> -> memref<32x1024xf32, #tpu.memory_space<hbm>>
      %dma_wait3A_321 = arith.constant 0 : i32
      %dma_wait3A_322 = arith.constant 0 : i32
      %dma_wait3A_323 = tpu.memref_slice %arg6[%run_scoped3A_254, %dma_wait3A_321, %dma_wait3A_322] : memref<2x32x1024xf32, #tpu.memory_space<vmem>> -> memref<1x32x1024xf32, #tpu.memory_space<vmem>>
      %dma_wait3A_324 = tpu.memref_squeeze %dma_wait3A_323 : memref<1x32x1024xf32, #tpu.memory_space<vmem>> -> memref<32x1024xf32, #tpu.memory_space<vmem>>
      tpu.wait_dma2 semaphore(%run_scoped3A_300 : memref<!tpu.dma_semaphore, #tpu.memory_space<semaphore_mem>>) src(%dma_wait3A_324 : memref<32x1024xf32, #tpu.memory_space<vmem>>) dst(%dma_wait3A_320 : memref<32x1024xf32, #tpu.memory_space<hbm>>)
      tpu.yield
    }) : () -> ()
    %add3A_255 = arith.constant 288 : i32
    %add3A_256 = arith.addi %mul3A_2, %add3A_255 : i32
    %run_scoped3A_257 = arith.constant 1 : i32
    "tpu.region"() ({
      %run_scoped3A_300 = tpu.sem_alloc : memref<!tpu.dma_semaphore, #tpu.memory_space<semaphore_mem>>
      %dma_start3A_301 = arith.constant 0 : i32
      %dma_start3A_302 = tpu.memref_slice %arg5[%run_scoped3A_257, %dma_start3A_301] : memref<2x32xi32, #tpu.memory_space<vmem>> -> memref<1x32xi32, #tpu.memory_space<vmem>>
      %dma_start3A_303 = tpu.memref_squeeze %dma_start3A_302 : memref<1x32xi32, #tpu.memory_space<vmem>> -> memref<32xi32, #tpu.memory_space<vmem>>
      %dma_start3A_304 = tpu.memref_slice %arg3[%add3A_256] : memref<10240xi32, #tpu.memory_space<hbm>> -> memref<32xi32, #tpu.memory_space<hbm>>
      %dma_start3A_305 = arith.constant 0 : i32
      %dma_start3A_306 = tpu.memref_slice %arg5[%run_scoped3A_257, %dma_start3A_305] : memref<2x32xi32, #tpu.memory_space<vmem>> -> memref<1x32xi32, #tpu.memory_space<vmem>>
      %dma_start3A_307 = tpu.memref_squeeze %dma_start3A_306 : memref<1x32xi32, #tpu.memory_space<vmem>> -> memref<32xi32, #tpu.memory_space<vmem>>
      %dma_start3A_308 = tpu.memref_slice %arg3[%add3A_256] : memref<10240xi32, #tpu.memory_space<hbm>> -> memref<32xi32, #tpu.memory_space<hbm>>
      tpu.enqueue_dma source(%dma_start3A_308 : memref<32xi32, #tpu.memory_space<hbm>>) target(%dma_start3A_307 : memref<32xi32, #tpu.memory_space<vmem>>) target_semaphore(%run_scoped3A_300 : memref<!tpu.dma_semaphore, #tpu.memory_space<semaphore_mem>>)
      %dma_wait3A_309 = arith.constant 0 : i32
      %dma_wait3A_310 = tpu.memref_slice %arg5[%run_scoped3A_257, %dma_wait3A_309] : memref<2x32xi32, #tpu.memory_space<vmem>> -> memref<1x32xi32, #tpu.memory_space<vmem>>
      %dma_wait3A_311 = tpu.memref_squeeze %dma_wait3A_310 : memref<1x32xi32, #tpu.memory_space<vmem>> -> memref<32xi32, #tpu.memory_space<vmem>>
      %dma_wait3A_312 = tpu.memref_slice %arg3[%add3A_256] : memref<10240xi32, #tpu.memory_space<hbm>> -> memref<32xi32, #tpu.memory_space<hbm>>
      %dma_wait3A_313 = arith.constant 0 : i32
      %dma_wait3A_314 = tpu.memref_slice %arg5[%run_scoped3A_257, %dma_wait3A_313] : memref<2x32xi32, #tpu.memory_space<vmem>> -> memref<1x32xi32, #tpu.memory_space<vmem>>
      %dma_wait3A_315 = tpu.memref_squeeze %dma_wait3A_314 : memref<1x32xi32, #tpu.memory_space<vmem>> -> memref<32xi32, #tpu.memory_space<vmem>>
      %dma_wait3A_316 = tpu.memref_slice %arg3[%add3A_256] : memref<10240xi32, #tpu.memory_space<hbm>> -> memref<32xi32, #tpu.memory_space<hbm>>
      tpu.wait_dma2 semaphore(%run_scoped3A_300 : memref<!tpu.dma_semaphore, #tpu.memory_space<semaphore_mem>>) src(%dma_wait3A_316 : memref<32xi32, #tpu.memory_space<hbm>>) dst(%dma_wait3A_315 : memref<32xi32, #tpu.memory_space<vmem>>)
      tpu.yield
    }) : () -> ()
    %dma_start3A_258 = arith.constant 1 : i32
    %dma_start3A_259 = arith.constant 1 : i32
    %dma_start3A_260 = arith.constant 0 : i32
    %dma_start3A_261 = arith.constant 0 : i32
    %dma_start3A_262 = tpu.memref_slice %arg6[%dma_start3A_259, %dma_start3A_260, %dma_start3A_261] : memref<2x32x1024xf32, #tpu.memory_space<vmem>> -> memref<1x32x1024xf32, #tpu.memory_space<vmem>>
    %dma_start3A_263 = tpu.memref_squeeze %dma_start3A_262 : memref<1x32x1024xf32, #tpu.memory_space<vmem>> -> memref<32x1024xf32, #tpu.memory_space<vmem>>
    %dma_start3A_264 = arith.constant 0 : i32
    %dma_start3A_265 = tpu.memref_slice %arg5[%dma_start3A_258, %dma_start3A_264] : memref<2x32xi32, #tpu.memory_space<vmem>> -> memref<1x32xi32, #tpu.memory_space<vmem>>
    %dma_start3A_266 = tpu.memref_squeeze %dma_start3A_265 : memref<1x32xi32, #tpu.memory_space<vmem>> -> memref<32xi32, #tpu.memory_space<vmem>>
    %dma_start3A_267 = arith.constant 0 : i32
    %dma_start3A_268 = arith.constant 0 : i32
    %dma_start3A_269 = tpu.memref_slice %arg2[%dma_start3A_267, %dma_start3A_268] : memref<8192x1024xf32, #tpu.memory_space<hbm>> -> memref<8192x1024xf32, #tpu.memory_space<hbm>>
    tpu.enqueue_indirect_dma source(%dma_start3A_269 : memref<8192x1024xf32, #tpu.memory_space<hbm>>) target(%dma_start3A_263 : memref<32x1024xf32, #tpu.memory_space<vmem>>) offsets(%dma_start3A_266 : memref<32xi32, #tpu.memory_space<vmem>>) semaphore(%arg8 : memref<!tpu.dma_semaphore, #tpu.memory_space<semaphore_mem>>)
    %dma_wait3A_270 = arith.constant 0 : i32
    %dma_wait3A_271 = arith.constant 0 : i32
    %dma_wait3A_272 = arith.constant 0 : i32
    %dma_wait3A_273 = arith.constant 0 : i32
    %dma_wait3A_274 = tpu.memref_slice %arg6[%dma_wait3A_271, %dma_wait3A_272, %dma_wait3A_273] : memref<2x32x1024xf32, #tpu.memory_space<vmem>> -> memref<1x32x1024xf32, #tpu.memory_space<vmem>>
    %dma_wait3A_275 = tpu.memref_squeeze %dma_wait3A_274 : memref<1x32x1024xf32, #tpu.memory_space<vmem>> -> memref<32x1024xf32, #tpu.memory_space<vmem>>
    %dma_wait3A_276 = arith.constant 0 : i32
    %dma_wait3A_277 = tpu.memref_slice %arg5[%dma_wait3A_270, %dma_wait3A_276] : memref<2x32xi32, #tpu.memory_space<vmem>> -> memref<1x32xi32, #tpu.memory_space<vmem>>
    %dma_wait3A_278 = tpu.memref_squeeze %dma_wait3A_277 : memref<1x32xi32, #tpu.memory_space<vmem>> -> memref<32xi32, #tpu.memory_space<vmem>>
    %dma_wait3A_279 = arith.constant 0 : i32
    %dma_wait3A_280 = arith.constant 0 : i32
    %dma_wait3A_281 = tpu.memref_slice %arg2[%dma_wait3A_279, %dma_wait3A_280] : memref<8192x1024xf32, #tpu.memory_space<hbm>> -> memref<8192x1024xf32, #tpu.memory_space<hbm>>
    tpu.wait_indirect_dma semaphore(%arg7 : memref<!tpu.dma_semaphore, #tpu.memory_space<semaphore_mem>>) src(%dma_wait3A_281 : memref<8192x1024xf32, #tpu.memory_space<hbm>>) dst(%dma_wait3A_275 : memref<32x1024xf32, #tpu.memory_space<vmem>>)
    %add3A_282 = arith.constant 256 : i32
    %add3A_283 = arith.addi %mul3A_2, %add3A_282 : i32
    %run_scoped3A_284 = arith.constant 0 : i32
    "tpu.region"() ({
      %run_scoped3A_300 = tpu.sem_alloc : memref<!tpu.dma_semaphore, #tpu.memory_space<semaphore_mem>>
      %dma_start3A_301 = arith.constant 0 : i32
      %dma_start3A_302 = arith.constant 0 : i32
      %dma_start3A_303 = tpu.memref_slice %arg6[%run_scoped3A_284, %dma_start3A_301, %dma_start3A_302] : memref<2x32x1024xf32, #tpu.memory_space<vmem>> -> memref<1x32x1024xf32, #tpu.memory_space<vmem>>
      %dma_start3A_304 = tpu.memref_squeeze %dma_start3A_303 : memref<1x32x1024xf32, #tpu.memory_space<vmem>> -> memref<32x1024xf32, #tpu.memory_space<vmem>>
      %dma_start3A_305 = arith.constant 0 : i32
      %dma_start3A_306 = tpu.memref_slice %arg4[%add3A_283, %dma_start3A_305] : memref<10240x1024xf32, #tpu.memory_space<hbm>> -> memref<32x1024xf32, #tpu.memory_space<hbm>>
      %dma_start3A_307 = arith.constant 0 : i32
      %dma_start3A_308 = tpu.memref_slice %arg4[%add3A_283, %dma_start3A_307] : memref<10240x1024xf32, #tpu.memory_space<hbm>> -> memref<32x1024xf32, #tpu.memory_space<hbm>>
      %dma_start3A_309 = arith.constant 0 : i32
      %dma_start3A_310 = arith.constant 0 : i32
      %dma_start3A_311 = tpu.memref_slice %arg6[%run_scoped3A_284, %dma_start3A_309, %dma_start3A_310] : memref<2x32x1024xf32, #tpu.memory_space<vmem>> -> memref<1x32x1024xf32, #tpu.memory_space<vmem>>
      %dma_start3A_312 = tpu.memref_squeeze %dma_start3A_311 : memref<1x32x1024xf32, #tpu.memory_space<vmem>> -> memref<32x1024xf32, #tpu.memory_space<vmem>>
      tpu.enqueue_dma source(%dma_start3A_312 : memref<32x1024xf32, #tpu.memory_space<vmem>>) target(%dma_start3A_308 : memref<32x1024xf32, #tpu.memory_space<hbm>>) target_semaphore(%run_scoped3A_300 : memref<!tpu.dma_semaphore, #tpu.memory_space<semaphore_mem>>)
      %dma_wait3A_313 = arith.constant 0 : i32
      %dma_wait3A_314 = arith.constant 0 : i32
      %dma_wait3A_315 = tpu.memref_slice %arg6[%run_scoped3A_284, %dma_wait3A_313, %dma_wait3A_314] : memref<2x32x1024xf32, #tpu.memory_space<vmem>> -> memref<1x32x1024xf32, #tpu.memory_space<vmem>>
      %dma_wait3A_316 = tpu.memref_squeeze %dma_wait3A_315 : memref<1x32x1024xf32, #tpu.memory_space<vmem>> -> memref<32x1024xf32, #tpu.memory_space<vmem>>
      %dma_wait3A_317 = arith.constant 0 : i32
      %dma_wait3A_318 = tpu.memref_slice %arg4[%add3A_283, %dma_wait3A_317] : memref<10240x1024xf32, #tpu.memory_space<hbm>> -> memref<32x1024xf32, #tpu.memory_space<hbm>>
      %dma_wait3A_319 = arith.constant 0 : i32
      %dma_wait3A_320 = tpu.memref_slice %arg4[%add3A_283, %dma_wait3A_319] : memref<10240x1024xf32, #tpu.memory_space<hbm>> -> memref<32x1024xf32, #tpu.memory_space<hbm>>
      %dma_wait3A_321 = arith.constant 0 : i32
      %dma_wait3A_322 = arith.constant 0 : i32
      %dma_wait3A_323 = tpu.memref_slice %arg6[%run_scoped3A_284, %dma_wait3A_321, %dma_wait3A_322] : memref<2x32x1024xf32, #tpu.memory_space<vmem>> -> memref<1x32x1024xf32, #tpu.memory_space<vmem>>
      %dma_wait3A_324 = tpu.memref_squeeze %dma_wait3A_323 : memref<1x32x1024xf32, #tpu.memory_space<vmem>> -> memref<32x1024xf32, #tpu.memory_space<vmem>>
      tpu.wait_dma2 semaphore(%run_scoped3A_300 : memref<!tpu.dma_semaphore, #tpu.memory_space<semaphore_mem>>) src(%dma_wait3A_324 : memref<32x1024xf32, #tpu.memory_space<vmem>>) dst(%dma_wait3A_320 : memref<32x1024xf32, #tpu.memory_space<hbm>>)
      tpu.yield
    }) : () -> ()
    %dma_wait3A_285 = arith.constant 1 : i32
    %dma_wait3A_286 = arith.constant 1 : i32
    %dma_wait3A_287 = arith.constant 0 : i32
    %dma_wait3A_288 = arith.constant 0 : i32
    %dma_wait3A_289 = tpu.memref_slice %arg6[%dma_wait3A_286, %dma_wait3A_287, %dma_wait3A_288] : memref<2x32x1024xf32, #tpu.memory_space<vmem>> -> memref<1x32x1024xf32, #tpu.memory_space<vmem>>
    %dma_wait3A_290 = tpu.memref_squeeze %dma_wait3A_289 : memref<1x32x1024xf32, #tpu.memory_space<vmem>> -> memref<32x1024xf32, #tpu.memory_space<vmem>>
    %dma_wait3A_291 = arith.constant 0 : i32
    %dma_wait3A_292 = tpu.memref_slice %arg5[%dma_wait3A_285, %dma_wait3A_291] : memref<2x32xi32, #tpu.memory_space<vmem>> -> memref<1x32xi32, #tpu.memory_space<vmem>>
    %dma_wait3A_293 = tpu.memref_squeeze %dma_wait3A_292 : memref<1x32xi32, #tpu.memory_space<vmem>> -> memref<32xi32, #tpu.memory_space<vmem>>
    %dma_wait3A_294 = arith.constant 0 : i32
    %dma_wait3A_295 = arith.constant 0 : i32
    %dma_wait3A_296 = tpu.memref_slice %arg2[%dma_wait3A_294, %dma_wait3A_295] : memref<8192x1024xf32, #tpu.memory_space<hbm>> -> memref<8192x1024xf32, #tpu.memory_space<hbm>>
    tpu.wait_indirect_dma semaphore(%arg8 : memref<!tpu.dma_semaphore, #tpu.memory_space<semaphore_mem>>) src(%dma_wait3A_296 : memref<8192x1024xf32, #tpu.memory_space<hbm>>) dst(%dma_wait3A_290 : memref<32x1024xf32, #tpu.memory_space<vmem>>)
    %add3A_297 = arith.constant 288 : i32
    %add3A_298 = arith.addi %mul3A_2, %add3A_297 : i32
    %run_scoped3A_299 = arith.constant 1 : i32
    "tpu.region"() ({
      %run_scoped3A_300 = tpu.sem_alloc : memref<!tpu.dma_semaphore, #tpu.memory_space<semaphore_mem>>
      %dma_start3A_301 = arith.constant 0 : i32
      %dma_start3A_302 = arith.constant 0 : i32
      %dma_start3A_303 = tpu.memref_slice %arg6[%run_scoped3A_299, %dma_start3A_301, %dma_start3A_302] : memref<2x32x1024xf32, #tpu.memory_space<vmem>> -> memref<1x32x1024xf32, #tpu.memory_space<vmem>>
      %dma_start3A_304 = tpu.memref_squeeze %dma_start3A_303 : memref<1x32x1024xf32, #tpu.memory_space<vmem>> -> memref<32x1024xf32, #tpu.memory_space<vmem>>
      %dma_start3A_305 = arith.constant 0 : i32
      %dma_start3A_306 = tpu.memref_slice %arg4[%add3A_298, %dma_start3A_305] : memref<10240x1024xf32, #tpu.memory_space<hbm>> -> memref<32x1024xf32, #tpu.memory_space<hbm>>
      %dma_start3A_307 = arith.constant 0 : i32
      %dma_start3A_308 = tpu.memref_slice %arg4[%add3A_298, %dma_start3A_307] : memref<10240x1024xf32, #tpu.memory_space<hbm>> -> memref<32x1024xf32, #tpu.memory_space<hbm>>
      %dma_start3A_309 = arith.constant 0 : i32
      %dma_start3A_310 = arith.constant 0 : i32
      %dma_start3A_311 = tpu.memref_slice %arg6[%run_scoped3A_299, %dma_start3A_309, %dma_start3A_310] : memref<2x32x1024xf32, #tpu.memory_space<vmem>> -> memref<1x32x1024xf32, #tpu.memory_space<vmem>>
      %dma_start3A_312 = tpu.memref_squeeze %dma_start3A_311 : memref<1x32x1024xf32, #tpu.memory_space<vmem>> -> memref<32x1024xf32, #tpu.memory_space<vmem>>
      tpu.enqueue_dma source(%dma_start3A_312 : memref<32x1024xf32, #tpu.memory_space<vmem>>) target(%dma_start3A_308 : memref<32x1024xf32, #tpu.memory_space<hbm>>) target_semaphore(%run_scoped3A_300 : memref<!tpu.dma_semaphore, #tpu.memory_space<semaphore_mem>>)
      %dma_wait3A_313 = arith.constant 0 : i32
      %dma_wait3A_314 = arith.constant 0 : i32
      %dma_wait3A_315 = tpu.memref_slice %arg6[%run_scoped3A_299, %dma_wait3A_313, %dma_wait3A_314] : memref<2x32x1024xf32, #tpu.memory_space<vmem>> -> memref<1x32x1024xf32, #tpu.memory_space<vmem>>
      %dma_wait3A_316 = tpu.memref_squeeze %dma_wait3A_315 : memref<1x32x1024xf32, #tpu.memory_space<vmem>> -> memref<32x1024xf32, #tpu.memory_space<vmem>>
      %dma_wait3A_317 = arith.constant 0 : i32
      %dma_wait3A_318 = tpu.memref_slice %arg4[%add3A_298, %dma_wait3A_317] : memref<10240x1024xf32, #tpu.memory_space<hbm>> -> memref<32x1024xf32, #tpu.memory_space<hbm>>
      %dma_wait3A_319 = arith.constant 0 : i32
      %dma_wait3A_320 = tpu.memref_slice %arg4[%add3A_298, %dma_wait3A_319] : memref<10240x1024xf32, #tpu.memory_space<hbm>> -> memref<32x1024xf32, #tpu.memory_space<hbm>>
      %dma_wait3A_321 = arith.constant 0 : i32
      %dma_wait3A_322 = arith.constant 0 : i32
      %dma_wait3A_323 = tpu.memref_slice %arg6[%run_scoped3A_299, %dma_wait3A_321, %dma_wait3A_322] : memref<2x32x1024xf32, #tpu.memory_space<vmem>> -> memref<1x32x1024xf32, #tpu.memory_space<vmem>>
      %dma_wait3A_324 = tpu.memref_squeeze %dma_wait3A_323 : memref<1x32x1024xf32, #tpu.memory_space<vmem>> -> memref<32x1024xf32, #tpu.memory_space<vmem>>
      tpu.wait_dma2 semaphore(%run_scoped3A_300 : memref<!tpu.dma_semaphore, #tpu.memory_space<semaphore_mem>>) src(%dma_wait3A_324 : memref<32x1024xf32, #tpu.memory_space<vmem>>) dst(%dma_wait3A_320 : memref<32x1024xf32, #tpu.memory_space<hbm>>)
      tpu.yield
    }) : () -> ()
    return
  }
}

#map = affine_map<(d0, d1) -> (0, 0)>
#map1 = affine_map<(d0, d1) -> (0)>
module attributes {stable_mosaic.version = 14 : i64} {
  func.func @k(%arg0: i32, %arg1: i32, %arg2: memref<10240x1024xf32, #tpu.memory_space<hbm>>, %arg3: memref<8192xi32, #tpu.memory_space<hbm>>, %arg4: memref<8192x1024xf32, #tpu.memory_space<hbm>>, %arg5: memref<2x32xi32, #tpu.memory_space<vmem>>, %arg6: memref<2x32x1024xf32, #tpu.memory_space<vmem>>, %arg7: memref<!tpu.dma_semaphore, #tpu.memory_space<semaphore_mem>>, %arg8: memref<!tpu.dma_semaphore, #tpu.memory_space<semaphore_mem>>) attributes {dimension_semantics = [#tpu.dimension_semantics<core_parallel>, #tpu.dimension_semantics<subcore_parallel>], iteration_bounds = array<i64: 2, 16>, scalar_prefetch = 0 : i64, scratch_operands = 4 : i64, tpu.core_type = #tpu.core_type<sc_vector_subcore>, window_params = [{transform_indices = #map}, {transform_indices = #map1}, {transform_indices = #map}]} {
    %mul3A = arith.constant 2 : i32
    %mul3A_0 = arith.muli %arg1, %mul3A : i32
    %add3A = arith.addi %mul3A_0, %arg0 : i32
    %mul3A_1 = arith.constant 256 : i32
    %mul3A_2 = arith.muli %add3A, %mul3A_1 : i32
    %add3A_3 = arith.constant 0 : i32
    %add3A_4 = arith.addi %mul3A_2, %add3A_3 : i32
    %run_scoped3A = arith.constant 0 : i32
    "tpu.region"() ({
      %run_scoped3A_240 = tpu.sem_alloc : memref<!tpu.dma_semaphore, #tpu.memory_space<semaphore_mem>>
      %dma_start3A_241 = arith.constant 0 : i32
      %dma_start3A_242 = tpu.memref_slice %arg5[%run_scoped3A, %dma_start3A_241] : memref<2x32xi32, #tpu.memory_space<vmem>> -> memref<1x32xi32, #tpu.memory_space<vmem>>
      %dma_start3A_243 = tpu.memref_squeeze %dma_start3A_242 : memref<1x32xi32, #tpu.memory_space<vmem>> -> memref<32xi32, #tpu.memory_space<vmem>>
      %dma_start3A_244 = tpu.memref_slice %arg3[%add3A_4] : memref<8192xi32, #tpu.memory_space<hbm>> -> memref<32xi32, #tpu.memory_space<hbm>>
      %dma_start3A_245 = arith.constant 0 : i32
      %dma_start3A_246 = tpu.memref_slice %arg5[%run_scoped3A, %dma_start3A_245] : memref<2x32xi32, #tpu.memory_space<vmem>> -> memref<1x32xi32, #tpu.memory_space<vmem>>
      %dma_start3A_247 = tpu.memref_squeeze %dma_start3A_246 : memref<1x32xi32, #tpu.memory_space<vmem>> -> memref<32xi32, #tpu.memory_space<vmem>>
      %dma_start3A_248 = tpu.memref_slice %arg3[%add3A_4] : memref<8192xi32, #tpu.memory_space<hbm>> -> memref<32xi32, #tpu.memory_space<hbm>>
      tpu.enqueue_dma source(%dma_start3A_248 : memref<32xi32, #tpu.memory_space<hbm>>) target(%dma_start3A_247 : memref<32xi32, #tpu.memory_space<vmem>>) target_semaphore(%run_scoped3A_240 : memref<!tpu.dma_semaphore, #tpu.memory_space<semaphore_mem>>)
      %dma_wait3A_249 = arith.constant 0 : i32
      %dma_wait3A_250 = tpu.memref_slice %arg5[%run_scoped3A, %dma_wait3A_249] : memref<2x32xi32, #tpu.memory_space<vmem>> -> memref<1x32xi32, #tpu.memory_space<vmem>>
      %dma_wait3A_251 = tpu.memref_squeeze %dma_wait3A_250 : memref<1x32xi32, #tpu.memory_space<vmem>> -> memref<32xi32, #tpu.memory_space<vmem>>
      %dma_wait3A_252 = tpu.memref_slice %arg3[%add3A_4] : memref<8192xi32, #tpu.memory_space<hbm>> -> memref<32xi32, #tpu.memory_space<hbm>>
      %dma_wait3A_253 = arith.constant 0 : i32
      %dma_wait3A_254 = tpu.memref_slice %arg5[%run_scoped3A, %dma_wait3A_253] : memref<2x32xi32, #tpu.memory_space<vmem>> -> memref<1x32xi32, #tpu.memory_space<vmem>>
      %dma_wait3A_255 = tpu.memref_squeeze %dma_wait3A_254 : memref<1x32xi32, #tpu.memory_space<vmem>> -> memref<32xi32, #tpu.memory_space<vmem>>
      %dma_wait3A_256 = tpu.memref_slice %arg3[%add3A_4] : memref<8192xi32, #tpu.memory_space<hbm>> -> memref<32xi32, #tpu.memory_space<hbm>>
      tpu.wait_dma2 semaphore(%run_scoped3A_240 : memref<!tpu.dma_semaphore, #tpu.memory_space<semaphore_mem>>) src(%dma_wait3A_256 : memref<32xi32, #tpu.memory_space<hbm>>) dst(%dma_wait3A_255 : memref<32xi32, #tpu.memory_space<vmem>>)
      tpu.yield
    }) : () -> ()
    %dma_start3A = arith.constant 0 : i32
    %dma_start3A_5 = arith.constant 0 : i32
    %dma_start3A_6 = arith.constant 0 : i32
    %dma_start3A_7 = arith.constant 0 : i32
    %dma_start3A_8 = tpu.memref_slice %arg6[%dma_start3A_5, %dma_start3A_6, %dma_start3A_7] : memref<2x32x1024xf32, #tpu.memory_space<vmem>> -> memref<1x32x1024xf32, #tpu.memory_space<vmem>>
    %dma_start3A_9 = tpu.memref_squeeze %dma_start3A_8 : memref<1x32x1024xf32, #tpu.memory_space<vmem>> -> memref<32x1024xf32, #tpu.memory_space<vmem>>
    %dma_start3A_10 = arith.constant 0 : i32
    %dma_start3A_11 = tpu.memref_slice %arg5[%dma_start3A, %dma_start3A_10] : memref<2x32xi32, #tpu.memory_space<vmem>> -> memref<1x32xi32, #tpu.memory_space<vmem>>
    %dma_start3A_12 = tpu.memref_squeeze %dma_start3A_11 : memref<1x32xi32, #tpu.memory_space<vmem>> -> memref<32xi32, #tpu.memory_space<vmem>>
    %dma_start3A_13 = arith.constant 0 : i32
    %dma_start3A_14 = arith.constant 0 : i32
    %dma_start3A_15 = tpu.memref_slice %arg2[%dma_start3A_13, %dma_start3A_14] : memref<10240x1024xf32, #tpu.memory_space<hbm>> -> memref<10240x1024xf32, #tpu.memory_space<hbm>>
    tpu.enqueue_indirect_dma source(%dma_start3A_15 : memref<10240x1024xf32, #tpu.memory_space<hbm>>) target(%dma_start3A_9 : memref<32x1024xf32, #tpu.memory_space<vmem>>) offsets(%dma_start3A_12 : memref<32xi32, #tpu.memory_space<vmem>>) semaphore(%arg7 : memref<!tpu.dma_semaphore, #tpu.memory_space<semaphore_mem>>)
    %add3A_16 = arith.constant 32 : i32
    %add3A_17 = arith.addi %mul3A_2, %add3A_16 : i32
    %run_scoped3A_18 = arith.constant 1 : i32
    "tpu.region"() ({
      %run_scoped3A_240 = tpu.sem_alloc : memref<!tpu.dma_semaphore, #tpu.memory_space<semaphore_mem>>
      %dma_start3A_241 = arith.constant 0 : i32
      %dma_start3A_242 = tpu.memref_slice %arg5[%run_scoped3A_18, %dma_start3A_241] : memref<2x32xi32, #tpu.memory_space<vmem>> -> memref<1x32xi32, #tpu.memory_space<vmem>>
      %dma_start3A_243 = tpu.memref_squeeze %dma_start3A_242 : memref<1x32xi32, #tpu.memory_space<vmem>> -> memref<32xi32, #tpu.memory_space<vmem>>
      %dma_start3A_244 = tpu.memref_slice %arg3[%add3A_17] : memref<8192xi32, #tpu.memory_space<hbm>> -> memref<32xi32, #tpu.memory_space<hbm>>
      %dma_start3A_245 = arith.constant 0 : i32
      %dma_start3A_246 = tpu.memref_slice %arg5[%run_scoped3A_18, %dma_start3A_245] : memref<2x32xi32, #tpu.memory_space<vmem>> -> memref<1x32xi32, #tpu.memory_space<vmem>>
      %dma_start3A_247 = tpu.memref_squeeze %dma_start3A_246 : memref<1x32xi32, #tpu.memory_space<vmem>> -> memref<32xi32, #tpu.memory_space<vmem>>
      %dma_start3A_248 = tpu.memref_slice %arg3[%add3A_17] : memref<8192xi32, #tpu.memory_space<hbm>> -> memref<32xi32, #tpu.memory_space<hbm>>
      tpu.enqueue_dma source(%dma_start3A_248 : memref<32xi32, #tpu.memory_space<hbm>>) target(%dma_start3A_247 : memref<32xi32, #tpu.memory_space<vmem>>) target_semaphore(%run_scoped3A_240 : memref<!tpu.dma_semaphore, #tpu.memory_space<semaphore_mem>>)
      %dma_wait3A_249 = arith.constant 0 : i32
      %dma_wait3A_250 = tpu.memref_slice %arg5[%run_scoped3A_18, %dma_wait3A_249] : memref<2x32xi32, #tpu.memory_space<vmem>> -> memref<1x32xi32, #tpu.memory_space<vmem>>
      %dma_wait3A_251 = tpu.memref_squeeze %dma_wait3A_250 : memref<1x32xi32, #tpu.memory_space<vmem>> -> memref<32xi32, #tpu.memory_space<vmem>>
      %dma_wait3A_252 = tpu.memref_slice %arg3[%add3A_17] : memref<8192xi32, #tpu.memory_space<hbm>> -> memref<32xi32, #tpu.memory_space<hbm>>
      %dma_wait3A_253 = arith.constant 0 : i32
      %dma_wait3A_254 = tpu.memref_slice %arg5[%run_scoped3A_18, %dma_wait3A_253] : memref<2x32xi32, #tpu.memory_space<vmem>> -> memref<1x32xi32, #tpu.memory_space<vmem>>
      %dma_wait3A_255 = tpu.memref_squeeze %dma_wait3A_254 : memref<1x32xi32, #tpu.memory_space<vmem>> -> memref<32xi32, #tpu.memory_space<vmem>>
      %dma_wait3A_256 = tpu.memref_slice %arg3[%add3A_17] : memref<8192xi32, #tpu.memory_space<hbm>> -> memref<32xi32, #tpu.memory_space<hbm>>
      tpu.wait_dma2 semaphore(%run_scoped3A_240 : memref<!tpu.dma_semaphore, #tpu.memory_space<semaphore_mem>>) src(%dma_wait3A_256 : memref<32xi32, #tpu.memory_space<hbm>>) dst(%dma_wait3A_255 : memref<32xi32, #tpu.memory_space<vmem>>)
      tpu.yield
    }) : () -> ()
    %dma_start3A_19 = arith.constant 1 : i32
    %dma_start3A_20 = arith.constant 1 : i32
    %dma_start3A_21 = arith.constant 0 : i32
    %dma_start3A_22 = arith.constant 0 : i32
    %dma_start3A_23 = tpu.memref_slice %arg6[%dma_start3A_20, %dma_start3A_21, %dma_start3A_22] : memref<2x32x1024xf32, #tpu.memory_space<vmem>> -> memref<1x32x1024xf32, #tpu.memory_space<vmem>>
    %dma_start3A_24 = tpu.memref_squeeze %dma_start3A_23 : memref<1x32x1024xf32, #tpu.memory_space<vmem>> -> memref<32x1024xf32, #tpu.memory_space<vmem>>
    %dma_start3A_25 = arith.constant 0 : i32
    %dma_start3A_26 = tpu.memref_slice %arg5[%dma_start3A_19, %dma_start3A_25] : memref<2x32xi32, #tpu.memory_space<vmem>> -> memref<1x32xi32, #tpu.memory_space<vmem>>
    %dma_start3A_27 = tpu.memref_squeeze %dma_start3A_26 : memref<1x32xi32, #tpu.memory_space<vmem>> -> memref<32xi32, #tpu.memory_space<vmem>>
    %dma_start3A_28 = arith.constant 0 : i32
    %dma_start3A_29 = arith.constant 0 : i32
    %dma_start3A_30 = tpu.memref_slice %arg2[%dma_start3A_28, %dma_start3A_29] : memref<10240x1024xf32, #tpu.memory_space<hbm>> -> memref<10240x1024xf32, #tpu.memory_space<hbm>>
    tpu.enqueue_indirect_dma source(%dma_start3A_30 : memref<10240x1024xf32, #tpu.memory_space<hbm>>) target(%dma_start3A_24 : memref<32x1024xf32, #tpu.memory_space<vmem>>) offsets(%dma_start3A_27 : memref<32xi32, #tpu.memory_space<vmem>>) semaphore(%arg8 : memref<!tpu.dma_semaphore, #tpu.memory_space<semaphore_mem>>)
    %dma_wait3A = arith.constant 0 : i32
    %dma_wait3A_31 = arith.constant 0 : i32
    %dma_wait3A_32 = arith.constant 0 : i32
    %dma_wait3A_33 = arith.constant 0 : i32
    %dma_wait3A_34 = tpu.memref_slice %arg6[%dma_wait3A_31, %dma_wait3A_32, %dma_wait3A_33] : memref<2x32x1024xf32, #tpu.memory_space<vmem>> -> memref<1x32x1024xf32, #tpu.memory_space<vmem>>
    %dma_wait3A_35 = tpu.memref_squeeze %dma_wait3A_34 : memref<1x32x1024xf32, #tpu.memory_space<vmem>> -> memref<32x1024xf32, #tpu.memory_space<vmem>>
    %dma_wait3A_36 = arith.constant 0 : i32
    %dma_wait3A_37 = tpu.memref_slice %arg5[%dma_wait3A, %dma_wait3A_36] : memref<2x32xi32, #tpu.memory_space<vmem>> -> memref<1x32xi32, #tpu.memory_space<vmem>>
    %dma_wait3A_38 = tpu.memref_squeeze %dma_wait3A_37 : memref<1x32xi32, #tpu.memory_space<vmem>> -> memref<32xi32, #tpu.memory_space<vmem>>
    %dma_wait3A_39 = arith.constant 0 : i32
    %dma_wait3A_40 = arith.constant 0 : i32
    %dma_wait3A_41 = tpu.memref_slice %arg2[%dma_wait3A_39, %dma_wait3A_40] : memref<10240x1024xf32, #tpu.memory_space<hbm>> -> memref<10240x1024xf32, #tpu.memory_space<hbm>>
    tpu.wait_indirect_dma semaphore(%arg7 : memref<!tpu.dma_semaphore, #tpu.memory_space<semaphore_mem>>) src(%dma_wait3A_41 : memref<10240x1024xf32, #tpu.memory_space<hbm>>) dst(%dma_wait3A_35 : memref<32x1024xf32, #tpu.memory_space<vmem>>)
    %add3A_42 = arith.constant 0 : i32
    %add3A_43 = arith.addi %mul3A_2, %add3A_42 : i32
    %run_scoped3A_44 = arith.constant 0 : i32
    "tpu.region"() ({
      %run_scoped3A_240 = tpu.sem_alloc : memref<!tpu.dma_semaphore, #tpu.memory_space<semaphore_mem>>
      %dma_start3A_241 = arith.constant 0 : i32
      %dma_start3A_242 = arith.constant 0 : i32
      %dma_start3A_243 = tpu.memref_slice %arg6[%run_scoped3A_44, %dma_start3A_241, %dma_start3A_242] : memref<2x32x1024xf32, #tpu.memory_space<vmem>> -> memref<1x32x1024xf32, #tpu.memory_space<vmem>>
      %dma_start3A_244 = tpu.memref_squeeze %dma_start3A_243 : memref<1x32x1024xf32, #tpu.memory_space<vmem>> -> memref<32x1024xf32, #tpu.memory_space<vmem>>
      %dma_start3A_245 = arith.constant 0 : i32
      %dma_start3A_246 = tpu.memref_slice %arg4[%add3A_43, %dma_start3A_245] : memref<8192x1024xf32, #tpu.memory_space<hbm>> -> memref<32x1024xf32, #tpu.memory_space<hbm>>
      %dma_start3A_247 = arith.constant 0 : i32
      %dma_start3A_248 = tpu.memref_slice %arg4[%add3A_43, %dma_start3A_247] : memref<8192x1024xf32, #tpu.memory_space<hbm>> -> memref<32x1024xf32, #tpu.memory_space<hbm>>
      %dma_start3A_249 = arith.constant 0 : i32
      %dma_start3A_250 = arith.constant 0 : i32
      %dma_start3A_251 = tpu.memref_slice %arg6[%run_scoped3A_44, %dma_start3A_249, %dma_start3A_250] : memref<2x32x1024xf32, #tpu.memory_space<vmem>> -> memref<1x32x1024xf32, #tpu.memory_space<vmem>>
      %dma_start3A_252 = tpu.memref_squeeze %dma_start3A_251 : memref<1x32x1024xf32, #tpu.memory_space<vmem>> -> memref<32x1024xf32, #tpu.memory_space<vmem>>
      tpu.enqueue_dma source(%dma_start3A_252 : memref<32x1024xf32, #tpu.memory_space<vmem>>) target(%dma_start3A_248 : memref<32x1024xf32, #tpu.memory_space<hbm>>) target_semaphore(%run_scoped3A_240 : memref<!tpu.dma_semaphore, #tpu.memory_space<semaphore_mem>>)
      %dma_wait3A_253 = arith.constant 0 : i32
      %dma_wait3A_254 = arith.constant 0 : i32
      %dma_wait3A_255 = tpu.memref_slice %arg6[%run_scoped3A_44, %dma_wait3A_253, %dma_wait3A_254] : memref<2x32x1024xf32, #tpu.memory_space<vmem>> -> memref<1x32x1024xf32, #tpu.memory_space<vmem>>
      %dma_wait3A_256 = tpu.memref_squeeze %dma_wait3A_255 : memref<1x32x1024xf32, #tpu.memory_space<vmem>> -> memref<32x1024xf32, #tpu.memory_space<vmem>>
      %dma_wait3A_257 = arith.constant 0 : i32
      %dma_wait3A_258 = tpu.memref_slice %arg4[%add3A_43, %dma_wait3A_257] : memref<8192x1024xf32, #tpu.memory_space<hbm>> -> memref<32x1024xf32, #tpu.memory_space<hbm>>
      %dma_wait3A_259 = arith.constant 0 : i32
      %dma_wait3A_260 = tpu.memref_slice %arg4[%add3A_43, %dma_wait3A_259] : memref<8192x1024xf32, #tpu.memory_space<hbm>> -> memref<32x1024xf32, #tpu.memory_space<hbm>>
      %dma_wait3A_261 = arith.constant 0 : i32
      %dma_wait3A_262 = arith.constant 0 : i32
      %dma_wait3A_263 = tpu.memref_slice %arg6[%run_scoped3A_44, %dma_wait3A_261, %dma_wait3A_262] : memref<2x32x1024xf32, #tpu.memory_space<vmem>> -> memref<1x32x1024xf32, #tpu.memory_space<vmem>>
      %dma_wait3A_264 = tpu.memref_squeeze %dma_wait3A_263 : memref<1x32x1024xf32, #tpu.memory_space<vmem>> -> memref<32x1024xf32, #tpu.memory_space<vmem>>
      tpu.wait_dma2 semaphore(%run_scoped3A_240 : memref<!tpu.dma_semaphore, #tpu.memory_space<semaphore_mem>>) src(%dma_wait3A_264 : memref<32x1024xf32, #tpu.memory_space<vmem>>) dst(%dma_wait3A_260 : memref<32x1024xf32, #tpu.memory_space<hbm>>)
      tpu.yield
    }) : () -> ()
    %add3A_45 = arith.constant 64 : i32
    %add3A_46 = arith.addi %mul3A_2, %add3A_45 : i32
    %run_scoped3A_47 = arith.constant 0 : i32
    "tpu.region"() ({
      %run_scoped3A_240 = tpu.sem_alloc : memref<!tpu.dma_semaphore, #tpu.memory_space<semaphore_mem>>
      %dma_start3A_241 = arith.constant 0 : i32
      %dma_start3A_242 = tpu.memref_slice %arg5[%run_scoped3A_47, %dma_start3A_241] : memref<2x32xi32, #tpu.memory_space<vmem>> -> memref<1x32xi32, #tpu.memory_space<vmem>>
      %dma_start3A_243 = tpu.memref_squeeze %dma_start3A_242 : memref<1x32xi32, #tpu.memory_space<vmem>> -> memref<32xi32, #tpu.memory_space<vmem>>
      %dma_start3A_244 = tpu.memref_slice %arg3[%add3A_46] : memref<8192xi32, #tpu.memory_space<hbm>> -> memref<32xi32, #tpu.memory_space<hbm>>
      %dma_start3A_245 = arith.constant 0 : i32
      %dma_start3A_246 = tpu.memref_slice %arg5[%run_scoped3A_47, %dma_start3A_245] : memref<2x32xi32, #tpu.memory_space<vmem>> -> memref<1x32xi32, #tpu.memory_space<vmem>>
      %dma_start3A_247 = tpu.memref_squeeze %dma_start3A_246 : memref<1x32xi32, #tpu.memory_space<vmem>> -> memref<32xi32, #tpu.memory_space<vmem>>
      %dma_start3A_248 = tpu.memref_slice %arg3[%add3A_46] : memref<8192xi32, #tpu.memory_space<hbm>> -> memref<32xi32, #tpu.memory_space<hbm>>
      tpu.enqueue_dma source(%dma_start3A_248 : memref<32xi32, #tpu.memory_space<hbm>>) target(%dma_start3A_247 : memref<32xi32, #tpu.memory_space<vmem>>) target_semaphore(%run_scoped3A_240 : memref<!tpu.dma_semaphore, #tpu.memory_space<semaphore_mem>>)
      %dma_wait3A_249 = arith.constant 0 : i32
      %dma_wait3A_250 = tpu.memref_slice %arg5[%run_scoped3A_47, %dma_wait3A_249] : memref<2x32xi32, #tpu.memory_space<vmem>> -> memref<1x32xi32, #tpu.memory_space<vmem>>
      %dma_wait3A_251 = tpu.memref_squeeze %dma_wait3A_250 : memref<1x32xi32, #tpu.memory_space<vmem>> -> memref<32xi32, #tpu.memory_space<vmem>>
      %dma_wait3A_252 = tpu.memref_slice %arg3[%add3A_46] : memref<8192xi32, #tpu.memory_space<hbm>> -> memref<32xi32, #tpu.memory_space<hbm>>
      %dma_wait3A_253 = arith.constant 0 : i32
      %dma_wait3A_254 = tpu.memref_slice %arg5[%run_scoped3A_47, %dma_wait3A_253] : memref<2x32xi32, #tpu.memory_space<vmem>> -> memref<1x32xi32, #tpu.memory_space<vmem>>
      %dma_wait3A_255 = tpu.memref_squeeze %dma_wait3A_254 : memref<1x32xi32, #tpu.memory_space<vmem>> -> memref<32xi32, #tpu.memory_space<vmem>>
      %dma_wait3A_256 = tpu.memref_slice %arg3[%add3A_46] : memref<8192xi32, #tpu.memory_space<hbm>> -> memref<32xi32, #tpu.memory_space<hbm>>
      tpu.wait_dma2 semaphore(%run_scoped3A_240 : memref<!tpu.dma_semaphore, #tpu.memory_space<semaphore_mem>>) src(%dma_wait3A_256 : memref<32xi32, #tpu.memory_space<hbm>>) dst(%dma_wait3A_255 : memref<32xi32, #tpu.memory_space<vmem>>)
      tpu.yield
    }) : () -> ()
    %dma_start3A_48 = arith.constant 0 : i32
    %dma_start3A_49 = arith.constant 0 : i32
    %dma_start3A_50 = arith.constant 0 : i32
    %dma_start3A_51 = arith.constant 0 : i32
    %dma_start3A_52 = tpu.memref_slice %arg6[%dma_start3A_49, %dma_start3A_50, %dma_start3A_51] : memref<2x32x1024xf32, #tpu.memory_space<vmem>> -> memref<1x32x1024xf32, #tpu.memory_space<vmem>>
    %dma_start3A_53 = tpu.memref_squeeze %dma_start3A_52 : memref<1x32x1024xf32, #tpu.memory_space<vmem>> -> memref<32x1024xf32, #tpu.memory_space<vmem>>
    %dma_start3A_54 = arith.constant 0 : i32
    %dma_start3A_55 = tpu.memref_slice %arg5[%dma_start3A_48, %dma_start3A_54] : memref<2x32xi32, #tpu.memory_space<vmem>> -> memref<1x32xi32, #tpu.memory_space<vmem>>
    %dma_start3A_56 = tpu.memref_squeeze %dma_start3A_55 : memref<1x32xi32, #tpu.memory_space<vmem>> -> memref<32xi32, #tpu.memory_space<vmem>>
    %dma_start3A_57 = arith.constant 0 : i32
    %dma_start3A_58 = arith.constant 0 : i32
    %dma_start3A_59 = tpu.memref_slice %arg2[%dma_start3A_57, %dma_start3A_58] : memref<10240x1024xf32, #tpu.memory_space<hbm>> -> memref<10240x1024xf32, #tpu.memory_space<hbm>>
    tpu.enqueue_indirect_dma source(%dma_start3A_59 : memref<10240x1024xf32, #tpu.memory_space<hbm>>) target(%dma_start3A_53 : memref<32x1024xf32, #tpu.memory_space<vmem>>) offsets(%dma_start3A_56 : memref<32xi32, #tpu.memory_space<vmem>>) semaphore(%arg7 : memref<!tpu.dma_semaphore, #tpu.memory_space<semaphore_mem>>)
    %dma_wait3A_60 = arith.constant 1 : i32
    %dma_wait3A_61 = arith.constant 1 : i32
    %dma_wait3A_62 = arith.constant 0 : i32
    %dma_wait3A_63 = arith.constant 0 : i32
    %dma_wait3A_64 = tpu.memref_slice %arg6[%dma_wait3A_61, %dma_wait3A_62, %dma_wait3A_63] : memref<2x32x1024xf32, #tpu.memory_space<vmem>> -> memref<1x32x1024xf32, #tpu.memory_space<vmem>>
    %dma_wait3A_65 = tpu.memref_squeeze %dma_wait3A_64 : memref<1x32x1024xf32, #tpu.memory_space<vmem>> -> memref<32x1024xf32, #tpu.memory_space<vmem>>
    %dma_wait3A_66 = arith.constant 0 : i32
    %dma_wait3A_67 = tpu.memref_slice %arg5[%dma_wait3A_60, %dma_wait3A_66] : memref<2x32xi32, #tpu.memory_space<vmem>> -> memref<1x32xi32, #tpu.memory_space<vmem>>
    %dma_wait3A_68 = tpu.memref_squeeze %dma_wait3A_67 : memref<1x32xi32, #tpu.memory_space<vmem>> -> memref<32xi32, #tpu.memory_space<vmem>>
    %dma_wait3A_69 = arith.constant 0 : i32
    %dma_wait3A_70 = arith.constant 0 : i32
    %dma_wait3A_71 = tpu.memref_slice %arg2[%dma_wait3A_69, %dma_wait3A_70] : memref<10240x1024xf32, #tpu.memory_space<hbm>> -> memref<10240x1024xf32, #tpu.memory_space<hbm>>
    tpu.wait_indirect_dma semaphore(%arg8 : memref<!tpu.dma_semaphore, #tpu.memory_space<semaphore_mem>>) src(%dma_wait3A_71 : memref<10240x1024xf32, #tpu.memory_space<hbm>>) dst(%dma_wait3A_65 : memref<32x1024xf32, #tpu.memory_space<vmem>>)
    %add3A_72 = arith.constant 32 : i32
    %add3A_73 = arith.addi %mul3A_2, %add3A_72 : i32
    %run_scoped3A_74 = arith.constant 1 : i32
    "tpu.region"() ({
      %run_scoped3A_240 = tpu.sem_alloc : memref<!tpu.dma_semaphore, #tpu.memory_space<semaphore_mem>>
      %dma_start3A_241 = arith.constant 0 : i32
      %dma_start3A_242 = arith.constant 0 : i32
      %dma_start3A_243 = tpu.memref_slice %arg6[%run_scoped3A_74, %dma_start3A_241, %dma_start3A_242] : memref<2x32x1024xf32, #tpu.memory_space<vmem>> -> memref<1x32x1024xf32, #tpu.memory_space<vmem>>
      %dma_start3A_244 = tpu.memref_squeeze %dma_start3A_243 : memref<1x32x1024xf32, #tpu.memory_space<vmem>> -> memref<32x1024xf32, #tpu.memory_space<vmem>>
      %dma_start3A_245 = arith.constant 0 : i32
      %dma_start3A_246 = tpu.memref_slice %arg4[%add3A_73, %dma_start3A_245] : memref<8192x1024xf32, #tpu.memory_space<hbm>> -> memref<32x1024xf32, #tpu.memory_space<hbm>>
      %dma_start3A_247 = arith.constant 0 : i32
      %dma_start3A_248 = tpu.memref_slice %arg4[%add3A_73, %dma_start3A_247] : memref<8192x1024xf32, #tpu.memory_space<hbm>> -> memref<32x1024xf32, #tpu.memory_space<hbm>>
      %dma_start3A_249 = arith.constant 0 : i32
      %dma_start3A_250 = arith.constant 0 : i32
      %dma_start3A_251 = tpu.memref_slice %arg6[%run_scoped3A_74, %dma_start3A_249, %dma_start3A_250] : memref<2x32x1024xf32, #tpu.memory_space<vmem>> -> memref<1x32x1024xf32, #tpu.memory_space<vmem>>
      %dma_start3A_252 = tpu.memref_squeeze %dma_start3A_251 : memref<1x32x1024xf32, #tpu.memory_space<vmem>> -> memref<32x1024xf32, #tpu.memory_space<vmem>>
      tpu.enqueue_dma source(%dma_start3A_252 : memref<32x1024xf32, #tpu.memory_space<vmem>>) target(%dma_start3A_248 : memref<32x1024xf32, #tpu.memory_space<hbm>>) target_semaphore(%run_scoped3A_240 : memref<!tpu.dma_semaphore, #tpu.memory_space<semaphore_mem>>)
      %dma_wait3A_253 = arith.constant 0 : i32
      %dma_wait3A_254 = arith.constant 0 : i32
      %dma_wait3A_255 = tpu.memref_slice %arg6[%run_scoped3A_74, %dma_wait3A_253, %dma_wait3A_254] : memref<2x32x1024xf32, #tpu.memory_space<vmem>> -> memref<1x32x1024xf32, #tpu.memory_space<vmem>>
      %dma_wait3A_256 = tpu.memref_squeeze %dma_wait3A_255 : memref<1x32x1024xf32, #tpu.memory_space<vmem>> -> memref<32x1024xf32, #tpu.memory_space<vmem>>
      %dma_wait3A_257 = arith.constant 0 : i32
      %dma_wait3A_258 = tpu.memref_slice %arg4[%add3A_73, %dma_wait3A_257] : memref<8192x1024xf32, #tpu.memory_space<hbm>> -> memref<32x1024xf32, #tpu.memory_space<hbm>>
      %dma_wait3A_259 = arith.constant 0 : i32
      %dma_wait3A_260 = tpu.memref_slice %arg4[%add3A_73, %dma_wait3A_259] : memref<8192x1024xf32, #tpu.memory_space<hbm>> -> memref<32x1024xf32, #tpu.memory_space<hbm>>
      %dma_wait3A_261 = arith.constant 0 : i32
      %dma_wait3A_262 = arith.constant 0 : i32
      %dma_wait3A_263 = tpu.memref_slice %arg6[%run_scoped3A_74, %dma_wait3A_261, %dma_wait3A_262] : memref<2x32x1024xf32, #tpu.memory_space<vmem>> -> memref<1x32x1024xf32, #tpu.memory_space<vmem>>
      %dma_wait3A_264 = tpu.memref_squeeze %dma_wait3A_263 : memref<1x32x1024xf32, #tpu.memory_space<vmem>> -> memref<32x1024xf32, #tpu.memory_space<vmem>>
      tpu.wait_dma2 semaphore(%run_scoped3A_240 : memref<!tpu.dma_semaphore, #tpu.memory_space<semaphore_mem>>) src(%dma_wait3A_264 : memref<32x1024xf32, #tpu.memory_space<vmem>>) dst(%dma_wait3A_260 : memref<32x1024xf32, #tpu.memory_space<hbm>>)
      tpu.yield
    }) : () -> ()
    %add3A_75 = arith.constant 96 : i32
    %add3A_76 = arith.addi %mul3A_2, %add3A_75 : i32
    %run_scoped3A_77 = arith.constant 1 : i32
    "tpu.region"() ({
      %run_scoped3A_240 = tpu.sem_alloc : memref<!tpu.dma_semaphore, #tpu.memory_space<semaphore_mem>>
      %dma_start3A_241 = arith.constant 0 : i32
      %dma_start3A_242 = tpu.memref_slice %arg5[%run_scoped3A_77, %dma_start3A_241] : memref<2x32xi32, #tpu.memory_space<vmem>> -> memref<1x32xi32, #tpu.memory_space<vmem>>
      %dma_start3A_243 = tpu.memref_squeeze %dma_start3A_242 : memref<1x32xi32, #tpu.memory_space<vmem>> -> memref<32xi32, #tpu.memory_space<vmem>>
      %dma_start3A_244 = tpu.memref_slice %arg3[%add3A_76] : memref<8192xi32, #tpu.memory_space<hbm>> -> memref<32xi32, #tpu.memory_space<hbm>>
      %dma_start3A_245 = arith.constant 0 : i32
      %dma_start3A_246 = tpu.memref_slice %arg5[%run_scoped3A_77, %dma_start3A_245] : memref<2x32xi32, #tpu.memory_space<vmem>> -> memref<1x32xi32, #tpu.memory_space<vmem>>
      %dma_start3A_247 = tpu.memref_squeeze %dma_start3A_246 : memref<1x32xi32, #tpu.memory_space<vmem>> -> memref<32xi32, #tpu.memory_space<vmem>>
      %dma_start3A_248 = tpu.memref_slice %arg3[%add3A_76] : memref<8192xi32, #tpu.memory_space<hbm>> -> memref<32xi32, #tpu.memory_space<hbm>>
      tpu.enqueue_dma source(%dma_start3A_248 : memref<32xi32, #tpu.memory_space<hbm>>) target(%dma_start3A_247 : memref<32xi32, #tpu.memory_space<vmem>>) target_semaphore(%run_scoped3A_240 : memref<!tpu.dma_semaphore, #tpu.memory_space<semaphore_mem>>)
      %dma_wait3A_249 = arith.constant 0 : i32
      %dma_wait3A_250 = tpu.memref_slice %arg5[%run_scoped3A_77, %dma_wait3A_249] : memref<2x32xi32, #tpu.memory_space<vmem>> -> memref<1x32xi32, #tpu.memory_space<vmem>>
      %dma_wait3A_251 = tpu.memref_squeeze %dma_wait3A_250 : memref<1x32xi32, #tpu.memory_space<vmem>> -> memref<32xi32, #tpu.memory_space<vmem>>
      %dma_wait3A_252 = tpu.memref_slice %arg3[%add3A_76] : memref<8192xi32, #tpu.memory_space<hbm>> -> memref<32xi32, #tpu.memory_space<hbm>>
      %dma_wait3A_253 = arith.constant 0 : i32
      %dma_wait3A_254 = tpu.memref_slice %arg5[%run_scoped3A_77, %dma_wait3A_253] : memref<2x32xi32, #tpu.memory_space<vmem>> -> memref<1x32xi32, #tpu.memory_space<vmem>>
      %dma_wait3A_255 = tpu.memref_squeeze %dma_wait3A_254 : memref<1x32xi32, #tpu.memory_space<vmem>> -> memref<32xi32, #tpu.memory_space<vmem>>
      %dma_wait3A_256 = tpu.memref_slice %arg3[%add3A_76] : memref<8192xi32, #tpu.memory_space<hbm>> -> memref<32xi32, #tpu.memory_space<hbm>>
      tpu.wait_dma2 semaphore(%run_scoped3A_240 : memref<!tpu.dma_semaphore, #tpu.memory_space<semaphore_mem>>) src(%dma_wait3A_256 : memref<32xi32, #tpu.memory_space<hbm>>) dst(%dma_wait3A_255 : memref<32xi32, #tpu.memory_space<vmem>>)
      tpu.yield
    }) : () -> ()
    %dma_start3A_78 = arith.constant 1 : i32
    %dma_start3A_79 = arith.constant 1 : i32
    %dma_start3A_80 = arith.constant 0 : i32
    %dma_start3A_81 = arith.constant 0 : i32
    %dma_start3A_82 = tpu.memref_slice %arg6[%dma_start3A_79, %dma_start3A_80, %dma_start3A_81] : memref<2x32x1024xf32, #tpu.memory_space<vmem>> -> memref<1x32x1024xf32, #tpu.memory_space<vmem>>
    %dma_start3A_83 = tpu.memref_squeeze %dma_start3A_82 : memref<1x32x1024xf32, #tpu.memory_space<vmem>> -> memref<32x1024xf32, #tpu.memory_space<vmem>>
    %dma_start3A_84 = arith.constant 0 : i32
    %dma_start3A_85 = tpu.memref_slice %arg5[%dma_start3A_78, %dma_start3A_84] : memref<2x32xi32, #tpu.memory_space<vmem>> -> memref<1x32xi32, #tpu.memory_space<vmem>>
    %dma_start3A_86 = tpu.memref_squeeze %dma_start3A_85 : memref<1x32xi32, #tpu.memory_space<vmem>> -> memref<32xi32, #tpu.memory_space<vmem>>
    %dma_start3A_87 = arith.constant 0 : i32
    %dma_start3A_88 = arith.constant 0 : i32
    %dma_start3A_89 = tpu.memref_slice %arg2[%dma_start3A_87, %dma_start3A_88] : memref<10240x1024xf32, #tpu.memory_space<hbm>> -> memref<10240x1024xf32, #tpu.memory_space<hbm>>
    tpu.enqueue_indirect_dma source(%dma_start3A_89 : memref<10240x1024xf32, #tpu.memory_space<hbm>>) target(%dma_start3A_83 : memref<32x1024xf32, #tpu.memory_space<vmem>>) offsets(%dma_start3A_86 : memref<32xi32, #tpu.memory_space<vmem>>) semaphore(%arg8 : memref<!tpu.dma_semaphore, #tpu.memory_space<semaphore_mem>>)
    %dma_wait3A_90 = arith.constant 0 : i32
    %dma_wait3A_91 = arith.constant 0 : i32
    %dma_wait3A_92 = arith.constant 0 : i32
    %dma_wait3A_93 = arith.constant 0 : i32
    %dma_wait3A_94 = tpu.memref_slice %arg6[%dma_wait3A_91, %dma_wait3A_92, %dma_wait3A_93] : memref<2x32x1024xf32, #tpu.memory_space<vmem>> -> memref<1x32x1024xf32, #tpu.memory_space<vmem>>
    %dma_wait3A_95 = tpu.memref_squeeze %dma_wait3A_94 : memref<1x32x1024xf32, #tpu.memory_space<vmem>> -> memref<32x1024xf32, #tpu.memory_space<vmem>>
    %dma_wait3A_96 = arith.constant 0 : i32
    %dma_wait3A_97 = tpu.memref_slice %arg5[%dma_wait3A_90, %dma_wait3A_96] : memref<2x32xi32, #tpu.memory_space<vmem>> -> memref<1x32xi32, #tpu.memory_space<vmem>>
    %dma_wait3A_98 = tpu.memref_squeeze %dma_wait3A_97 : memref<1x32xi32, #tpu.memory_space<vmem>> -> memref<32xi32, #tpu.memory_space<vmem>>
    %dma_wait3A_99 = arith.constant 0 : i32
    %dma_wait3A_100 = arith.constant 0 : i32
    %dma_wait3A_101 = tpu.memref_slice %arg2[%dma_wait3A_99, %dma_wait3A_100] : memref<10240x1024xf32, #tpu.memory_space<hbm>> -> memref<10240x1024xf32, #tpu.memory_space<hbm>>
    tpu.wait_indirect_dma semaphore(%arg7 : memref<!tpu.dma_semaphore, #tpu.memory_space<semaphore_mem>>) src(%dma_wait3A_101 : memref<10240x1024xf32, #tpu.memory_space<hbm>>) dst(%dma_wait3A_95 : memref<32x1024xf32, #tpu.memory_space<vmem>>)
    %add3A_102 = arith.constant 64 : i32
    %add3A_103 = arith.addi %mul3A_2, %add3A_102 : i32
    %run_scoped3A_104 = arith.constant 0 : i32
    "tpu.region"() ({
      %run_scoped3A_240 = tpu.sem_alloc : memref<!tpu.dma_semaphore, #tpu.memory_space<semaphore_mem>>
      %dma_start3A_241 = arith.constant 0 : i32
      %dma_start3A_242 = arith.constant 0 : i32
      %dma_start3A_243 = tpu.memref_slice %arg6[%run_scoped3A_104, %dma_start3A_241, %dma_start3A_242] : memref<2x32x1024xf32, #tpu.memory_space<vmem>> -> memref<1x32x1024xf32, #tpu.memory_space<vmem>>
      %dma_start3A_244 = tpu.memref_squeeze %dma_start3A_243 : memref<1x32x1024xf32, #tpu.memory_space<vmem>> -> memref<32x1024xf32, #tpu.memory_space<vmem>>
      %dma_start3A_245 = arith.constant 0 : i32
      %dma_start3A_246 = tpu.memref_slice %arg4[%add3A_103, %dma_start3A_245] : memref<8192x1024xf32, #tpu.memory_space<hbm>> -> memref<32x1024xf32, #tpu.memory_space<hbm>>
      %dma_start3A_247 = arith.constant 0 : i32
      %dma_start3A_248 = tpu.memref_slice %arg4[%add3A_103, %dma_start3A_247] : memref<8192x1024xf32, #tpu.memory_space<hbm>> -> memref<32x1024xf32, #tpu.memory_space<hbm>>
      %dma_start3A_249 = arith.constant 0 : i32
      %dma_start3A_250 = arith.constant 0 : i32
      %dma_start3A_251 = tpu.memref_slice %arg6[%run_scoped3A_104, %dma_start3A_249, %dma_start3A_250] : memref<2x32x1024xf32, #tpu.memory_space<vmem>> -> memref<1x32x1024xf32, #tpu.memory_space<vmem>>
      %dma_start3A_252 = tpu.memref_squeeze %dma_start3A_251 : memref<1x32x1024xf32, #tpu.memory_space<vmem>> -> memref<32x1024xf32, #tpu.memory_space<vmem>>
      tpu.enqueue_dma source(%dma_start3A_252 : memref<32x1024xf32, #tpu.memory_space<vmem>>) target(%dma_start3A_248 : memref<32x1024xf32, #tpu.memory_space<hbm>>) target_semaphore(%run_scoped3A_240 : memref<!tpu.dma_semaphore, #tpu.memory_space<semaphore_mem>>)
      %dma_wait3A_253 = arith.constant 0 : i32
      %dma_wait3A_254 = arith.constant 0 : i32
      %dma_wait3A_255 = tpu.memref_slice %arg6[%run_scoped3A_104, %dma_wait3A_253, %dma_wait3A_254] : memref<2x32x1024xf32, #tpu.memory_space<vmem>> -> memref<1x32x1024xf32, #tpu.memory_space<vmem>>
      %dma_wait3A_256 = tpu.memref_squeeze %dma_wait3A_255 : memref<1x32x1024xf32, #tpu.memory_space<vmem>> -> memref<32x1024xf32, #tpu.memory_space<vmem>>
      %dma_wait3A_257 = arith.constant 0 : i32
      %dma_wait3A_258 = tpu.memref_slice %arg4[%add3A_103, %dma_wait3A_257] : memref<8192x1024xf32, #tpu.memory_space<hbm>> -> memref<32x1024xf32, #tpu.memory_space<hbm>>
      %dma_wait3A_259 = arith.constant 0 : i32
      %dma_wait3A_260 = tpu.memref_slice %arg4[%add3A_103, %dma_wait3A_259] : memref<8192x1024xf32, #tpu.memory_space<hbm>> -> memref<32x1024xf32, #tpu.memory_space<hbm>>
      %dma_wait3A_261 = arith.constant 0 : i32
      %dma_wait3A_262 = arith.constant 0 : i32
      %dma_wait3A_263 = tpu.memref_slice %arg6[%run_scoped3A_104, %dma_wait3A_261, %dma_wait3A_262] : memref<2x32x1024xf32, #tpu.memory_space<vmem>> -> memref<1x32x1024xf32, #tpu.memory_space<vmem>>
      %dma_wait3A_264 = tpu.memref_squeeze %dma_wait3A_263 : memref<1x32x1024xf32, #tpu.memory_space<vmem>> -> memref<32x1024xf32, #tpu.memory_space<vmem>>
      tpu.wait_dma2 semaphore(%run_scoped3A_240 : memref<!tpu.dma_semaphore, #tpu.memory_space<semaphore_mem>>) src(%dma_wait3A_264 : memref<32x1024xf32, #tpu.memory_space<vmem>>) dst(%dma_wait3A_260 : memref<32x1024xf32, #tpu.memory_space<hbm>>)
      tpu.yield
    }) : () -> ()
    %add3A_105 = arith.constant 128 : i32
    %add3A_106 = arith.addi %mul3A_2, %add3A_105 : i32
    %run_scoped3A_107 = arith.constant 0 : i32
    "tpu.region"() ({
      %run_scoped3A_240 = tpu.sem_alloc : memref<!tpu.dma_semaphore, #tpu.memory_space<semaphore_mem>>
      %dma_start3A_241 = arith.constant 0 : i32
      %dma_start3A_242 = tpu.memref_slice %arg5[%run_scoped3A_107, %dma_start3A_241] : memref<2x32xi32, #tpu.memory_space<vmem>> -> memref<1x32xi32, #tpu.memory_space<vmem>>
      %dma_start3A_243 = tpu.memref_squeeze %dma_start3A_242 : memref<1x32xi32, #tpu.memory_space<vmem>> -> memref<32xi32, #tpu.memory_space<vmem>>
      %dma_start3A_244 = tpu.memref_slice %arg3[%add3A_106] : memref<8192xi32, #tpu.memory_space<hbm>> -> memref<32xi32, #tpu.memory_space<hbm>>
      %dma_start3A_245 = arith.constant 0 : i32
      %dma_start3A_246 = tpu.memref_slice %arg5[%run_scoped3A_107, %dma_start3A_245] : memref<2x32xi32, #tpu.memory_space<vmem>> -> memref<1x32xi32, #tpu.memory_space<vmem>>
      %dma_start3A_247 = tpu.memref_squeeze %dma_start3A_246 : memref<1x32xi32, #tpu.memory_space<vmem>> -> memref<32xi32, #tpu.memory_space<vmem>>
      %dma_start3A_248 = tpu.memref_slice %arg3[%add3A_106] : memref<8192xi32, #tpu.memory_space<hbm>> -> memref<32xi32, #tpu.memory_space<hbm>>
      tpu.enqueue_dma source(%dma_start3A_248 : memref<32xi32, #tpu.memory_space<hbm>>) target(%dma_start3A_247 : memref<32xi32, #tpu.memory_space<vmem>>) target_semaphore(%run_scoped3A_240 : memref<!tpu.dma_semaphore, #tpu.memory_space<semaphore_mem>>)
      %dma_wait3A_249 = arith.constant 0 : i32
      %dma_wait3A_250 = tpu.memref_slice %arg5[%run_scoped3A_107, %dma_wait3A_249] : memref<2x32xi32, #tpu.memory_space<vmem>> -> memref<1x32xi32, #tpu.memory_space<vmem>>
      %dma_wait3A_251 = tpu.memref_squeeze %dma_wait3A_250 : memref<1x32xi32, #tpu.memory_space<vmem>> -> memref<32xi32, #tpu.memory_space<vmem>>
      %dma_wait3A_252 = tpu.memref_slice %arg3[%add3A_106] : memref<8192xi32, #tpu.memory_space<hbm>> -> memref<32xi32, #tpu.memory_space<hbm>>
      %dma_wait3A_253 = arith.constant 0 : i32
      %dma_wait3A_254 = tpu.memref_slice %arg5[%run_scoped3A_107, %dma_wait3A_253] : memref<2x32xi32, #tpu.memory_space<vmem>> -> memref<1x32xi32, #tpu.memory_space<vmem>>
      %dma_wait3A_255 = tpu.memref_squeeze %dma_wait3A_254 : memref<1x32xi32, #tpu.memory_space<vmem>> -> memref<32xi32, #tpu.memory_space<vmem>>
      %dma_wait3A_256 = tpu.memref_slice %arg3[%add3A_106] : memref<8192xi32, #tpu.memory_space<hbm>> -> memref<32xi32, #tpu.memory_space<hbm>>
      tpu.wait_dma2 semaphore(%run_scoped3A_240 : memref<!tpu.dma_semaphore, #tpu.memory_space<semaphore_mem>>) src(%dma_wait3A_256 : memref<32xi32, #tpu.memory_space<hbm>>) dst(%dma_wait3A_255 : memref<32xi32, #tpu.memory_space<vmem>>)
      tpu.yield
    }) : () -> ()
    %dma_start3A_108 = arith.constant 0 : i32
    %dma_start3A_109 = arith.constant 0 : i32
    %dma_start3A_110 = arith.constant 0 : i32
    %dma_start3A_111 = arith.constant 0 : i32
    %dma_start3A_112 = tpu.memref_slice %arg6[%dma_start3A_109, %dma_start3A_110, %dma_start3A_111] : memref<2x32x1024xf32, #tpu.memory_space<vmem>> -> memref<1x32x1024xf32, #tpu.memory_space<vmem>>
    %dma_start3A_113 = tpu.memref_squeeze %dma_start3A_112 : memref<1x32x1024xf32, #tpu.memory_space<vmem>> -> memref<32x1024xf32, #tpu.memory_space<vmem>>
    %dma_start3A_114 = arith.constant 0 : i32
    %dma_start3A_115 = tpu.memref_slice %arg5[%dma_start3A_108, %dma_start3A_114] : memref<2x32xi32, #tpu.memory_space<vmem>> -> memref<1x32xi32, #tpu.memory_space<vmem>>
    %dma_start3A_116 = tpu.memref_squeeze %dma_start3A_115 : memref<1x32xi32, #tpu.memory_space<vmem>> -> memref<32xi32, #tpu.memory_space<vmem>>
    %dma_start3A_117 = arith.constant 0 : i32
    %dma_start3A_118 = arith.constant 0 : i32
    %dma_start3A_119 = tpu.memref_slice %arg2[%dma_start3A_117, %dma_start3A_118] : memref<10240x1024xf32, #tpu.memory_space<hbm>> -> memref<10240x1024xf32, #tpu.memory_space<hbm>>
    tpu.enqueue_indirect_dma source(%dma_start3A_119 : memref<10240x1024xf32, #tpu.memory_space<hbm>>) target(%dma_start3A_113 : memref<32x1024xf32, #tpu.memory_space<vmem>>) offsets(%dma_start3A_116 : memref<32xi32, #tpu.memory_space<vmem>>) semaphore(%arg7 : memref<!tpu.dma_semaphore, #tpu.memory_space<semaphore_mem>>)
    %dma_wait3A_120 = arith.constant 1 : i32
    %dma_wait3A_121 = arith.constant 1 : i32
    %dma_wait3A_122 = arith.constant 0 : i32
    %dma_wait3A_123 = arith.constant 0 : i32
    %dma_wait3A_124 = tpu.memref_slice %arg6[%dma_wait3A_121, %dma_wait3A_122, %dma_wait3A_123] : memref<2x32x1024xf32, #tpu.memory_space<vmem>> -> memref<1x32x1024xf32, #tpu.memory_space<vmem>>
    %dma_wait3A_125 = tpu.memref_squeeze %dma_wait3A_124 : memref<1x32x1024xf32, #tpu.memory_space<vmem>> -> memref<32x1024xf32, #tpu.memory_space<vmem>>
    %dma_wait3A_126 = arith.constant 0 : i32
    %dma_wait3A_127 = tpu.memref_slice %arg5[%dma_wait3A_120, %dma_wait3A_126] : memref<2x32xi32, #tpu.memory_space<vmem>> -> memref<1x32xi32, #tpu.memory_space<vmem>>
    %dma_wait3A_128 = tpu.memref_squeeze %dma_wait3A_127 : memref<1x32xi32, #tpu.memory_space<vmem>> -> memref<32xi32, #tpu.memory_space<vmem>>
    %dma_wait3A_129 = arith.constant 0 : i32
    %dma_wait3A_130 = arith.constant 0 : i32
    %dma_wait3A_131 = tpu.memref_slice %arg2[%dma_wait3A_129, %dma_wait3A_130] : memref<10240x1024xf32, #tpu.memory_space<hbm>> -> memref<10240x1024xf32, #tpu.memory_space<hbm>>
    tpu.wait_indirect_dma semaphore(%arg8 : memref<!tpu.dma_semaphore, #tpu.memory_space<semaphore_mem>>) src(%dma_wait3A_131 : memref<10240x1024xf32, #tpu.memory_space<hbm>>) dst(%dma_wait3A_125 : memref<32x1024xf32, #tpu.memory_space<vmem>>)
    %add3A_132 = arith.constant 96 : i32
    %add3A_133 = arith.addi %mul3A_2, %add3A_132 : i32
    %run_scoped3A_134 = arith.constant 1 : i32
    "tpu.region"() ({
      %run_scoped3A_240 = tpu.sem_alloc : memref<!tpu.dma_semaphore, #tpu.memory_space<semaphore_mem>>
      %dma_start3A_241 = arith.constant 0 : i32
      %dma_start3A_242 = arith.constant 0 : i32
      %dma_start3A_243 = tpu.memref_slice %arg6[%run_scoped3A_134, %dma_start3A_241, %dma_start3A_242] : memref<2x32x1024xf32, #tpu.memory_space<vmem>> -> memref<1x32x1024xf32, #tpu.memory_space<vmem>>
      %dma_start3A_244 = tpu.memref_squeeze %dma_start3A_243 : memref<1x32x1024xf32, #tpu.memory_space<vmem>> -> memref<32x1024xf32, #tpu.memory_space<vmem>>
      %dma_start3A_245 = arith.constant 0 : i32
      %dma_start3A_246 = tpu.memref_slice %arg4[%add3A_133, %dma_start3A_245] : memref<8192x1024xf32, #tpu.memory_space<hbm>> -> memref<32x1024xf32, #tpu.memory_space<hbm>>
      %dma_start3A_247 = arith.constant 0 : i32
      %dma_start3A_248 = tpu.memref_slice %arg4[%add3A_133, %dma_start3A_247] : memref<8192x1024xf32, #tpu.memory_space<hbm>> -> memref<32x1024xf32, #tpu.memory_space<hbm>>
      %dma_start3A_249 = arith.constant 0 : i32
      %dma_start3A_250 = arith.constant 0 : i32
      %dma_start3A_251 = tpu.memref_slice %arg6[%run_scoped3A_134, %dma_start3A_249, %dma_start3A_250] : memref<2x32x1024xf32, #tpu.memory_space<vmem>> -> memref<1x32x1024xf32, #tpu.memory_space<vmem>>
      %dma_start3A_252 = tpu.memref_squeeze %dma_start3A_251 : memref<1x32x1024xf32, #tpu.memory_space<vmem>> -> memref<32x1024xf32, #tpu.memory_space<vmem>>
      tpu.enqueue_dma source(%dma_start3A_252 : memref<32x1024xf32, #tpu.memory_space<vmem>>) target(%dma_start3A_248 : memref<32x1024xf32, #tpu.memory_space<hbm>>) target_semaphore(%run_scoped3A_240 : memref<!tpu.dma_semaphore, #tpu.memory_space<semaphore_mem>>)
      %dma_wait3A_253 = arith.constant 0 : i32
      %dma_wait3A_254 = arith.constant 0 : i32
      %dma_wait3A_255 = tpu.memref_slice %arg6[%run_scoped3A_134, %dma_wait3A_253, %dma_wait3A_254] : memref<2x32x1024xf32, #tpu.memory_space<vmem>> -> memref<1x32x1024xf32, #tpu.memory_space<vmem>>
      %dma_wait3A_256 = tpu.memref_squeeze %dma_wait3A_255 : memref<1x32x1024xf32, #tpu.memory_space<vmem>> -> memref<32x1024xf32, #tpu.memory_space<vmem>>
      %dma_wait3A_257 = arith.constant 0 : i32
      %dma_wait3A_258 = tpu.memref_slice %arg4[%add3A_133, %dma_wait3A_257] : memref<8192x1024xf32, #tpu.memory_space<hbm>> -> memref<32x1024xf32, #tpu.memory_space<hbm>>
      %dma_wait3A_259 = arith.constant 0 : i32
      %dma_wait3A_260 = tpu.memref_slice %arg4[%add3A_133, %dma_wait3A_259] : memref<8192x1024xf32, #tpu.memory_space<hbm>> -> memref<32x1024xf32, #tpu.memory_space<hbm>>
      %dma_wait3A_261 = arith.constant 0 : i32
      %dma_wait3A_262 = arith.constant 0 : i32
      %dma_wait3A_263 = tpu.memref_slice %arg6[%run_scoped3A_134, %dma_wait3A_261, %dma_wait3A_262] : memref<2x32x1024xf32, #tpu.memory_space<vmem>> -> memref<1x32x1024xf32, #tpu.memory_space<vmem>>
      %dma_wait3A_264 = tpu.memref_squeeze %dma_wait3A_263 : memref<1x32x1024xf32, #tpu.memory_space<vmem>> -> memref<32x1024xf32, #tpu.memory_space<vmem>>
      tpu.wait_dma2 semaphore(%run_scoped3A_240 : memref<!tpu.dma_semaphore, #tpu.memory_space<semaphore_mem>>) src(%dma_wait3A_264 : memref<32x1024xf32, #tpu.memory_space<vmem>>) dst(%dma_wait3A_260 : memref<32x1024xf32, #tpu.memory_space<hbm>>)
      tpu.yield
    }) : () -> ()
    %add3A_135 = arith.constant 160 : i32
    %add3A_136 = arith.addi %mul3A_2, %add3A_135 : i32
    %run_scoped3A_137 = arith.constant 1 : i32
    "tpu.region"() ({
      %run_scoped3A_240 = tpu.sem_alloc : memref<!tpu.dma_semaphore, #tpu.memory_space<semaphore_mem>>
      %dma_start3A_241 = arith.constant 0 : i32
      %dma_start3A_242 = tpu.memref_slice %arg5[%run_scoped3A_137, %dma_start3A_241] : memref<2x32xi32, #tpu.memory_space<vmem>> -> memref<1x32xi32, #tpu.memory_space<vmem>>
      %dma_start3A_243 = tpu.memref_squeeze %dma_start3A_242 : memref<1x32xi32, #tpu.memory_space<vmem>> -> memref<32xi32, #tpu.memory_space<vmem>>
      %dma_start3A_244 = tpu.memref_slice %arg3[%add3A_136] : memref<8192xi32, #tpu.memory_space<hbm>> -> memref<32xi32, #tpu.memory_space<hbm>>
      %dma_start3A_245 = arith.constant 0 : i32
      %dma_start3A_246 = tpu.memref_slice %arg5[%run_scoped3A_137, %dma_start3A_245] : memref<2x32xi32, #tpu.memory_space<vmem>> -> memref<1x32xi32, #tpu.memory_space<vmem>>
      %dma_start3A_247 = tpu.memref_squeeze %dma_start3A_246 : memref<1x32xi32, #tpu.memory_space<vmem>> -> memref<32xi32, #tpu.memory_space<vmem>>
      %dma_start3A_248 = tpu.memref_slice %arg3[%add3A_136] : memref<8192xi32, #tpu.memory_space<hbm>> -> memref<32xi32, #tpu.memory_space<hbm>>
      tpu.enqueue_dma source(%dma_start3A_248 : memref<32xi32, #tpu.memory_space<hbm>>) target(%dma_start3A_247 : memref<32xi32, #tpu.memory_space<vmem>>) target_semaphore(%run_scoped3A_240 : memref<!tpu.dma_semaphore, #tpu.memory_space<semaphore_mem>>)
      %dma_wait3A_249 = arith.constant 0 : i32
      %dma_wait3A_250 = tpu.memref_slice %arg5[%run_scoped3A_137, %dma_wait3A_249] : memref<2x32xi32, #tpu.memory_space<vmem>> -> memref<1x32xi32, #tpu.memory_space<vmem>>
      %dma_wait3A_251 = tpu.memref_squeeze %dma_wait3A_250 : memref<1x32xi32, #tpu.memory_space<vmem>> -> memref<32xi32, #tpu.memory_space<vmem>>
      %dma_wait3A_252 = tpu.memref_slice %arg3[%add3A_136] : memref<8192xi32, #tpu.memory_space<hbm>> -> memref<32xi32, #tpu.memory_space<hbm>>
      %dma_wait3A_253 = arith.constant 0 : i32
      %dma_wait3A_254 = tpu.memref_slice %arg5[%run_scoped3A_137, %dma_wait3A_253] : memref<2x32xi32, #tpu.memory_space<vmem>> -> memref<1x32xi32, #tpu.memory_space<vmem>>
      %dma_wait3A_255 = tpu.memref_squeeze %dma_wait3A_254 : memref<1x32xi32, #tpu.memory_space<vmem>> -> memref<32xi32, #tpu.memory_space<vmem>>
      %dma_wait3A_256 = tpu.memref_slice %arg3[%add3A_136] : memref<8192xi32, #tpu.memory_space<hbm>> -> memref<32xi32, #tpu.memory_space<hbm>>
      tpu.wait_dma2 semaphore(%run_scoped3A_240 : memref<!tpu.dma_semaphore, #tpu.memory_space<semaphore_mem>>) src(%dma_wait3A_256 : memref<32xi32, #tpu.memory_space<hbm>>) dst(%dma_wait3A_255 : memref<32xi32, #tpu.memory_space<vmem>>)
      tpu.yield
    }) : () -> ()
    %dma_start3A_138 = arith.constant 1 : i32
    %dma_start3A_139 = arith.constant 1 : i32
    %dma_start3A_140 = arith.constant 0 : i32
    %dma_start3A_141 = arith.constant 0 : i32
    %dma_start3A_142 = tpu.memref_slice %arg6[%dma_start3A_139, %dma_start3A_140, %dma_start3A_141] : memref<2x32x1024xf32, #tpu.memory_space<vmem>> -> memref<1x32x1024xf32, #tpu.memory_space<vmem>>
    %dma_start3A_143 = tpu.memref_squeeze %dma_start3A_142 : memref<1x32x1024xf32, #tpu.memory_space<vmem>> -> memref<32x1024xf32, #tpu.memory_space<vmem>>
    %dma_start3A_144 = arith.constant 0 : i32
    %dma_start3A_145 = tpu.memref_slice %arg5[%dma_start3A_138, %dma_start3A_144] : memref<2x32xi32, #tpu.memory_space<vmem>> -> memref<1x32xi32, #tpu.memory_space<vmem>>
    %dma_start3A_146 = tpu.memref_squeeze %dma_start3A_145 : memref<1x32xi32, #tpu.memory_space<vmem>> -> memref<32xi32, #tpu.memory_space<vmem>>
    %dma_start3A_147 = arith.constant 0 : i32
    %dma_start3A_148 = arith.constant 0 : i32
    %dma_start3A_149 = tpu.memref_slice %arg2[%dma_start3A_147, %dma_start3A_148] : memref<10240x1024xf32, #tpu.memory_space<hbm>> -> memref<10240x1024xf32, #tpu.memory_space<hbm>>
    tpu.enqueue_indirect_dma source(%dma_start3A_149 : memref<10240x1024xf32, #tpu.memory_space<hbm>>) target(%dma_start3A_143 : memref<32x1024xf32, #tpu.memory_space<vmem>>) offsets(%dma_start3A_146 : memref<32xi32, #tpu.memory_space<vmem>>) semaphore(%arg8 : memref<!tpu.dma_semaphore, #tpu.memory_space<semaphore_mem>>)
    %dma_wait3A_150 = arith.constant 0 : i32
    %dma_wait3A_151 = arith.constant 0 : i32
    %dma_wait3A_152 = arith.constant 0 : i32
    %dma_wait3A_153 = arith.constant 0 : i32
    %dma_wait3A_154 = tpu.memref_slice %arg6[%dma_wait3A_151, %dma_wait3A_152, %dma_wait3A_153] : memref<2x32x1024xf32, #tpu.memory_space<vmem>> -> memref<1x32x1024xf32, #tpu.memory_space<vmem>>
    %dma_wait3A_155 = tpu.memref_squeeze %dma_wait3A_154 : memref<1x32x1024xf32, #tpu.memory_space<vmem>> -> memref<32x1024xf32, #tpu.memory_space<vmem>>
    %dma_wait3A_156 = arith.constant 0 : i32
    %dma_wait3A_157 = tpu.memref_slice %arg5[%dma_wait3A_150, %dma_wait3A_156] : memref<2x32xi32, #tpu.memory_space<vmem>> -> memref<1x32xi32, #tpu.memory_space<vmem>>
    %dma_wait3A_158 = tpu.memref_squeeze %dma_wait3A_157 : memref<1x32xi32, #tpu.memory_space<vmem>> -> memref<32xi32, #tpu.memory_space<vmem>>
    %dma_wait3A_159 = arith.constant 0 : i32
    %dma_wait3A_160 = arith.constant 0 : i32
    %dma_wait3A_161 = tpu.memref_slice %arg2[%dma_wait3A_159, %dma_wait3A_160] : memref<10240x1024xf32, #tpu.memory_space<hbm>> -> memref<10240x1024xf32, #tpu.memory_space<hbm>>
    tpu.wait_indirect_dma semaphore(%arg7 : memref<!tpu.dma_semaphore, #tpu.memory_space<semaphore_mem>>) src(%dma_wait3A_161 : memref<10240x1024xf32, #tpu.memory_space<hbm>>) dst(%dma_wait3A_155 : memref<32x1024xf32, #tpu.memory_space<vmem>>)
    %add3A_162 = arith.constant 128 : i32
    %add3A_163 = arith.addi %mul3A_2, %add3A_162 : i32
    %run_scoped3A_164 = arith.constant 0 : i32
    "tpu.region"() ({
      %run_scoped3A_240 = tpu.sem_alloc : memref<!tpu.dma_semaphore, #tpu.memory_space<semaphore_mem>>
      %dma_start3A_241 = arith.constant 0 : i32
      %dma_start3A_242 = arith.constant 0 : i32
      %dma_start3A_243 = tpu.memref_slice %arg6[%run_scoped3A_164, %dma_start3A_241, %dma_start3A_242] : memref<2x32x1024xf32, #tpu.memory_space<vmem>> -> memref<1x32x1024xf32, #tpu.memory_space<vmem>>
      %dma_start3A_244 = tpu.memref_squeeze %dma_start3A_243 : memref<1x32x1024xf32, #tpu.memory_space<vmem>> -> memref<32x1024xf32, #tpu.memory_space<vmem>>
      %dma_start3A_245 = arith.constant 0 : i32
      %dma_start3A_246 = tpu.memref_slice %arg4[%add3A_163, %dma_start3A_245] : memref<8192x1024xf32, #tpu.memory_space<hbm>> -> memref<32x1024xf32, #tpu.memory_space<hbm>>
      %dma_start3A_247 = arith.constant 0 : i32
      %dma_start3A_248 = tpu.memref_slice %arg4[%add3A_163, %dma_start3A_247] : memref<8192x1024xf32, #tpu.memory_space<hbm>> -> memref<32x1024xf32, #tpu.memory_space<hbm>>
      %dma_start3A_249 = arith.constant 0 : i32
      %dma_start3A_250 = arith.constant 0 : i32
      %dma_start3A_251 = tpu.memref_slice %arg6[%run_scoped3A_164, %dma_start3A_249, %dma_start3A_250] : memref<2x32x1024xf32, #tpu.memory_space<vmem>> -> memref<1x32x1024xf32, #tpu.memory_space<vmem>>
      %dma_start3A_252 = tpu.memref_squeeze %dma_start3A_251 : memref<1x32x1024xf32, #tpu.memory_space<vmem>> -> memref<32x1024xf32, #tpu.memory_space<vmem>>
      tpu.enqueue_dma source(%dma_start3A_252 : memref<32x1024xf32, #tpu.memory_space<vmem>>) target(%dma_start3A_248 : memref<32x1024xf32, #tpu.memory_space<hbm>>) target_semaphore(%run_scoped3A_240 : memref<!tpu.dma_semaphore, #tpu.memory_space<semaphore_mem>>)
      %dma_wait3A_253 = arith.constant 0 : i32
      %dma_wait3A_254 = arith.constant 0 : i32
      %dma_wait3A_255 = tpu.memref_slice %arg6[%run_scoped3A_164, %dma_wait3A_253, %dma_wait3A_254] : memref<2x32x1024xf32, #tpu.memory_space<vmem>> -> memref<1x32x1024xf32, #tpu.memory_space<vmem>>
      %dma_wait3A_256 = tpu.memref_squeeze %dma_wait3A_255 : memref<1x32x1024xf32, #tpu.memory_space<vmem>> -> memref<32x1024xf32, #tpu.memory_space<vmem>>
      %dma_wait3A_257 = arith.constant 0 : i32
      %dma_wait3A_258 = tpu.memref_slice %arg4[%add3A_163, %dma_wait3A_257] : memref<8192x1024xf32, #tpu.memory_space<hbm>> -> memref<32x1024xf32, #tpu.memory_space<hbm>>
      %dma_wait3A_259 = arith.constant 0 : i32
      %dma_wait3A_260 = tpu.memref_slice %arg4[%add3A_163, %dma_wait3A_259] : memref<8192x1024xf32, #tpu.memory_space<hbm>> -> memref<32x1024xf32, #tpu.memory_space<hbm>>
      %dma_wait3A_261 = arith.constant 0 : i32
      %dma_wait3A_262 = arith.constant 0 : i32
      %dma_wait3A_263 = tpu.memref_slice %arg6[%run_scoped3A_164, %dma_wait3A_261, %dma_wait3A_262] : memref<2x32x1024xf32, #tpu.memory_space<vmem>> -> memref<1x32x1024xf32, #tpu.memory_space<vmem>>
      %dma_wait3A_264 = tpu.memref_squeeze %dma_wait3A_263 : memref<1x32x1024xf32, #tpu.memory_space<vmem>> -> memref<32x1024xf32, #tpu.memory_space<vmem>>
      tpu.wait_dma2 semaphore(%run_scoped3A_240 : memref<!tpu.dma_semaphore, #tpu.memory_space<semaphore_mem>>) src(%dma_wait3A_264 : memref<32x1024xf32, #tpu.memory_space<vmem>>) dst(%dma_wait3A_260 : memref<32x1024xf32, #tpu.memory_space<hbm>>)
      tpu.yield
    }) : () -> ()
    %add3A_165 = arith.constant 192 : i32
    %add3A_166 = arith.addi %mul3A_2, %add3A_165 : i32
    %run_scoped3A_167 = arith.constant 0 : i32
    "tpu.region"() ({
      %run_scoped3A_240 = tpu.sem_alloc : memref<!tpu.dma_semaphore, #tpu.memory_space<semaphore_mem>>
      %dma_start3A_241 = arith.constant 0 : i32
      %dma_start3A_242 = tpu.memref_slice %arg5[%run_scoped3A_167, %dma_start3A_241] : memref<2x32xi32, #tpu.memory_space<vmem>> -> memref<1x32xi32, #tpu.memory_space<vmem>>
      %dma_start3A_243 = tpu.memref_squeeze %dma_start3A_242 : memref<1x32xi32, #tpu.memory_space<vmem>> -> memref<32xi32, #tpu.memory_space<vmem>>
      %dma_start3A_244 = tpu.memref_slice %arg3[%add3A_166] : memref<8192xi32, #tpu.memory_space<hbm>> -> memref<32xi32, #tpu.memory_space<hbm>>
      %dma_start3A_245 = arith.constant 0 : i32
      %dma_start3A_246 = tpu.memref_slice %arg5[%run_scoped3A_167, %dma_start3A_245] : memref<2x32xi32, #tpu.memory_space<vmem>> -> memref<1x32xi32, #tpu.memory_space<vmem>>
      %dma_start3A_247 = tpu.memref_squeeze %dma_start3A_246 : memref<1x32xi32, #tpu.memory_space<vmem>> -> memref<32xi32, #tpu.memory_space<vmem>>
      %dma_start3A_248 = tpu.memref_slice %arg3[%add3A_166] : memref<8192xi32, #tpu.memory_space<hbm>> -> memref<32xi32, #tpu.memory_space<hbm>>
      tpu.enqueue_dma source(%dma_start3A_248 : memref<32xi32, #tpu.memory_space<hbm>>) target(%dma_start3A_247 : memref<32xi32, #tpu.memory_space<vmem>>) target_semaphore(%run_scoped3A_240 : memref<!tpu.dma_semaphore, #tpu.memory_space<semaphore_mem>>)
      %dma_wait3A_249 = arith.constant 0 : i32
      %dma_wait3A_250 = tpu.memref_slice %arg5[%run_scoped3A_167, %dma_wait3A_249] : memref<2x32xi32, #tpu.memory_space<vmem>> -> memref<1x32xi32, #tpu.memory_space<vmem>>
      %dma_wait3A_251 = tpu.memref_squeeze %dma_wait3A_250 : memref<1x32xi32, #tpu.memory_space<vmem>> -> memref<32xi32, #tpu.memory_space<vmem>>
      %dma_wait3A_252 = tpu.memref_slice %arg3[%add3A_166] : memref<8192xi32, #tpu.memory_space<hbm>> -> memref<32xi32, #tpu.memory_space<hbm>>
      %dma_wait3A_253 = arith.constant 0 : i32
      %dma_wait3A_254 = tpu.memref_slice %arg5[%run_scoped3A_167, %dma_wait3A_253] : memref<2x32xi32, #tpu.memory_space<vmem>> -> memref<1x32xi32, #tpu.memory_space<vmem>>
      %dma_wait3A_255 = tpu.memref_squeeze %dma_wait3A_254 : memref<1x32xi32, #tpu.memory_space<vmem>> -> memref<32xi32, #tpu.memory_space<vmem>>
      %dma_wait3A_256 = tpu.memref_slice %arg3[%add3A_166] : memref<8192xi32, #tpu.memory_space<hbm>> -> memref<32xi32, #tpu.memory_space<hbm>>
      tpu.wait_dma2 semaphore(%run_scoped3A_240 : memref<!tpu.dma_semaphore, #tpu.memory_space<semaphore_mem>>) src(%dma_wait3A_256 : memref<32xi32, #tpu.memory_space<hbm>>) dst(%dma_wait3A_255 : memref<32xi32, #tpu.memory_space<vmem>>)
      tpu.yield
    }) : () -> ()
    %dma_start3A_168 = arith.constant 0 : i32
    %dma_start3A_169 = arith.constant 0 : i32
    %dma_start3A_170 = arith.constant 0 : i32
    %dma_start3A_171 = arith.constant 0 : i32
    %dma_start3A_172 = tpu.memref_slice %arg6[%dma_start3A_169, %dma_start3A_170, %dma_start3A_171] : memref<2x32x1024xf32, #tpu.memory_space<vmem>> -> memref<1x32x1024xf32, #tpu.memory_space<vmem>>
    %dma_start3A_173 = tpu.memref_squeeze %dma_start3A_172 : memref<1x32x1024xf32, #tpu.memory_space<vmem>> -> memref<32x1024xf32, #tpu.memory_space<vmem>>
    %dma_start3A_174 = arith.constant 0 : i32
    %dma_start3A_175 = tpu.memref_slice %arg5[%dma_start3A_168, %dma_start3A_174] : memref<2x32xi32, #tpu.memory_space<vmem>> -> memref<1x32xi32, #tpu.memory_space<vmem>>
    %dma_start3A_176 = tpu.memref_squeeze %dma_start3A_175 : memref<1x32xi32, #tpu.memory_space<vmem>> -> memref<32xi32, #tpu.memory_space<vmem>>
    %dma_start3A_177 = arith.constant 0 : i32
    %dma_start3A_178 = arith.constant 0 : i32
    %dma_start3A_179 = tpu.memref_slice %arg2[%dma_start3A_177, %dma_start3A_178] : memref<10240x1024xf32, #tpu.memory_space<hbm>> -> memref<10240x1024xf32, #tpu.memory_space<hbm>>
    tpu.enqueue_indirect_dma source(%dma_start3A_179 : memref<10240x1024xf32, #tpu.memory_space<hbm>>) target(%dma_start3A_173 : memref<32x1024xf32, #tpu.memory_space<vmem>>) offsets(%dma_start3A_176 : memref<32xi32, #tpu.memory_space<vmem>>) semaphore(%arg7 : memref<!tpu.dma_semaphore, #tpu.memory_space<semaphore_mem>>)
    %dma_wait3A_180 = arith.constant 1 : i32
    %dma_wait3A_181 = arith.constant 1 : i32
    %dma_wait3A_182 = arith.constant 0 : i32
    %dma_wait3A_183 = arith.constant 0 : i32
    %dma_wait3A_184 = tpu.memref_slice %arg6[%dma_wait3A_181, %dma_wait3A_182, %dma_wait3A_183] : memref<2x32x1024xf32, #tpu.memory_space<vmem>> -> memref<1x32x1024xf32, #tpu.memory_space<vmem>>
    %dma_wait3A_185 = tpu.memref_squeeze %dma_wait3A_184 : memref<1x32x1024xf32, #tpu.memory_space<vmem>> -> memref<32x1024xf32, #tpu.memory_space<vmem>>
    %dma_wait3A_186 = arith.constant 0 : i32
    %dma_wait3A_187 = tpu.memref_slice %arg5[%dma_wait3A_180, %dma_wait3A_186] : memref<2x32xi32, #tpu.memory_space<vmem>> -> memref<1x32xi32, #tpu.memory_space<vmem>>
    %dma_wait3A_188 = tpu.memref_squeeze %dma_wait3A_187 : memref<1x32xi32, #tpu.memory_space<vmem>> -> memref<32xi32, #tpu.memory_space<vmem>>
    %dma_wait3A_189 = arith.constant 0 : i32
    %dma_wait3A_190 = arith.constant 0 : i32
    %dma_wait3A_191 = tpu.memref_slice %arg2[%dma_wait3A_189, %dma_wait3A_190] : memref<10240x1024xf32, #tpu.memory_space<hbm>> -> memref<10240x1024xf32, #tpu.memory_space<hbm>>
    tpu.wait_indirect_dma semaphore(%arg8 : memref<!tpu.dma_semaphore, #tpu.memory_space<semaphore_mem>>) src(%dma_wait3A_191 : memref<10240x1024xf32, #tpu.memory_space<hbm>>) dst(%dma_wait3A_185 : memref<32x1024xf32, #tpu.memory_space<vmem>>)
    %add3A_192 = arith.constant 160 : i32
    %add3A_193 = arith.addi %mul3A_2, %add3A_192 : i32
    %run_scoped3A_194 = arith.constant 1 : i32
    "tpu.region"() ({
      %run_scoped3A_240 = tpu.sem_alloc : memref<!tpu.dma_semaphore, #tpu.memory_space<semaphore_mem>>
      %dma_start3A_241 = arith.constant 0 : i32
      %dma_start3A_242 = arith.constant 0 : i32
      %dma_start3A_243 = tpu.memref_slice %arg6[%run_scoped3A_194, %dma_start3A_241, %dma_start3A_242] : memref<2x32x1024xf32, #tpu.memory_space<vmem>> -> memref<1x32x1024xf32, #tpu.memory_space<vmem>>
      %dma_start3A_244 = tpu.memref_squeeze %dma_start3A_243 : memref<1x32x1024xf32, #tpu.memory_space<vmem>> -> memref<32x1024xf32, #tpu.memory_space<vmem>>
      %dma_start3A_245 = arith.constant 0 : i32
      %dma_start3A_246 = tpu.memref_slice %arg4[%add3A_193, %dma_start3A_245] : memref<8192x1024xf32, #tpu.memory_space<hbm>> -> memref<32x1024xf32, #tpu.memory_space<hbm>>
      %dma_start3A_247 = arith.constant 0 : i32
      %dma_start3A_248 = tpu.memref_slice %arg4[%add3A_193, %dma_start3A_247] : memref<8192x1024xf32, #tpu.memory_space<hbm>> -> memref<32x1024xf32, #tpu.memory_space<hbm>>
      %dma_start3A_249 = arith.constant 0 : i32
      %dma_start3A_250 = arith.constant 0 : i32
      %dma_start3A_251 = tpu.memref_slice %arg6[%run_scoped3A_194, %dma_start3A_249, %dma_start3A_250] : memref<2x32x1024xf32, #tpu.memory_space<vmem>> -> memref<1x32x1024xf32, #tpu.memory_space<vmem>>
      %dma_start3A_252 = tpu.memref_squeeze %dma_start3A_251 : memref<1x32x1024xf32, #tpu.memory_space<vmem>> -> memref<32x1024xf32, #tpu.memory_space<vmem>>
      tpu.enqueue_dma source(%dma_start3A_252 : memref<32x1024xf32, #tpu.memory_space<vmem>>) target(%dma_start3A_248 : memref<32x1024xf32, #tpu.memory_space<hbm>>) target_semaphore(%run_scoped3A_240 : memref<!tpu.dma_semaphore, #tpu.memory_space<semaphore_mem>>)
      %dma_wait3A_253 = arith.constant 0 : i32
      %dma_wait3A_254 = arith.constant 0 : i32
      %dma_wait3A_255 = tpu.memref_slice %arg6[%run_scoped3A_194, %dma_wait3A_253, %dma_wait3A_254] : memref<2x32x1024xf32, #tpu.memory_space<vmem>> -> memref<1x32x1024xf32, #tpu.memory_space<vmem>>
      %dma_wait3A_256 = tpu.memref_squeeze %dma_wait3A_255 : memref<1x32x1024xf32, #tpu.memory_space<vmem>> -> memref<32x1024xf32, #tpu.memory_space<vmem>>
      %dma_wait3A_257 = arith.constant 0 : i32
      %dma_wait3A_258 = tpu.memref_slice %arg4[%add3A_193, %dma_wait3A_257] : memref<8192x1024xf32, #tpu.memory_space<hbm>> -> memref<32x1024xf32, #tpu.memory_space<hbm>>
      %dma_wait3A_259 = arith.constant 0 : i32
      %dma_wait3A_260 = tpu.memref_slice %arg4[%add3A_193, %dma_wait3A_259] : memref<8192x1024xf32, #tpu.memory_space<hbm>> -> memref<32x1024xf32, #tpu.memory_space<hbm>>
      %dma_wait3A_261 = arith.constant 0 : i32
      %dma_wait3A_262 = arith.constant 0 : i32
      %dma_wait3A_263 = tpu.memref_slice %arg6[%run_scoped3A_194, %dma_wait3A_261, %dma_wait3A_262] : memref<2x32x1024xf32, #tpu.memory_space<vmem>> -> memref<1x32x1024xf32, #tpu.memory_space<vmem>>
      %dma_wait3A_264 = tpu.memref_squeeze %dma_wait3A_263 : memref<1x32x1024xf32, #tpu.memory_space<vmem>> -> memref<32x1024xf32, #tpu.memory_space<vmem>>
      tpu.wait_dma2 semaphore(%run_scoped3A_240 : memref<!tpu.dma_semaphore, #tpu.memory_space<semaphore_mem>>) src(%dma_wait3A_264 : memref<32x1024xf32, #tpu.memory_space<vmem>>) dst(%dma_wait3A_260 : memref<32x1024xf32, #tpu.memory_space<hbm>>)
      tpu.yield
    }) : () -> ()
    %add3A_195 = arith.constant 224 : i32
    %add3A_196 = arith.addi %mul3A_2, %add3A_195 : i32
    %run_scoped3A_197 = arith.constant 1 : i32
    "tpu.region"() ({
      %run_scoped3A_240 = tpu.sem_alloc : memref<!tpu.dma_semaphore, #tpu.memory_space<semaphore_mem>>
      %dma_start3A_241 = arith.constant 0 : i32
      %dma_start3A_242 = tpu.memref_slice %arg5[%run_scoped3A_197, %dma_start3A_241] : memref<2x32xi32, #tpu.memory_space<vmem>> -> memref<1x32xi32, #tpu.memory_space<vmem>>
      %dma_start3A_243 = tpu.memref_squeeze %dma_start3A_242 : memref<1x32xi32, #tpu.memory_space<vmem>> -> memref<32xi32, #tpu.memory_space<vmem>>
      %dma_start3A_244 = tpu.memref_slice %arg3[%add3A_196] : memref<8192xi32, #tpu.memory_space<hbm>> -> memref<32xi32, #tpu.memory_space<hbm>>
      %dma_start3A_245 = arith.constant 0 : i32
      %dma_start3A_246 = tpu.memref_slice %arg5[%run_scoped3A_197, %dma_start3A_245] : memref<2x32xi32, #tpu.memory_space<vmem>> -> memref<1x32xi32, #tpu.memory_space<vmem>>
      %dma_start3A_247 = tpu.memref_squeeze %dma_start3A_246 : memref<1x32xi32, #tpu.memory_space<vmem>> -> memref<32xi32, #tpu.memory_space<vmem>>
      %dma_start3A_248 = tpu.memref_slice %arg3[%add3A_196] : memref<8192xi32, #tpu.memory_space<hbm>> -> memref<32xi32, #tpu.memory_space<hbm>>
      tpu.enqueue_dma source(%dma_start3A_248 : memref<32xi32, #tpu.memory_space<hbm>>) target(%dma_start3A_247 : memref<32xi32, #tpu.memory_space<vmem>>) target_semaphore(%run_scoped3A_240 : memref<!tpu.dma_semaphore, #tpu.memory_space<semaphore_mem>>)
      %dma_wait3A_249 = arith.constant 0 : i32
      %dma_wait3A_250 = tpu.memref_slice %arg5[%run_scoped3A_197, %dma_wait3A_249] : memref<2x32xi32, #tpu.memory_space<vmem>> -> memref<1x32xi32, #tpu.memory_space<vmem>>
      %dma_wait3A_251 = tpu.memref_squeeze %dma_wait3A_250 : memref<1x32xi32, #tpu.memory_space<vmem>> -> memref<32xi32, #tpu.memory_space<vmem>>
      %dma_wait3A_252 = tpu.memref_slice %arg3[%add3A_196] : memref<8192xi32, #tpu.memory_space<hbm>> -> memref<32xi32, #tpu.memory_space<hbm>>
      %dma_wait3A_253 = arith.constant 0 : i32
      %dma_wait3A_254 = tpu.memref_slice %arg5[%run_scoped3A_197, %dma_wait3A_253] : memref<2x32xi32, #tpu.memory_space<vmem>> -> memref<1x32xi32, #tpu.memory_space<vmem>>
      %dma_wait3A_255 = tpu.memref_squeeze %dma_wait3A_254 : memref<1x32xi32, #tpu.memory_space<vmem>> -> memref<32xi32, #tpu.memory_space<vmem>>
      %dma_wait3A_256 = tpu.memref_slice %arg3[%add3A_196] : memref<8192xi32, #tpu.memory_space<hbm>> -> memref<32xi32, #tpu.memory_space<hbm>>
      tpu.wait_dma2 semaphore(%run_scoped3A_240 : memref<!tpu.dma_semaphore, #tpu.memory_space<semaphore_mem>>) src(%dma_wait3A_256 : memref<32xi32, #tpu.memory_space<hbm>>) dst(%dma_wait3A_255 : memref<32xi32, #tpu.memory_space<vmem>>)
      tpu.yield
    }) : () -> ()
    %dma_start3A_198 = arith.constant 1 : i32
    %dma_start3A_199 = arith.constant 1 : i32
    %dma_start3A_200 = arith.constant 0 : i32
    %dma_start3A_201 = arith.constant 0 : i32
    %dma_start3A_202 = tpu.memref_slice %arg6[%dma_start3A_199, %dma_start3A_200, %dma_start3A_201] : memref<2x32x1024xf32, #tpu.memory_space<vmem>> -> memref<1x32x1024xf32, #tpu.memory_space<vmem>>
    %dma_start3A_203 = tpu.memref_squeeze %dma_start3A_202 : memref<1x32x1024xf32, #tpu.memory_space<vmem>> -> memref<32x1024xf32, #tpu.memory_space<vmem>>
    %dma_start3A_204 = arith.constant 0 : i32
    %dma_start3A_205 = tpu.memref_slice %arg5[%dma_start3A_198, %dma_start3A_204] : memref<2x32xi32, #tpu.memory_space<vmem>> -> memref<1x32xi32, #tpu.memory_space<vmem>>
    %dma_start3A_206 = tpu.memref_squeeze %dma_start3A_205 : memref<1x32xi32, #tpu.memory_space<vmem>> -> memref<32xi32, #tpu.memory_space<vmem>>
    %dma_start3A_207 = arith.constant 0 : i32
    %dma_start3A_208 = arith.constant 0 : i32
    %dma_start3A_209 = tpu.memref_slice %arg2[%dma_start3A_207, %dma_start3A_208] : memref<10240x1024xf32, #tpu.memory_space<hbm>> -> memref<10240x1024xf32, #tpu.memory_space<hbm>>
    tpu.enqueue_indirect_dma source(%dma_start3A_209 : memref<10240x1024xf32, #tpu.memory_space<hbm>>) target(%dma_start3A_203 : memref<32x1024xf32, #tpu.memory_space<vmem>>) offsets(%dma_start3A_206 : memref<32xi32, #tpu.memory_space<vmem>>) semaphore(%arg8 : memref<!tpu.dma_semaphore, #tpu.memory_space<semaphore_mem>>)
    %dma_wait3A_210 = arith.constant 0 : i32
    %dma_wait3A_211 = arith.constant 0 : i32
    %dma_wait3A_212 = arith.constant 0 : i32
    %dma_wait3A_213 = arith.constant 0 : i32
    %dma_wait3A_214 = tpu.memref_slice %arg6[%dma_wait3A_211, %dma_wait3A_212, %dma_wait3A_213] : memref<2x32x1024xf32, #tpu.memory_space<vmem>> -> memref<1x32x1024xf32, #tpu.memory_space<vmem>>
    %dma_wait3A_215 = tpu.memref_squeeze %dma_wait3A_214 : memref<1x32x1024xf32, #tpu.memory_space<vmem>> -> memref<32x1024xf32, #tpu.memory_space<vmem>>
    %dma_wait3A_216 = arith.constant 0 : i32
    %dma_wait3A_217 = tpu.memref_slice %arg5[%dma_wait3A_210, %dma_wait3A_216] : memref<2x32xi32, #tpu.memory_space<vmem>> -> memref<1x32xi32, #tpu.memory_space<vmem>>
    %dma_wait3A_218 = tpu.memref_squeeze %dma_wait3A_217 : memref<1x32xi32, #tpu.memory_space<vmem>> -> memref<32xi32, #tpu.memory_space<vmem>>
    %dma_wait3A_219 = arith.constant 0 : i32
    %dma_wait3A_220 = arith.constant 0 : i32
    %dma_wait3A_221 = tpu.memref_slice %arg2[%dma_wait3A_219, %dma_wait3A_220] : memref<10240x1024xf32, #tpu.memory_space<hbm>> -> memref<10240x1024xf32, #tpu.memory_space<hbm>>
    tpu.wait_indirect_dma semaphore(%arg7 : memref<!tpu.dma_semaphore, #tpu.memory_space<semaphore_mem>>) src(%dma_wait3A_221 : memref<10240x1024xf32, #tpu.memory_space<hbm>>) dst(%dma_wait3A_215 : memref<32x1024xf32, #tpu.memory_space<vmem>>)
    %add3A_222 = arith.constant 192 : i32
    %add3A_223 = arith.addi %mul3A_2, %add3A_222 : i32
    %run_scoped3A_224 = arith.constant 0 : i32
    "tpu.region"() ({
      %run_scoped3A_240 = tpu.sem_alloc : memref<!tpu.dma_semaphore, #tpu.memory_space<semaphore_mem>>
      %dma_start3A_241 = arith.constant 0 : i32
      %dma_start3A_242 = arith.constant 0 : i32
      %dma_start3A_243 = tpu.memref_slice %arg6[%run_scoped3A_224, %dma_start3A_241, %dma_start3A_242] : memref<2x32x1024xf32, #tpu.memory_space<vmem>> -> memref<1x32x1024xf32, #tpu.memory_space<vmem>>
      %dma_start3A_244 = tpu.memref_squeeze %dma_start3A_243 : memref<1x32x1024xf32, #tpu.memory_space<vmem>> -> memref<32x1024xf32, #tpu.memory_space<vmem>>
      %dma_start3A_245 = arith.constant 0 : i32
      %dma_start3A_246 = tpu.memref_slice %arg4[%add3A_223, %dma_start3A_245] : memref<8192x1024xf32, #tpu.memory_space<hbm>> -> memref<32x1024xf32, #tpu.memory_space<hbm>>
      %dma_start3A_247 = arith.constant 0 : i32
      %dma_start3A_248 = tpu.memref_slice %arg4[%add3A_223, %dma_start3A_247] : memref<8192x1024xf32, #tpu.memory_space<hbm>> -> memref<32x1024xf32, #tpu.memory_space<hbm>>
      %dma_start3A_249 = arith.constant 0 : i32
      %dma_start3A_250 = arith.constant 0 : i32
      %dma_start3A_251 = tpu.memref_slice %arg6[%run_scoped3A_224, %dma_start3A_249, %dma_start3A_250] : memref<2x32x1024xf32, #tpu.memory_space<vmem>> -> memref<1x32x1024xf32, #tpu.memory_space<vmem>>
      %dma_start3A_252 = tpu.memref_squeeze %dma_start3A_251 : memref<1x32x1024xf32, #tpu.memory_space<vmem>> -> memref<32x1024xf32, #tpu.memory_space<vmem>>
      tpu.enqueue_dma source(%dma_start3A_252 : memref<32x1024xf32, #tpu.memory_space<vmem>>) target(%dma_start3A_248 : memref<32x1024xf32, #tpu.memory_space<hbm>>) target_semaphore(%run_scoped3A_240 : memref<!tpu.dma_semaphore, #tpu.memory_space<semaphore_mem>>)
      %dma_wait3A_253 = arith.constant 0 : i32
      %dma_wait3A_254 = arith.constant 0 : i32
      %dma_wait3A_255 = tpu.memref_slice %arg6[%run_scoped3A_224, %dma_wait3A_253, %dma_wait3A_254] : memref<2x32x1024xf32, #tpu.memory_space<vmem>> -> memref<1x32x1024xf32, #tpu.memory_space<vmem>>
      %dma_wait3A_256 = tpu.memref_squeeze %dma_wait3A_255 : memref<1x32x1024xf32, #tpu.memory_space<vmem>> -> memref<32x1024xf32, #tpu.memory_space<vmem>>
      %dma_wait3A_257 = arith.constant 0 : i32
      %dma_wait3A_258 = tpu.memref_slice %arg4[%add3A_223, %dma_wait3A_257] : memref<8192x1024xf32, #tpu.memory_space<hbm>> -> memref<32x1024xf32, #tpu.memory_space<hbm>>
      %dma_wait3A_259 = arith.constant 0 : i32
      %dma_wait3A_260 = tpu.memref_slice %arg4[%add3A_223, %dma_wait3A_259] : memref<8192x1024xf32, #tpu.memory_space<hbm>> -> memref<32x1024xf32, #tpu.memory_space<hbm>>
      %dma_wait3A_261 = arith.constant 0 : i32
      %dma_wait3A_262 = arith.constant 0 : i32
      %dma_wait3A_263 = tpu.memref_slice %arg6[%run_scoped3A_224, %dma_wait3A_261, %dma_wait3A_262] : memref<2x32x1024xf32, #tpu.memory_space<vmem>> -> memref<1x32x1024xf32, #tpu.memory_space<vmem>>
      %dma_wait3A_264 = tpu.memref_squeeze %dma_wait3A_263 : memref<1x32x1024xf32, #tpu.memory_space<vmem>> -> memref<32x1024xf32, #tpu.memory_space<vmem>>
      tpu.wait_dma2 semaphore(%run_scoped3A_240 : memref<!tpu.dma_semaphore, #tpu.memory_space<semaphore_mem>>) src(%dma_wait3A_264 : memref<32x1024xf32, #tpu.memory_space<vmem>>) dst(%dma_wait3A_260 : memref<32x1024xf32, #tpu.memory_space<hbm>>)
      tpu.yield
    }) : () -> ()
    %dma_wait3A_225 = arith.constant 1 : i32
    %dma_wait3A_226 = arith.constant 1 : i32
    %dma_wait3A_227 = arith.constant 0 : i32
    %dma_wait3A_228 = arith.constant 0 : i32
    %dma_wait3A_229 = tpu.memref_slice %arg6[%dma_wait3A_226, %dma_wait3A_227, %dma_wait3A_228] : memref<2x32x1024xf32, #tpu.memory_space<vmem>> -> memref<1x32x1024xf32, #tpu.memory_space<vmem>>
    %dma_wait3A_230 = tpu.memref_squeeze %dma_wait3A_229 : memref<1x32x1024xf32, #tpu.memory_space<vmem>> -> memref<32x1024xf32, #tpu.memory_space<vmem>>
    %dma_wait3A_231 = arith.constant 0 : i32
    %dma_wait3A_232 = tpu.memref_slice %arg5[%dma_wait3A_225, %dma_wait3A_231] : memref<2x32xi32, #tpu.memory_space<vmem>> -> memref<1x32xi32, #tpu.memory_space<vmem>>
    %dma_wait3A_233 = tpu.memref_squeeze %dma_wait3A_232 : memref<1x32xi32, #tpu.memory_space<vmem>> -> memref<32xi32, #tpu.memory_space<vmem>>
    %dma_wait3A_234 = arith.constant 0 : i32
    %dma_wait3A_235 = arith.constant 0 : i32
    %dma_wait3A_236 = tpu.memref_slice %arg2[%dma_wait3A_234, %dma_wait3A_235] : memref<10240x1024xf32, #tpu.memory_space<hbm>> -> memref<10240x1024xf32, #tpu.memory_space<hbm>>
    tpu.wait_indirect_dma semaphore(%arg8 : memref<!tpu.dma_semaphore, #tpu.memory_space<semaphore_mem>>) src(%dma_wait3A_236 : memref<10240x1024xf32, #tpu.memory_space<hbm>>) dst(%dma_wait3A_230 : memref<32x1024xf32, #tpu.memory_space<vmem>>)
    %add3A_237 = arith.constant 224 : i32
    %add3A_238 = arith.addi %mul3A_2, %add3A_237 : i32
    %run_scoped3A_239 = arith.constant 1 : i32
    "tpu.region"() ({
      %run_scoped3A_240 = tpu.sem_alloc : memref<!tpu.dma_semaphore, #tpu.memory_space<semaphore_mem>>
      %dma_start3A_241 = arith.constant 0 : i32
      %dma_start3A_242 = arith.constant 0 : i32
      %dma_start3A_243 = tpu.memref_slice %arg6[%run_scoped3A_239, %dma_start3A_241, %dma_start3A_242] : memref<2x32x1024xf32, #tpu.memory_space<vmem>> -> memref<1x32x1024xf32, #tpu.memory_space<vmem>>
      %dma_start3A_244 = tpu.memref_squeeze %dma_start3A_243 : memref<1x32x1024xf32, #tpu.memory_space<vmem>> -> memref<32x1024xf32, #tpu.memory_space<vmem>>
      %dma_start3A_245 = arith.constant 0 : i32
      %dma_start3A_246 = tpu.memref_slice %arg4[%add3A_238, %dma_start3A_245] : memref<8192x1024xf32, #tpu.memory_space<hbm>> -> memref<32x1024xf32, #tpu.memory_space<hbm>>
      %dma_start3A_247 = arith.constant 0 : i32
      %dma_start3A_248 = tpu.memref_slice %arg4[%add3A_238, %dma_start3A_247] : memref<8192x1024xf32, #tpu.memory_space<hbm>> -> memref<32x1024xf32, #tpu.memory_space<hbm>>
      %dma_start3A_249 = arith.constant 0 : i32
      %dma_start3A_250 = arith.constant 0 : i32
      %dma_start3A_251 = tpu.memref_slice %arg6[%run_scoped3A_239, %dma_start3A_249, %dma_start3A_250] : memref<2x32x1024xf32, #tpu.memory_space<vmem>> -> memref<1x32x1024xf32, #tpu.memory_space<vmem>>
      %dma_start3A_252 = tpu.memref_squeeze %dma_start3A_251 : memref<1x32x1024xf32, #tpu.memory_space<vmem>> -> memref<32x1024xf32, #tpu.memory_space<vmem>>
      tpu.enqueue_dma source(%dma_start3A_252 : memref<32x1024xf32, #tpu.memory_space<vmem>>) target(%dma_start3A_248 : memref<32x1024xf32, #tpu.memory_space<hbm>>) target_semaphore(%run_scoped3A_240 : memref<!tpu.dma_semaphore, #tpu.memory_space<semaphore_mem>>)
      %dma_wait3A_253 = arith.constant 0 : i32
      %dma_wait3A_254 = arith.constant 0 : i32
      %dma_wait3A_255 = tpu.memref_slice %arg6[%run_scoped3A_239, %dma_wait3A_253, %dma_wait3A_254] : memref<2x32x1024xf32, #tpu.memory_space<vmem>> -> memref<1x32x1024xf32, #tpu.memory_space<vmem>>
      %dma_wait3A_256 = tpu.memref_squeeze %dma_wait3A_255 : memref<1x32x1024xf32, #tpu.memory_space<vmem>> -> memref<32x1024xf32, #tpu.memory_space<vmem>>
      %dma_wait3A_257 = arith.constant 0 : i32
      %dma_wait3A_258 = tpu.memref_slice %arg4[%add3A_238, %dma_wait3A_257] : memref<8192x1024xf32, #tpu.memory_space<hbm>> -> memref<32x1024xf32, #tpu.memory_space<hbm>>
      %dma_wait3A_259 = arith.constant 0 : i32
      %dma_wait3A_260 = tpu.memref_slice %arg4[%add3A_238, %dma_wait3A_259] : memref<8192x1024xf32, #tpu.memory_space<hbm>> -> memref<32x1024xf32, #tpu.memory_space<hbm>>
      %dma_wait3A_261 = arith.constant 0 : i32
      %dma_wait3A_262 = arith.constant 0 : i32
      %dma_wait3A_263 = tpu.memref_slice %arg6[%run_scoped3A_239, %dma_wait3A_261, %dma_wait3A_262] : memref<2x32x1024xf32, #tpu.memory_space<vmem>> -> memref<1x32x1024xf32, #tpu.memory_space<vmem>>
      %dma_wait3A_264 = tpu.memref_squeeze %dma_wait3A_263 : memref<1x32x1024xf32, #tpu.memory_space<vmem>> -> memref<32x1024xf32, #tpu.memory_space<vmem>>
      tpu.wait_dma2 semaphore(%run_scoped3A_240 : memref<!tpu.dma_semaphore, #tpu.memory_space<semaphore_mem>>) src(%dma_wait3A_264 : memref<32x1024xf32, #tpu.memory_space<vmem>>) dst(%dma_wait3A_260 : memref<32x1024xf32, #tpu.memory_space<hbm>>)
      tpu.yield
    }) : () -> ()
    return
  }
}

module attributes {stable_mosaic.version = 14 : i64} {
  func.func @_mlp_body(%arg0: i32, %arg1: i32, %arg2: memref<40xi32, #tpu.memory_space<smem>>, %arg3: memref<256x1024xf32, #tpu.memory_space<vmem>>, %arg4: memref<1x1x256xi32, #tpu.memory_space<vmem>>, %arg5: memref<17x64xf32, #tpu.memory_space<vmem>>, %arg6: memref<1x1024x1024xf32, #tpu.memory_space<vmem>>, %arg7: memref<1x64x1024xf32, #tpu.memory_space<vmem>>, %arg8: memref<1x1024x1024xf32, #tpu.memory_space<vmem>>, %arg9: memref<1x64x1024xf32, #tpu.memory_space<vmem>>, %arg10: memref<1x1024x1024xf32, #tpu.memory_space<vmem>>, %arg11: memref<256x1024xf32, #tpu.memory_space<vmem>>) attributes {dimension_semantics = [#tpu.dimension_semantics<arbitrary>, #tpu.dimension_semantics<arbitrary>], iteration_bounds = array<i64: 40, 2>, scalar_prefetch = 1 : i64, scratch_operands = 0 : i64, tpu.core_type = #tpu.core_type<tc>, window_params = [{transform_indices = @transform_0, window_bounds = array<i64: 256, 1024>}, {transform_indices = @transform_1, window_bounds = array<i64: 1, 1, 256>}, {pipeline_mode = #tpu.pipeline_mode<synchronous>, transform_indices = @transform_2, window_bounds = array<i64: 17, 64>}, {transform_indices = @transform_3, window_bounds = array<i64: 1, 1024, 1024>}, {transform_indices = @transform_4, window_bounds = array<i64: 1, 64, 1024>}, {transform_indices = @transform_5, window_bounds = array<i64: 1, 1024, 1024>}, {transform_indices = @transform_6, window_bounds = array<i64: 1, 64, 1024>}, {transform_indices = @transform_7, window_bounds = array<i64: 1, 1024, 1024>}, {transform_indices = @transform_8, window_bounds = array<i64: 256, 1024>}]} {
    %get3A = arith.constant 0 : index
    %get3A_0 = arith.constant 0 : index
    %get3A_1 = vector.load %arg3[%get3A, %get3A_0] : memref<256x1024xf32, #tpu.memory_space<vmem>>, vector<256x1024xf32>
    %convert_element_type3A = arith.truncf %get3A_1 : vector<256x1024xf32> to vector<256x1024xbf16>
    %get3A_2 = arith.constant 0 : index
    %get3A_3 = arith.constant 0 : index
    %get3A_4 = arith.constant 0 : index
    %get3A_5 = vector.load %arg4[%get3A_2, %get3A_3, %get3A_4] : memref<1x1x256xi32, #tpu.memory_space<vmem>>, vector<1x1x256xi32>
    %get3A_6 = vector.shape_cast %get3A_5 : vector<1x1x256xi32> to vector<256xi32>
    %broadcast_in_dim3A = vector.shape_cast %get3A_6 : vector<256xi32> to vector<256x1xi32>
    %iota3A = tpu.iota {dimensions = array<i32: 1>} : vector<256x17xi32>
    %eq3A = vector.broadcast %broadcast_in_dim3A : vector<256x1xi32> to vector<256x17xi32>
    %eq3A_7 = arith.cmpi eq, %eq3A, %iota3A : vector<256x17xi32>
    %convert_element_type3A_8 = arith.extui %eq3A_7 : vector<256x17xi1> to vector<256x17xi32>
    %convert_element_type3A_9 = arith.sitofp %convert_element_type3A_8 : vector<256x17xi32> to vector<256x17xf32>
    %get3A_10 = arith.constant 0 : index
    %get3A_11 = arith.constant 0 : index
    %get3A_12 = vector.load %arg5[%get3A_10, %get3A_11] : memref<17x64xf32, #tpu.memory_space<vmem>>, vector<17x64xf32>
    %dot_general3A = arith.constant dense<0.000000e+00> : vector<256x64xf32>
    %dot_general3A_13 = tpu.matmul %convert_element_type3A_9, %get3A_12, %dot_general3A {dimension_numbers = #tpu.dot_dimension_numbers<[1], [0], [0], [1], [0, 0, 1, 1], [], []>, transpose_lhs_hint = false} : vector<256x17xf32>, vector<17x64xf32>, vector<256x64xf32> -> vector<256x64xf32>
    %convert_element_type3A_14 = arith.truncf %dot_general3A_13 : vector<256x64xf32> to vector<256x64xbf16>
    %get3A_15 = arith.constant 0 : index
    %get3A_16 = arith.constant 0 : index
    %get3A_17 = arith.constant 0 : index
    %get3A_18 = vector.load %arg6[%get3A_15, %get3A_16, %get3A_17] : memref<1x1024x1024xf32, #tpu.memory_space<vmem>>, vector<1x1024x1024xf32>
    %get3A_19 = vector.shape_cast %get3A_18 : vector<1x1024x1024xf32> to vector<1024x1024xf32>
    %convert_element_type3A_20 = arith.truncf %get3A_19 : vector<1024x1024xf32> to vector<1024x1024xbf16>
    %dot_general3A_21 = arith.constant dense<0.000000e+00> : vector<256x1024xf32>
    %dot_general3A_22 = tpu.matmul %convert_element_type3A, %convert_element_type3A_20, %dot_general3A_21 {dimension_numbers = #tpu.dot_dimension_numbers<[1], [0], [0], [1], [0, 0, 1, 1], [], []>, transpose_lhs_hint = false} : vector<256x1024xbf16>, vector<1024x1024xbf16>, vector<256x1024xf32> -> vector<256x1024xf32>
    %get3A_23 = arith.constant 0 : index
    %get3A_24 = arith.constant 0 : index
    %get3A_25 = arith.constant 0 : index
    %get3A_26 = vector.load %arg7[%get3A_23, %get3A_24, %get3A_25] : memref<1x64x1024xf32, #tpu.memory_space<vmem>>, vector<1x64x1024xf32>
    %get3A_27 = vector.shape_cast %get3A_26 : vector<1x64x1024xf32> to vector<64x1024xf32>
    %convert_element_type3A_28 = arith.truncf %get3A_27 : vector<64x1024xf32> to vector<64x1024xbf16>
    %dot_general3A_29 = arith.constant dense<0.000000e+00> : vector<256x1024xf32>
    %dot_general3A_30 = tpu.matmul %convert_element_type3A_14, %convert_element_type3A_28, %dot_general3A_29 {dimension_numbers = #tpu.dot_dimension_numbers<[1], [0], [0], [1], [0, 0, 1, 1], [], []>, transpose_lhs_hint = false} : vector<256x64xbf16>, vector<64x1024xbf16>, vector<256x1024xf32> -> vector<256x1024xf32>
    %add3A = arith.addf %dot_general3A_22, %dot_general3A_30 : vector<256x1024xf32>
    %get3A_31 = arith.constant 0 : index
    %get3A_32 = arith.constant 0 : index
    %get3A_33 = arith.constant 0 : index
    %get3A_34 = vector.load %arg8[%get3A_31, %get3A_32, %get3A_33] : memref<1x1024x1024xf32, #tpu.memory_space<vmem>>, vector<1x1024x1024xf32>
    %get3A_35 = vector.shape_cast %get3A_34 : vector<1x1024x1024xf32> to vector<1024x1024xf32>
    %convert_element_type3A_36 = arith.truncf %get3A_35 : vector<1024x1024xf32> to vector<1024x1024xbf16>
    %dot_general3A_37 = arith.constant dense<0.000000e+00> : vector<256x1024xf32>
    %dot_general3A_38 = tpu.matmul %convert_element_type3A, %convert_element_type3A_36, %dot_general3A_37 {dimension_numbers = #tpu.dot_dimension_numbers<[1], [0], [0], [1], [0, 0, 1, 1], [], []>, transpose_lhs_hint = false} : vector<256x1024xbf16>, vector<1024x1024xbf16>, vector<256x1024xf32> -> vector<256x1024xf32>
    %get3A_39 = arith.constant 0 : index
    %get3A_40 = arith.constant 0 : index
    %get3A_41 = arith.constant 0 : index
    %get3A_42 = vector.load %arg9[%get3A_39, %get3A_40, %get3A_41] : memref<1x64x1024xf32, #tpu.memory_space<vmem>>, vector<1x64x1024xf32>
    %get3A_43 = vector.shape_cast %get3A_42 : vector<1x64x1024xf32> to vector<64x1024xf32>
    %convert_element_type3A_44 = arith.truncf %get3A_43 : vector<64x1024xf32> to vector<64x1024xbf16>
    %dot_general3A_45 = arith.constant dense<0.000000e+00> : vector<256x1024xf32>
    %dot_general3A_46 = tpu.matmul %convert_element_type3A_14, %convert_element_type3A_44, %dot_general3A_45 {dimension_numbers = #tpu.dot_dimension_numbers<[1], [0], [0], [1], [0, 0, 1, 1], [], []>, transpose_lhs_hint = false} : vector<256x64xbf16>, vector<64x1024xbf16>, vector<256x1024xf32> -> vector<256x1024xf32>
    %add3A_47 = arith.addf %dot_general3A_38, %dot_general3A_46 : vector<256x1024xf32>
    %logistic3A = arith.negf %add3A : vector<256x1024xf32>
    %logistic3A_48 = math.exp %logistic3A : vector<256x1024xf32>
    %logistic3A_49 = arith.constant 1.000000e+00 : f32
    %logistic3A_50 = vector.broadcast %logistic3A_49 : f32 to vector<256x1024xf32>
    %logistic3A_51 = arith.addf %logistic3A_50, %logistic3A_48 : vector<256x1024xf32>
    %logistic3A_52 = arith.divf %logistic3A_50, %logistic3A_51 : vector<256x1024xf32>
    %mul3A = arith.mulf %add3A, %logistic3A_52 : vector<256x1024xf32>
    %mul3A_53 = arith.mulf %mul3A, %add3A_47 : vector<256x1024xf32>
    %convert_element_type3A_54 = arith.truncf %mul3A_53 : vector<256x1024xf32> to vector<256x1024xbf16>
    %get3A_55 = arith.constant 0 : index
    %get3A_56 = arith.constant 0 : index
    %get3A_57 = arith.constant 0 : index
    %get3A_58 = vector.load %arg10[%get3A_55, %get3A_56, %get3A_57] : memref<1x1024x1024xf32, #tpu.memory_space<vmem>>, vector<1x1024x1024xf32>
    %get3A_59 = vector.shape_cast %get3A_58 : vector<1x1024x1024xf32> to vector<1024x1024xf32>
    %convert_element_type3A_60 = arith.truncf %get3A_59 : vector<1024x1024xf32> to vector<1024x1024xbf16>
    %dot_general3A_61 = arith.constant dense<0.000000e+00> : vector<256x1024xf32>
    %dot_general3A_62 = tpu.matmul %convert_element_type3A_54, %convert_element_type3A_60, %dot_general3A_61 {dimension_numbers = #tpu.dot_dimension_numbers<[1], [0], [0], [1], [0, 0, 1, 1], [], []>, transpose_lhs_hint = false} : vector<256x1024xbf16>, vector<1024x1024xbf16>, vector<256x1024xf32> -> vector<256x1024xf32>
    %eq3A_63 = arith.constant 0 : i32
    %eq3A_64 = arith.cmpi eq, %arg1, %eq3A_63 : i32
    %convert_element_type3A_65 = arith.extui %eq3A_64 : i1 to i32
    %cond3A = arith.constant 0 : i32
    %cond3A_66 = arith.cmpi ne, %convert_element_type3A_65, %cond3A : i32
    scf.if %cond3A_66 {
      %swap3A = arith.constant 0 : index
      %swap3A_71 = arith.constant 0 : index
      %swap3A_72 = vector.load %arg11[%swap3A, %swap3A_71] : memref<256x1024xf32, #tpu.memory_space<vmem>>, vector<256x1024xf32>
      tpu.vector_store %arg11[%swap3A, %swap3A_71], %dot_general3A_62 {strides = array<i32>} : memref<256x1024xf32, #tpu.memory_space<vmem>>, vector<256x1024xf32>,
    } else {
    }
    %ne3A = arith.constant 0 : i32
    %ne3A_67 = arith.cmpi ne, %arg1, %ne3A : i32
    %convert_element_type3A_68 = arith.extui %ne3A_67 : i1 to i32
    %cond3A_69 = arith.constant 0 : i32
    %cond3A_70 = arith.cmpi ne, %convert_element_type3A_68, %cond3A_69 : i32
    scf.if %cond3A_70 {
      %get3A_71 = arith.constant 0 : index
      %get3A_72 = arith.constant 0 : index
      %get3A_73 = vector.load %arg11[%get3A_71, %get3A_72] : memref<256x1024xf32, #tpu.memory_space<vmem>>, vector<256x1024xf32>
      %add3A_74 = arith.addf %get3A_73, %dot_general3A_62 : vector<256x1024xf32>
      %swap3A = arith.constant 0 : index
      %swap3A_75 = arith.constant 0 : index
      %swap3A_76 = vector.load %arg11[%swap3A, %swap3A_75] : memref<256x1024xf32, #tpu.memory_space<vmem>>, vector<256x1024xf32>
      tpu.vector_store %arg11[%swap3A, %swap3A_75], %add3A_74 {strides = array<i32>} : memref<256x1024xf32, #tpu.memory_space<vmem>>, vector<256x1024xf32>,
    } else {
    }
    return
  }
  func.func @transform_0(%arg0: i32, %arg1: i32, %arg2: memref<40xi32, #tpu.memory_space<smem>>) -> (i32, i32) {
    %c0_i32 = arith.constant 0 : i32
    %c0_i32_0 = arith.constant 0 : i32
    return %arg0, %c0_i32 : i32, i32
  }
  func.func @transform_1(%arg0: i32, %arg1: i32, %arg2: memref<40xi32, #tpu.memory_space<smem>>) -> (i32, i32, i32) {
    %c0_i32 = arith.constant 0 : i32
    %c0_i32_0 = arith.constant 0 : i32
    %c0_i32_1 = arith.constant 0 : i32
    return %arg0, %c0_i32, %c0_i32_0 : i32, i32, i32
  }
  func.func @transform_2(%arg0: i32, %arg1: i32, %arg2: memref<40xi32, #tpu.memory_space<smem>>) -> (i32, i32) {
    %c0_i32 = arith.constant 0 : i32
    %c0_i32_0 = arith.constant 0 : i32
    %c0_i32_1 = arith.constant 0 : i32
    return %c0_i32, %c0_i32_0 : i32, i32
  }
  func.func @transform_3(%arg0: i32, %arg1: i32, %arg2: memref<40xi32, #tpu.memory_space<smem>>) -> (i32, i32, i32) {
    %get3A = arith.index_cast %arg0 : i32 to index
    %get3A_0 = memref.load %arg2[%get3A] : memref<40xi32, #tpu.memory_space<smem>>
    %c0_i32 = arith.constant 0 : i32
    %c0_i32_1 = arith.constant 0 : i32
    return %get3A_0, %c0_i32, %arg1 : i32, i32, i32
  }
  func.func @transform_4(%arg0: i32, %arg1: i32, %arg2: memref<40xi32, #tpu.memory_space<smem>>) -> (i32, i32, i32) {
    %get3A = arith.index_cast %arg0 : i32 to index
    %get3A_0 = memref.load %arg2[%get3A] : memref<40xi32, #tpu.memory_space<smem>>
    %c16_i32 = arith.constant 16 : i32
    %c0_i32 = arith.constant 0 : i32
    return %get3A_0, %c16_i32, %arg1 : i32, i32, i32
  }
  func.func @transform_5(%arg0: i32, %arg1: i32, %arg2: memref<40xi32, #tpu.memory_space<smem>>) -> (i32, i32, i32) {
    %get3A = arith.index_cast %arg0 : i32 to index
    %get3A_0 = memref.load %arg2[%get3A] : memref<40xi32, #tpu.memory_space<smem>>
    %c0_i32 = arith.constant 0 : i32
    %c0_i32_1 = arith.constant 0 : i32
    return %get3A_0, %c0_i32, %arg1 : i32, i32, i32
  }
  func.func @transform_6(%arg0: i32, %arg1: i32, %arg2: memref<40xi32, #tpu.memory_space<smem>>) -> (i32, i32, i32) {
    %get3A = arith.index_cast %arg0 : i32 to index
    %get3A_0 = memref.load %arg2[%get3A] : memref<40xi32, #tpu.memory_space<smem>>
    %c16_i32 = arith.constant 16 : i32
    %c0_i32 = arith.constant 0 : i32
    return %get3A_0, %c16_i32, %arg1 : i32, i32, i32
  }
  func.func @transform_7(%arg0: i32, %arg1: i32, %arg2: memref<40xi32, #tpu.memory_space<smem>>) -> (i32, i32, i32) {
    %get3A = arith.index_cast %arg0 : i32 to index
    %get3A_0 = memref.load %arg2[%get3A] : memref<40xi32, #tpu.memory_space<smem>>
    %c0_i32 = arith.constant 0 : i32
    %c0_i32_1 = arith.constant 0 : i32
    return %get3A_0, %arg1, %c0_i32 : i32, i32, i32
  }
  func.func @transform_8(%arg0: i32, %arg1: i32, %arg2: memref<40xi32, #tpu.memory_space<smem>>) -> (i32, i32) {
    %c0_i32 = arith.constant 0 : i32
    %c0_i32_0 = arith.constant 0 : i32
    return %arg0, %c0_i32 : i32, i32
  }
}

</mosaic_0001>

<sc_bundles>
// kernel: gather_offload_async_start.1
scs
__scs_entry_jumppad:
0x0: {  	(pc) =	sbr.rel $0x88, $3  }
0x1: {  	(tag) =	ssettag $0x0;
	lr =	simm.s32 $0x1  }
0x2: {  	[smem:$0x3F9A] =	sst lr;
	_ =	strace $0xD0000000  }
0x3: {  	_ = 	snop  }
0x4: {  	_ = 	snop  }
0x5: {  	_ = 	snop  }
0x6: {  	_ = 	snop  }
0x7: {  	_ = 	snop  }
__scs_overlays_trampoline_lowered:
0x8: {  	[smem:$0x3FA9] =	sst s0  }
0x9: {  	[smem:$0x3FAA] =	sst s1  }
0xa: {  	[smem:$0x3FAB] =	sst s2  }
0xb: {  	[smem:$0x3FAC] =	sst s3  }
0xc: {  	[smem:$0x3FAD] =	sst s4  }
0xd: {  	[smem:$0x3FAE] =	sst s5  }
0xe: {  	[smem:$0x3FAF] =	sst s6  }
0xf: {  	[smem:$0x3FB0] =	sst s7  }
0x10: {  	[smem:$0x3FB1] =	sst s8  }
0x11: {  	[smem:$0x3FB2] =	sst s9;
	s0 =	simm.s32 @!p0 $0x0  }
0x12: {  	s1 =	sld [smem:$0x3F98];
	s0 =	simm.s32 @p0 $0x1  }
0x13: {  	[smem:$0x3FB3] =	sst s0;
	s0 =	simm.s32 @!p1 $0x0  }
0x14: {  	s2 =	sld [smem:$0x3F97];
	s0 =	simm.s32 @p1 $0x1  }
0x15: {  	[smem:$0x3FB4] =	sst s0;
	s0 =	simm.s32 @!p2 $0x0  }
0x16: {  	s3 =	sld [smem:$0x3FDB];
	s0 =	simm.s32 @p2 $0x1  }
0x17: {  	s4 =	simm.s32 $0x1BF5;
	[smem:$0x3FB6] =	sst s0  }
0x18: {  	s0 =	sld [smem:$0x3F99];
	_ =	swait.ge [sflag:s4], $0x0  }
0x19: {  	s7 =	sld [smem:$0x3F9A]  }
0x1a: {  	s8 =	sadd.s32 $0xFFFFE003, lr  }
0x1b: {  	s9 =	sadd.s32 $0xFFFFFEF7, lr;
	s5 =	simm.s32 $0xFFFFFFFF;
	p2 =	slt.u32 s8, $0xFFFFF086  }
0x1c: {  	p1 =	slt.u32 s9, $0xF7A;
	s5 =	simm.s32 @!p2 $0x0  }
0x1d: {  	s5 =	simm.s32 @p1 $0x1;
	p0 =	seq.s32 s7, s2  }
0x1e: {  	s7 =	smul.u32 @!p0 $0xF7A, s2;
	p2 =	seq.s32 @!p0 s5, $0x0  }
0x1f: {  	s9 =	smul.u32 $0xF7A, s1;
	s8 =	simm.s32 @!p0 $0x1BF5;
	p2 =	por !p2, p0  }
0x20: {  	[sflag:s8] =	ssyncset.s32 @!p0 $0xFFFFF086;
	s6 =	sadd.s32 @!p0 s3, s7;
	s7 =	simm.s32 @!p0 $0x108  }
0x21: {  	s3 =	sadd.s32 s3, s9;
	s6 =	sadd.s32 @!p0 $0x88, s6;
	s7 =	simm.s32 @p2 $0x1082  }
0x22: {  	[simem:s7], [sflag:s8] =	dma.local @!p0 [hbm:s6], $0xF7A  }
0x23: {  	s9 =	sor.u32 $0xD0000000, s2;
	s6 =	simm.s32 $0x108;
	_ =	swait.ge @!p0 [sflag:s8], $0x0  }
0x24: {  	s3 =	sadd.s32 $0x88, s3;
	s6 =	simm.s32 @!p1 $0x1082;
	[sflag:s4] =	ssyncset.s32 $0xFFFFF086  }
0x25: {  	[simem:s6], [sflag:s4] =	dma.local [hbm:s3], $0xF7A  }
0x26: {  	[smem:$0x3F9A] =	sst s1;
	(tag) =	ssettag s2;
	_ =	strace s9  }
0x27: {  	s1 =	sld [smem:$0x3FAA]  }
0x28: {  	s2 =	sld [smem:$0x3FAB]  }
0x29: {  	s4 =	sld [smem:$0x3FAD]  }
0x2a: {  	p0 =	seq.s32 s5, $0x0;
	s5 =	sld [smem:$0x3FAE]  }
0x2b: {  	s6 =	sld [smem:$0x3FAF]  }
0x2c: {  	s7 =	sld [smem:$0x3FB0]  }
0x2d: {  	s3 =	simm.s32 $0x108;
	s8 =	sld [smem:$0x3FB1]  }
0x2e: {  	s3 =	simm.s32 @!p0 $0x1082;
	s9 =	sld [smem:$0x3FB2]  }
0x2f: {  	lr =	sadd.s32 s0, s3;
	s0 =	sld [smem:$0x3FA9]  }
0x30: {  	s3 =	sld [smem:$0x3FAC]  }
0x31: {  	[smem:$0x3FB5] =	sst s10  }
0x32: {  	s10 =	sld [smem:$0x3FB3];
	_ =	sdelay $0x3  }
0x33: {  	p0 =	seq.s32 s10, $0x1;
	s10 =	sld [smem:$0x3FB5];
	_ =	sdelay $0x3  }
0x34: {  	[smem:$0x3FB5] =	sst s10  }
0x35: {  	s10 =	sld [smem:$0x3FB4];
	_ =	sdelay $0x3  }
0x36: {  	p1 =	seq.s32 s10, $0x1;
	s10 =	sld [smem:$0x3FB5];
	_ =	sdelay $0x3  }
0x37: {  	[smem:$0x3FB5] =	sst s10  }
0x38: {  	s10 =	sld [smem:$0x3FB6]  }
0x39: {  	_ = 	snop;
	(pc) =	sbr.ind lr, $3  }
0x3a: {  	_ = 	snop  }
0x3b: {  	_ = 	snop  }
0x3c: {  	p2 =	seq.s32 s10, $0x1;
	s10 =	sld [smem:$0x3FB5]  }
0x3d: {  	_ =	shalt  }
0x3e: {  	_ =	shalt  }
0x3f: {  	_ =	shalt  }
0x40: {  	_ =	shalt  }
0x41: {  	_ =	shalt  }
0x42: {  	_ =	shalt  }
0x43: {  	_ =	shalt  }
0x44: {  	_ =	shalt  }
0x45: {  	_ =	shalt  }
0x46: {  	_ =	shalt  }
0x47: {  	_ =	shalt  }
0x48: {  	_ =	shalt  }
0x49: {  	_ =	shalt  }
0x4a: {  	_ =	shalt  }
0x4b: {  	_ =	shalt  }
0x4c: {  	_ =	shalt  }
0x4d: {  	_ =	shalt  }
0x4e: {  	_ =	shalt  }
0x4f: {  	_ =	shalt  }
0x50: {  	_ =	shalt  }
0x51: {  	_ =	shalt  }
0x52: {  	_ =	shalt  }
0x53: {  	_ =	shalt  }
0x54: {  	_ =	shalt  }
0x55: {  	_ =	shalt  }
0x56: {  	_ =	shalt  }
0x57: {  	_ =	shalt  }
0x58: {  	_ =	shalt  }
0x59: {  	_ =	shalt  }
0x5a: {  	_ =	shalt  }
0x5b: {  	_ =	shalt  }
0x5c: {  	_ =	shalt  }
0x5d: {  	_ =	shalt  }
0x5e: {  	_ =	shalt  }
0x5f: {  	_ =	shalt  }
0x60: {  	_ =	shalt  }
0x61: {  	_ =	shalt  }
0x62: {  	_ =	shalt  }
0x63: {  	_ =	shalt  }
0x64: {  	_ =	shalt  }
0x65: {  	_ =	shalt  }
0x66: {  	_ =	shalt  }
0x67: {  	_ =	shalt  }
0x68: {  	_ =	shalt  }
0x69: {  	_ =	shalt  }
0x6a: {  	_ =	shalt  }
0x6b: {  	_ =	shalt  }
0x6c: {  	_ =	shalt  }
0x6d: {  	_ =	shalt  }
0x6e: {  	_ =	shalt  }
0x6f: {  	_ =	shalt  }
0x70: {  	_ =	shalt  }
0x71: {  	_ =	shalt  }
0x72: {  	_ =	shalt  }
0x73: {  	_ =	shalt  }
0x74: {  	_ =	shalt  }
0x75: {  	_ =	shalt  }
0x76: {  	_ =	shalt  }
0x77: {  	_ =	shalt  }
0x78: {  	_ =	shalt  }
0x79: {  	_ =	shalt  }
0x7a: {  	_ =	shalt  }
0x7b: {  	_ =	shalt  }
0x7c: {  	_ =	shalt  }
0x7d: {  	_ =	shalt  }
0x7e: {  	_ =	shalt  }
0x7f: {  	_ =	shalt  }
0x80: {  	_ =	shalt  }
0x81: {  	_ =	shalt  }
0x82: {  	_ =	shalt  }
0x83: {  	_ =	shalt  }
0x84: {  	_ =	shalt  }
0x85: {  	_ =	shalt  }
0x86: {  	_ =	shalt  }
0x87: {  	_ =	shalt  }
.Lfunc_end0:
.L_simem_size_0:
called_computation.1_lowered:
.L_overlay_start_0:
0x88: {  	s2 =	sld [smem:$0x3FD9]  }
0x89: {  	s3 =	sld [smem:$0x3FFE];
	_ =	sdelay $0x1  }
0x8a: {  	s1 =	srdreg.scid  }
0x8b: {  	s0 =	sand.u32 $0x1, s1  }
0x8c: {  	s17 =	sshll.u32 s0, $0xA;
	s2 =	sadd.s32 s3, s2  }
0x8d: {  	s2 =	sadd.s32 s2, s17  }
0x8e: {  	[smem:$0x3FC1] =	sst s2  }
0x8f: {  	_ = 	snop  }
0x90: {  	s2 =	sld [smem:$0x3FD0];
	(tm) =	ssettm $0x1  }
0x91: {  	s18 =	sld [smem:$0x3FFB];
	_ =	sdelay $0x3  }
0x92: {  	_ =	strace s18  }
0x93: {  	s3 =	sld [smem:$0x3FFC];
	_ =	sdelay $0x3  }
0x94: {  	_ =	strace s3  }
0x95: {  	s3 =	sld [smem:$0x3FFD];
	_ =	sdelay $0x3  }
0x96: {  	_ =	strace s3  }
0x97: {  	_ =	strace $0x8FFFFFFF  }
0x98: {  	s19 =	sld [smem:$0x3FDB];
	_ =	sdelay $0x1  }
0x99: {  	s4 =	simm.s32 $_scs_section_size  }
0x9a: {  	s5 =	simm.s32 $_size__tile_overlayer_lowered;
	s6 =	simm.s32 $_tile_overlayer_lowered  }
0x9b: {  	s22 =	simm.s32 $0x1BFF;
	s21 =	sshll.u32 s6, $0x1;
	s3 =	sadd.s32 s4, s19  }
0x9c: {  	s7 =	simm.s32 $0x0;
	s20 =	sshll.u32 s5, $0x1;
	s5 =	sadd.s32 s21, s3  }
0x9d: {  	[timem:s7], [sflag:s22] =	dma.local [hbm:s5], s20  }
0x9e: {  	_ =	swait.ge [sflag:s22], s20  }
0x9f: {  	s4 =	ssub.s32 $0x0, s20;
	[sflag:s22] =	ssyncset.done $0x0  }
0xa0: {  	[sflag:s22] =	ssyncadd.s32 s4;
	_ =	sdelay $0x1  }
0xa1: {  	s23 =	simm.s32 $0x1B8B  }
0xa2: {  	_ =	swait.ge [sflag:s23], $0x1  }
0xa3: {  	[sflag:s23] =	ssyncset.done $0x0  }
0xa4: {  	s25 =	simm.s32 $0x1B8E;
	s24 =	sld [smem:$0x3FFE];
	[sflag:s23] =	ssyncadd.s32 $0xFFFFFFFF  }
0xa5: {  	s26 =	simm.s32 $execute0_lowered;
	[smem:$0x3FD2] =	sst s25  }
0xa6: {  	s5 =	sshll.u32 s26, $0x1;
	_ =	strace $0x80000046;
	[dreg:$0x1] =	wrdreg $0xFFFFFFFF  }
0xa7: {  	s28 =	simm.s32 $_size_execute0_lowered;
	s3 =	sadd.s32 s3, s5;
	[dreg:$0x0] =	wrdreg $0x0  }
0xa8: {  	s5 =	sshll.u32 s28, $0x1;
	[dreg:$0x2] =	wrdreg s3  }
0xa9: {  	[dreg:$0x3] =	wrdreg s5  }
0xaa: {  	[dreg:$0x4] =	wrdreg $0xC0  }
0xab: {  	_ =	task [dreg:s7], $0x5FFFF  }
0xac: {  	[dreg:$0x1] =	wrdreg $0xFFFFFFFF  }
0xad: {  	[dreg:$0x0] =	wrdreg $0x60  }
0xae: {  	[dreg:$0x2] =	wrdreg s2  }
0xaf: {  	[dreg:$0x3] =	wrdreg s24  }
0xb0: {  	[dreg:$0x4] =	wrdreg $0x9  }
0xb1: {  	_ =	task.clear_ibuf [dreg:s7], $0x5FFFF;
	_ =	strace $0x90000046  }
0xb2: {  	s29 =	simm.s32 $0x9;
	_ =	strace $0x80000048  }
0xb3: {  	_ =	swait.ge [sflag:s29], $0x1  }
0xb4: {  	[sflag:s29] =	ssyncadd.s32 $0xFFFFFFFF  }
0xb5: {  	_ =	strace $0x90000048  }
0xb6: {  	_ =	sfence  }
0xb7: {  	s30 =	sld [smem:$0x0];
	_ =	sdelay $0x2  }
0xb8: {  	s31 =	sshll.u32 s1, $0xD;
	s1 =	sshrl.u32 s1, $0x2  }
0xb9: {  	s3 =	sand.u32 $0x4000, s31;
	s1 =	sadd.s32 s1, s30  }
0xba: {  	s0 =	sor.u32 s3, s0;
	s1 =	sshll.u32 s1, $0x11  }
0xbb: {  	s0 =	sor.u32 s1, s0  }
0xbc: {  	s0 =	sadd.s32 $0x8F2B, s0  }
0xbd: {  	[sflag:s0] =	ssyncadd.remote.s32 $0x1  }
0xbe: {  	_ =	sfence.sel $0xFFFF  }
0xbf: {  	[dreg:$0x0] =	wrdreg $0xFFFFFFFF;
	(pc) =	sbr.abs _section_cstart, $3  }
0xc0: {  	[dreg:$0x1] =	wrdreg $0xFFFFFFFF  }
0xc1: {  	_ =	task.clear_ibuf [dreg:s7], $0x2FFFF;
	_ =	strace $0x9FFFFFFF  }
0xc2: {  	(tm) =	ssettm $0x7FFFFFFF  }
0xc3: {  	_ =	shalt  }
tec
execute0_lowered:
.L_overlay_start_1:
0x0: {  	(tag) =	ssettag $0x1  }
0x1: {  	s1 =	srdreg.scid;
	s2 =	rddreg [dreg:$0x0]  }
0x2: {  	s0 =	stileid.u32;
	s5 =	rddreg [dreg:$0x1];
	s6 =	simm.s32 $0x1  }
0x3: {  	s9 =	simm.s32 $0x1;
	s10 =	simm.s32 $0x3;
	s1 =	sshll.u32 s1, $0x7  }
0x4: {  	s13 =	simm.s32 $0x0;
	s3 =	sshll.u32 s0, $0x8;
	s4 =	sand.u32 $0x80, s1  }
0x5: {  	s12 =	simm.s32 $0x0;
	s1 =	rddreg [dreg:$0x2];
	s3 =	sor.u32 s3, s4  }
0x6: {  	_ =	strace $0x80000047;
	s4 =	sadd.s32 $0x600, s5;
	s8 =	ssub.s32 $0x2000, s3  }
.Ltmp0:
0x7: {  	s5 =	sadd.s32 $0xA00, s5;
	s7 =	sand.u32 $0xF80, s8;
	(pc) =	sbr.rel .LBB2_1-.Ltmp0, $4  }
0x8: {  	[sflag:s6] =	ssyncpa.u1 $0x0;
	s11 =	smov.u32 s3;
	p0 =	sne.s32 s7, $0x0  }
0x9: {  	s8 =	sshrl.u32 s8, $0xC;
	s7 =	simm.s32 $0x2;
	s9 =	simm.s32 @!p0 $0x0  }
0xa: {  	[sflag:s7] =	ssyncpa.u1 $0x0;
	p0 =	por $0x0, $0x0;
	s8 =	sadd.s32 s9, s8  }
0xb: {  	vm0 =	vmmov $0xffff;
	[sflag:s10] =	ssyncpa.u1 $0x0;
	s10 =	simm.s32 $0x0;
	s9 =	sadd.s32 $0x1, s8  }
.LBB2_4:
0xc: {  	v5 =	vshrl.u32 v1, $0xD;
	v6 =	vshll.u32 v1, $0x7  }
0xd: {  	vm1 =	veq.s32 v1, $0x80000000;
	v58 =	vand.u32 $0x7, v5;
	v59 =	vand.u32 $0xFFF80, v6  }
0xe: {  	v1 =	vsel vm1, $0xFFFFFFFF, v58;
	v5 =	vsel vm1, $0xFFFFFF80, v59  }
0xf: {  	v3 =	vor.u32 v4, v3;
	v60 =	vand.u32 $0xFFFFFC00, v5;
	v61 =	vand.u32 $0xFFFFFC00, v1  }
0x10: {  	v2 =	vor.u32 v2, v3;
	v63 =	vand.u32 $0x380, v5;
	v62 =	vadd.s32 v61, v60  }
0x11: {  	v1 =	vand.u32 $0x7F, v1;
	v3 =	vor.u32 v63, v62  }
0x12: {  	v1 =	vor.u32 v1, v3  }
0x13: {  	[tilespmem:s15], [sflag:$0x1] =	stream.indirect_vreg.gather [hbm4b:s2+s10], $0x1, v0, vm0, $0x4038;
	[tilespmem:$0x200] =	vst v63  }
0x14: {  	(ifvalue) =	ssetifvalue $0x7FFFFFFF  }
0x15: {  	[tilespmem:s16], [sflag:$0x1] =	stream.indirect_vreg.gather [hbm4b:s2+s10], $0x1, v2, vm0, $0x4038;
	[tilespmem:$0x200] =	vst v63  }
0x16: {  	s29 =	sadd.s32 $0x10, s16;
	(ifvalue) =	ssetifvalue $0x7FFFFFFF  }
0x17: {  	[tilespmem:s29], [sflag:$0x1] =	stream.indirect_vreg.gather [hbm4b:s2+s10], $0x1, v1, vm0, $0x4038;
	[tilespmem:$0x200] =	vst v63  }
0x18: {  	_ =	swait.ge [sflag:s6], $0x80  }
0x19: {  	s30 =	sshrl.u32 s13, $0x3;
	[sflag:s6] =	ssyncset.done $0x0  }
0x1a: {  	s31 =	sand.u32 $0x7, s13;
	s15 =	sadd.s32 s5, s30;
	[sflag:s6] =	ssyncadd.s32 $0xFFFFFF80  }
0x1b: {  	[hbm4b:s15+s31] =	stream.linear.scatter [tilespmem:s14], [sflag:$0x3], $0x80, $0x38;
	[tilespmem:$0x200] =	vst v63  }
.LBB2_5:
0x1c: {  	s15 =	sadd.s32 $0x1000, s11  }
0x1d: {  	p2 =	sgt.s32 s15, $0x1FFF  }
0x1e: {  	s15 =	smov.u32 @p2 s3;
	p2 =	sne.s32 s12, s9  }
.Ltmp1:
0x1f: {  	p1 =	slt.u32 s12, $0x2;
	(pc) =	sbr.rel @!p2 .LBB2_6-.Ltmp1, $4  }
0x20: {  	s14 =	simm.s32 @!p1 $0x3  }
0x21: {  	s16 =	sadd.s32 $0x1, s12;
	_ =	swait.ge @!p1 [sflag:s14], $0x80  }
0x22: {  	s13 =	smov.u32 s11;
	p0 =	por !p0, !p0;
	[sflag:s14] =	ssyncset.done @!p1 $0x0  }
0x23: {  	s12 =	smov.u32 s16;
	s11 =	smov.u32 s15;
	[sflag:s14] =	ssyncadd.s32 @!p1 $0xFFFFFF80  }
.LBB2_1:
0x24: {  	p1 =	sge.u32 s12, s8  }
0x25: {  	s14 =	sxor.u32 @!p1 $0xFFFFFFFF, s12  }
0x26: {  	s31 =	sadd.s32 $0xFFFFFFFF, s12;
	s15 =	sshrl.u32 @!p1 s11, $0x3;
	s14 =	sshll.u32 @!p1 s14, $0x7  }
0x27: {  	s16 =	sand.u32 @!p1 $0x7, s11;
	s15 =	sadd.s32 @!p1 s4, s15;
	s14 =	sand.u32 @!p1 $0x80, s14  }
0x28: {  	[tilespmem:s14], [sflag:$0x2] =	stream.linear.gather @!p1 [hbm4b:s15+s16], $0x80, $0x38;
	[tilespmem:$0x200] =	vst v63  }
0x29: {  	p1 =	sge.u32 s31, s8  }
.Ltmp2:
0x2a: {  	_ = 	snop;
	(pc) =	sbr.rel @p1 .LBB2_5-.Ltmp2, $1  }
0x2b: {  	_ =	sdelay $0x3  }
0x2c: {  	s14 =	simm.s32 $0x1  }
0x2d: {  	_ =	swait.ge [sflag:s7], $0x80;
	s14 =	simm.s32 @!p0 $0x0  }
0x2e: {  	[sflag:s7] =	ssyncset.done $0x0;
	s14 =	sshll.u32 s14, $0x7  }
0x2f: {  	[sflag:s7] =	ssyncadd.s32 $0xFFFFFF80;
	(ifvalue) =	ssetifvalue $0x7FFFFFFF;
	v0 =	vld.msk [tilespmem:s14+$0x0 ss:$0x1], $0xffff;
	_ =	sdelay $0x4  }
0x30: {  	s15 =	sadd.s32 $0x10, s14;
	v2 =	vshrl.u32 v0, $0xD;
	v3 =	vshll.u32 v0, $0x7  }
0x31: {  	v1 =	vld.msk [tilespmem:s15+$0x0 ss:$0x1], $0xffff;
	vm1 =	veq.s32 v0, $0x80000000;
	v0 =	vand.u32 $0x7, v2;
	v2 =	vand.u32 $0xFFF80, v3  }
0x32: {  	v0 =	vsel vm1, $0xFFFFFFFF, v0;
	v2 =	vsel vm1, $0xFFFFFF80, v2  }
0x33: {  	v3 =	vand.u32 $0xFFFFFC00, v2;
	v4 =	vand.u32 $0xFFFFFC00, v0  }
0x34: {  	v2 =	vand.u32 $0x380, v2;
	v3 =	vadd.s32 v4, v3  }
0x35: {  	v0 =	vand.u32 $0x7F, v0;
	v2 =	vor.u32 v2, v3  }
0x36: {  	v5 =	vshll.u32 v1, $0x7;
	v4 =	vshrl.u32 v1, $0xD;
	v0 =	vor.u32 v0, v2  }
0x37: {  	s16 =	sshll.u32 s12, $0x7;
	vm1 =	veq.s32 v1, $0x80000000;
	v1 =	vand.u32 $0x7, v4;
	v4 =	vand.u32 $0xFFF80, v5  }
0x38: {  	s16 =	sand.u32 $0x80, s16;
	s18 =	sadd.s32 $0x10, s15;
	v3 =	vsel vm1, $0xFFFFFFFF, v1;
	v4 =	vsel vm1, $0xFFFFFF80, v4  }
0x39: {  	s17 =	simm.s32 $0x20;
	s15 =	sor.u32 $0x100, s14;
	s14 =	sor.u32 $0x100, s16;
	v1 =	vld.msk [tilespmem:s18+$0x0 ss:$0x1], $0xffff;
	v5 =	vand.u32 $0xFFFFFC00, v4;
	v6 =	vand.u32 $0xFFFFFC00, v3  }
0x3a: {  	s16 =	sadd.s32 $0x10, s15;
	s18 =	sadd.s32 $0x10, s18;
	(ifvalue) =	ssetifvalue $0x7FFFFFFF;
	v2 =	vand.u32 $0x7F, v3;
	v4 =	vand.u32 $0x380, v4;
	v3 =	vadd.s32 v6, v5  }
.LBB2_3:
0x3b: {  	[tilespmem:s15], [sflag:$0x1] =	stream.indirect_vreg.gather [hbm4b:s2+s10], $0x1, v0, vm0, $0x4038;
	[tilespmem:$0x200] =	vst v63  }
0x3c: {  	s17 =	sadd.s32 $0x10, s17  }
0x3d: {  	v3 =	vor.u32 v4, v3;
	p1 =	slt.u32 s17, $0x70  }
.Ltmp3:
0x3e: {  	v4 =	vshrl.u32 v1, $0xD;
	v5 =	vshll.u32 v1, $0x7;
	s15 =	smov.u32 s16;
	v0 =	vor.u32 v2, v3;
	v2 =	vmovc v1;
	v1 =	vld.msk [tilespmem:s18+$0x0 ss:$0x1], $0xffff;
	(pc) =	sbr.rel @p1 .LBB2_3-.Ltmp3, $4  }
0x3f: {  	v3 =	vand.u32 $0xFFF80, v5;
	vm1 =	veq.s32 v2, $0x80000000;
	v2 =	vand.u32 $0x7, v4  }
0x40: {  	v4 =	vsel vm1, $0xFFFFFFFF, v2;
	v5 =	vsel vm1, $0xFFFFFF80, v3  }
0x41: {  	v2 =	vand.u32 $0x7F, v4;
	v3 =	vand.u32 $0xFFFFFC00, v5;
	v4 =	vand.u32 $0xFFFFFC00, v4  }
0x42: {  	s16 =	sadd.s32 $0x10, s16;
	s18 =	sadd.s32 $0x10, s18;
	v3 =	vadd.s32 v4, v3;
	v4 =	vand.u32 $0x380, v5;
	(ifvalue) =	ssetifvalue $0x7FFFFFFF  }
.Ltmp4:
0x43: {  	_ = 	snop;
	(pc) =	sbr.rel .LBB2_4-.Ltmp4, $1  }
0x44: {  	_ =	sdelay $0x3  }
.LBB2_6:
0x45: {  	_ =	sfence.sel $0x180000  }
0x46: {  	s2 =	simm.s32 $0x2;
	[bflag:$0x0] =	sbarrier.arrive $0xFFFF  }
0x47: {  	s30 =	simm.s32 $0x3;
	[sflag:s2] =	ssyncpa.u1 $0x1  }
0x48: {  	s31 =	simm.s32 $0x1;
	[sflag:s30] =	ssyncpa.u1 $0x1  }
0x49: {  	[sflag:s31] =	ssyncpa.u1 $0x1  }
0x4a: {  	p0 =	sne.s32 s0, $0x0;
	_ =	strace $0x90000047  }
0x4b: {  	s0 =	sadd.s32 @!p0 $0x100000, s1;
	[bflag:$0x2] =	sbarrier.arrive $0xFFFF  }
0x4c: {  	[sflag:s0] =	ssyncadd.tile.s32 @!p0 $0x1;
	_ =	shalt  }
.Lfunc_end2:
_tile_overlayer_lowered:
.L_overlay_start_2:
0x4d: {  	(tag) =	ssettag $0x2  }
0x4e: {  	s0 =	rddreg [dreg:$0x0];
	s2 =	stileid.u32  }
0x4f: {  	s1 =	rddreg [dreg:$0x1];
	p0 =	sne.s32 s2, $0x0  }
0x50: {  	s3 =	rddreg [dreg:$0x2];
	[bflag:$0x3] =	sbarrier.arrive $0xFFFF;
	s2 =	simm.s32 @!p0 $0x1C01  }
0x51: {  	[timem:s3], [sflag:s2] =	dma.local @!p0 [hbm:s0], s1  }
0x52: {  	s0 =	simm.s32 @!p0 $0x1  }
0x53: {  	_ =	swait.ge @!p0 [sflag:s0], s1  }
0x54: {  	s1 =	ssub.s32 @!p0 $0x0, s1;
	[sflag:s0] =	ssyncset.done @!p0 $0x0  }
0x55: {  	[sflag:s0] =	ssyncadd.s32 @!p0 s1  }
0x56: {  	[bflag:$0x3] =	sbarrier.arrive $0xFFFF  }
0x57: {  	_ =	shalt  }

// kernel: gather_offload_async_start
scs
__scs_entry_jumppad:
0x0: {  	(pc) =	sbr.rel $0x88, $3  }
0x1: {  	(tag) =	ssettag $0x0;
	lr =	simm.s32 $0x1  }
0x2: {  	[smem:$0x3F9A] =	sst lr;
	_ =	strace $0xD0000000  }
0x3: {  	_ = 	snop  }
0x4: {  	_ = 	snop  }
0x5: {  	_ = 	snop  }
0x6: {  	_ = 	snop  }
0x7: {  	_ = 	snop  }
__scs_overlays_trampoline_lowered:
0x8: {  	[smem:$0x3FA9] =	sst s0  }
0x9: {  	[smem:$0x3FAA] =	sst s1  }
0xa: {  	[smem:$0x3FAB] =	sst s2  }
0xb: {  	[smem:$0x3FAC] =	sst s3  }
0xc: {  	[smem:$0x3FAD] =	sst s4  }
0xd: {  	[smem:$0x3FAE] =	sst s5  }
0xe: {  	[smem:$0x3FAF] =	sst s6  }
0xf: {  	[smem:$0x3FB0] =	sst s7  }
0x10: {  	[smem:$0x3FB1] =	sst s8  }
0x11: {  	[smem:$0x3FB2] =	sst s9;
	s0 =	simm.s32 @!p0 $0x0  }
0x12: {  	s1 =	sld [smem:$0x3F98];
	s0 =	simm.s32 @p0 $0x1  }
0x13: {  	[smem:$0x3FB3] =	sst s0;
	s0 =	simm.s32 @!p1 $0x0  }
0x14: {  	s2 =	sld [smem:$0x3F97];
	s0 =	simm.s32 @p1 $0x1  }
0x15: {  	[smem:$0x3FB4] =	sst s0;
	s0 =	simm.s32 @!p2 $0x0  }
0x16: {  	s3 =	sld [smem:$0x3FDB];
	s0 =	simm.s32 @p2 $0x1  }
0x17: {  	s4 =	simm.s32 $0x1BF5;
	[smem:$0x3FB6] =	sst s0  }
0x18: {  	s0 =	sld [smem:$0x3F99];
	_ =	swait.ge [sflag:s4], $0x0  }
0x19: {  	s7 =	sld [smem:$0x3F9A]  }
0x1a: {  	s8 =	sadd.s32 $0xFFFFE003, lr  }
0x1b: {  	s9 =	sadd.s32 $0xFFFFFEF7, lr;
	s5 =	simm.s32 $0xFFFFFFFF;
	p2 =	slt.u32 s8, $0xFFFFF086  }
0x1c: {  	p1 =	slt.u32 s9, $0xF7A;
	s5 =	simm.s32 @!p2 $0x0  }
0x1d: {  	s5 =	simm.s32 @p1 $0x1;
	p0 =	seq.s32 s7, s2  }
0x1e: {  	s7 =	smul.u32 @!p0 $0xF7A, s2;
	p2 =	seq.s32 @!p0 s5, $0x0  }
0x1f: {  	s9 =	smul.u32 $0xF7A, s1;
	s8 =	simm.s32 @!p0 $0x1BF5;
	p2 =	por !p2, p0  }
0x20: {  	[sflag:s8] =	ssyncset.s32 @!p0 $0xFFFFF086;
	s6 =	sadd.s32 @!p0 s3, s7;
	s7 =	simm.s32 @!p0 $0x108  }
0x21: {  	s3 =	sadd.s32 s3, s9;
	s6 =	sadd.s32 @!p0 $0x88, s6;
	s7 =	simm.s32 @p2 $0x1082  }
0x22: {  	[simem:s7], [sflag:s8] =	dma.local @!p0 [hbm:s6], $0xF7A  }
0x23: {  	s9 =	sor.u32 $0xD0000000, s2;
	s6 =	simm.s32 $0x108;
	_ =	swait.ge @!p0 [sflag:s8], $0x0  }
0x24: {  	s3 =	sadd.s32 $0x88, s3;
	s6 =	simm.s32 @!p1 $0x1082;
	[sflag:s4] =	ssyncset.s32 $0xFFFFF086  }
0x25: {  	[simem:s6], [sflag:s4] =	dma.local [hbm:s3], $0xF7A  }
0x26: {  	[smem:$0x3F9A] =	sst s1;
	(tag) =	ssettag s2;
	_ =	strace s9  }
0x27: {  	s1 =	sld [smem:$0x3FAA]  }
0x28: {  	s2 =	sld [smem:$0x3FAB]  }
0x29: {  	s4 =	sld [smem:$0x3FAD]  }
0x2a: {  	p0 =	seq.s32 s5, $0x0;
	s5 =	sld [smem:$0x3FAE]  }
0x2b: {  	s6 =	sld [smem:$0x3FAF]  }
0x2c: {  	s7 =	sld [smem:$0x3FB0]  }
0x2d: {  	s3 =	simm.s32 $0x108;
	s8 =	sld [smem:$0x3FB1]  }
0x2e: {  	s3 =	simm.s32 @!p0 $0x1082;
	s9 =	sld [smem:$0x3FB2]  }
0x2f: {  	lr =	sadd.s32 s0, s3;
	s0 =	sld [smem:$0x3FA9]  }
0x30: {  	s3 =	sld [smem:$0x3FAC]  }
0x31: {  	[smem:$0x3FB5] =	sst s10  }
0x32: {  	s10 =	sld [smem:$0x3FB3];
	_ =	sdelay $0x3  }
0x33: {  	p0 =	seq.s32 s10, $0x1;
	s10 =	sld [smem:$0x3FB5];
	_ =	sdelay $0x3  }
0x34: {  	[smem:$0x3FB5] =	sst s10  }
0x35: {  	s10 =	sld [smem:$0x3FB4];
	_ =	sdelay $0x3  }
0x36: {  	p1 =	seq.s32 s10, $0x1;
	s10 =	sld [smem:$0x3FB5];
	_ =	sdelay $0x3  }
0x37: {  	[smem:$0x3FB5] =	sst s10  }
0x38: {  	s10 =	sld [smem:$0x3FB6]  }
0x39: {  	_ = 	snop;
	(pc) =	sbr.ind lr, $3  }
0x3a: {  	_ = 	snop  }
0x3b: {  	_ = 	snop  }
0x3c: {  	p2 =	seq.s32 s10, $0x1;
	s10 =	sld [smem:$0x3FB5]  }
0x3d: {  	_ =	shalt  }
0x3e: {  	_ =	shalt  }
0x3f: {  	_ =	shalt  }
0x40: {  	_ =	shalt  }
0x41: {  	_ =	shalt  }
0x42: {  	_ =	shalt  }
0x43: {  	_ =	shalt  }
0x44: {  	_ =	shalt  }
0x45: {  	_ =	shalt  }
0x46: {  	_ =	shalt  }
0x47: {  	_ =	shalt  }
0x48: {  	_ =	shalt  }
0x49: {  	_ =	shalt  }
0x4a: {  	_ =	shalt  }
0x4b: {  	_ =	shalt  }
0x4c: {  	_ =	shalt  }
0x4d: {  	_ =	shalt  }
0x4e: {  	_ =	shalt  }
0x4f: {  	_ =	shalt  }
0x50: {  	_ =	shalt  }
0x51: {  	_ =	shalt  }
0x52: {  	_ =	shalt  }
0x53: {  	_ =	shalt  }
0x54: {  	_ =	shalt  }
0x55: {  	_ =	shalt  }
0x56: {  	_ =	shalt  }
0x57: {  	_ =	shalt  }
0x58: {  	_ =	shalt  }
0x59: {  	_ =	shalt  }
0x5a: {  	_ =	shalt  }
0x5b: {  	_ =	shalt  }
0x5c: {  	_ =	shalt  }
0x5d: {  	_ =	shalt  }
0x5e: {  	_ =	shalt  }
0x5f: {  	_ =	shalt  }
0x60: {  	_ =	shalt  }
0x61: {  	_ =	shalt  }
0x62: {  	_ =	shalt  }
0x63: {  	_ =	shalt  }
0x64: {  	_ =	shalt  }
0x65: {  	_ =	shalt  }
0x66: {  	_ =	shalt  }
0x67: {  	_ =	shalt  }
0x68: {  	_ =	shalt  }
0x69: {  	_ =	shalt  }
0x6a: {  	_ =	shalt  }
0x6b: {  	_ =	shalt  }
0x6c: {  	_ =	shalt  }
0x6d: {  	_ =	shalt  }
0x6e: {  	_ =	shalt  }
0x6f: {  	_ =	shalt  }
0x70: {  	_ =	shalt  }
0x71: {  	_ =	shalt  }
0x72: {  	_ =	shalt  }
0x73: {  	_ =	shalt  }
0x74: {  	_ =	shalt  }
0x75: {  	_ =	shalt  }
0x76: {  	_ =	shalt  }
0x77: {  	_ =	shalt  }
0x78: {  	_ =	shalt  }
0x79: {  	_ =	shalt  }
0x7a: {  	_ =	shalt  }
0x7b: {  	_ =	shalt  }
0x7c: {  	_ =	shalt  }
0x7d: {  	_ =	shalt  }
0x7e: {  	_ =	shalt  }
0x7f: {  	_ =	shalt  }
0x80: {  	_ =	shalt  }
0x81: {  	_ =	shalt  }
0x82: {  	_ =	shalt  }
0x83: {  	_ =	shalt  }
0x84: {  	_ =	shalt  }
0x85: {  	_ =	shalt  }
0x86: {  	_ =	shalt  }
0x87: {  	_ =	shalt  }
.Lfunc_end0:
.L_simem_size_0:
called_computation_lowered:
.L_overlay_start_0:
0x88: {  	s2 =	sld [smem:$0x3FD9]  }
0x89: {  	s3 =	sld [smem:$0x3FFE];
	_ =	sdelay $0x1  }
0x8a: {  	s1 =	srdreg.scid  }
0x8b: {  	s0 =	sand.u32 $0x1, s1  }
0x8c: {  	s17 =	sshll.u32 s0, $0xA;
	s2 =	sadd.s32 s3, s2  }
0x8d: {  	s2 =	sadd.s32 s2, s17  }
0x8e: {  	[smem:$0x3FC1] =	sst s2  }
0x8f: {  	_ = 	snop  }
0x90: {  	s2 =	sld [smem:$0x3FC7];
	(tm) =	ssettm $0x1  }
0x91: {  	s18 =	sld [smem:$0x3FFB];
	_ =	sdelay $0x3  }
0x92: {  	_ =	strace s18  }
0x93: {  	s3 =	sld [smem:$0x3FFC];
	_ =	sdelay $0x3  }
0x94: {  	_ =	strace s3  }
0x95: {  	s3 =	sld [smem:$0x3FFD];
	_ =	sdelay $0x3  }
0x96: {  	_ =	strace s3  }
0x97: {  	_ =	strace $0x8FFFFFFF  }
0x98: {  	s19 =	sld [smem:$0x3FDB];
	_ =	sdelay $0x1  }
0x99: {  	s4 =	simm.s32 $_scs_section_size  }
0x9a: {  	s5 =	simm.s32 $_size__tile_overlayer_lowered;
	s6 =	simm.s32 $_tile_overlayer_lowered  }
0x9b: {  	s22 =	simm.s32 $0x1BFF;
	s21 =	sshll.u32 s6, $0x1;
	s3 =	sadd.s32 s4, s19  }
0x9c: {  	s7 =	simm.s32 $0x0;
	s20 =	sshll.u32 s5, $0x1;
	s5 =	sadd.s32 s21, s3  }
0x9d: {  	[timem:s7], [sflag:s22] =	dma.local [hbm:s5], s20  }
0x9e: {  	_ =	swait.ge [sflag:s22], s20  }
0x9f: {  	s4 =	ssub.s32 $0x0, s20;
	[sflag:s22] =	ssyncset.done $0x0  }
0xa0: {  	[sflag:s22] =	ssyncadd.s32 s4;
	_ =	sdelay $0x1  }
0xa1: {  	s23 =	simm.s32 $0x1B8B  }
0xa2: {  	_ =	swait.ge [sflag:s23], $0x1  }
0xa3: {  	[sflag:s23] =	ssyncset.done $0x0  }
0xa4: {  	s25 =	simm.s32 $0x1B8E;
	s24 =	sld [smem:$0x3FFE];
	[sflag:s23] =	ssyncadd.s32 $0xFFFFFFFF  }
0xa5: {  	s26 =	simm.s32 $execute0_lowered;
	[smem:$0x3FD2] =	sst s25  }
0xa6: {  	s5 =	sshll.u32 s26, $0x1;
	_ =	strace $0x80000049;
	[dreg:$0x1] =	wrdreg $0xFFFFFFFF  }
0xa7: {  	s28 =	simm.s32 $_size_execute0_lowered;
	s3 =	sadd.s32 s3, s5;
	[dreg:$0x0] =	wrdreg $0x0  }
0xa8: {  	s5 =	sshll.u32 s28, $0x1;
	[dreg:$0x2] =	wrdreg s3  }
0xa9: {  	[dreg:$0x3] =	wrdreg s5  }
0xaa: {  	[dreg:$0x4] =	wrdreg $0xC0  }
0xab: {  	_ =	task [dreg:s7], $0x5FFFF  }
0xac: {  	[dreg:$0x1] =	wrdreg $0xFFFFFFFF  }
0xad: {  	[dreg:$0x0] =	wrdreg $0x60  }
0xae: {  	[dreg:$0x2] =	wrdreg s2  }
0xaf: {  	[dreg:$0x3] =	wrdreg s24  }
0xb0: {  	[dreg:$0x4] =	wrdreg $0x9  }
0xb1: {  	_ =	task.clear_ibuf [dreg:s7], $0x5FFFF;
	_ =	strace $0x90000049  }
0xb2: {  	s29 =	simm.s32 $0x9;
	_ =	strace $0x8000004B  }
0xb3: {  	_ =	swait.ge [sflag:s29], $0x1  }
0xb4: {  	[sflag:s29] =	ssyncadd.s32 $0xFFFFFFFF  }
0xb5: {  	_ =	strace $0x9000004B  }
0xb6: {  	_ =	sfence  }
0xb7: {  	s30 =	sld [smem:$0x0];
	_ =	sdelay $0x2  }
0xb8: {  	s31 =	sshll.u32 s1, $0xD;
	s1 =	sshrl.u32 s1, $0x2  }
0xb9: {  	s3 =	sand.u32 $0x4000, s31;
	s1 =	sadd.s32 s1, s30  }
0xba: {  	s0 =	sor.u32 s3, s0;
	s1 =	sshll.u32 s1, $0x11  }
0xbb: {  	s0 =	sor.u32 s1, s0  }
0xbc: {  	s0 =	sadd.s32 $0x8F2B, s0  }
0xbd: {  	[sflag:s0] =	ssyncadd.remote.s32 $0x1  }
0xbe: {  	_ =	sfence.sel $0xFFFF  }
0xbf: {  	[dreg:$0x0] =	wrdreg $0xFFFFFFFF;
	(pc) =	sbr.abs _section_cstart, $3  }
0xc0: {  	[dreg:$0x1] =	wrdreg $0xFFFFFFFF  }
0xc1: {  	_ =	task.clear_ibuf [dreg:s7], $0x2FFFF;
	_ =	strace $0x9FFFFFFF  }
0xc2: {  	(tm) =	ssettm $0x7FFFFFFF  }
0xc3: {  	_ =	shalt  }
tec
execute0_lowered:
.L_overlay_start_1:
0x0: {  	(tag) =	ssettag $0x1  }
0x1: {  	s1 =	srdreg.scid;
	s2 =	rddreg [dreg:$0x0]  }
0x2: {  	s0 =	stileid.u32;
	s5 =	rddreg [dreg:$0x1];
	s6 =	simm.s32 $0x1  }
0x3: {  	s9 =	simm.s32 $0x1;
	s10 =	simm.s32 $0x3;
	s1 =	sshll.u32 s1, $0x8  }
0x4: {  	s13 =	simm.s32 $0x0;
	s3 =	sshll.u32 s0, $0x9;
	s4 =	sand.u32 $0x100, s1  }
0x5: {  	s12 =	simm.s32 $0x0;
	s1 =	rddreg [dreg:$0x2];
	s3 =	sor.u32 s3, s4  }
0x6: {  	_ =	strace $0x8000004A;
	s4 =	sadd.s32 $0xA00, s5;
	s8 =	ssub.s32 $0x2800, s3  }
.Ltmp0:
0x7: {  	s5 =	sadd.s32 $0x1000, s5;
	s7 =	sand.u32 $0x1F00, s8;
	(pc) =	sbr.rel .LBB2_1-.Ltmp0, $4  }
0x8: {  	[sflag:s6] =	ssyncpa.u1 $0x0;
	s11 =	smov.u32 s3;
	p0 =	sne.s32 s7, $0x0  }
0x9: {  	s8 =	sshrl.u32 s8, $0xD;
	s7 =	simm.s32 $0x2;
	s9 =	simm.s32 @!p0 $0x0  }
0xa: {  	[sflag:s7] =	ssyncpa.u1 $0x0;
	p0 =	por $0x0, $0x0;
	s8 =	sadd.s32 s9, s8  }
0xb: {  	vm0 =	vmmov $0xffff;
	[sflag:s10] =	ssyncpa.u1 $0x0;
	s10 =	simm.s32 $0x0;
	s9 =	sadd.s32 $0x1, s8  }
.LBB2_4:
0xc: {  	v2 =	vnsel vm1, $0x0, v2  }
0xd: {  	vm1 =	vgt.s32 v0, $0x0;
	v2 =	vmin.u32 v2, $0x1FFF  }
0xe: {  	v0 =	vnsel vm1, $0x0, v0  }
0xf: {  	v0 =	vmin.u32 v0, $0x1FFF  }
0x10: {  	[tilespmem:s15], [sflag:$0x1] =	stream.indirect_vreg.gather [hbm4b:s2+s10], $0x1, v1, vm0, $0x4038;
	[tilespmem:$0x400] =	vst v63  }
0x11: {  	(ifvalue) =	ssetifvalue $0x7FFFFFFF  }
0x12: {  	[tilespmem:s16], [sflag:$0x1] =	stream.indirect_vreg.gather [hbm4b:s2+s10], $0x1, v2, vm0, $0x4038;
	[tilespmem:$0x400] =	vst v63  }
0x13: {  	s29 =	sadd.s32 $0x10, s16;
	(ifvalue) =	ssetifvalue $0x7FFFFFFF  }
0x14: {  	[tilespmem:s29], [sflag:$0x1] =	stream.indirect_vreg.gather [hbm4b:s2+s10], $0x1, v0, vm0, $0x4038;
	[tilespmem:$0x400] =	vst v63  }
0x15: {  	_ =	swait.ge [sflag:s6], $0x100  }
0x16: {  	s30 =	sshrl.u32 s13, $0x3;
	[sflag:s6] =	ssyncset.done $0x0  }
0x17: {  	s31 =	sand.u32 $0x7, s13;
	s15 =	sadd.s32 s5, s30;
	[sflag:s6] =	ssyncadd.s32 $0xFFFFFF00  }
0x18: {  	[hbm4b:s15+s31] =	stream.linear.scatter [tilespmem:s14], [sflag:$0x3], $0x100, $0x38;
	[tilespmem:$0x400] =	vst v63  }
.LBB2_5:
0x19: {  	s15 =	sadd.s32 $0x2000, s11  }
0x1a: {  	p2 =	sgt.s32 s15, $0x27FF  }
0x1b: {  	s15 =	smov.u32 @p2 s3;
	p2 =	sne.s32 s12, s9  }
.Ltmp1:
0x1c: {  	p1 =	slt.u32 s12, $0x2;
	(pc) =	sbr.rel @!p2 .LBB2_6-.Ltmp1, $4  }
0x1d: {  	s14 =	simm.s32 @!p1 $0x3  }
0x1e: {  	s16 =	sadd.s32 $0x1, s12;
	_ =	swait.ge @!p1 [sflag:s14], $0x100  }
0x1f: {  	s13 =	smov.u32 s11;
	p0 =	por !p0, !p0;
	[sflag:s14] =	ssyncset.done @!p1 $0x0  }
0x20: {  	s12 =	smov.u32 s16;
	s11 =	smov.u32 s15;
	[sflag:s14] =	ssyncadd.s32 @!p1 $0xFFFFFF00  }
.LBB2_1:
0x21: {  	p1 =	sge.u32 s12, s8  }
0x22: {  	s14 =	sxor.u32 @!p1 $0xFFFFFFFF, s12  }
0x23: {  	s31 =	sadd.s32 $0xFFFFFFFF, s12;
	s15 =	sshrl.u32 @!p1 s11, $0x3;
	s14 =	sshll.u32 @!p1 s14, $0x8  }
0x24: {  	s16 =	sand.u32 @!p1 $0x7, s11;
	s15 =	sadd.s32 @!p1 s4, s15;
	s14 =	sand.u32 @!p1 $0x100, s14  }
0x25: {  	[tilespmem:s14], [sflag:$0x2] =	stream.linear.gather @!p1 [hbm4b:s15+s16], $0x100, $0x38;
	[tilespmem:$0x400] =	vst v63  }
0x26: {  	p1 =	sge.u32 s31, s8  }
.Ltmp2:
0x27: {  	_ = 	snop;
	(pc) =	sbr.rel @p1 .LBB2_5-.Ltmp2, $1  }
0x28: {  	_ =	sdelay $0x3  }
0x29: {  	s14 =	simm.s32 $0x1  }
0x2a: {  	_ =	swait.ge [sflag:s7], $0x100;
	s14 =	simm.s32 @!p0 $0x0  }
0x2b: {  	[sflag:s7] =	ssyncset.done $0x0;
	s14 =	sshll.u32 s14, $0x8  }
0x2c: {  	[sflag:s7] =	ssyncadd.s32 $0xFFFFFF00;
	(ifvalue) =	ssetifvalue $0x7FFFFFFF;
	v0 =	vld.msk [tilespmem:s14+$0x0 ss:$0x1], $0xffff;
	_ =	sdelay $0x4  }
0x2d: {  	s15 =	sadd.s32 $0x10, s14;
	vm1 =	vgt.s32 v0, $0x0  }
0x2e: {  	v2 =	vld.msk [tilespmem:s15+$0x0 ss:$0x1], $0xffff;
	v1 =	vnsel vm1, $0x0, v0  }
0x2f: {  	v1 =	vmin.u32 v1, $0x1FFF;
	_ =	sdelay $0x1  }
0x30: {  	s16 =	sshll.u32 s12, $0x8;
	s18 =	simm.s32 $0x20  }
0x31: {  	s16 =	sand.u32 $0x100, s16;
	s17 =	sadd.s32 $0x10, s15;
	s15 =	sor.u32 $0x200, s14  }
0x32: {  	s14 =	sor.u32 $0x200, s16;
	s16 =	sadd.s32 $0x10, s15;
	v0 =	vld.msk [tilespmem:s17+$0x0 ss:$0x1], $0xffff;
	vm1 =	vgt.s32 v2, $0x0;
	(ifvalue) =	ssetifvalue $0x7FFFFFFF  }
.LBB2_3:
0x33: {  	[tilespmem:s15], [sflag:$0x1] =	stream.indirect_vreg.gather [hbm4b:s2+s10], $0x1, v1, vm0, $0x4038;
	[tilespmem:$0x400] =	vst v63  }
0x34: {  	s18 =	sadd.s32 $0x10, s18  }
0x35: {  	v2 =	vnsel vm1, $0x0, v2;
	p1 =	slt.u32 s18, $0xF0  }
.Ltmp3:
0x36: {  	s15 =	smov.u32 s16;
	v1 =	vmin.u32 v2, $0x1FFF;
	(pc) =	sbr.rel @p1 .LBB2_3-.Ltmp3, $3  }
0x37: {  	_ =	sdelay $0x1  }
0x38: {  	s17 =	sadd.s32 $0x10, s17  }
0x39: {  	vm1 =	vgt.s32 v0, $0x0;
	s16 =	sadd.s32 $0x10, s16;
	v2 =	vmov v0;
	(ifvalue) =	ssetifvalue $0x7FFFFFFF;
	v0 =	vld.msk [tilespmem:s17+$0x0 ss:$0x1], $0xffff  }
.Ltmp4:
0x3a: {  	_ = 	snop;
	(pc) =	sbr.rel .LBB2_4-.Ltmp4, $1  }
0x3b: {  	_ =	sdelay $0x3  }
.LBB2_6:
0x3c: {  	_ =	sfence.sel $0x180000  }
0x3d: {  	s2 =	simm.s32 $0x2;
	[bflag:$0x0] =	sbarrier.arrive $0xFFFF  }
0x3e: {  	s30 =	simm.s32 $0x3;
	[sflag:s2] =	ssyncpa.u1 $0x1  }
0x3f: {  	s31 =	simm.s32 $0x1;
	[sflag:s30] =	ssyncpa.u1 $0x1  }
0x40: {  	[sflag:s31] =	ssyncpa.u1 $0x1  }
0x41: {  	p0 =	sne.s32 s0, $0x0;
	_ =	strace $0x9000004A  }
0x42: {  	s0 =	sadd.s32 @!p0 $0x100000, s1;
	[bflag:$0x2] =	sbarrier.arrive $0xFFFF  }
0x43: {  	[sflag:s0] =	ssyncadd.tile.s32 @!p0 $0x1;
	_ =	shalt  }
.Lfunc_end2:
_tile_overlayer_lowered:
.L_overlay_start_2:
0x44: {  	(tag) =	ssettag $0x2  }
0x45: {  	s0 =	rddreg [dreg:$0x0];
	s2 =	stileid.u32  }
0x46: {  	s1 =	rddreg [dreg:$0x1];
	p0 =	sne.s32 s2, $0x0  }
0x47: {  	s3 =	rddreg [dreg:$0x2];
	[bflag:$0x3] =	sbarrier.arrive $0xFFFF;
	s2 =	simm.s32 @!p0 $0x1C01  }
0x48: {  	[timem:s3], [sflag:s2] =	dma.local @!p0 [hbm:s0], s1  }
0x49: {  	s0 =	simm.s32 @!p0 $0x1  }
0x4a: {  	_ =	swait.ge @!p0 [sflag:s0], s1  }
0x4b: {  	s1 =	ssub.s32 @!p0 $0x0, s1;
	[sflag:s0] =	ssyncset.done @!p0 $0x0  }
0x4c: {  	[sflag:s0] =	ssyncadd.s32 @!p0 s1  }
0x4d: {  	[bflag:$0x3] =	sbarrier.arrive $0xFFFF  }
0x4e: {  	_ =	shalt  }

// kernel: kernel.5.cloned.1.call-start
scs
__scs_entry_jumppad:
0x0: {  	(pc) =	sbr.rel $0x88, $3  }
0x1: {  	(tag) =	ssettag $0x0;
	lr =	simm.s32 $0x1  }
0x2: {  	[smem:$0x3F9A] =	sst lr;
	_ =	strace $0xD0000000  }
0x3: {  	_ = 	snop  }
0x4: {  	_ = 	snop  }
0x5: {  	_ = 	snop  }
0x6: {  	_ = 	snop  }
0x7: {  	_ = 	snop  }
__scs_overlays_trampoline_lowered:
0x8: {  	[smem:$0x3FA9] =	sst s0  }
0x9: {  	[smem:$0x3FAA] =	sst s1  }
0xa: {  	[smem:$0x3FAB] =	sst s2  }
0xb: {  	[smem:$0x3FAC] =	sst s3  }
0xc: {  	[smem:$0x3FAD] =	sst s4  }
0xd: {  	[smem:$0x3FAE] =	sst s5  }
0xe: {  	[smem:$0x3FAF] =	sst s6  }
0xf: {  	[smem:$0x3FB0] =	sst s7  }
0x10: {  	[smem:$0x3FB1] =	sst s8  }
0x11: {  	[smem:$0x3FB2] =	sst s9;
	s0 =	simm.s32 @!p0 $0x0  }
0x12: {  	s1 =	sld [smem:$0x3F98];
	s0 =	simm.s32 @p0 $0x1  }
0x13: {  	[smem:$0x3FB3] =	sst s0;
	s0 =	simm.s32 @!p1 $0x0  }
0x14: {  	s2 =	sld [smem:$0x3F97];
	s0 =	simm.s32 @p1 $0x1  }
0x15: {  	[smem:$0x3FB4] =	sst s0;
	s0 =	simm.s32 @!p2 $0x0  }
0x16: {  	s3 =	sld [smem:$0x3FDB];
	s0 =	simm.s32 @p2 $0x1  }
0x17: {  	s4 =	simm.s32 $0x1BF5;
	[smem:$0x3FB6] =	sst s0  }
0x18: {  	s0 =	sld [smem:$0x3F99];
	_ =	swait.ge [sflag:s4], $0x0  }
0x19: {  	s7 =	sld [smem:$0x3F9A]  }
0x1a: {  	s8 =	sadd.s32 $0xFFFFE003, lr  }
0x1b: {  	s9 =	sadd.s32 $0xFFFFFEF7, lr;
	s5 =	simm.s32 $0xFFFFFFFF;
	p2 =	slt.u32 s8, $0xFFFFF086  }
0x1c: {  	p1 =	slt.u32 s9, $0xF7A;
	s5 =	simm.s32 @!p2 $0x0  }
0x1d: {  	s5 =	simm.s32 @p1 $0x1;
	p0 =	seq.s32 s7, s2  }
0x1e: {  	s7 =	smul.u32 @!p0 $0xF7A, s2;
	p2 =	seq.s32 @!p0 s5, $0x0  }
0x1f: {  	s9 =	smul.u32 $0xF7A, s1;
	s8 =	simm.s32 @!p0 $0x1BF5;
	p2 =	por !p2, p0  }
0x20: {  	[sflag:s8] =	ssyncset.s32 @!p0 $0xFFFFF086;
	s6 =	sadd.s32 @!p0 s3, s7;
	s7 =	simm.s32 @!p0 $0x108  }
0x21: {  	s3 =	sadd.s32 s3, s9;
	s6 =	sadd.s32 @!p0 $0x88, s6;
	s7 =	simm.s32 @p2 $0x1082  }
0x22: {  	[simem:s7], [sflag:s8] =	dma.local @!p0 [hbm:s6], $0xF7A  }
0x23: {  	s9 =	sor.u32 $0xD0000000, s2;
	s6 =	simm.s32 $0x108;
	_ =	swait.ge @!p0 [sflag:s8], $0x0  }
0x24: {  	s3 =	sadd.s32 $0x88, s3;
	s6 =	simm.s32 @!p1 $0x1082;
	[sflag:s4] =	ssyncset.s32 $0xFFFFF086  }
0x25: {  	[simem:s6], [sflag:s4] =	dma.local [hbm:s3], $0xF7A  }
0x26: {  	[smem:$0x3F9A] =	sst s1;
	(tag) =	ssettag s2;
	_ =	strace s9  }
0x27: {  	s1 =	sld [smem:$0x3FAA]  }
0x28: {  	s2 =	sld [smem:$0x3FAB]  }
0x29: {  	s4 =	sld [smem:$0x3FAD]  }
0x2a: {  	p0 =	seq.s32 s5, $0x0;
	s5 =	sld [smem:$0x3FAE]  }
0x2b: {  	s6 =	sld [smem:$0x3FAF]  }
0x2c: {  	s7 =	sld [smem:$0x3FB0]  }
0x2d: {  	s3 =	simm.s32 $0x108;
	s8 =	sld [smem:$0x3FB1]  }
0x2e: {  	s3 =	simm.s32 @!p0 $0x1082;
	s9 =	sld [smem:$0x3FB2]  }
0x2f: {  	lr =	sadd.s32 s0, s3;
	s0 =	sld [smem:$0x3FA9]  }
0x30: {  	s3 =	sld [smem:$0x3FAC]  }
0x31: {  	[smem:$0x3FB5] =	sst s10  }
0x32: {  	s10 =	sld [smem:$0x3FB3];
	_ =	sdelay $0x3  }
0x33: {  	p0 =	seq.s32 s10, $0x1;
	s10 =	sld [smem:$0x3FB5];
	_ =	sdelay $0x3  }
0x34: {  	[smem:$0x3FB5] =	sst s10  }
0x35: {  	s10 =	sld [smem:$0x3FB4];
	_ =	sdelay $0x3  }
0x36: {  	p1 =	seq.s32 s10, $0x1;
	s10 =	sld [smem:$0x3FB5];
	_ =	sdelay $0x3  }
0x37: {  	[smem:$0x3FB5] =	sst s10  }
0x38: {  	s10 =	sld [smem:$0x3FB6]  }
0x39: {  	_ = 	snop;
	(pc) =	sbr.ind lr, $3  }
0x3a: {  	_ = 	snop  }
0x3b: {  	_ = 	snop  }
0x3c: {  	p2 =	seq.s32 s10, $0x1;
	s10 =	sld [smem:$0x3FB5]  }
0x3d: {  	_ =	shalt  }
0x3e: {  	_ =	shalt  }
0x3f: {  	_ =	shalt  }
0x40: {  	_ =	shalt  }
0x41: {  	_ =	shalt  }
0x42: {  	_ =	shalt  }
0x43: {  	_ =	shalt  }
0x44: {  	_ =	shalt  }
0x45: {  	_ =	shalt  }
0x46: {  	_ =	shalt  }
0x47: {  	_ =	shalt  }
0x48: {  	_ =	shalt  }
0x49: {  	_ =	shalt  }
0x4a: {  	_ =	shalt  }
0x4b: {  	_ =	shalt  }
0x4c: {  	_ =	shalt  }
0x4d: {  	_ =	shalt  }
0x4e: {  	_ =	shalt  }
0x4f: {  	_ =	shalt  }
0x50: {  	_ =	shalt  }
0x51: {  	_ =	shalt  }
0x52: {  	_ =	shalt  }
0x53: {  	_ =	shalt  }
0x54: {  	_ =	shalt  }
0x55: {  	_ =	shalt  }
0x56: {  	_ =	shalt  }
0x57: {  	_ =	shalt  }
0x58: {  	_ =	shalt  }
0x59: {  	_ =	shalt  }
0x5a: {  	_ =	shalt  }
0x5b: {  	_ =	shalt  }
0x5c: {  	_ =	shalt  }
0x5d: {  	_ =	shalt  }
0x5e: {  	_ =	shalt  }
0x5f: {  	_ =	shalt  }
0x60: {  	_ =	shalt  }
0x61: {  	_ =	shalt  }
0x62: {  	_ =	shalt  }
0x63: {  	_ =	shalt  }
0x64: {  	_ =	shalt  }
0x65: {  	_ =	shalt  }
0x66: {  	_ =	shalt  }
0x67: {  	_ =	shalt  }
0x68: {  	_ =	shalt  }
0x69: {  	_ =	shalt  }
0x6a: {  	_ =	shalt  }
0x6b: {  	_ =	shalt  }
0x6c: {  	_ =	shalt  }
0x6d: {  	_ =	shalt  }
0x6e: {  	_ =	shalt  }
0x6f: {  	_ =	shalt  }
0x70: {  	_ =	shalt  }
0x71: {  	_ =	shalt  }
0x72: {  	_ =	shalt  }
0x73: {  	_ =	shalt  }
0x74: {  	_ =	shalt  }
0x75: {  	_ =	shalt  }
0x76: {  	_ =	shalt  }
0x77: {  	_ =	shalt  }
0x78: {  	_ =	shalt  }
0x79: {  	_ =	shalt  }
0x7a: {  	_ =	shalt  }
0x7b: {  	_ =	shalt  }
0x7c: {  	_ =	shalt  }
0x7d: {  	_ =	shalt  }
0x7e: {  	_ =	shalt  }
0x7f: {  	_ =	shalt  }
0x80: {  	_ =	shalt  }
0x81: {  	_ =	shalt  }
0x82: {  	_ =	shalt  }
0x83: {  	_ =	shalt  }
0x84: {  	_ =	shalt  }
0x85: {  	_ =	shalt  }
0x86: {  	_ =	shalt  }
0x87: {  	_ =	shalt  }
.Lfunc_end0:
.L_simem_size_0:
called_computation.2_lowered:
.L_overlay_start_0:
0x88: {  	s2 =	sld [smem:$0x3FD9]  }
0x89: {  	s3 =	sld [smem:$0x3FFE];
	_ =	sdelay $0x1  }
0x8a: {  	s1 =	srdreg.scid  }
0x8b: {  	s0 =	sand.u32 $0x1, s1  }
0x8c: {  	s17 =	sshll.u32 s0, $0xA;
	s2 =	sadd.s32 s3, s2  }
0x8d: {  	s2 =	sadd.s32 s2, s17  }
0x8e: {  	[smem:$0x3FC1] =	sst s2  }
0x8f: {  	_ = 	snop  }
0x90: {  	s18 =	sld [smem:$0x3FC9]  }
0x91: {  	s4 =	sld [smem:$0x3FD0];
	(tm) =	ssettm $0x1  }
0x92: {  	s19 =	sld [smem:$0x3FFB];
	_ =	sdelay $0x3  }
0x93: {  	_ =	strace s19  }
0x94: {  	s2 =	sld [smem:$0x3FFC];
	_ =	sdelay $0x3  }
0x95: {  	_ =	strace s2  }
0x96: {  	s2 =	sld [smem:$0x3FFD];
	_ =	sdelay $0x3  }
0x97: {  	_ =	strace s2  }
0x98: {  	_ =	strace $0x8FFFFFFF  }
0x99: {  	s20 =	sld [smem:$0x3FDB];
	_ =	sdelay $0x1  }
0x9a: {  	s5 =	simm.s32 $_scs_section_size  }
0x9b: {  	s6 =	simm.s32 $_size__tile_overlayer_lowered;
	s7 =	simm.s32 $_tile_overlayer_lowered  }
0x9c: {  	s8 =	simm.s32 $0x1BFF;
	s21 =	sshll.u32 s7, $0x1;
	s5 =	sadd.s32 s5, s20  }
0x9d: {  	s22 =	simm.s32 $0x0;
	s6 =	sshll.u32 s6, $0x1;
	s7 =	sadd.s32 s21, s5  }
0x9e: {  	[timem:s22], [sflag:s8] =	dma.local [hbm:s7], s6  }
0x9f: {  	_ =	swait.ge [sflag:s8], s6  }
0xa0: {  	s6 =	ssub.s32 $0x0, s6;
	[sflag:s8] =	ssyncset.done $0x0  }
0xa1: {  	[sflag:s8] =	ssyncadd.s32 s6;
	_ =	sdelay $0x1  }
0xa2: {  	s23 =	simm.s32 $0x1B8B  }
0xa3: {  	_ =	swait.ge [sflag:s23], $0x1  }
0xa4: {  	[sflag:s23] =	ssyncset.done $0x0  }
0xa5: {  	[sflag:s23] =	ssyncadd.s32 $0xFFFFFFFF  }
0xa6: {  	s6 =	sld [smem:$0x0]  }
0xa7: {  	s7 =	sand.u32 $0xFFFFFFFE, s1  }
0xa8: {  	p0 =	sne.s32 s1, s7  }
0xa9: {  	s7 =	sshll.u32 @p0 s7, $0xE  }
0xaa: {  	s7 =	sadd.s32 @p0 $0x11B8D, s7;
	s8 =	sshll.u32 @p0 s6, $0x11  }
0xab: {  	s7 =	sor.u32 @p0 s8, s7  }
0xac: {  	[sflag:s7] =	ssyncadd.remote.s32 @p0 $0x1;
	_ =	sdelay $0x1  }
0xad: {  	s7 =	simm.s32 @p0 $0x1B8D  }
0xae: {  	_ =	swait.eq @p0 [sflag:s7], $0x1  }
0xaf: {  	[sflag:s7] =	ssyncadd.s32 @p0 $0xFFFFFFFF  }
0xb0: {  	s8 =	sshll.u32 @!p0 s1, $0xE  }
0xb1: {  	s8 =	sor.u32 @!p0 $0x4000, s8;
	s7 =	simm.s32 @!p0 $0x1B8D  }
0xb2: {  	s6 =	sshll.u32 @!p0 s6, $0x11;
	s8 =	sadd.s32 @!p0 $0x11B8D, s8;
	_ =	swait.eq @!p0 [sflag:s7], $0x1  }
0xb3: {  	s6 =	sor.u32 @!p0 s6, s8;
	[sflag:s7] =	ssyncadd.s32 @!p0 $0xFFFFFFFF  }
0xb4: {  	s25 =	simm.s32 $0x1B8E;
	s24 =	sld [smem:$0x3FFE];
	[sflag:s6] =	ssyncadd.remote.s32 @!p0 $0x1  }
0xb5: {  	s26 =	simm.s32 $execute0_lowered;
	[smem:$0x3FD2] =	sst s25  }
0xb6: {  	s7 =	sshll.u32 s26, $0x1;
	_ =	strace $0x8000004C;
	[dreg:$0x1] =	wrdreg $0xFFFFFFFF  }
0xb7: {  	s28 =	simm.s32 $_size_execute0_lowered;
	s5 =	sadd.s32 s5, s7;
	[dreg:$0x0] =	wrdreg $0x0  }
0xb8: {  	s7 =	sshll.u32 s28, $0x1;
	[dreg:$0x2] =	wrdreg s5  }
0xb9: {  	[dreg:$0x3] =	wrdreg s7  }
0xba: {  	[dreg:$0x4] =	wrdreg $0xC0  }
0xbb: {  	_ =	task [dreg:s22], $0x5FFFF  }
0xbc: {  	[dreg:$0x1] =	wrdreg $0xFFFFFFFF  }
0xbd: {  	[dreg:$0x0] =	wrdreg $0x60  }
0xbe: {  	[dreg:$0x2] =	wrdreg s18  }
0xbf: {  	[dreg:$0x3] =	wrdreg s4  }
0xc0: {  	[dreg:$0x4] =	wrdreg s24  }
0xc1: {  	[dreg:$0x5] =	wrdreg $0xA  }
0xc2: {  	_ =	task.clear_ibuf [dreg:s22], $0x6FFFF;
	_ =	strace $0x9000004C  }
0xc3: {  	s29 =	simm.s32 $0xA;
	_ =	strace $0x8000004E  }
0xc4: {  	_ =	swait.ge [sflag:s29], $0x1  }
0xc5: {  	[sflag:s29] =	ssyncadd.s32 $0xFFFFFFFF  }
0xc6: {  	_ =	strace $0x9000004E  }
0xc7: {  	_ =	sfence  }
0xc8: {  	s30 =	sld [smem:$0x0];
	_ =	sdelay $0x2  }
0xc9: {  	s31 =	sshll.u32 s1, $0xD;
	s1 =	sshrl.u32 s1, $0x2  }
0xca: {  	s4 =	sand.u32 $0x4000, s31;
	s1 =	sadd.s32 s1, s30  }
0xcb: {  	s0 =	sor.u32 s4, s0;
	s1 =	sshll.u32 s1, $0x11  }
0xcc: {  	s0 =	sor.u32 s1, s0  }
0xcd: {  	s0 =	sadd.s32 $0x8F2B, s0  }
0xce: {  	[sflag:s0] =	ssyncadd.remote.s32 $0x1  }
0xcf: {  	_ =	sfence.sel $0xFFFF  }
0xd0: {  	[dreg:$0x0] =	wrdreg $0xFFFFFFFF;
	(pc) =	sbr.abs _section_cstart, $3  }
0xd1: {  	[dreg:$0x1] =	wrdreg $0xFFFFFFFF  }
0xd2: {  	_ =	task.clear_ibuf [dreg:s22], $0x2FFFF;
	_ =	strace $0x9FFFFFFF  }
0xd3: {  	(tm) =	ssettm $0x7FFFFFFF  }
tec
execute0_lowered:
.L_overlay_start_1:
0x0: {  	(tag) =	ssettag $0x1  }
0x1: {  	s1 =	rddreg [dreg:$0x0];
	s2 =	srdreg.scid  }
0x2: {  	s3 =	stileid.u32;
	s0 =	rddreg [dreg:$0x1]  }
0x3: {  	s6 =	rddreg [dreg:$0x2];
	s4 =	sand.u32 $0x1, s2;
	s16 =	sshll.u32 s3, $0x1  }
0x4: {  	s30 =	simm.s32 $0x100;
	s3 =	simm.s32 $0x0;
	s2 =	sor.u32 s4, s16  }
0x5: {  	[smem:$0x7FF] =	sst s3;
	s4 =	ssub.s32 $0x2, s4;
	s5 =	smul.u32 $0x140, s2  }
0x6: {  	_ =	strace $0x8000004D;
	s10 =	smul.u32 $0xA000, s2;
	s2 =	sadd.s32 $0x1600, s6  }
0x7: {  	s28 =	sshrl.u32 s4, $0x1;
	s7 =	sshrl.u32 s5, $0x3;
	s8 =	sor.u32 $0x20, s5  }
0x8: {  	s18 =	sadd.s32 s2, s10;
	s19 =	sadd.s32 $0x40, s5;
	s21 =	sadd.s32 $0x60, s5  }
0x9: {  	s26 =	sadd.s32 $0x80, s5;
	s31 =	sadd.s32 $0xA0, s5;
	s14 =	sadd.s32 $0xC0, s5  }
0xa: {  	s7 =	sadd.s32 s0, s7;
	s9 =	sshrl.u32 s8, $0x3;
	[dreg:$0x6] =	wrdreg s18  }
0xb: {  	s20 =	sshrl.u32 s19, $0x3;
	s8 =	sshll.u32 s8, $0x7;
	s23 =	sshrl.u32 s21, $0x3  }
0xc: {  	s29 =	sshrl.u32 s26, $0x3;
	s11 =	sshrl.u32 s31, $0x3;
	s15 =	sshrl.u32 s14, $0x3  }
0xd: {  	s16 =	sshll.u32 s31, $0x7;
	[dreg:$0x4] =	wrdreg s7;
	s17 =	sadd.s32 s0, s9  }
0xe: {  	s6 =	sadd.s32 s0, s20;
	s22 =	sadd.s32 s2, s8;
	[dreg:$0x5] =	wrdreg s17  }
0xf: {  	s24 =	sadd.s32 s0, s23;
	s7 =	sshll.u32 s19, $0x7;
	[dreg:$0x7] =	wrdreg s6  }
0x10: {  	s9 =	sshll.u32 s21, $0x7;
	s12 =	sadd.s32 s0, s11;
	[dreg:$0x8] =	wrdreg s22  }
0x11: {  	s8 =	ssub.s32 s4, s28;
	s4 =	sadd.s32 s0, s15;
	[dreg:$0x9] =	wrdreg s24  }
0x12: {  	s18 =	sadd.s32 s2, s16;
	s21 =	sshll.u32 s14, $0x7;
	[dreg:$0xd] =	wrdreg s12  }
0x13: {  	s25 =	sadd.s32 s2, s7;
	s6 =	sadd.s32 s0, s29;
	[dreg:$0xf] =	wrdreg s4  }
0x14: {  	s9 =	sadd.s32 s2, s9;
	s7 =	sshll.u32 s26, $0x7;
	[dreg:$0x10] =	wrdreg s18  }
0x15: {  	s17 =	sadd.s32 $0xE0, s5;
	s22 =	sadd.s32 $0x100, s5;
	[dreg:$0xa] =	wrdreg s25  }
0x16: {  	s4 =	sadd.s32 $0x100, s1;
	s5 =	sadd.s32 $0x120, s5;
	[dreg:$0xb] =	wrdreg s6  }
0x17: {  	[dreg:$0xc] =	wrdreg s9;
	s13 =	sadd.s32 s2, s7;
	s19 =	sshrl.u32 s17, $0x3  }
0x18: {  	s6 =	sadd.s32 s2, s21;
	s23 =	sshrl.u32 s22, $0x3;
	s9 =	sshll.u32 s17, $0x7  }
0x19: {  	s25 =	sshrl.u32 s5, $0x3;
	s26 =	sshll.u32 s22, $0x7;
	[dreg:$0xe] =	wrdreg s13  }
0x1a: {  	s29 =	sshll.u32 s5, $0x7;
	s20 =	sadd.s32 s0, s19;
	[dreg:$0x12] =	wrdreg s6  }
0x1b: {  	s5 =	sadd.s32 $0x200, s1;
	s6 =	sadd.s32 s0, s23;
	[dreg:$0x11] =	wrdreg s20  }
0x1c: {  	s7 =	smax.u32 s8, $0x1;
	s24 =	sadd.s32 s2, s9;
	[dreg:$0x13] =	wrdreg s6  }
0x1d: {  	s8 =	simm.s32 $0x3;
	s0 =	sadd.s32 s0, s25;
	[dreg:$0x14] =	wrdreg s24  }
0x1e: {  	v2 =	vlaneseq.u32;
	s28 =	sadd.s32 s2, s26;
	s31 =	sadd.s32 s2, s29;
	[dreg:$0x15] =	wrdreg s0  }
0x1f: {  	vm0 =	vmmov $0xffff;
	v1 =	vshrl.u32 v2, $0x3;
	s26 =	simm.s32 $0x8100;
	s19 =	simm.s32 $0x1;
	[dreg:$0x16] =	wrdreg s28  }
0x20: {  	v0 =	vand.u32 $0x7, v2;
	v2 =	vor.u32 $0x8, v2;
	v1 =	vmul.u32 $0x8, v1;
	s6 =	sadd.s32 $0x300, s1;
	[dreg:$0x17] =	wrdreg s31;
	s20 =	simm.s32 $0x2  }
.LBB2_1:
0x21: {  	s21 =	rddreg [dreg:$0x4]  }
0x22: {  	[tilespmem:s3], [sflag:$0x3] =	stream.linear.gather [hbm4b:s21+s3], $0x20, $0x38;
	[tilespmem:$0x10100] =	vst v63  }
0x23: {  	_ =	swait.ge [sflag:s8], $0x20  }
0x24: {  	[sflag:s8] =	ssyncset.done $0x0  }
0x25: {  	[sflag:s8] =	ssyncadd.s32 $0xFFFFFFE0  }
0x26: {  	v3 =	vld [tilespmem:$0x0];
	_ =	sdelay $0x4  }
0x27: {  	v4 =	vshll.u32 v3, $0x3  }
0x28: {  	v3 =	vand.u32 $0x7, v3;
	v4 =	vand.u32 $0xFFFFFFC0, v4  }
0x29: {  	v3 =	vor.u32 v3, v4  }
0x2a: {  	v4 =	vperm.xlane v3, v0;
	_ =	sdelay $0x1  }
0x2b: {  	v4 =	vadd.s32 v1, v4;
	_ =	sdelay $0x4  }
0x2c: {  	[tilespmem:s30], [sflag:$0x1] =	stream.indirect_vreg.gather [hbm4b:s1+s3], $0x80, v4, vm0, $0xb8;
	[tilespmem:$0x10100] =	vst v63  }
0x2d: {  	s0 =	simm.s32 $0x900;
	v3 =	vperm.xlane v3, v2  }
0x2e: {  	[tilespmem:s0], [sflag:$0x1] =	stream.indirect_vreg.gather [hbm4b:s4+s3], $0x80, v4, vm0, $0xb8;
	[tilespmem:$0x10100] =	vst v63  }
0x2f: {  	s9 =	simm.s32 $0x1100;
	v3 =	vadd.s32 v1, v3  }
0x30: {  	[tilespmem:s9], [sflag:$0x1] =	stream.indirect_vreg.gather [hbm4b:s5+s3], $0x80, v4, vm0, $0xb8;
	[tilespmem:$0x10100] =	vst v63  }
0x31: {  	s11 =	simm.s32 $0x1900  }
0x32: {  	[tilespmem:s11], [sflag:$0x1] =	stream.indirect_vreg.gather [hbm4b:s6+s3], $0x80, v4, vm0, $0xb8;
	[tilespmem:$0x10100] =	vst v63  }
0x33: {  	s12 =	simm.s32 $0x2100  }
0x34: {  	[tilespmem:s12], [sflag:$0x1] =	stream.indirect_vreg.gather [hbm4b:s1+s3], $0x80, v3, vm0, $0xb8;
	[tilespmem:$0x10100] =	vst v63  }
0x35: {  	s13 =	simm.s32 $0x2900  }
0x36: {  	[tilespmem:s13], [sflag:$0x1] =	stream.indirect_vreg.gather [hbm4b:s4+s3], $0x80, v3, vm0, $0xb8;
	[tilespmem:$0x10100] =	vst v63  }
0x37: {  	s14 =	simm.s32 $0x3100  }
0x38: {  	[tilespmem:s14], [sflag:$0x1] =	stream.indirect_vreg.gather [hbm4b:s5+s3], $0x80, v3, vm0, $0xb8;
	[tilespmem:$0x10100] =	vst v63  }
0x39: {  	s15 =	simm.s32 $0x3900  }
0x3a: {  	[tilespmem:s15], [sflag:$0x1] =	stream.indirect_vreg.gather [hbm4b:s6+s3], $0x80, v3, vm0, $0xb8;
	[tilespmem:$0x10100] =	vst v63  }
0x3b: {  	v3 =	vld [tilespmem:$0x10];
	_ =	sdelay $0x4  }
0x3c: {  	v45 =	vshll.u32 v3, $0x3  }
0x3d: {  	v3 =	vand.u32 $0x7, v3;
	v4 =	vand.u32 $0xFFFFFFC0, v45  }
0x3e: {  	v3 =	vor.u32 v3, v4  }
0x3f: {  	v4 =	vperm.xlane v3, v0;
	_ =	sdelay $0x1  }
0x40: {  	v4 =	vadd.s32 v1, v4;
	_ =	sdelay $0x3  }
0x41: {  	s16 =	simm.s32 $0x4100  }
0x42: {  	[tilespmem:s16], [sflag:$0x1] =	stream.indirect_vreg.gather [hbm4b:s1+s3], $0x80, v4, vm0, $0xb8;
	[tilespmem:$0x10100] =	vst v63  }
0x43: {  	s17 =	simm.s32 $0x4900;
	v3 =	vperm.xlane v3, v2  }
0x44: {  	[tilespmem:s17], [sflag:$0x1] =	stream.indirect_vreg.gather [hbm4b:s4+s3], $0x80, v4, vm0, $0xb8;
	[tilespmem:$0x10100] =	vst v63  }
0x45: {  	s18 =	simm.s32 $0x5100;
	v3 =	vadd.s32 v1, v3  }
0x46: {  	[tilespmem:s18], [sflag:$0x1] =	stream.indirect_vreg.gather [hbm4b:s5+s3], $0x80, v4, vm0, $0xb8;
	[tilespmem:$0x10100] =	vst v63  }
0x47: {  	s21 =	simm.s32 $0x5900  }
0x48: {  	[tilespmem:s21], [sflag:$0x1] =	stream.indirect_vreg.gather [hbm4b:s6+s3], $0x80, v4, vm0, $0xb8;
	[tilespmem:$0x10100] =	vst v63  }
0x49: {  	s22 =	simm.s32 $0x6100  }
0x4a: {  	[tilespmem:s22], [sflag:$0x1] =	stream.indirect_vreg.gather [hbm4b:s1+s3], $0x80, v3, vm0, $0xb8;
	[tilespmem:$0x10100] =	vst v63  }
0x4b: {  	s23 =	simm.s32 $0x6900  }
0x4c: {  	[tilespmem:s23], [sflag:$0x1] =	stream.indirect_vreg.gather [hbm4b:s4+s3], $0x80, v3, vm0, $0xb8;
	[tilespmem:$0x10100] =	vst v63  }
0x4d: {  	s24 =	simm.s32 $0x7100  }
0x4e: {  	[tilespmem:s24], [sflag:$0x1] =	stream.indirect_vreg.gather [hbm4b:s5+s3], $0x80, v3, vm0, $0xb8;
	[tilespmem:$0x10100] =	vst v63  }
0x4f: {  	s28 =	simm.s32 $0x7900  }
0x50: {  	[tilespmem:s28], [sflag:$0x1] =	stream.indirect_vreg.gather [hbm4b:s6+s3], $0x80, v3, vm0, $0xb8;
	[tilespmem:$0x10100] =	vst v63  }
0x51: {  	s29 =	simm.s32 $0x80;
	s25 =	rddreg [dreg:$0x5]  }
0x52: {  	[tilespmem:s29], [sflag:$0x3] =	stream.linear.gather [hbm4b:s25+s3], $0x20, $0x38;
	[tilespmem:$0x10100] =	vst v63  }
0x53: {  	_ =	swait.ge [sflag:s8], $0x20  }
0x54: {  	[sflag:s8] =	ssyncset.done $0x0  }
0x55: {  	[sflag:s8] =	ssyncadd.s32 $0xFFFFFFE0  }
0x56: {  	v3 =	vld [tilespmem:$0x80];
	_ =	sdelay $0x4  }
0x57: {  	v46 =	vshll.u32 v3, $0x3  }
0x58: {  	v3 =	vand.u32 $0x7, v3;
	v4 =	vand.u32 $0xFFFFFFC0, v46  }
0x59: {  	v3 =	vor.u32 v3, v4  }
0x5a: {  	v4 =	vperm.xlane v3, v0;
	_ =	sdelay $0x1  }
0x5b: {  	v4 =	vadd.s32 v1, v4;
	_ =	sdelay $0x4  }
0x5c: {  	[tilespmem:s26], [sflag:$0x2] =	stream.indirect_vreg.gather [hbm4b:s1+s3], $0x80, v4, vm0, $0xb8;
	[tilespmem:$0x10100] =	vst v63  }
0x5d: {  	s31 =	simm.s32 $0x8900;
	v3 =	vperm.xlane v3, v2  }
0x5e: {  	[tilespmem:s31], [sflag:$0x2] =	stream.indirect_vreg.gather [hbm4b:s4+s3], $0x80, v4, vm0, $0xb8;
	[tilespmem:$0x10100] =	vst v63  }
0x5f: {  	s11 =	simm.s32 $0x9100;
	v3 =	vadd.s32 v1, v3  }
0x60: {  	[tilespmem:s11], [sflag:$0x2] =	stream.indirect_vreg.gather [hbm4b:s5+s3], $0x80, v4, vm0, $0xb8;
	[tilespmem:$0x10100] =	vst v63  }
0x61: {  	s15 =	simm.s32 $0x9900  }
0x62: {  	[tilespmem:s15], [sflag:$0x2] =	stream.indirect_vreg.gather [hbm4b:s6+s3], $0x80, v4, vm0, $0xb8;
	[tilespmem:$0x10100] =	vst v63  }
0x63: {  	s16 =	simm.s32 $0xA100  }
0x64: {  	[tilespmem:s16], [sflag:$0x2] =	stream.indirect_vreg.gather [hbm4b:s1+s3], $0x80, v3, vm0, $0xb8;
	[tilespmem:$0x10100] =	vst v63  }
0x65: {  	s17 =	simm.s32 $0xA900  }
0x66: {  	[tilespmem:s17], [sflag:$0x2] =	stream.indirect_vreg.gather [hbm4b:s4+s3], $0x80, v3, vm0, $0xb8;
	[tilespmem:$0x10100] =	vst v63  }
0x67: {  	s18 =	simm.s32 $0xB100  }
0x68: {  	[tilespmem:s18], [sflag:$0x2] =	stream.indirect_vreg.gather [hbm4b:s5+s3], $0x80, v3, vm0, $0xb8;
	[tilespmem:$0x10100] =	vst v63  }
0x69: {  	s22 =	simm.s32 $0xB900  }
0x6a: {  	[tilespmem:s22], [sflag:$0x2] =	stream.indirect_vreg.gather [hbm4b:s6+s3], $0x80, v3, vm0, $0xb8;
	[tilespmem:$0x10100] =	vst v63  }
0x6b: {  	v3 =	vld [tilespmem:$0x90];
	_ =	sdelay $0x4  }
0x6c: {  	v47 =	vshll.u32 v3, $0x3  }
0x6d: {  	v3 =	vand.u32 $0x7, v3;
	v4 =	vand.u32 $0xFFFFFFC0, v47  }
0x6e: {  	v3 =	vor.u32 v3, v4  }
0x6f: {  	v4 =	vperm.xlane v3, v0;
	_ =	sdelay $0x1  }
0x70: {  	v4 =	vadd.s32 v1, v4;
	_ =	sdelay $0x3  }
0x71: {  	s23 =	simm.s32 $0xC100  }
0x72: {  	[tilespmem:s23], [sflag:$0x2] =	stream.indirect_vreg.gather [hbm4b:s1+s3], $0x80, v4, vm0, $0xb8;
	[tilespmem:$0x10100] =	vst v63  }
0x73: {  	s29 =	simm.s32 $0xC900;
	v3 =	vperm.xlane v3, v2  }
0x74: {  	[tilespmem:s29], [sflag:$0x2] =	stream.indirect_vreg.gather [hbm4b:s4+s3], $0x80, v4, vm0, $0xb8;
	[tilespmem:$0x10100] =	vst v63  }
0x75: {  	s0 =	simm.s32 $0xD100;
	v3 =	vadd.s32 v1, v3  }
0x76: {  	[tilespmem:s0], [sflag:$0x2] =	stream.indirect_vreg.gather [hbm4b:s5+s3], $0x80, v4, vm0, $0xb8;
	[tilespmem:$0x10100] =	vst v63  }
0x77: {  	s11 =	simm.s32 $0xD900  }
0x78: {  	[tilespmem:s11], [sflag:$0x2] =	stream.indirect_vreg.gather [hbm4b:s6+s3], $0x80, v4, vm0, $0xb8;
	[tilespmem:$0x10100] =	vst v63  }
0x79: {  	s15 =	simm.s32 $0xE100  }
0x7a: {  	[tilespmem:s15], [sflag:$0x2] =	stream.indirect_vreg.gather [hbm4b:s1+s3], $0x80, v3, vm0, $0xb8;
	[tilespmem:$0x10100] =	vst v63  }
0x7b: {  	s16 =	simm.s32 $0xE900  }
0x7c: {  	[tilespmem:s16], [sflag:$0x2] =	stream.indirect_vreg.gather [hbm4b:s4+s3], $0x80, v3, vm0, $0xb8;
	[tilespmem:$0x10100] =	vst v63  }
0x7d: {  	s17 =	simm.s32 $0xF100  }
0x7e: {  	[tilespmem:s17], [sflag:$0x2] =	stream.indirect_vreg.gather [hbm4b:s5+s3], $0x80, v3, vm0, $0xb8;
	[tilespmem:$0x10100] =	vst v63  }
0x7f: {  	s23 =	simm.s32 $0xF900  }
0x80: {  	[tilespmem:s23], [sflag:$0x2] =	stream.indirect_vreg.gather [hbm4b:s6+s3], $0x80, v3, vm0, $0xb8;
	[tilespmem:$0x10100] =	vst v63  }
0x81: {  	_ =	swait.ge [sflag:s19], $0x8000  }
0x82: {  	[sflag:s19] =	ssyncset.done $0x0  }
0x83: {  	s29 =	rddreg [dreg:$0x6];
	[sflag:s19] =	ssyncadd.s32 $0xFFFF8000  }
0x84: {  	[hbm4b:s29+s3] =	stream.linear.scatter [tilespmem:s30], [sflag:$0x3], $0x8000, $0x38;
	[tilespmem:$0x10100] =	vst v63  }
0x85: {  	_ =	swait.ge [sflag:s8], $0x8000  }
0x86: {  	[sflag:s8] =	ssyncset.done $0x0  }
0x87: {  	s0 =	rddreg [dreg:$0x7];
	[sflag:s8] =	ssyncadd.s32 $0xFFFF8000  }
0x88: {  	[tilespmem:s3], [sflag:$0x3] =	stream.linear.gather [hbm4b:s0+s3], $0x20, $0x38;
	[tilespmem:$0x10100] =	vst v63  }
0x89: {  	_ =	swait.ge [sflag:s8], $0x20  }
0x8a: {  	[sflag:s8] =	ssyncset.done $0x0  }
0x8b: {  	[sflag:s8] =	ssyncadd.s32 $0xFFFFFFE0  }
0x8c: {  	v3 =	vld [tilespmem:$0x0];
	_ =	sdelay $0x4  }
0x8d: {  	v48 =	vshll.u32 v3, $0x3  }
0x8e: {  	v3 =	vand.u32 $0x7, v3;
	v4 =	vand.u32 $0xFFFFFFC0, v48  }
0x8f: {  	v3 =	vor.u32 v3, v4  }
0x90: {  	v4 =	vperm.xlane v3, v0;
	_ =	sdelay $0x1  }
0x91: {  	v4 =	vadd.s32 v1, v4;
	_ =	sdelay $0x4  }
0x92: {  	[tilespmem:s30], [sflag:$0x1] =	stream.indirect_vreg.gather [hbm4b:s1+s3], $0x80, v4, vm0, $0xb8;
	[tilespmem:$0x10100] =	vst v63  }
0x93: {  	s10 =	simm.s32 $0x900;
	v3 =	vperm.xlane v3, v2  }
0x94: {  	[tilespmem:s10], [sflag:$0x1] =	stream.indirect_vreg.gather [hbm4b:s4+s3], $0x80, v4, vm0, $0xb8;
	[tilespmem:$0x10100] =	vst v63  }
0x95: {  	s2 =	simm.s32 $0x1100;
	v3 =	vadd.s32 v1, v3  }
0x96: {  	[tilespmem:s2], [sflag:$0x1] =	stream.indirect_vreg.gather [hbm4b:s5+s3], $0x80, v4, vm0, $0xb8;
	[tilespmem:$0x10100] =	vst v63  }
0x97: {  	s9 =	simm.s32 $0x1900  }
0x98: {  	[tilespmem:s9], [sflag:$0x1] =	stream.indirect_vreg.gather [hbm4b:s6+s3], $0x80, v4, vm0, $0xb8;
	[tilespmem:$0x10100] =	vst v63  }
0x99: {  	s29 =	simm.s32 $0x2100  }
0x9a: {  	[tilespmem:s29], [sflag:$0x1] =	stream.indirect_vreg.gather [hbm4b:s1+s3], $0x80, v3, vm0, $0xb8;
	[tilespmem:$0x10100] =	vst v63  }
0x9b: {  	s10 =	simm.s32 $0x2900  }
0x9c: {  	[tilespmem:s10], [sflag:$0x1] =	stream.indirect_vreg.gather [hbm4b:s4+s3], $0x80, v3, vm0, $0xb8;
	[tilespmem:$0x10100] =	vst v63  }
0x9d: {  	s11 =	simm.s32 $0x3100  }
0x9e: {  	[tilespmem:s11], [sflag:$0x1] =	stream.indirect_vreg.gather [hbm4b:s5+s3], $0x80, v3, vm0, $0xb8;
	[tilespmem:$0x10100] =	vst v63  }
0x9f: {  	s13 =	simm.s32 $0x3900  }
0xa0: {  	[tilespmem:s13], [sflag:$0x1] =	stream.indirect_vreg.gather [hbm4b:s6+s3], $0x80, v3, vm0, $0xb8;
	[tilespmem:$0x10100] =	vst v63  }
0xa1: {  	v3 =	vld [tilespmem:$0x10];
	_ =	sdelay $0x4  }
0xa2: {  	v49 =	vshll.u32 v3, $0x3  }
0xa3: {  	v3 =	vand.u32 $0x7, v3;
	v4 =	vand.u32 $0xFFFFFFC0, v49  }
0xa4: {  	v3 =	vor.u32 v3, v4  }
0xa5: {  	v4 =	vperm.xlane v3, v0;
	_ =	sdelay $0x1  }
0xa6: {  	v4 =	vadd.s32 v1, v4;
	_ =	sdelay $0x3  }
0xa7: {  	s14 =	simm.s32 $0x4100  }
0xa8: {  	[tilespmem:s14], [sflag:$0x1] =	stream.indirect_vreg.gather [hbm4b:s1+s3], $0x80, v4, vm0, $0xb8;
	[tilespmem:$0x10100] =	vst v63  }
0xa9: {  	s12 =	simm.s32 $0x4900;
	v3 =	vperm.xlane v3, v2  }
0xaa: {  	[tilespmem:s12], [sflag:$0x1] =	stream.indirect_vreg.gather [hbm4b:s4+s3], $0x80, v4, vm0, $0xb8;
	[tilespmem:$0x10100] =	vst v63  }
0xab: {  	v3 =	vadd.s32 v1, v3;
	s12 =	simm.s32 $0x5100  }
0xac: {  	[tilespmem:s12], [sflag:$0x1] =	stream.indirect_vreg.gather [hbm4b:s5+s3], $0x80, v4, vm0, $0xb8;
	[tilespmem:$0x10100] =	vst v63  }
0xad: {  	s13 =	simm.s32 $0x5900  }
0xae: {  	[tilespmem:s13], [sflag:$0x1] =	stream.indirect_vreg.gather [hbm4b:s6+s3], $0x80, v4, vm0, $0xb8;
	[tilespmem:$0x10100] =	vst v63  }
0xaf: {  	s14 =	simm.s32 $0x6100  }
0xb0: {  	[tilespmem:s14], [sflag:$0x1] =	stream.indirect_vreg.gather [hbm4b:s1+s3], $0x80, v3, vm0, $0xb8;
	[tilespmem:$0x10100] =	vst v63  }
0xb1: {  	s15 =	simm.s32 $0x6900  }
0xb2: {  	[tilespmem:s15], [sflag:$0x1] =	stream.indirect_vreg.gather [hbm4b:s4+s3], $0x80, v3, vm0, $0xb8;
	[tilespmem:$0x10100] =	vst v63  }
0xb3: {  	s16 =	simm.s32 $0x7100  }
0xb4: {  	[tilespmem:s16], [sflag:$0x1] =	stream.indirect_vreg.gather [hbm4b:s5+s3], $0x80, v3, vm0, $0xb8;
	[tilespmem:$0x10100] =	vst v63  }
0xb5: {  	s17 =	simm.s32 $0x7900  }
0xb6: {  	[tilespmem:s17], [sflag:$0x1] =	stream.indirect_vreg.gather [hbm4b:s6+s3], $0x80, v3, vm0, $0xb8;
	[tilespmem:$0x10100] =	vst v63  }
0xb7: {  	_ =	swait.ge [sflag:s20], $0x8000  }
0xb8: {  	[sflag:s20] =	ssyncset.done $0x0  }
0xb9: {  	s2 =	rddreg [dreg:$0x8];
	[sflag:s20] =	ssyncadd.s32 $0xFFFF8000  }
0xba: {  	[hbm4b:s2+s3] =	stream.linear.scatter [tilespmem:s26], [sflag:$0x3], $0x8000, $0x38;
	[tilespmem:$0x10100] =	vst v63  }
0xbb: {  	_ =	swait.ge [sflag:s8], $0x8000  }
0xbc: {  	[sflag:s8] =	ssyncset.done $0x0  }
0xbd: {  	s2 =	simm.s32 $0x80;
	s9 =	rddreg [dreg:$0x9];
	[sflag:s8] =	ssyncadd.s32 $0xFFFF8000  }
0xbe: {  	[tilespmem:s2], [sflag:$0x3] =	stream.linear.gather [hbm4b:s9+s3], $0x20, $0x38;
	[tilespmem:$0x10100] =	vst v63  }
0xbf: {  	_ =	swait.ge [sflag:s8], $0x20  }
0xc0: {  	[sflag:s8] =	ssyncset.done $0x0  }
0xc1: {  	[sflag:s8] =	ssyncadd.s32 $0xFFFFFFE0  }
0xc2: {  	v3 =	vld [tilespmem:$0x80];
	_ =	sdelay $0x4  }
0xc3: {  	v50 =	vshll.u32 v3, $0x3  }
0xc4: {  	v3 =	vand.u32 $0x7, v3;
	v4 =	vand.u32 $0xFFFFFFC0, v50  }
0xc5: {  	v3 =	vor.u32 v3, v4  }
0xc6: {  	v4 =	vperm.xlane v3, v0;
	_ =	sdelay $0x1  }
0xc7: {  	v4 =	vadd.s32 v1, v4;
	_ =	sdelay $0x4  }
0xc8: {  	[tilespmem:s26], [sflag:$0x2] =	stream.indirect_vreg.gather [hbm4b:s1+s3], $0x80, v4, vm0, $0xb8;
	[tilespmem:$0x10100] =	vst v63  }
0xc9: {  	s9 =	simm.s32 $0x8900;
	v3 =	vperm.xlane v3, v2  }
0xca: {  	[tilespmem:s9], [sflag:$0x2] =	stream.indirect_vreg.gather [hbm4b:s4+s3], $0x80, v4, vm0, $0xb8;
	[tilespmem:$0x10100] =	vst v63  }
0xcb: {  	s0 =	simm.s32 $0x9100;
	v3 =	vadd.s32 v1, v3  }
0xcc: {  	[tilespmem:s0], [sflag:$0x2] =	stream.indirect_vreg.gather [hbm4b:s5+s3], $0x80, v4, vm0, $0xb8;
	[tilespmem:$0x10100] =	vst v63  }
0xcd: {  	s21 =	simm.s32 $0x9900  }
0xce: {  	[tilespmem:s21], [sflag:$0x2] =	stream.indirect_vreg.gather [hbm4b:s6+s3], $0x80, v4, vm0, $0xb8;
	[tilespmem:$0x10100] =	vst v63  }
0xcf: {  	s25 =	simm.s32 $0xA100  }
0xd0: {  	[tilespmem:s25], [sflag:$0x2] =	stream.indirect_vreg.gather [hbm4b:s1+s3], $0x80, v3, vm0, $0xb8;
	[tilespmem:$0x10100] =	vst v63  }
0xd1: {  	s28 =	simm.s32 $0xA900  }
0xd2: {  	[tilespmem:s28], [sflag:$0x2] =	stream.indirect_vreg.gather [hbm4b:s4+s3], $0x80, v3, vm0, $0xb8;
	[tilespmem:$0x10100] =	vst v63  }
0xd3: {  	s31 =	simm.s32 $0xB100  }
0xd4: {  	[tilespmem:s31], [sflag:$0x2] =	stream.indirect_vreg.gather [hbm4b:s5+s3], $0x80, v3, vm0, $0xb8;
	[tilespmem:$0x10100] =	vst v63  }
0xd5: {  	s24 =	simm.s32 $0xB900  }
0xd6: {  	[tilespmem:s24], [sflag:$0x2] =	stream.indirect_vreg.gather [hbm4b:s6+s3], $0x80, v3, vm0, $0xb8;
	[tilespmem:$0x10100] =	vst v63  }
0xd7: {  	v3 =	vld [tilespmem:$0x90];
	_ =	sdelay $0x4  }
0xd8: {  	v51 =	vshll.u32 v3, $0x3  }
0xd9: {  	v3 =	vand.u32 $0x7, v3;
	v4 =	vand.u32 $0xFFFFFFC0, v51  }
0xda: {  	v3 =	vor.u32 v3, v4  }
0xdb: {  	v4 =	vperm.xlane v3, v0;
	_ =	sdelay $0x1  }
0xdc: {  	v4 =	vadd.s32 v1, v4;
	_ =	sdelay $0x3  }
0xdd: {  	s18 =	simm.s32 $0xC100  }
0xde: {  	[tilespmem:s18], [sflag:$0x2] =	stream.indirect_vreg.gather [hbm4b:s1+s3], $0x80, v4, vm0, $0xb8;
	[tilespmem:$0x10100] =	vst v63  }
0xdf: {  	s22 =	simm.s32 $0xC900;
	v3 =	vperm.xlane v3, v2  }
0xe0: {  	[tilespmem:s22], [sflag:$0x2] =	stream.indirect_vreg.gather [hbm4b:s4+s3], $0x80, v4, vm0, $0xb8;
	[tilespmem:$0x10100] =	vst v63  }
0xe1: {  	s21 =	simm.s32 $0xD100;
	v3 =	vadd.s32 v1, v3  }
0xe2: {  	[tilespmem:s21], [sflag:$0x2] =	stream.indirect_vreg.gather [hbm4b:s5+s3], $0x80, v4, vm0, $0xb8;
	[tilespmem:$0x10100] =	vst v63  }
0xe3: {  	s22 =	simm.s32 $0xD900  }
0xe4: {  	[tilespmem:s22], [sflag:$0x2] =	stream.indirect_vreg.gather [hbm4b:s6+s3], $0x80, v4, vm0, $0xb8;
	[tilespmem:$0x10100] =	vst v63  }
0xe5: {  	s24 =	simm.s32 $0xE100  }
0xe6: {  	[tilespmem:s24], [sflag:$0x2] =	stream.indirect_vreg.gather [hbm4b:s1+s3], $0x80, v3, vm0, $0xb8;
	[tilespmem:$0x10100] =	vst v63  }
0xe7: {  	s21 =	simm.s32 $0xE900  }
0xe8: {  	[tilespmem:s21], [sflag:$0x2] =	stream.indirect_vreg.gather [hbm4b:s4+s3], $0x80, v3, vm0, $0xb8;
	[tilespmem:$0x10100] =	vst v63  }
0xe9: {  	s21 =	simm.s32 $0xF100  }
0xea: {  	[tilespmem:s21], [sflag:$0x2] =	stream.indirect_vreg.gather [hbm4b:s5+s3], $0x80, v3, vm0, $0xb8;
	[tilespmem:$0x10100] =	vst v63  }
0xeb: {  	s23 =	simm.s32 $0xF900  }
0xec: {  	[tilespmem:s23], [sflag:$0x2] =	stream.indirect_vreg.gather [hbm4b:s6+s3], $0x80, v3, vm0, $0xb8;
	[tilespmem:$0x10100] =	vst v63  }
0xed: {  	_ =	swait.ge [sflag:s19], $0x8000  }
0xee: {  	[sflag:s19] =	ssyncset.done $0x0  }
0xef: {  	s21 =	rddreg [dreg:$0xa];
	[sflag:s19] =	ssyncadd.s32 $0xFFFF8000  }
0xf0: {  	[hbm4b:s21+s3] =	stream.linear.scatter [tilespmem:s30], [sflag:$0x3], $0x8000, $0x38;
	[tilespmem:$0x10100] =	vst v63  }
0xf1: {  	_ =	swait.ge [sflag:s8], $0x8000  }
0xf2: {  	[sflag:s8] =	ssyncset.done $0x0  }
0xf3: {  	s21 =	rddreg [dreg:$0xb];
	[sflag:s8] =	ssyncadd.s32 $0xFFFF8000  }
0xf4: {  	[tilespmem:s3], [sflag:$0x3] =	stream.linear.gather [hbm4b:s21+s3], $0x20, $0x38;
	[tilespmem:$0x10100] =	vst v63  }
0xf5: {  	_ =	swait.ge [sflag:s8], $0x20  }
0xf6: {  	[sflag:s8] =	ssyncset.done $0x0  }
0xf7: {  	[sflag:s8] =	ssyncadd.s32 $0xFFFFFFE0  }
0xf8: {  	v3 =	vld [tilespmem:$0x0];
	_ =	sdelay $0x4  }
0xf9: {  	v52 =	vshll.u32 v3, $0x3  }
0xfa: {  	v3 =	vand.u32 $0x7, v3;
	v4 =	vand.u32 $0xFFFFFFC0, v52  }
0xfb: {  	v3 =	vor.u32 v3, v4  }
0xfc: {  	v4 =	vperm.xlane v3, v0;
	_ =	sdelay $0x1  }
0xfd: {  	v4 =	vadd.s32 v1, v4;
	_ =	sdelay $0x4  }
0xfe: {  	[tilespmem:s30], [sflag:$0x1] =	stream.indirect_vreg.gather [hbm4b:s1+s3], $0x80, v4, vm0, $0xb8;
	[tilespmem:$0x10100] =	vst v63  }
0xff: {  	s21 =	simm.s32 $0x900;
	v3 =	vperm.xlane v3, v2  }
0x100: {  	[tilespmem:s21], [sflag:$0x1] =	stream.indirect_vreg.gather [hbm4b:s4+s3], $0x80, v4, vm0, $0xb8;
	[tilespmem:$0x10100] =	vst v63  }
0x101: {  	v3 =	vadd.s32 v1, v3;
	s21 =	simm.s32 $0x1100  }
0x102: {  	[tilespmem:s21], [sflag:$0x1] =	stream.indirect_vreg.gather [hbm4b:s5+s3], $0x80, v4, vm0, $0xb8;
	[tilespmem:$0x10100] =	vst v63  }
0x103: {  	s21 =	simm.s32 $0x1900  }
0x104: {  	[tilespmem:s21], [sflag:$0x1] =	stream.indirect_vreg.gather [hbm4b:s6+s3], $0x80, v4, vm0, $0xb8;
	[tilespmem:$0x10100] =	vst v63  }
0x105: {  	_ = 	snop  }
0x106: {  	[tilespmem:s29], [sflag:$0x1] =	stream.indirect_vreg.gather [hbm4b:s1+s3], $0x80, v3, vm0, $0xb8;
	[tilespmem:$0x10100] =	vst v63  }
0x107: {  	_ = 	snop  }
0x108: {  	[tilespmem:s10], [sflag:$0x1] =	stream.indirect_vreg.gather [hbm4b:s4+s3], $0x80, v3, vm0, $0xb8;
	[tilespmem:$0x10100] =	vst v63  }
0x109: {  	_ = 	snop  }
0x10a: {  	[tilespmem:s11], [sflag:$0x1] =	stream.indirect_vreg.gather [hbm4b:s5+s3], $0x80, v3, vm0, $0xb8;
	[tilespmem:$0x10100] =	vst v63  }
0x10b: {  	s21 =	simm.s32 $0x3900  }
0x10c: {  	[tilespmem:s21], [sflag:$0x1] =	stream.indirect_vreg.gather [hbm4b:s6+s3], $0x80, v3, vm0, $0xb8;
	[tilespmem:$0x10100] =	vst v63  }
0x10d: {  	v3 =	vld [tilespmem:$0x10];
	_ =	sdelay $0x4  }
0x10e: {  	v53 =	vshll.u32 v3, $0x3  }
0x10f: {  	v3 =	vand.u32 $0x7, v3;
	v4 =	vand.u32 $0xFFFFFFC0, v53  }
0x110: {  	v3 =	vor.u32 v3, v4  }
0x111: {  	v4 =	vperm.xlane v3, v0;
	_ =	sdelay $0x1  }
0x112: {  	v4 =	vadd.s32 v1, v4;
	_ =	sdelay $0x3  }
0x113: {  	s21 =	simm.s32 $0x4100  }
0x114: {  	[tilespmem:s21], [sflag:$0x1] =	stream.indirect_vreg.gather [hbm4b:s1+s3], $0x80, v4, vm0, $0xb8;
	[tilespmem:$0x10100] =	vst v63  }
0x115: {  	v3 =	vperm.xlane v3, v2;
	s21 =	simm.s32 $0x4900  }
0x116: {  	[tilespmem:s21], [sflag:$0x1] =	stream.indirect_vreg.gather [hbm4b:s4+s3], $0x80, v4, vm0, $0xb8;
	[tilespmem:$0x10100] =	vst v63  }
0x117: {  	v3 =	vadd.s32 v1, v3  }
0x118: {  	[tilespmem:s12], [sflag:$0x1] =	stream.indirect_vreg.gather [hbm4b:s5+s3], $0x80, v4, vm0, $0xb8;
	[tilespmem:$0x10100] =	vst v63  }
0x119: {  	_ = 	snop  }
0x11a: {  	[tilespmem:s13], [sflag:$0x1] =	stream.indirect_vreg.gather [hbm4b:s6+s3], $0x80, v4, vm0, $0xb8;
	[tilespmem:$0x10100] =	vst v63  }
0x11b: {  	_ = 	snop  }
0x11c: {  	[tilespmem:s14], [sflag:$0x1] =	stream.indirect_vreg.gather [hbm4b:s1+s3], $0x80, v3, vm0, $0xb8;
	[tilespmem:$0x10100] =	vst v63  }
0x11d: {  	_ = 	snop  }
0x11e: {  	[tilespmem:s15], [sflag:$0x1] =	stream.indirect_vreg.gather [hbm4b:s4+s3], $0x80, v3, vm0, $0xb8;
	[tilespmem:$0x10100] =	vst v63  }
0x11f: {  	_ = 	snop  }
0x120: {  	[tilespmem:s16], [sflag:$0x1] =	stream.indirect_vreg.gather [hbm4b:s5+s3], $0x80, v3, vm0, $0xb8;
	[tilespmem:$0x10100] =	vst v63  }
0x121: {  	_ = 	snop  }
0x122: {  	[tilespmem:s17], [sflag:$0x1] =	stream.indirect_vreg.gather [hbm4b:s6+s3], $0x80, v3, vm0, $0xb8;
	[tilespmem:$0x10100] =	vst v63  }
0x123: {  	_ =	swait.ge [sflag:s20], $0x8000  }
0x124: {  	[sflag:s20] =	ssyncset.done $0x0  }
0x125: {  	s16 =	rddreg [dreg:$0xc];
	[sflag:s20] =	ssyncadd.s32 $0xFFFF8000  }
0x126: {  	[hbm4b:s16+s3] =	stream.linear.scatter [tilespmem:s26], [sflag:$0x3], $0x8000, $0x38;
	[tilespmem:$0x10100] =	vst v63  }
0x127: {  	_ =	swait.ge [sflag:s8], $0x8000  }
0x128: {  	[sflag:s8] =	ssyncset.done $0x0  }
0x129: {  	s16 =	rddreg [dreg:$0xd];
	[sflag:s8] =	ssyncadd.s32 $0xFFFF8000  }
0x12a: {  	[tilespmem:s2], [sflag:$0x3] =	stream.linear.gather [hbm4b:s16+s3], $0x20, $0x38;
	[tilespmem:$0x10100] =	vst v63  }
0x12b: {  	_ =	swait.ge [sflag:s8], $0x20  }
0x12c: {  	[sflag:s8] =	ssyncset.done $0x0  }
0x12d: {  	[sflag:s8] =	ssyncadd.s32 $0xFFFFFFE0  }
0x12e: {  	v3 =	vld [tilespmem:$0x80];
	_ =	sdelay $0x4  }
0x12f: {  	v54 =	vshll.u32 v3, $0x3  }
0x130: {  	v3 =	vand.u32 $0x7, v3;
	v4 =	vand.u32 $0xFFFFFFC0, v54  }
0x131: {  	v3 =	vor.u32 v3, v4  }
0x132: {  	v4 =	vperm.xlane v3, v0;
	_ =	sdelay $0x1  }
0x133: {  	v4 =	vadd.s32 v1, v4;
	_ =	sdelay $0x4  }
0x134: {  	[tilespmem:s26], [sflag:$0x2] =	stream.indirect_vreg.gather [hbm4b:s1+s3], $0x80, v4, vm0, $0xb8;
	[tilespmem:$0x10100] =	vst v63  }
0x135: {  	v3 =	vperm.xlane v3, v2  }
0x136: {  	[tilespmem:s9], [sflag:$0x2] =	stream.indirect_vreg.gather [hbm4b:s4+s3], $0x80, v4, vm0, $0xb8;
	[tilespmem:$0x10100] =	vst v63  }
0x137: {  	v3 =	vadd.s32 v1, v3  }
0x138: {  	[tilespmem:s0], [sflag:$0x2] =	stream.indirect_vreg.gather [hbm4b:s5+s3], $0x80, v4, vm0, $0xb8;
	[tilespmem:$0x10100] =	vst v63  }
0x139: {  	s21 =	simm.s32 $0x9900  }
0x13a: {  	[tilespmem:s21], [sflag:$0x2] =	stream.indirect_vreg.gather [hbm4b:s6+s3], $0x80, v4, vm0, $0xb8;
	[tilespmem:$0x10100] =	vst v63  }
0x13b: {  	s25 =	simm.s32 $0xA100  }
0x13c: {  	[tilespmem:s25], [sflag:$0x2] =	stream.indirect_vreg.gather [hbm4b:s1+s3], $0x80, v3, vm0, $0xb8;
	[tilespmem:$0x10100] =	vst v63  }
0x13d: {  	s28 =	simm.s32 $0xA900  }
0x13e: {  	[tilespmem:s28], [sflag:$0x2] =	stream.indirect_vreg.gather [hbm4b:s4+s3], $0x80, v3, vm0, $0xb8;
	[tilespmem:$0x10100] =	vst v63  }
0x13f: {  	s31 =	simm.s32 $0xB100  }
0x140: {  	[tilespmem:s31], [sflag:$0x2] =	stream.indirect_vreg.gather [hbm4b:s5+s3], $0x80, v3, vm0, $0xb8;
	[tilespmem:$0x10100] =	vst v63  }
0x141: {  	s21 =	simm.s32 $0xB900  }
0x142: {  	[tilespmem:s21], [sflag:$0x2] =	stream.indirect_vreg.gather [hbm4b:s6+s3], $0x80, v3, vm0, $0xb8;
	[tilespmem:$0x10100] =	vst v63  }
0x143: {  	v3 =	vld [tilespmem:$0x90];
	_ =	sdelay $0x4  }
0x144: {  	v55 =	vshll.u32 v3, $0x3  }
0x145: {  	v3 =	vand.u32 $0x7, v3;
	v4 =	vand.u32 $0xFFFFFFC0, v55  }
0x146: {  	v3 =	vor.u32 v3, v4  }
0x147: {  	v4 =	vperm.xlane v3, v0;
	_ =	sdelay $0x1  }
0x148: {  	v4 =	vadd.s32 v1, v4;
	_ =	sdelay $0x3  }
0x149: {  	s21 =	simm.s32 $0xC100  }
0x14a: {  	[tilespmem:s21], [sflag:$0x2] =	stream.indirect_vreg.gather [hbm4b:s1+s3], $0x80, v4, vm0, $0xb8;
	[tilespmem:$0x10100] =	vst v63  }
0x14b: {  	v3 =	vperm.xlane v3, v2;
	s21 =	simm.s32 $0xC900  }
0x14c: {  	[tilespmem:s21], [sflag:$0x2] =	stream.indirect_vreg.gather [hbm4b:s4+s3], $0x80, v4, vm0, $0xb8;
	[tilespmem:$0x10100] =	vst v63  }
0x14d: {  	s18 =	simm.s32 $0xD100;
	v3 =	vadd.s32 v1, v3  }
0x14e: {  	[tilespmem:s18], [sflag:$0x2] =	stream.indirect_vreg.gather [hbm4b:s5+s3], $0x80, v4, vm0, $0xb8;
	[tilespmem:$0x10100] =	vst v63  }
0x14f: {  	s22 =	simm.s32 $0xD900  }
0x150: {  	[tilespmem:s22], [sflag:$0x2] =	stream.indirect_vreg.gather [hbm4b:s6+s3], $0x80, v4, vm0, $0xb8;
	[tilespmem:$0x10100] =	vst v63  }
0x151: {  	s24 =	simm.s32 $0xE100  }
0x152: {  	[tilespmem:s24], [sflag:$0x2] =	stream.indirect_vreg.gather [hbm4b:s1+s3], $0x80, v3, vm0, $0xb8;
	[tilespmem:$0x10100] =	vst v63  }
0x153: {  	s21 =	simm.s32 $0xE900  }
0x154: {  	[tilespmem:s21], [sflag:$0x2] =	stream.indirect_vreg.gather [hbm4b:s4+s3], $0x80, v3, vm0, $0xb8;
	[tilespmem:$0x10100] =	vst v63  }
0x155: {  	s21 =	simm.s32 $0xF100  }
0x156: {  	[tilespmem:s21], [sflag:$0x2] =	stream.indirect_vreg.gather [hbm4b:s5+s3], $0x80, v3, vm0, $0xb8;
	[tilespmem:$0x10100] =	vst v63  }
0x157: {  	s23 =	simm.s32 $0xF900  }
0x158: {  	[tilespmem:s23], [sflag:$0x2] =	stream.indirect_vreg.gather [hbm4b:s6+s3], $0x80, v3, vm0, $0xb8;
	[tilespmem:$0x10100] =	vst v63  }
0x159: {  	_ =	swait.ge [sflag:s19], $0x8000  }
0x15a: {  	[sflag:s19] =	ssyncset.done $0x0  }
0x15b: {  	s23 =	rddreg [dreg:$0xe];
	[sflag:s19] =	ssyncadd.s32 $0xFFFF8000  }
0x15c: {  	[hbm4b:s23+s3] =	stream.linear.scatter [tilespmem:s30], [sflag:$0x3], $0x8000, $0x38;
	[tilespmem:$0x10100] =	vst v63  }
0x15d: {  	_ =	swait.ge [sflag:s8], $0x8000  }
0x15e: {  	[sflag:s8] =	ssyncset.done $0x0  }
0x15f: {  	s0 =	rddreg [dreg:$0xf];
	[sflag:s8] =	ssyncadd.s32 $0xFFFF8000  }
0x160: {  	[tilespmem:s3], [sflag:$0x3] =	stream.linear.gather [hbm4b:s0+s3], $0x20, $0x38;
	[tilespmem:$0x10100] =	vst v63  }
0x161: {  	_ =	swait.ge [sflag:s8], $0x20  }
0x162: {  	[sflag:s8] =	ssyncset.done $0x0  }
0x163: {  	[sflag:s8] =	ssyncadd.s32 $0xFFFFFFE0  }
0x164: {  	v3 =	vld [tilespmem:$0x0];
	_ =	sdelay $0x4  }
0x165: {  	v56 =	vshll.u32 v3, $0x3  }
0x166: {  	v3 =	vand.u32 $0x7, v3;
	v4 =	vand.u32 $0xFFFFFFC0, v56  }
0x167: {  	v3 =	vor.u32 v3, v4  }
0x168: {  	v4 =	vperm.xlane v3, v0;
	_ =	sdelay $0x1  }
0x169: {  	v4 =	vadd.s32 v1, v4;
	_ =	sdelay $0x4  }
0x16a: {  	[tilespmem:s30], [sflag:$0x1] =	stream.indirect_vreg.gather [hbm4b:s1+s3], $0x80, v4, vm0, $0xb8;
	[tilespmem:$0x10100] =	vst v63  }
0x16b: {  	s23 =	simm.s32 $0x900;
	v3 =	vperm.xlane v3, v2  }
0x16c: {  	[tilespmem:s23], [sflag:$0x1] =	stream.indirect_vreg.gather [hbm4b:s4+s3], $0x80, v4, vm0, $0xb8;
	[tilespmem:$0x10100] =	vst v63  }
0x16d: {  	s21 =	simm.s32 $0x1100;
	v3 =	vadd.s32 v1, v3  }
0x16e: {  	[tilespmem:s21], [sflag:$0x1] =	stream.indirect_vreg.gather [hbm4b:s5+s3], $0x80, v4, vm0, $0xb8;
	[tilespmem:$0x10100] =	vst v63  }
0x16f: {  	s23 =	simm.s32 $0x1900  }
0x170: {  	[tilespmem:s23], [sflag:$0x1] =	stream.indirect_vreg.gather [hbm4b:s6+s3], $0x80, v4, vm0, $0xb8;
	[tilespmem:$0x10100] =	vst v63  }
0x171: {  	s29 =	simm.s32 $0x2100  }
0x172: {  	[tilespmem:s29], [sflag:$0x1] =	stream.indirect_vreg.gather [hbm4b:s1+s3], $0x80, v3, vm0, $0xb8;
	[tilespmem:$0x10100] =	vst v63  }
0x173: {  	s10 =	simm.s32 $0x2900  }
0x174: {  	[tilespmem:s10], [sflag:$0x1] =	stream.indirect_vreg.gather [hbm4b:s4+s3], $0x80, v3, vm0, $0xb8;
	[tilespmem:$0x10100] =	vst v63  }
0x175: {  	s11 =	simm.s32 $0x3100  }
0x176: {  	[tilespmem:s11], [sflag:$0x1] =	stream.indirect_vreg.gather [hbm4b:s5+s3], $0x80, v3, vm0, $0xb8;
	[tilespmem:$0x10100] =	vst v63  }
0x177: {  	s11 =	simm.s32 $0x3900  }
0x178: {  	[tilespmem:s11], [sflag:$0x1] =	stream.indirect_vreg.gather [hbm4b:s6+s3], $0x80, v3, vm0, $0xb8;
	[tilespmem:$0x10100] =	vst v63  }
0x179: {  	v3 =	vld [tilespmem:$0x10];
	_ =	sdelay $0x4  }
0x17a: {  	v57 =	vshll.u32 v3, $0x3  }
0x17b: {  	v3 =	vand.u32 $0x7, v3;
	v4 =	vand.u32 $0xFFFFFFC0, v57  }
0x17c: {  	v3 =	vor.u32 v3, v4  }
0x17d: {  	v4 =	vperm.xlane v3, v0;
	_ =	sdelay $0x1  }
0x17e: {  	v4 =	vadd.s32 v1, v4;
	_ =	sdelay $0x3  }
0x17f: {  	s21 =	simm.s32 $0x4100  }
0x180: {  	[tilespmem:s21], [sflag:$0x1] =	stream.indirect_vreg.gather [hbm4b:s1+s3], $0x80, v4, vm0, $0xb8;
	[tilespmem:$0x10100] =	vst v63  }
0x181: {  	s11 =	simm.s32 $0x4900;
	v3 =	vperm.xlane v3, v2  }
0x182: {  	[tilespmem:s11], [sflag:$0x1] =	stream.indirect_vreg.gather [hbm4b:s4+s3], $0x80, v4, vm0, $0xb8;
	[tilespmem:$0x10100] =	vst v63  }
0x183: {  	s12 =	simm.s32 $0x5100;
	v3 =	vadd.s32 v1, v3  }
0x184: {  	[tilespmem:s12], [sflag:$0x1] =	stream.indirect_vreg.gather [hbm4b:s5+s3], $0x80, v4, vm0, $0xb8;
	[tilespmem:$0x10100] =	vst v63  }
0x185: {  	s13 =	simm.s32 $0x5900  }
0x186: {  	[tilespmem:s13], [sflag:$0x1] =	stream.indirect_vreg.gather [hbm4b:s6+s3], $0x80, v4, vm0, $0xb8;
	[tilespmem:$0x10100] =	vst v63  }
0x187: {  	s14 =	simm.s32 $0x6100  }
0x188: {  	[tilespmem:s14], [sflag:$0x1] =	stream.indirect_vreg.gather [hbm4b:s1+s3], $0x80, v3, vm0, $0xb8;
	[tilespmem:$0x10100] =	vst v63  }
0x189: {  	s15 =	simm.s32 $0x6900  }
0x18a: {  	[tilespmem:s15], [sflag:$0x1] =	stream.indirect_vreg.gather [hbm4b:s4+s3], $0x80, v3, vm0, $0xb8;
	[tilespmem:$0x10100] =	vst v63  }
0x18b: {  	s21 =	simm.s32 $0x7100  }
0x18c: {  	[tilespmem:s21], [sflag:$0x1] =	stream.indirect_vreg.gather [hbm4b:s5+s3], $0x80, v3, vm0, $0xb8;
	[tilespmem:$0x10100] =	vst v63  }
0x18d: {  	s17 =	simm.s32 $0x7900  }
0x18e: {  	[tilespmem:s17], [sflag:$0x1] =	stream.indirect_vreg.gather [hbm4b:s6+s3], $0x80, v3, vm0, $0xb8;
	[tilespmem:$0x10100] =	vst v63  }
0x18f: {  	_ =	swait.ge [sflag:s20], $0x8000  }
0x190: {  	[sflag:s20] =	ssyncset.done $0x0  }
0x191: {  	s12 =	rddreg [dreg:$0x10];
	[sflag:s20] =	ssyncadd.s32 $0xFFFF8000  }
0x192: {  	[hbm4b:s12+s3] =	stream.linear.scatter [tilespmem:s26], [sflag:$0x3], $0x8000, $0x38;
	[tilespmem:$0x10100] =	vst v63  }
0x193: {  	_ =	swait.ge [sflag:s8], $0x8000  }
0x194: {  	[sflag:s8] =	ssyncset.done $0x0  }
0x195: {  	s2 =	simm.s32 $0x80;
	s12 =	rddreg [dreg:$0x11];
	[sflag:s8] =	ssyncadd.s32 $0xFFFF8000  }
0x196: {  	[tilespmem:s2], [sflag:$0x3] =	stream.linear.gather [hbm4b:s12+s3], $0x20, $0x38;
	[tilespmem:$0x10100] =	vst v63  }
0x197: {  	_ =	swait.ge [sflag:s8], $0x20  }
0x198: {  	[sflag:s8] =	ssyncset.done $0x0  }
0x199: {  	[sflag:s8] =	ssyncadd.s32 $0xFFFFFFE0  }
0x19a: {  	v3 =	vld [tilespmem:$0x80];
	_ =	sdelay $0x4  }
0x19b: {  	v58 =	vshll.u32 v3, $0x3  }
0x19c: {  	v3 =	vand.u32 $0x7, v3;
	v4 =	vand.u32 $0xFFFFFFC0, v58  }
0x19d: {  	v3 =	vor.u32 v3, v4  }
0x19e: {  	v4 =	vperm.xlane v3, v0;
	_ =	sdelay $0x1  }
0x19f: {  	v4 =	vadd.s32 v1, v4;
	_ =	sdelay $0x4  }
0x1a0: {  	[tilespmem:s26], [sflag:$0x2] =	stream.indirect_vreg.gather [hbm4b:s1+s3], $0x80, v4, vm0, $0xb8;
	[tilespmem:$0x10100] =	vst v63  }
0x1a1: {  	s9 =	simm.s32 $0x8900;
	v3 =	vperm.xlane v3, v2  }
0x1a2: {  	[tilespmem:s9], [sflag:$0x2] =	stream.indirect_vreg.gather [hbm4b:s4+s3], $0x80, v4, vm0, $0xb8;
	[tilespmem:$0x10100] =	vst v63  }
0x1a3: {  	s16 =	simm.s32 $0x9100;
	v3 =	vadd.s32 v1, v3  }
0x1a4: {  	[tilespmem:s16], [sflag:$0x2] =	stream.indirect_vreg.gather [hbm4b:s5+s3], $0x80, v4, vm0, $0xb8;
	[tilespmem:$0x10100] =	vst v63  }
0x1a5: {  	s21 =	simm.s32 $0x9900  }
0x1a6: {  	[tilespmem:s21], [sflag:$0x2] =	stream.indirect_vreg.gather [hbm4b:s6+s3], $0x80, v4, vm0, $0xb8;
	[tilespmem:$0x10100] =	vst v63  }
0x1a7: {  	s25 =	simm.s32 $0xA100  }
0x1a8: {  	[tilespmem:s25], [sflag:$0x2] =	stream.indirect_vreg.gather [hbm4b:s1+s3], $0x80, v3, vm0, $0xb8;
	[tilespmem:$0x10100] =	vst v63  }
0x1a9: {  	s28 =	simm.s32 $0xA900  }
0x1aa: {  	[tilespmem:s28], [sflag:$0x2] =	stream.indirect_vreg.gather [hbm4b:s4+s3], $0x80, v3, vm0, $0xb8;
	[tilespmem:$0x10100] =	vst v63  }
0x1ab: {  	s31 =	simm.s32 $0xB100  }
0x1ac: {  	[tilespmem:s31], [sflag:$0x2] =	stream.indirect_vreg.gather [hbm4b:s5+s3], $0x80, v3, vm0, $0xb8;
	[tilespmem:$0x10100] =	vst v63  }
0x1ad: {  	s31 =	simm.s32 $0xB900  }
0x1ae: {  	[tilespmem:s31], [sflag:$0x2] =	stream.indirect_vreg.gather [hbm4b:s6+s3], $0x80, v3, vm0, $0xb8;
	[tilespmem:$0x10100] =	vst v63  }
0x1af: {  	v3 =	vld [tilespmem:$0x90];
	_ =	sdelay $0x4  }
0x1b0: {  	v59 =	vshll.u32 v3, $0x3  }
0x1b1: {  	v3 =	vand.u32 $0x7, v3;
	v4 =	vand.u32 $0xFFFFFFC0, v59  }
0x1b2: {  	v3 =	vor.u32 v3, v4  }
0x1b3: {  	v4 =	vperm.xlane v3, v0;
	_ =	sdelay $0x1  }
0x1b4: {  	v4 =	vadd.s32 v1, v4;
	_ =	sdelay $0x3  }
0x1b5: {  	s31 =	simm.s32 $0xC100  }
0x1b6: {  	[tilespmem:s31], [sflag:$0x2] =	stream.indirect_vreg.gather [hbm4b:s1+s3], $0x80, v4, vm0, $0xb8;
	[tilespmem:$0x10100] =	vst v63  }
0x1b7: {  	v3 =	vperm.xlane v3, v2;
	s31 =	simm.s32 $0xC900  }
0x1b8: {  	[tilespmem:s31], [sflag:$0x2] =	stream.indirect_vreg.gather [hbm4b:s4+s3], $0x80, v4, vm0, $0xb8;
	[tilespmem:$0x10100] =	vst v63  }
0x1b9: {  	s18 =	simm.s32 $0xD100;
	v3 =	vadd.s32 v1, v3  }
0x1ba: {  	[tilespmem:s18], [sflag:$0x2] =	stream.indirect_vreg.gather [hbm4b:s5+s3], $0x80, v4, vm0, $0xb8;
	[tilespmem:$0x10100] =	vst v63  }
0x1bb: {  	s22 =	simm.s32 $0xD900  }
0x1bc: {  	[tilespmem:s22], [sflag:$0x2] =	stream.indirect_vreg.gather [hbm4b:s6+s3], $0x80, v4, vm0, $0xb8;
	[tilespmem:$0x10100] =	vst v63  }
0x1bd: {  	s24 =	simm.s32 $0xE100  }
0x1be: {  	[tilespmem:s24], [sflag:$0x2] =	stream.indirect_vreg.gather [hbm4b:s1+s3], $0x80, v3, vm0, $0xb8;
	[tilespmem:$0x10100] =	vst v63  }
0x1bf: {  	s24 =	simm.s32 $0xE900  }
0x1c0: {  	[tilespmem:s24], [sflag:$0x2] =	stream.indirect_vreg.gather [hbm4b:s4+s3], $0x80, v3, vm0, $0xb8;
	[tilespmem:$0x10100] =	vst v63  }
0x1c1: {  	s21 =	simm.s32 $0xF100  }
0x1c2: {  	[tilespmem:s21], [sflag:$0x2] =	stream.indirect_vreg.gather [hbm4b:s5+s3], $0x80, v3, vm0, $0xb8;
	[tilespmem:$0x10100] =	vst v63  }
0x1c3: {  	s21 =	simm.s32 $0xF900  }
0x1c4: {  	[tilespmem:s21], [sflag:$0x2] =	stream.indirect_vreg.gather [hbm4b:s6+s3], $0x80, v3, vm0, $0xb8;
	[tilespmem:$0x10100] =	vst v63  }
0x1c5: {  	_ =	swait.ge [sflag:s19], $0x8000  }
0x1c6: {  	[sflag:s19] =	ssyncset.done $0x0  }
0x1c7: {  	s21 =	rddreg [dreg:$0x12];
	[sflag:s19] =	ssyncadd.s32 $0xFFFF8000  }
0x1c8: {  	[hbm4b:s21+s3] =	stream.linear.scatter [tilespmem:s30], [sflag:$0x3], $0x8000, $0x38;
	[tilespmem:$0x10100] =	vst v63  }
0x1c9: {  	_ =	swait.ge [sflag:s8], $0x8000  }
0x1ca: {  	[sflag:s8] =	ssyncset.done $0x0  }
0x1cb: {  	s21 =	rddreg [dreg:$0x13];
	[sflag:s8] =	ssyncadd.s32 $0xFFFF8000  }
0x1cc: {  	[tilespmem:s3], [sflag:$0x3] =	stream.linear.gather [hbm4b:s21+s3], $0x20, $0x38;
	[tilespmem:$0x10100] =	vst v63  }
0x1cd: {  	_ =	swait.ge [sflag:s8], $0x20  }
0x1ce: {  	[sflag:s8] =	ssyncset.done $0x0  }
0x1cf: {  	[sflag:s8] =	ssyncadd.s32 $0xFFFFFFE0  }
0x1d0: {  	v3 =	vld [tilespmem:$0x0];
	_ =	sdelay $0x4  }
0x1d1: {  	v60 =	vshll.u32 v3, $0x3  }
0x1d2: {  	v3 =	vand.u32 $0x7, v3;
	v4 =	vand.u32 $0xFFFFFFC0, v60  }
0x1d3: {  	v3 =	vor.u32 v3, v4  }
0x1d4: {  	v4 =	vperm.xlane v3, v0;
	_ =	sdelay $0x1  }
0x1d5: {  	v4 =	vadd.s32 v1, v4;
	_ =	sdelay $0x4  }
0x1d6: {  	[tilespmem:s30], [sflag:$0x1] =	stream.indirect_vreg.gather [hbm4b:s1+s3], $0x80, v4, vm0, $0xb8;
	[tilespmem:$0x10100] =	vst v63  }
0x1d7: {  	s21 =	simm.s32 $0x900;
	v3 =	vperm.xlane v3, v2  }
0x1d8: {  	[tilespmem:s21], [sflag:$0x1] =	stream.indirect_vreg.gather [hbm4b:s4+s3], $0x80, v4, vm0, $0xb8;
	[tilespmem:$0x10100] =	vst v63  }
0x1d9: {  	v3 =	vadd.s32 v1, v3;
	s21 =	simm.s32 $0x1100  }
0x1da: {  	[tilespmem:s21], [sflag:$0x1] =	stream.indirect_vreg.gather [hbm4b:s5+s3], $0x80, v4, vm0, $0xb8;
	[tilespmem:$0x10100] =	vst v63  }
0x1db: {  	s21 =	simm.s32 $0x1900  }
0x1dc: {  	[tilespmem:s21], [sflag:$0x1] =	stream.indirect_vreg.gather [hbm4b:s6+s3], $0x80, v4, vm0, $0xb8;
	[tilespmem:$0x10100] =	vst v63  }
0x1dd: {  	s23 =	simm.s32 $0x2100  }
0x1de: {  	[tilespmem:s23], [sflag:$0x1] =	stream.indirect_vreg.gather [hbm4b:s1+s3], $0x80, v3, vm0, $0xb8;
	[tilespmem:$0x10100] =	vst v63  }
0x1df: {  	s29 =	simm.s32 $0x2900  }
0x1e0: {  	[tilespmem:s29], [sflag:$0x1] =	stream.indirect_vreg.gather [hbm4b:s4+s3], $0x80, v3, vm0, $0xb8;
	[tilespmem:$0x10100] =	vst v63  }
0x1e1: {  	s10 =	simm.s32 $0x3100  }
0x1e2: {  	[tilespmem:s10], [sflag:$0x1] =	stream.indirect_vreg.gather [hbm4b:s5+s3], $0x80, v3, vm0, $0xb8;
	[tilespmem:$0x10100] =	vst v63  }
0x1e3: {  	s21 =	simm.s32 $0x3900  }
0x1e4: {  	[tilespmem:s21], [sflag:$0x1] =	stream.indirect_vreg.gather [hbm4b:s6+s3], $0x80, v3, vm0, $0xb8;
	[tilespmem:$0x10100] =	vst v63  }
0x1e5: {  	v3 =	vld [tilespmem:$0x10];
	_ =	sdelay $0x4  }
0x1e6: {  	v61 =	vshll.u32 v3, $0x3  }
0x1e7: {  	v3 =	vand.u32 $0x7, v3;
	v4 =	vand.u32 $0xFFFFFFC0, v61  }
0x1e8: {  	v3 =	vor.u32 v3, v4  }
0x1e9: {  	v4 =	vperm.xlane v3, v0;
	_ =	sdelay $0x1  }
0x1ea: {  	v4 =	vadd.s32 v1, v4;
	_ =	sdelay $0x3  }
0x1eb: {  	s23 =	simm.s32 $0x4100  }
0x1ec: {  	[tilespmem:s23], [sflag:$0x1] =	stream.indirect_vreg.gather [hbm4b:s1+s3], $0x80, v4, vm0, $0xb8;
	[tilespmem:$0x10100] =	vst v63  }
0x1ed: {  	s29 =	simm.s32 $0x4900;
	v3 =	vperm.xlane v3, v2  }
0x1ee: {  	[tilespmem:s29], [sflag:$0x1] =	stream.indirect_vreg.gather [hbm4b:s4+s3], $0x80, v4, vm0, $0xb8;
	[tilespmem:$0x10100] =	vst v63  }
0x1ef: {  	s11 =	simm.s32 $0x5100;
	v3 =	vadd.s32 v1, v3  }
0x1f0: {  	[tilespmem:s11], [sflag:$0x1] =	stream.indirect_vreg.gather [hbm4b:s5+s3], $0x80, v4, vm0, $0xb8;
	[tilespmem:$0x10100] =	vst v63  }
0x1f1: {  	s0 =	simm.s32 $0x5900  }
0x1f2: {  	[tilespmem:s0], [sflag:$0x1] =	stream.indirect_vreg.gather [hbm4b:s6+s3], $0x80, v4, vm0, $0xb8;
	[tilespmem:$0x10100] =	vst v63  }
0x1f3: {  	s13 =	simm.s32 $0x6100  }
0x1f4: {  	[tilespmem:s13], [sflag:$0x1] =	stream.indirect_vreg.gather [hbm4b:s1+s3], $0x80, v3, vm0, $0xb8;
	[tilespmem:$0x10100] =	vst v63  }
0x1f5: {  	s14 =	simm.s32 $0x6900  }
0x1f6: {  	[tilespmem:s14], [sflag:$0x1] =	stream.indirect_vreg.gather [hbm4b:s4+s3], $0x80, v3, vm0, $0xb8;
	[tilespmem:$0x10100] =	vst v63  }
0x1f7: {  	s15 =	simm.s32 $0x7100  }
0x1f8: {  	[tilespmem:s15], [sflag:$0x1] =	stream.indirect_vreg.gather [hbm4b:s5+s3], $0x80, v3, vm0, $0xb8;
	[tilespmem:$0x10100] =	vst v63  }
0x1f9: {  	s17 =	simm.s32 $0x7900  }
0x1fa: {  	[tilespmem:s17], [sflag:$0x1] =	stream.indirect_vreg.gather [hbm4b:s6+s3], $0x80, v3, vm0, $0xb8;
	[tilespmem:$0x10100] =	vst v63  }
0x1fb: {  	_ =	swait.ge [sflag:s20], $0x8000  }
0x1fc: {  	[sflag:s20] =	ssyncset.done $0x0  }
0x1fd: {  	s13 =	rddreg [dreg:$0x14];
	[sflag:s20] =	ssyncadd.s32 $0xFFFF8000  }
0x1fe: {  	[hbm4b:s13+s3] =	stream.linear.scatter [tilespmem:s26], [sflag:$0x3], $0x8000, $0x38;
	[tilespmem:$0x10100] =	vst v63  }
0x1ff: {  	_ =	swait.ge [sflag:s8], $0x8000  }
0x200: {  	[sflag:s8] =	ssyncset.done $0x0  }
0x201: {  	s12 =	simm.s32 $0x80;
	s14 =	rddreg [dreg:$0x15];
	[sflag:s8] =	ssyncadd.s32 $0xFFFF8000  }
0x202: {  	[tilespmem:s12], [sflag:$0x3] =	stream.linear.gather [hbm4b:s14+s3], $0x20, $0x38;
	[tilespmem:$0x10100] =	vst v63  }
0x203: {  	_ =	swait.ge [sflag:s8], $0x20  }
0x204: {  	[sflag:s8] =	ssyncset.done $0x0  }
0x205: {  	[sflag:s8] =	ssyncadd.s32 $0xFFFFFFE0  }
0x206: {  	v3 =	vld [tilespmem:$0x80];
	_ =	sdelay $0x4  }
0x207: {  	v62 =	vshll.u32 v3, $0x3  }
0x208: {  	v3 =	vand.u32 $0x7, v3;
	v4 =	vand.u32 $0xFFFFFFC0, v62  }
0x209: {  	v3 =	vor.u32 v3, v4  }
0x20a: {  	v4 =	vperm.xlane v3, v0;
	_ =	sdelay $0x1  }
0x20b: {  	v4 =	vadd.s32 v1, v4;
	_ =	sdelay $0x4  }
0x20c: {  	[tilespmem:s26], [sflag:$0x2] =	stream.indirect_vreg.gather [hbm4b:s1+s3], $0x80, v4, vm0, $0xb8;
	[tilespmem:$0x10100] =	vst v63  }
0x20d: {  	s2 =	simm.s32 $0x8900;
	v3 =	vperm.xlane v3, v2  }
0x20e: {  	[tilespmem:s2], [sflag:$0x2] =	stream.indirect_vreg.gather [hbm4b:s4+s3], $0x80, v4, vm0, $0xb8;
	[tilespmem:$0x10100] =	vst v63  }
0x20f: {  	s9 =	simm.s32 $0x9100;
	v3 =	vadd.s32 v1, v3  }
0x210: {  	[tilespmem:s9], [sflag:$0x2] =	stream.indirect_vreg.gather [hbm4b:s5+s3], $0x80, v4, vm0, $0xb8;
	[tilespmem:$0x10100] =	vst v63  }
0x211: {  	s15 =	simm.s32 $0x9900  }
0x212: {  	[tilespmem:s15], [sflag:$0x2] =	stream.indirect_vreg.gather [hbm4b:s6+s3], $0x80, v4, vm0, $0xb8;
	[tilespmem:$0x10100] =	vst v63  }
0x213: {  	s16 =	simm.s32 $0xA100  }
0x214: {  	[tilespmem:s16], [sflag:$0x2] =	stream.indirect_vreg.gather [hbm4b:s1+s3], $0x80, v3, vm0, $0xb8;
	[tilespmem:$0x10100] =	vst v63  }
0x215: {  	s25 =	simm.s32 $0xA900  }
0x216: {  	[tilespmem:s25], [sflag:$0x2] =	stream.indirect_vreg.gather [hbm4b:s4+s3], $0x80, v3, vm0, $0xb8;
	[tilespmem:$0x10100] =	vst v63  }
0x217: {  	s28 =	simm.s32 $0xB100  }
0x218: {  	[tilespmem:s28], [sflag:$0x2] =	stream.indirect_vreg.gather [hbm4b:s5+s3], $0x80, v3, vm0, $0xb8;
	[tilespmem:$0x10100] =	vst v63  }
0x219: {  	s17 =	simm.s32 $0xB900  }
0x21a: {  	[tilespmem:s17], [sflag:$0x2] =	stream.indirect_vreg.gather [hbm4b:s6+s3], $0x80, v3, vm0, $0xb8;
	[tilespmem:$0x10100] =	vst v63  }
0x21b: {  	v3 =	vld [tilespmem:$0x90];
	_ =	sdelay $0x4  }
0x21c: {  	v63 =	vshll.u32 v3, $0x3  }
0x21d: {  	v3 =	vand.u32 $0x7, v3;
	v4 =	vand.u32 $0xFFFFFFC0, v63  }
0x21e: {  	v3 =	vor.u32 v3, v4  }
0x21f: {  	v4 =	vperm.xlane v3, v0;
	_ =	sdelay $0x1  }
0x220: {  	v4 =	vadd.s32 v1, v4;
	_ =	sdelay $0x3  }
0x221: {  	s21 =	simm.s32 $0xC100  }
0x222: {  	[tilespmem:s21], [sflag:$0x2] =	stream.indirect_vreg.gather [hbm4b:s1+s3], $0x80, v4, vm0, $0xb8;
	[tilespmem:$0x10100] =	vst v63  }
0x223: {  	s23 =	simm.s32 $0xC900;
	v3 =	vperm.xlane v3, v2  }
0x224: {  	[tilespmem:s23], [sflag:$0x2] =	stream.indirect_vreg.gather [hbm4b:s4+s3], $0x80, v4, vm0, $0xb8;
	[tilespmem:$0x10100] =	vst v63  }
0x225: {  	s31 =	simm.s32 $0xD100;
	v3 =	vadd.s32 v1, v3  }
0x226: {  	[tilespmem:s31], [sflag:$0x2] =	stream.indirect_vreg.gather [hbm4b:s5+s3], $0x80, v4, vm0, $0xb8;
	[tilespmem:$0x10100] =	vst v63  }
0x227: {  	s18 =	simm.s32 $0xD900  }
0x228: {  	[tilespmem:s18], [sflag:$0x2] =	stream.indirect_vreg.gather [hbm4b:s6+s3], $0x80, v4, vm0, $0xb8;
	[tilespmem:$0x10100] =	vst v63  }
0x229: {  	s22 =	simm.s32 $0xE100  }
0x22a: {  	[tilespmem:s22], [sflag:$0x2] =	stream.indirect_vreg.gather [hbm4b:s1+s3], $0x80, v3, vm0, $0xb8;
	[tilespmem:$0x10100] =	vst v63  }
0x22b: {  	s24 =	simm.s32 $0xE900  }
0x22c: {  	[tilespmem:s24], [sflag:$0x2] =	stream.indirect_vreg.gather [hbm4b:s4+s3], $0x80, v3, vm0, $0xb8;
	[tilespmem:$0x10100] =	vst v63  }
0x22d: {  	s25 =	simm.s32 $0xF100  }
0x22e: {  	[tilespmem:s25], [sflag:$0x2] =	stream.indirect_vreg.gather [hbm4b:s5+s3], $0x80, v3, vm0, $0xb8;
	[tilespmem:$0x10100] =	vst v63  }
0x22f: {  	s28 =	simm.s32 $0xF900  }
0x230: {  	[tilespmem:s28], [sflag:$0x2] =	stream.indirect_vreg.gather [hbm4b:s6+s3], $0x80, v3, vm0, $0xb8;
	[tilespmem:$0x10100] =	vst v63  }
0x231: {  	_ =	swait.ge [sflag:s19], $0x8000  }
0x232: {  	[sflag:s19] =	ssyncset.done $0x0  }
0x233: {  	s29 =	rddreg [dreg:$0x16];
	[sflag:s19] =	ssyncadd.s32 $0xFFFF8000  }
0x234: {  	[hbm4b:s29+s3] =	stream.linear.scatter [tilespmem:s30], [sflag:$0x3], $0x8000, $0x38;
	[tilespmem:$0x10100] =	vst v63  }
0x235: {  	_ =	swait.ge [sflag:s8], $0x8000  }
0x236: {  	[sflag:s8] =	ssyncset.done $0x0  }
0x237: {  	[sflag:s8] =	ssyncadd.s32 $0xFFFF8000  }
0x238: {  	_ =	swait.ge [sflag:s20], $0x8000  }
0x239: {  	p0 =	sne.s32 s7, $0x1;
	[sflag:s20] =	ssyncset.done $0x0  }
.Ltmp0:
0x23a: {  	s31 =	rddreg [dreg:$0x17];
	[sflag:s20] =	ssyncadd.s32 $0xFFFF8000;
	(pc) =	sbr.rel @p0 .LBB2_1-.Ltmp0, $4  }
0x23b: {  	[hbm4b:s31+s3] =	stream.linear.scatter [tilespmem:s26], [sflag:$0x3], $0x8000, $0x38;
	[tilespmem:$0x10100] =	vst v63  }
0x23c: {  	_ =	swait.ge [sflag:s8], $0x8000  }
0x23d: {  	[sflag:s8] =	ssyncset.done $0x0  }
0x23e: {  	s7 =	sadd.s32 $0xFFFFFFFF, s7;
	[sflag:s8] =	ssyncadd.s32 $0xFFFF8000  }
0x23f: {  	_ =	sfence.sel $0x180000  }
0x240: {  	[bflag:$0x0] =	sbarrier.arrive $0xFFFF  }
0x241: {  	_ =	strace $0x9000004D  }
0x242: {  	s0 =	stileid.u32;
	[bflag:$0x2] =	sbarrier.arrive $0xFFFF  }
0x243: {  	p0 =	sne.s32 s0, $0x0;
	s0 =	rddreg [dreg:$0x3]  }
0x244: {  	s0 =	sadd.s32 @!p0 $0x100000, s0  }
0x245: {  	[sflag:s0] =	ssyncadd.tile.s32 @!p0 $0x1;
	_ =	shalt  }
.Lfunc_end2:
_tile_overlayer_lowered:
.L_overlay_start_2:
0x246: {  	(tag) =	ssettag $0x2  }
0x247: {  	s0 =	rddreg [dreg:$0x0];
	s2 =	stileid.u32  }
0x248: {  	s1 =	rddreg [dreg:$0x1];
	p0 =	sne.s32 s2, $0x0  }
0x249: {  	s3 =	rddreg [dreg:$0x2];
	[bflag:$0x3] =	sbarrier.arrive $0xFFFF;
	s2 =	simm.s32 @!p0 $0x1C03  }
0x24a: {  	[timem:s3], [sflag:s2] =	dma.local @!p0 [hbm:s0], s1  }
0x24b: {  	s0 =	simm.s32 @!p0 $0x3  }
0x24c: {  	_ =	swait.ge @!p0 [sflag:s0], s1  }
0x24d: {  	s1 =	ssub.s32 @!p0 $0x0, s1;
	[sflag:s0] =	ssyncset.done @!p0 $0x0  }
0x24e: {  	[sflag:s0] =	ssyncadd.s32 @!p0 s1  }
0x24f: {  	[bflag:$0x3] =	sbarrier.arrive $0xFFFF  }
0x250: {  	_ =	shalt  }

// kernel: kernel.8.cloned.1.call-start
scs
__scs_entry_jumppad:
0x0: {  	(pc) =	sbr.rel $0x88, $3  }
0x1: {  	(tag) =	ssettag $0x0;
	lr =	simm.s32 $0x1  }
0x2: {  	[smem:$0x3F9A] =	sst lr;
	_ =	strace $0xD0000000  }
0x3: {  	_ = 	snop  }
0x4: {  	_ = 	snop  }
0x5: {  	_ = 	snop  }
0x6: {  	_ = 	snop  }
0x7: {  	_ = 	snop  }
__scs_overlays_trampoline_lowered:
0x8: {  	[smem:$0x3FA9] =	sst s0  }
0x9: {  	[smem:$0x3FAA] =	sst s1  }
0xa: {  	[smem:$0x3FAB] =	sst s2  }
0xb: {  	[smem:$0x3FAC] =	sst s3  }
0xc: {  	[smem:$0x3FAD] =	sst s4  }
0xd: {  	[smem:$0x3FAE] =	sst s5  }
0xe: {  	[smem:$0x3FAF] =	sst s6  }
0xf: {  	[smem:$0x3FB0] =	sst s7  }
0x10: {  	[smem:$0x3FB1] =	sst s8  }
0x11: {  	[smem:$0x3FB2] =	sst s9;
	s0 =	simm.s32 @!p0 $0x0  }
0x12: {  	s1 =	sld [smem:$0x3F98];
	s0 =	simm.s32 @p0 $0x1  }
0x13: {  	[smem:$0x3FB3] =	sst s0;
	s0 =	simm.s32 @!p1 $0x0  }
0x14: {  	s2 =	sld [smem:$0x3F97];
	s0 =	simm.s32 @p1 $0x1  }
0x15: {  	[smem:$0x3FB4] =	sst s0;
	s0 =	simm.s32 @!p2 $0x0  }
0x16: {  	s3 =	sld [smem:$0x3FDB];
	s0 =	simm.s32 @p2 $0x1  }
0x17: {  	s4 =	simm.s32 $0x1BF5;
	[smem:$0x3FB6] =	sst s0  }
0x18: {  	s0 =	sld [smem:$0x3F99];
	_ =	swait.ge [sflag:s4], $0x0  }
0x19: {  	s7 =	sld [smem:$0x3F9A]  }
0x1a: {  	s8 =	sadd.s32 $0xFFFFE003, lr  }
0x1b: {  	s9 =	sadd.s32 $0xFFFFFEF7, lr;
	s5 =	simm.s32 $0xFFFFFFFF;
	p2 =	slt.u32 s8, $0xFFFFF086  }
0x1c: {  	p1 =	slt.u32 s9, $0xF7A;
	s5 =	simm.s32 @!p2 $0x0  }
0x1d: {  	s5 =	simm.s32 @p1 $0x1;
	p0 =	seq.s32 s7, s2  }
0x1e: {  	s7 =	smul.u32 @!p0 $0xF7A, s2;
	p2 =	seq.s32 @!p0 s5, $0x0  }
0x1f: {  	s9 =	smul.u32 $0xF7A, s1;
	s8 =	simm.s32 @!p0 $0x1BF5;
	p2 =	por !p2, p0  }
0x20: {  	[sflag:s8] =	ssyncset.s32 @!p0 $0xFFFFF086;
	s6 =	sadd.s32 @!p0 s3, s7;
	s7 =	simm.s32 @!p0 $0x108  }
0x21: {  	s3 =	sadd.s32 s3, s9;
	s6 =	sadd.s32 @!p0 $0x88, s6;
	s7 =	simm.s32 @p2 $0x1082  }
0x22: {  	[simem:s7], [sflag:s8] =	dma.local @!p0 [hbm:s6], $0xF7A  }
0x23: {  	s9 =	sor.u32 $0xD0000000, s2;
	s6 =	simm.s32 $0x108;
	_ =	swait.ge @!p0 [sflag:s8], $0x0  }
0x24: {  	s3 =	sadd.s32 $0x88, s3;
	s6 =	simm.s32 @!p1 $0x1082;
	[sflag:s4] =	ssyncset.s32 $0xFFFFF086  }
0x25: {  	[simem:s6], [sflag:s4] =	dma.local [hbm:s3], $0xF7A  }
0x26: {  	[smem:$0x3F9A] =	sst s1;
	(tag) =	ssettag s2;
	_ =	strace s9  }
0x27: {  	s1 =	sld [smem:$0x3FAA]  }
0x28: {  	s2 =	sld [smem:$0x3FAB]  }
0x29: {  	s4 =	sld [smem:$0x3FAD]  }
0x2a: {  	p0 =	seq.s32 s5, $0x0;
	s5 =	sld [smem:$0x3FAE]  }
0x2b: {  	s6 =	sld [smem:$0x3FAF]  }
0x2c: {  	s7 =	sld [smem:$0x3FB0]  }
0x2d: {  	s3 =	simm.s32 $0x108;
	s8 =	sld [smem:$0x3FB1]  }
0x2e: {  	s3 =	simm.s32 @!p0 $0x1082;
	s9 =	sld [smem:$0x3FB2]  }
0x2f: {  	lr =	sadd.s32 s0, s3;
	s0 =	sld [smem:$0x3FA9]  }
0x30: {  	s3 =	sld [smem:$0x3FAC]  }
0x31: {  	[smem:$0x3FB5] =	sst s10  }
0x32: {  	s10 =	sld [smem:$0x3FB3];
	_ =	sdelay $0x3  }
0x33: {  	p0 =	seq.s32 s10, $0x1;
	s10 =	sld [smem:$0x3FB5];
	_ =	sdelay $0x3  }
0x34: {  	[smem:$0x3FB5] =	sst s10  }
0x35: {  	s10 =	sld [smem:$0x3FB4];
	_ =	sdelay $0x3  }
0x36: {  	p1 =	seq.s32 s10, $0x1;
	s10 =	sld [smem:$0x3FB5];
	_ =	sdelay $0x3  }
0x37: {  	[smem:$0x3FB5] =	sst s10  }
0x38: {  	s10 =	sld [smem:$0x3FB6]  }
0x39: {  	_ = 	snop;
	(pc) =	sbr.ind lr, $3  }
0x3a: {  	_ = 	snop  }
0x3b: {  	_ = 	snop  }
0x3c: {  	p2 =	seq.s32 s10, $0x1;
	s10 =	sld [smem:$0x3FB5]  }
0x3d: {  	_ =	shalt  }
0x3e: {  	_ =	shalt  }
0x3f: {  	_ =	shalt  }
0x40: {  	_ =	shalt  }
0x41: {  	_ =	shalt  }
0x42: {  	_ =	shalt  }
0x43: {  	_ =	shalt  }
0x44: {  	_ =	shalt  }
0x45: {  	_ =	shalt  }
0x46: {  	_ =	shalt  }
0x47: {  	_ =	shalt  }
0x48: {  	_ =	shalt  }
0x49: {  	_ =	shalt  }
0x4a: {  	_ =	shalt  }
0x4b: {  	_ =	shalt  }
0x4c: {  	_ =	shalt  }
0x4d: {  	_ =	shalt  }
0x4e: {  	_ =	shalt  }
0x4f: {  	_ =	shalt  }
0x50: {  	_ =	shalt  }
0x51: {  	_ =	shalt  }
0x52: {  	_ =	shalt  }
0x53: {  	_ =	shalt  }
0x54: {  	_ =	shalt  }
0x55: {  	_ =	shalt  }
0x56: {  	_ =	shalt  }
0x57: {  	_ =	shalt  }
0x58: {  	_ =	shalt  }
0x59: {  	_ =	shalt  }
0x5a: {  	_ =	shalt  }
0x5b: {  	_ =	shalt  }
0x5c: {  	_ =	shalt  }
0x5d: {  	_ =	shalt  }
0x5e: {  	_ =	shalt  }
0x5f: {  	_ =	shalt  }
0x60: {  	_ =	shalt  }
0x61: {  	_ =	shalt  }
0x62: {  	_ =	shalt  }
0x63: {  	_ =	shalt  }
0x64: {  	_ =	shalt  }
0x65: {  	_ =	shalt  }
0x66: {  	_ =	shalt  }
0x67: {  	_ =	shalt  }
0x68: {  	_ =	shalt  }
0x69: {  	_ =	shalt  }
0x6a: {  	_ =	shalt  }
0x6b: {  	_ =	shalt  }
0x6c: {  	_ =	shalt  }
0x6d: {  	_ =	shalt  }
0x6e: {  	_ =	shalt  }
0x6f: {  	_ =	shalt  }
0x70: {  	_ =	shalt  }
0x71: {  	_ =	shalt  }
0x72: {  	_ =	shalt  }
0x73: {  	_ =	shalt  }
0x74: {  	_ =	shalt  }
0x75: {  	_ =	shalt  }
0x76: {  	_ =	shalt  }
0x77: {  	_ =	shalt  }
0x78: {  	_ =	shalt  }
0x79: {  	_ =	shalt  }
0x7a: {  	_ =	shalt  }
0x7b: {  	_ =	shalt  }
0x7c: {  	_ =	shalt  }
0x7d: {  	_ =	shalt  }
0x7e: {  	_ =	shalt  }
0x7f: {  	_ =	shalt  }
0x80: {  	_ =	shalt  }
0x81: {  	_ =	shalt  }
0x82: {  	_ =	shalt  }
0x83: {  	_ =	shalt  }
0x84: {  	_ =	shalt  }
0x85: {  	_ =	shalt  }
0x86: {  	_ =	shalt  }
0x87: {  	_ =	shalt  }
.Lfunc_end0:
.L_simem_size_0:
called_computation.3_lowered:
.L_overlay_start_0:
0x88: {  	s2 =	sld [smem:$0x3FD9]  }
0x89: {  	s3 =	sld [smem:$0x3FFE];
	_ =	sdelay $0x1  }
0x8a: {  	s1 =	srdreg.scid  }
0x8b: {  	s0 =	sand.u32 $0x1, s1  }
0x8c: {  	s17 =	sshll.u32 s0, $0xA;
	s2 =	sadd.s32 s3, s2  }
0x8d: {  	s2 =	sadd.s32 s2, s17  }
0x8e: {  	[smem:$0x3FC1] =	sst s2  }
0x8f: {  	_ = 	snop  }
0x90: {  	s2 =	sld [smem:$0x3FD0];
	(tm) =	ssettm $0x1  }
0x91: {  	s18 =	sld [smem:$0x3FFB];
	_ =	sdelay $0x3  }
0x92: {  	_ =	strace s18  }
0x93: {  	s3 =	sld [smem:$0x3FFC];
	_ =	sdelay $0x3  }
0x94: {  	_ =	strace s3  }
0x95: {  	s3 =	sld [smem:$0x3FFD];
	_ =	sdelay $0x3  }
0x96: {  	_ =	strace s3  }
0x97: {  	_ =	strace $0x8FFFFFFF  }
0x98: {  	s19 =	sld [smem:$0x3FDB];
	_ =	sdelay $0x1  }
0x99: {  	s4 =	simm.s32 $_scs_section_size  }
0x9a: {  	s5 =	simm.s32 $_size__tile_overlayer_lowered;
	s6 =	simm.s32 $_tile_overlayer_lowered  }
0x9b: {  	s22 =	simm.s32 $0x1BFF;
	s21 =	sshll.u32 s6, $0x1;
	s3 =	sadd.s32 s4, s19  }
0x9c: {  	s7 =	simm.s32 $0x0;
	s20 =	sshll.u32 s5, $0x1;
	s5 =	sadd.s32 s21, s3  }
0x9d: {  	[timem:s7], [sflag:s22] =	dma.local [hbm:s5], s20  }
0x9e: {  	_ =	swait.ge [sflag:s22], s20  }
0x9f: {  	s4 =	ssub.s32 $0x0, s20;
	[sflag:s22] =	ssyncset.done $0x0  }
0xa0: {  	[sflag:s22] =	ssyncadd.s32 s4;
	_ =	sdelay $0x1  }
0xa1: {  	s23 =	simm.s32 $0x1B8B  }
0xa2: {  	_ =	swait.ge [sflag:s23], $0x1  }
0xa3: {  	[sflag:s23] =	ssyncset.done $0x0  }
0xa4: {  	s25 =	simm.s32 $0x1B8E;
	s24 =	sld [smem:$0x3FFE];
	[sflag:s23] =	ssyncadd.s32 $0xFFFFFFFF  }
0xa5: {  	s26 =	simm.s32 $execute0_lowered;
	[smem:$0x3FD2] =	sst s25  }
0xa6: {  	s5 =	sshll.u32 s26, $0x1;
	_ =	strace $0x8000004F;
	[dreg:$0x1] =	wrdreg $0xFFFFFFFF  }
0xa7: {  	s28 =	simm.s32 $_size_execute0_lowered;
	s3 =	sadd.s32 s3, s5;
	[dreg:$0x0] =	wrdreg $0x0  }
0xa8: {  	s5 =	sshll.u32 s28, $0x1;
	[dreg:$0x2] =	wrdreg s3  }
0xa9: {  	[dreg:$0x3] =	wrdreg s5  }
0xaa: {  	[dreg:$0x4] =	wrdreg $0xC0  }
0xab: {  	_ =	task [dreg:s7], $0x5FFFF  }
0xac: {  	[dreg:$0x1] =	wrdreg $0xFFFFFFFF  }
0xad: {  	[dreg:$0x0] =	wrdreg $0x60  }
0xae: {  	[dreg:$0x2] =	wrdreg s24  }
0xaf: {  	[dreg:$0x3] =	wrdreg s2  }
0xb0: {  	[dreg:$0x4] =	wrdreg $0x9  }
0xb1: {  	_ =	task.clear_ibuf [dreg:s7], $0x5FFFF;
	_ =	strace $0x9000004F  }
0xb2: {  	s29 =	simm.s32 $0x9;
	_ =	strace $0x80000051  }
0xb3: {  	_ =	swait.ge [sflag:s29], $0x1  }
0xb4: {  	[sflag:s29] =	ssyncadd.s32 $0xFFFFFFFF  }
0xb5: {  	_ =	strace $0x90000051  }
0xb6: {  	_ =	sfence  }
0xb7: {  	s30 =	sld [smem:$0x0];
	_ =	sdelay $0x2  }
0xb8: {  	s31 =	sshll.u32 s1, $0xD;
	s1 =	sshrl.u32 s1, $0x2  }
0xb9: {  	s3 =	sand.u32 $0x4000, s31;
	s1 =	sadd.s32 s1, s30  }
0xba: {  	s0 =	sor.u32 s3, s0;
	s1 =	sshll.u32 s1, $0x11  }
0xbb: {  	s0 =	sor.u32 s1, s0  }
0xbc: {  	s0 =	sadd.s32 $0x8F2B, s0  }
0xbd: {  	[sflag:s0] =	ssyncadd.remote.s32 $0x1  }
0xbe: {  	_ =	sfence.sel $0xFFFF  }
0xbf: {  	[dreg:$0x0] =	wrdreg $0xFFFFFFFF;
	(pc) =	sbr.abs _section_cstart, $3  }
0xc0: {  	[dreg:$0x1] =	wrdreg $0xFFFFFFFF  }
0xc1: {  	_ =	task.clear_ibuf [dreg:s7], $0x2FFFF;
	_ =	strace $0x9FFFFFFF  }
0xc2: {  	(tm) =	ssettm $0x7FFFFFFF  }
0xc3: {  	_ =	shalt  }
tec
execute0_lowered:
.L_overlay_start_1:
0x0: {  	(tag) =	ssettag $0x1  }
0x1: {  	s0 =	rddreg [dreg:$0x0]  }
0x2: {  	s1 =	rddreg [dreg:$0x1]  }
0x3: {  	s3 =	srdreg.scid;
	s2 =	simm.s32 $0x0;
	s5 =	stileid.u32  }
0x4: {  	s30 =	simm.s32 $0x100;
	s4 =	sand.u32 $0x1, s3;
	[smem:$0x7FF] =	sst s2  }
0x5: {  	s5 =	sshll.u32 s5, $0x9;
	s3 =	sadd.s32 $0x141800, s0;
	s6 =	sshll.u32 s4, $0x8  }
0x6: {  	_ =	strace $0x80000050;
	s4 =	ssub.s32 $0x2, s4;
	s5 =	sor.u32 s6, s5  }
0x7: {  	s6 =	sadd.s32 $0x600, s0;
	s10 =	sshrl.u32 s4, $0x1;
	s7 =	sshrl.u32 s5, $0x3  }
0x8: {  	s8 =	sor.u32 $0x20, s5;
	s24 =	sshll.u32 s5, $0x7;
	s26 =	sor.u32 $0x40, s5  }
0x9: {  	s11 =	sor.u32 $0x60, s5;
	s14 =	sor.u32 $0x80, s5;
	s15 =	ssub.s32 s4, s10  }
0xa: {  	s18 =	sor.u32 $0xA0, s5;
	s7 =	sadd.s32 s6, s7;
	s9 =	sshrl.u32 s8, $0x3  }
0xb: {  	s25 =	sadd.s32 s1, s24;
	s28 =	sshrl.u32 s26, $0x3;
	[dreg:$0x3] =	wrdreg s7  }
0xc: {  	s8 =	sshll.u32 s8, $0x7;
	s23 =	sadd.s32 s6, s9;
	[dreg:$0x5] =	wrdreg s25  }
0xd: {  	s31 =	sshrl.u32 s11, $0x3;
	s7 =	sadd.s32 s6, s28;
	[dreg:$0x4] =	wrdreg s23  }
0xe: {  	s12 =	sshll.u32 s26, $0x7;
	s29 =	sadd.s32 s1, s8;
	[dreg:$0x6] =	wrdreg s7  }
0xf: {  	s16 =	sshrl.u32 s14, $0x3;
	s8 =	sadd.s32 s6, s31;
	[dreg:$0x7] =	wrdreg s29  }
0x10: {  	s17 =	sshll.u32 s11, $0x7;
	s13 =	sadd.s32 s1, s12;
	[dreg:$0x8] =	wrdreg s8  }
0x11: {  	s20 =	sshrl.u32 s18, $0x3;
	s4 =	sadd.s32 s6, s16;
	[dreg:$0x9] =	wrdreg s13  }
0x12: {  	s22 =	sshll.u32 s14, $0x7;
	s19 =	sadd.s32 s1, s17;
	[dreg:$0xa] =	wrdreg s4  }
0x13: {  	s10 =	sshll.u32 s18, $0x7;
	s21 =	sadd.s32 s6, s20;
	[dreg:$0xb] =	wrdreg s19  }
0x14: {  	s25 =	sadd.s32 s1, s10;
	s20 =	simm.s32 $0x2;
	[dreg:$0xc] =	wrdreg s21  }
0x15: {  	s7 =	sadd.s32 s1, s22;
	s23 =	sor.u32 $0xC0, s5;
	s4 =	sadd.s32 $0x141900, s0  }
0x16: {  	s5 =	sor.u32 $0xE0, s5;
	[dreg:$0xf] =	wrdreg s25;
	s8 =	simm.s32 $0x3  }
0x17: {  	s19 =	simm.s32 $0x1;
	[dreg:$0xd] =	wrdreg s7;
	s24 =	sshrl.u32 s23, $0x3  }
0x18: {  	s26 =	sshrl.u32 s5, $0x3;
	s28 =	sshll.u32 s23, $0x7;
	s7 =	sadd.s32 s6, s24  }
0x19: {  	s31 =	sshll.u32 s5, $0x7;
	s6 =	sadd.s32 s6, s26;
	[dreg:$0xe] =	wrdreg s7  }
0x1a: {  	v2 =	vlaneseq.u32;
	s5 =	sadd.s32 $0x141A00, s0;
	s29 =	sadd.s32 s1, s28;
	[dreg:$0x10] =	wrdreg s6  }
0x1b: {  	vm0 =	vmmov $0xffff;
	v1 =	vshrl.u32 v2, $0x3;
	s1 =	sadd.s32 s1, s31;
	s26 =	simm.s32 $0x8100;
	[dreg:$0x11] =	wrdreg s29  }
0x1c: {  	v0 =	vand.u32 $0x7, v2;
	v2 =	vor.u32 $0x8, v2;
	v1 =	vmul.u32 $0x8, v1;
	s6 =	sadd.s32 $0x141B00, s0;
	[dreg:$0x12] =	wrdreg s1;
	s7 =	smax.u32 s15, $0x1  }
.LBB2_1:
0x1d: {  	s21 =	rddreg [dreg:$0x3]  }
0x1e: {  	[tilespmem:s2], [sflag:$0x3] =	stream.linear.gather [hbm4b:s21+s2], $0x20, $0x38;
	[tilespmem:$0x10100] =	vst v63  }
0x1f: {  	_ =	swait.ge [sflag:s8], $0x20  }
0x20: {  	[sflag:s8] =	ssyncset.done $0x0  }
0x21: {  	[sflag:s8] =	ssyncadd.s32 $0xFFFFFFE0  }
0x22: {  	v3 =	vld [tilespmem:$0x0];
	_ =	sdelay $0x4  }
0x23: {  	v4 =	vshll.u32 v3, $0x3  }
0x24: {  	v3 =	vand.u32 $0x7, v3;
	v4 =	vand.u32 $0xFFFFFFC0, v4  }
0x25: {  	v3 =	vor.u32 v3, v4  }
0x26: {  	v4 =	vperm.xlane v3, v0;
	_ =	sdelay $0x1  }
0x27: {  	v4 =	vadd.s32 v1, v4;
	_ =	sdelay $0x4  }
0x28: {  	[tilespmem:s30], [sflag:$0x1] =	stream.indirect_vreg.gather [hbm4b:s3+s2], $0x80, v4, vm0, $0xb8;
	[tilespmem:$0x10100] =	vst v63  }
0x29: {  	s0 =	simm.s32 $0x900;
	v3 =	vperm.xlane v3, v2  }
0x2a: {  	[tilespmem:s0], [sflag:$0x1] =	stream.indirect_vreg.gather [hbm4b:s4+s2], $0x80, v4, vm0, $0xb8;
	[tilespmem:$0x10100] =	vst v63  }
0x2b: {  	s9 =	simm.s32 $0x1100;
	v3 =	vadd.s32 v1, v3  }
0x2c: {  	[tilespmem:s9], [sflag:$0x1] =	stream.indirect_vreg.gather [hbm4b:s5+s2], $0x80, v4, vm0, $0xb8;
	[tilespmem:$0x10100] =	vst v63  }
0x2d: {  	s11 =	simm.s32 $0x1900  }
0x2e: {  	[tilespmem:s11], [sflag:$0x1] =	stream.indirect_vreg.gather [hbm4b:s6+s2], $0x80, v4, vm0, $0xb8;
	[tilespmem:$0x10100] =	vst v63  }
0x2f: {  	s12 =	simm.s32 $0x2100  }
0x30: {  	[tilespmem:s12], [sflag:$0x1] =	stream.indirect_vreg.gather [hbm4b:s3+s2], $0x80, v3, vm0, $0xb8;
	[tilespmem:$0x10100] =	vst v63  }
0x31: {  	s13 =	simm.s32 $0x2900  }
0x32: {  	[tilespmem:s13], [sflag:$0x1] =	stream.indirect_vreg.gather [hbm4b:s4+s2], $0x80, v3, vm0, $0xb8;
	[tilespmem:$0x10100] =	vst v63  }
0x33: {  	s14 =	simm.s32 $0x3100  }
0x34: {  	[tilespmem:s14], [sflag:$0x1] =	stream.indirect_vreg.gather [hbm4b:s5+s2], $0x80, v3, vm0, $0xb8;
	[tilespmem:$0x10100] =	vst v63  }
0x35: {  	s15 =	simm.s32 $0x3900  }
0x36: {  	[tilespmem:s15], [sflag:$0x1] =	stream.indirect_vreg.gather [hbm4b:s6+s2], $0x80, v3, vm0, $0xb8;
	[tilespmem:$0x10100] =	vst v63  }
0x37: {  	v3 =	vld [tilespmem:$0x10];
	_ =	sdelay $0x4  }
0x38: {  	v49 =	vshll.u32 v3, $0x3  }
0x39: {  	v3 =	vand.u32 $0x7, v3;
	v4 =	vand.u32 $0xFFFFFFC0, v49  }
0x3a: {  	v3 =	vor.u32 v3, v4  }
0x3b: {  	v4 =	vperm.xlane v3, v0;
	_ =	sdelay $0x1  }
0x3c: {  	v4 =	vadd.s32 v1, v4;
	_ =	sdelay $0x3  }
0x3d: {  	s16 =	simm.s32 $0x4100  }
0x3e: {  	[tilespmem:s16], [sflag:$0x1] =	stream.indirect_vreg.gather [hbm4b:s3+s2], $0x80, v4, vm0, $0xb8;
	[tilespmem:$0x10100] =	vst v63  }
0x3f: {  	s17 =	simm.s32 $0x4900;
	v3 =	vperm.xlane v3, v2  }
0x40: {  	[tilespmem:s17], [sflag:$0x1] =	stream.indirect_vreg.gather [hbm4b:s4+s2], $0x80, v4, vm0, $0xb8;
	[tilespmem:$0x10100] =	vst v63  }
0x41: {  	s18 =	simm.s32 $0x5100;
	v3 =	vadd.s32 v1, v3  }
0x42: {  	[tilespmem:s18], [sflag:$0x1] =	stream.indirect_vreg.gather [hbm4b:s5+s2], $0x80, v4, vm0, $0xb8;
	[tilespmem:$0x10100] =	vst v63  }
0x43: {  	s21 =	simm.s32 $0x5900  }
0x44: {  	[tilespmem:s21], [sflag:$0x1] =	stream.indirect_vreg.gather [hbm4b:s6+s2], $0x80, v4, vm0, $0xb8;
	[tilespmem:$0x10100] =	vst v63  }
0x45: {  	s22 =	simm.s32 $0x6100  }
0x46: {  	[tilespmem:s22], [sflag:$0x1] =	stream.indirect_vreg.gather [hbm4b:s3+s2], $0x80, v3, vm0, $0xb8;
	[tilespmem:$0x10100] =	vst v63  }
0x47: {  	s23 =	simm.s32 $0x6900  }
0x48: {  	[tilespmem:s23], [sflag:$0x1] =	stream.indirect_vreg.gather [hbm4b:s4+s2], $0x80, v3, vm0, $0xb8;
	[tilespmem:$0x10100] =	vst v63  }
0x49: {  	s24 =	simm.s32 $0x7100  }
0x4a: {  	[tilespmem:s24], [sflag:$0x1] =	stream.indirect_vreg.gather [hbm4b:s5+s2], $0x80, v3, vm0, $0xb8;
	[tilespmem:$0x10100] =	vst v63  }
0x4b: {  	s28 =	simm.s32 $0x7900  }
0x4c: {  	[tilespmem:s28], [sflag:$0x1] =	stream.indirect_vreg.gather [hbm4b:s6+s2], $0x80, v3, vm0, $0xb8;
	[tilespmem:$0x10100] =	vst v63  }
0x4d: {  	s29 =	simm.s32 $0x80;
	s25 =	rddreg [dreg:$0x4]  }
0x4e: {  	[tilespmem:s29], [sflag:$0x3] =	stream.linear.gather [hbm4b:s25+s2], $0x20, $0x38;
	[tilespmem:$0x10100] =	vst v63  }
0x4f: {  	_ =	swait.ge [sflag:s8], $0x20  }
0x50: {  	[sflag:s8] =	ssyncset.done $0x0  }
0x51: {  	[sflag:s8] =	ssyncadd.s32 $0xFFFFFFE0  }
0x52: {  	v3 =	vld [tilespmem:$0x80];
	_ =	sdelay $0x4  }
0x53: {  	v50 =	vshll.u32 v3, $0x3  }
0x54: {  	v3 =	vand.u32 $0x7, v3;
	v4 =	vand.u32 $0xFFFFFFC0, v50  }
0x55: {  	v3 =	vor.u32 v3, v4  }
0x56: {  	v4 =	vperm.xlane v3, v0;
	_ =	sdelay $0x1  }
0x57: {  	v4 =	vadd.s32 v1, v4;
	_ =	sdelay $0x4  }
0x58: {  	[tilespmem:s26], [sflag:$0x2] =	stream.indirect_vreg.gather [hbm4b:s3+s2], $0x80, v4, vm0, $0xb8;
	[tilespmem:$0x10100] =	vst v63  }
0x59: {  	s31 =	simm.s32 $0x8900;
	v3 =	vperm.xlane v3, v2  }
0x5a: {  	[tilespmem:s31], [sflag:$0x2] =	stream.indirect_vreg.gather [hbm4b:s4+s2], $0x80, v4, vm0, $0xb8;
	[tilespmem:$0x10100] =	vst v63  }
0x5b: {  	s11 =	simm.s32 $0x9100;
	v3 =	vadd.s32 v1, v3  }
0x5c: {  	[tilespmem:s11], [sflag:$0x2] =	stream.indirect_vreg.gather [hbm4b:s5+s2], $0x80, v4, vm0, $0xb8;
	[tilespmem:$0x10100] =	vst v63  }
0x5d: {  	s15 =	simm.s32 $0x9900  }
0x5e: {  	[tilespmem:s15], [sflag:$0x2] =	stream.indirect_vreg.gather [hbm4b:s6+s2], $0x80, v4, vm0, $0xb8;
	[tilespmem:$0x10100] =	vst v63  }
0x5f: {  	s16 =	simm.s32 $0xA100  }
0x60: {  	[tilespmem:s16], [sflag:$0x2] =	stream.indirect_vreg.gather [hbm4b:s3+s2], $0x80, v3, vm0, $0xb8;
	[tilespmem:$0x10100] =	vst v63  }
0x61: {  	s17 =	simm.s32 $0xA900  }
0x62: {  	[tilespmem:s17], [sflag:$0x2] =	stream.indirect_vreg.gather [hbm4b:s4+s2], $0x80, v3, vm0, $0xb8;
	[tilespmem:$0x10100] =	vst v63  }
0x63: {  	s18 =	simm.s32 $0xB100  }
0x64: {  	[tilespmem:s18], [sflag:$0x2] =	stream.indirect_vreg.gather [hbm4b:s5+s2], $0x80, v3, vm0, $0xb8;
	[tilespmem:$0x10100] =	vst v63  }
0x65: {  	s22 =	simm.s32 $0xB900  }
0x66: {  	[tilespmem:s22], [sflag:$0x2] =	stream.indirect_vreg.gather [hbm4b:s6+s2], $0x80, v3, vm0, $0xb8;
	[tilespmem:$0x10100] =	vst v63  }
0x67: {  	v3 =	vld [tilespmem:$0x90];
	_ =	sdelay $0x4  }
0x68: {  	v51 =	vshll.u32 v3, $0x3  }
0x69: {  	v3 =	vand.u32 $0x7, v3;
	v4 =	vand.u32 $0xFFFFFFC0, v51  }
0x6a: {  	v3 =	vor.u32 v3, v4  }
0x6b: {  	v4 =	vperm.xlane v3, v0;
	_ =	sdelay $0x1  }
0x6c: {  	v4 =	vadd.s32 v1, v4;
	_ =	sdelay $0x3  }
0x6d: {  	s23 =	simm.s32 $0xC100  }
0x6e: {  	[tilespmem:s23], [sflag:$0x2] =	stream.indirect_vreg.gather [hbm4b:s3+s2], $0x80, v4, vm0, $0xb8;
	[tilespmem:$0x10100] =	vst v63  }
0x6f: {  	s29 =	simm.s32 $0xC900;
	v3 =	vperm.xlane v3, v2  }
0x70: {  	[tilespmem:s29], [sflag:$0x2] =	stream.indirect_vreg.gather [hbm4b:s4+s2], $0x80, v4, vm0, $0xb8;
	[tilespmem:$0x10100] =	vst v63  }
0x71: {  	s0 =	simm.s32 $0xD100;
	v3 =	vadd.s32 v1, v3  }
0x72: {  	[tilespmem:s0], [sflag:$0x2] =	stream.indirect_vreg.gather [hbm4b:s5+s2], $0x80, v4, vm0, $0xb8;
	[tilespmem:$0x10100] =	vst v63  }
0x73: {  	s11 =	simm.s32 $0xD900  }
0x74: {  	[tilespmem:s11], [sflag:$0x2] =	stream.indirect_vreg.gather [hbm4b:s6+s2], $0x80, v4, vm0, $0xb8;
	[tilespmem:$0x10100] =	vst v63  }
0x75: {  	s15 =	simm.s32 $0xE100  }
0x76: {  	[tilespmem:s15], [sflag:$0x2] =	stream.indirect_vreg.gather [hbm4b:s3+s2], $0x80, v3, vm0, $0xb8;
	[tilespmem:$0x10100] =	vst v63  }
0x77: {  	s16 =	simm.s32 $0xE900  }
0x78: {  	[tilespmem:s16], [sflag:$0x2] =	stream.indirect_vreg.gather [hbm4b:s4+s2], $0x80, v3, vm0, $0xb8;
	[tilespmem:$0x10100] =	vst v63  }
0x79: {  	s17 =	simm.s32 $0xF100  }
0x7a: {  	[tilespmem:s17], [sflag:$0x2] =	stream.indirect_vreg.gather [hbm4b:s5+s2], $0x80, v3, vm0, $0xb8;
	[tilespmem:$0x10100] =	vst v63  }
0x7b: {  	s23 =	simm.s32 $0xF900  }
0x7c: {  	[tilespmem:s23], [sflag:$0x2] =	stream.indirect_vreg.gather [hbm4b:s6+s2], $0x80, v3, vm0, $0xb8;
	[tilespmem:$0x10100] =	vst v63  }
0x7d: {  	_ =	swait.ge [sflag:s19], $0x8000  }
0x7e: {  	[sflag:s19] =	ssyncset.done $0x0  }
0x7f: {  	s29 =	rddreg [dreg:$0x5];
	[sflag:s19] =	ssyncadd.s32 $0xFFFF8000  }
0x80: {  	[hbm4b:s29+s2] =	stream.linear.scatter [tilespmem:s30], [sflag:$0x3], $0x8000, $0x38;
	[tilespmem:$0x10100] =	vst v63  }
0x81: {  	_ =	swait.ge [sflag:s8], $0x8000  }
0x82: {  	[sflag:s8] =	ssyncset.done $0x0  }
0x83: {  	s0 =	rddreg [dreg:$0x6];
	[sflag:s8] =	ssyncadd.s32 $0xFFFF8000  }
0x84: {  	[tilespmem:s2], [sflag:$0x3] =	stream.linear.gather [hbm4b:s0+s2], $0x20, $0x38;
	[tilespmem:$0x10100] =	vst v63  }
0x85: {  	_ =	swait.ge [sflag:s8], $0x20  }
0x86: {  	[sflag:s8] =	ssyncset.done $0x0  }
0x87: {  	[sflag:s8] =	ssyncadd.s32 $0xFFFFFFE0  }
0x88: {  	v3 =	vld [tilespmem:$0x0];
	_ =	sdelay $0x4  }
0x89: {  	v52 =	vshll.u32 v3, $0x3  }
0x8a: {  	v3 =	vand.u32 $0x7, v3;
	v4 =	vand.u32 $0xFFFFFFC0, v52  }
0x8b: {  	v3 =	vor.u32 v3, v4  }
0x8c: {  	v4 =	vperm.xlane v3, v0;
	_ =	sdelay $0x1  }
0x8d: {  	v4 =	vadd.s32 v1, v4;
	_ =	sdelay $0x4  }
0x8e: {  	[tilespmem:s30], [sflag:$0x1] =	stream.indirect_vreg.gather [hbm4b:s3+s2], $0x80, v4, vm0, $0xb8;
	[tilespmem:$0x10100] =	vst v63  }
0x8f: {  	s10 =	simm.s32 $0x900;
	v3 =	vperm.xlane v3, v2  }
0x90: {  	[tilespmem:s10], [sflag:$0x1] =	stream.indirect_vreg.gather [hbm4b:s4+s2], $0x80, v4, vm0, $0xb8;
	[tilespmem:$0x10100] =	vst v63  }
0x91: {  	s1 =	simm.s32 $0x1100;
	v3 =	vadd.s32 v1, v3  }
0x92: {  	[tilespmem:s1], [sflag:$0x1] =	stream.indirect_vreg.gather [hbm4b:s5+s2], $0x80, v4, vm0, $0xb8;
	[tilespmem:$0x10100] =	vst v63  }
0x93: {  	s9 =	simm.s32 $0x1900  }
0x94: {  	[tilespmem:s9], [sflag:$0x1] =	stream.indirect_vreg.gather [hbm4b:s6+s2], $0x80, v4, vm0, $0xb8;
	[tilespmem:$0x10100] =	vst v63  }
0x95: {  	s29 =	simm.s32 $0x2100  }
0x96: {  	[tilespmem:s29], [sflag:$0x1] =	stream.indirect_vreg.gather [hbm4b:s3+s2], $0x80, v3, vm0, $0xb8;
	[tilespmem:$0x10100] =	vst v63  }
0x97: {  	s10 =	simm.s32 $0x2900  }
0x98: {  	[tilespmem:s10], [sflag:$0x1] =	stream.indirect_vreg.gather [hbm4b:s4+s2], $0x80, v3, vm0, $0xb8;
	[tilespmem:$0x10100] =	vst v63  }
0x99: {  	s11 =	simm.s32 $0x3100  }
0x9a: {  	[tilespmem:s11], [sflag:$0x1] =	stream.indirect_vreg.gather [hbm4b:s5+s2], $0x80, v3, vm0, $0xb8;
	[tilespmem:$0x10100] =	vst v63  }
0x9b: {  	s13 =	simm.s32 $0x3900  }
0x9c: {  	[tilespmem:s13], [sflag:$0x1] =	stream.indirect_vreg.gather [hbm4b:s6+s2], $0x80, v3, vm0, $0xb8;
	[tilespmem:$0x10100] =	vst v63  }
0x9d: {  	v3 =	vld [tilespmem:$0x10];
	_ =	sdelay $0x4  }
0x9e: {  	v53 =	vshll.u32 v3, $0x3  }
0x9f: {  	v3 =	vand.u32 $0x7, v3;
	v4 =	vand.u32 $0xFFFFFFC0, v53  }
0xa0: {  	v3 =	vor.u32 v3, v4  }
0xa1: {  	v4 =	vperm.xlane v3, v0;
	_ =	sdelay $0x1  }
0xa2: {  	v4 =	vadd.s32 v1, v4;
	_ =	sdelay $0x3  }
0xa3: {  	s14 =	simm.s32 $0x4100  }
0xa4: {  	[tilespmem:s14], [sflag:$0x1] =	stream.indirect_vreg.gather [hbm4b:s3+s2], $0x80, v4, vm0, $0xb8;
	[tilespmem:$0x10100] =	vst v63  }
0xa5: {  	s12 =	simm.s32 $0x4900;
	v3 =	vperm.xlane v3, v2  }
0xa6: {  	[tilespmem:s12], [sflag:$0x1] =	stream.indirect_vreg.gather [hbm4b:s4+s2], $0x80, v4, vm0, $0xb8;
	[tilespmem:$0x10100] =	vst v63  }
0xa7: {  	v3 =	vadd.s32 v1, v3;
	s12 =	simm.s32 $0x5100  }
0xa8: {  	[tilespmem:s12], [sflag:$0x1] =	stream.indirect_vreg.gather [hbm4b:s5+s2], $0x80, v4, vm0, $0xb8;
	[tilespmem:$0x10100] =	vst v63  }
0xa9: {  	s13 =	simm.s32 $0x5900  }
0xaa: {  	[tilespmem:s13], [sflag:$0x1] =	stream.indirect_vreg.gather [hbm4b:s6+s2], $0x80, v4, vm0, $0xb8;
	[tilespmem:$0x10100] =	vst v63  }
0xab: {  	s14 =	simm.s32 $0x6100  }
0xac: {  	[tilespmem:s14], [sflag:$0x1] =	stream.indirect_vreg.gather [hbm4b:s3+s2], $0x80, v3, vm0, $0xb8;
	[tilespmem:$0x10100] =	vst v63  }
0xad: {  	s15 =	simm.s32 $0x6900  }
0xae: {  	[tilespmem:s15], [sflag:$0x1] =	stream.indirect_vreg.gather [hbm4b:s4+s2], $0x80, v3, vm0, $0xb8;
	[tilespmem:$0x10100] =	vst v63  }
0xaf: {  	s16 =	simm.s32 $0x7100  }
0xb0: {  	[tilespmem:s16], [sflag:$0x1] =	stream.indirect_vreg.gather [hbm4b:s5+s2], $0x80, v3, vm0, $0xb8;
	[tilespmem:$0x10100] =	vst v63  }
0xb1: {  	s17 =	simm.s32 $0x7900  }
0xb2: {  	[tilespmem:s17], [sflag:$0x1] =	stream.indirect_vreg.gather [hbm4b:s6+s2], $0x80, v3, vm0, $0xb8;
	[tilespmem:$0x10100] =	vst v63  }
0xb3: {  	_ =	swait.ge [sflag:s20], $0x8000  }
0xb4: {  	[sflag:s20] =	ssyncset.done $0x0  }
0xb5: {  	s1 =	rddreg [dreg:$0x7];
	[sflag:s20] =	ssyncadd.s32 $0xFFFF8000  }
0xb6: {  	[hbm4b:s1+s2] =	stream.linear.scatter [tilespmem:s26], [sflag:$0x3], $0x8000, $0x38;
	[tilespmem:$0x10100] =	vst v63  }
0xb7: {  	_ =	swait.ge [sflag:s8], $0x8000  }
0xb8: {  	[sflag:s8] =	ssyncset.done $0x0  }
0xb9: {  	s1 =	simm.s32 $0x80;
	s9 =	rddreg [dreg:$0x8];
	[sflag:s8] =	ssyncadd.s32 $0xFFFF8000  }
0xba: {  	[tilespmem:s1], [sflag:$0x3] =	stream.linear.gather [hbm4b:s9+s2], $0x20, $0x38;
	[tilespmem:$0x10100] =	vst v63  }
0xbb: {  	_ =	swait.ge [sflag:s8], $0x20  }
0xbc: {  	[sflag:s8] =	ssyncset.done $0x0  }
0xbd: {  	[sflag:s8] =	ssyncadd.s32 $0xFFFFFFE0  }
0xbe: {  	v3 =	vld [tilespmem:$0x80];
	_ =	sdelay $0x4  }
0xbf: {  	v54 =	vshll.u32 v3, $0x3  }
0xc0: {  	v3 =	vand.u32 $0x7, v3;
	v4 =	vand.u32 $0xFFFFFFC0, v54  }
0xc1: {  	v3 =	vor.u32 v3, v4  }
0xc2: {  	v4 =	vperm.xlane v3, v0;
	_ =	sdelay $0x1  }
0xc3: {  	v4 =	vadd.s32 v1, v4;
	_ =	sdelay $0x4  }
0xc4: {  	[tilespmem:s26], [sflag:$0x2] =	stream.indirect_vreg.gather [hbm4b:s3+s2], $0x80, v4, vm0, $0xb8;
	[tilespmem:$0x10100] =	vst v63  }
0xc5: {  	s9 =	simm.s32 $0x8900;
	v3 =	vperm.xlane v3, v2  }
0xc6: {  	[tilespmem:s9], [sflag:$0x2] =	stream.indirect_vreg.gather [hbm4b:s4+s2], $0x80, v4, vm0, $0xb8;
	[tilespmem:$0x10100] =	vst v63  }
0xc7: {  	s0 =	simm.s32 $0x9100;
	v3 =	vadd.s32 v1, v3  }
0xc8: {  	[tilespmem:s0], [sflag:$0x2] =	stream.indirect_vreg.gather [hbm4b:s5+s2], $0x80, v4, vm0, $0xb8;
	[tilespmem:$0x10100] =	vst v63  }
0xc9: {  	s21 =	simm.s32 $0x9900  }
0xca: {  	[tilespmem:s21], [sflag:$0x2] =	stream.indirect_vreg.gather [hbm4b:s6+s2], $0x80, v4, vm0, $0xb8;
	[tilespmem:$0x10100] =	vst v63  }
0xcb: {  	s25 =	simm.s32 $0xA100  }
0xcc: {  	[tilespmem:s25], [sflag:$0x2] =	stream.indirect_vreg.gather [hbm4b:s3+s2], $0x80, v3, vm0, $0xb8;
	[tilespmem:$0x10100] =	vst v63  }
0xcd: {  	s28 =	simm.s32 $0xA900  }
0xce: {  	[tilespmem:s28], [sflag:$0x2] =	stream.indirect_vreg.gather [hbm4b:s4+s2], $0x80, v3, vm0, $0xb8;
	[tilespmem:$0x10100] =	vst v63  }
0xcf: {  	s31 =	simm.s32 $0xB100  }
0xd0: {  	[tilespmem:s31], [sflag:$0x2] =	stream.indirect_vreg.gather [hbm4b:s5+s2], $0x80, v3, vm0, $0xb8;
	[tilespmem:$0x10100] =	vst v63  }
0xd1: {  	s24 =	simm.s32 $0xB900  }
0xd2: {  	[tilespmem:s24], [sflag:$0x2] =	stream.indirect_vreg.gather [hbm4b:s6+s2], $0x80, v3, vm0, $0xb8;
	[tilespmem:$0x10100] =	vst v63  }
0xd3: {  	v3 =	vld [tilespmem:$0x90];
	_ =	sdelay $0x4  }
0xd4: {  	v55 =	vshll.u32 v3, $0x3  }
0xd5: {  	v3 =	vand.u32 $0x7, v3;
	v4 =	vand.u32 $0xFFFFFFC0, v55  }
0xd6: {  	v3 =	vor.u32 v3, v4  }
0xd7: {  	v4 =	vperm.xlane v3, v0;
	_ =	sdelay $0x1  }
0xd8: {  	v4 =	vadd.s32 v1, v4;
	_ =	sdelay $0x3  }
0xd9: {  	s18 =	simm.s32 $0xC100  }
0xda: {  	[tilespmem:s18], [sflag:$0x2] =	stream.indirect_vreg.gather [hbm4b:s3+s2], $0x80, v4, vm0, $0xb8;
	[tilespmem:$0x10100] =	vst v63  }
0xdb: {  	s22 =	simm.s32 $0xC900;
	v3 =	vperm.xlane v3, v2  }
0xdc: {  	[tilespmem:s22], [sflag:$0x2] =	stream.indirect_vreg.gather [hbm4b:s4+s2], $0x80, v4, vm0, $0xb8;
	[tilespmem:$0x10100] =	vst v63  }
0xdd: {  	s21 =	simm.s32 $0xD100;
	v3 =	vadd.s32 v1, v3  }
0xde: {  	[tilespmem:s21], [sflag:$0x2] =	stream.indirect_vreg.gather [hbm4b:s5+s2], $0x80, v4, vm0, $0xb8;
	[tilespmem:$0x10100] =	vst v63  }
0xdf: {  	s22 =	simm.s32 $0xD900  }
0xe0: {  	[tilespmem:s22], [sflag:$0x2] =	stream.indirect_vreg.gather [hbm4b:s6+s2], $0x80, v4, vm0, $0xb8;
	[tilespmem:$0x10100] =	vst v63  }
0xe1: {  	s24 =	simm.s32 $0xE100  }
0xe2: {  	[tilespmem:s24], [sflag:$0x2] =	stream.indirect_vreg.gather [hbm4b:s3+s2], $0x80, v3, vm0, $0xb8;
	[tilespmem:$0x10100] =	vst v63  }
0xe3: {  	s22 =	simm.s32 $0xE900  }
0xe4: {  	[tilespmem:s22], [sflag:$0x2] =	stream.indirect_vreg.gather [hbm4b:s4+s2], $0x80, v3, vm0, $0xb8;
	[tilespmem:$0x10100] =	vst v63  }
0xe5: {  	s21 =	simm.s32 $0xF100  }
0xe6: {  	[tilespmem:s21], [sflag:$0x2] =	stream.indirect_vreg.gather [hbm4b:s5+s2], $0x80, v3, vm0, $0xb8;
	[tilespmem:$0x10100] =	vst v63  }
0xe7: {  	s23 =	simm.s32 $0xF900  }
0xe8: {  	[tilespmem:s23], [sflag:$0x2] =	stream.indirect_vreg.gather [hbm4b:s6+s2], $0x80, v3, vm0, $0xb8;
	[tilespmem:$0x10100] =	vst v63  }
0xe9: {  	_ =	swait.ge [sflag:s19], $0x8000  }
0xea: {  	[sflag:s19] =	ssyncset.done $0x0  }
0xeb: {  	s23 =	rddreg [dreg:$0x9];
	[sflag:s19] =	ssyncadd.s32 $0xFFFF8000  }
0xec: {  	[hbm4b:s23+s2] =	stream.linear.scatter [tilespmem:s30], [sflag:$0x3], $0x8000, $0x38;
	[tilespmem:$0x10100] =	vst v63  }
0xed: {  	_ =	swait.ge [sflag:s8], $0x8000  }
0xee: {  	[sflag:s8] =	ssyncset.done $0x0  }
0xef: {  	s23 =	rddreg [dreg:$0xa];
	[sflag:s8] =	ssyncadd.s32 $0xFFFF8000  }
0xf0: {  	[tilespmem:s2], [sflag:$0x3] =	stream.linear.gather [hbm4b:s23+s2], $0x20, $0x38;
	[tilespmem:$0x10100] =	vst v63  }
0xf1: {  	_ =	swait.ge [sflag:s8], $0x20  }
0xf2: {  	[sflag:s8] =	ssyncset.done $0x0  }
0xf3: {  	[sflag:s8] =	ssyncadd.s32 $0xFFFFFFE0  }
0xf4: {  	v3 =	vld [tilespmem:$0x0];
	_ =	sdelay $0x4  }
0xf5: {  	v56 =	vshll.u32 v3, $0x3  }
0xf6: {  	v3 =	vand.u32 $0x7, v3;
	v4 =	vand.u32 $0xFFFFFFC0, v56  }
0xf7: {  	v3 =	vor.u32 v3, v4  }
0xf8: {  	v4 =	vperm.xlane v3, v0;
	_ =	sdelay $0x1  }
0xf9: {  	v4 =	vadd.s32 v1, v4;
	_ =	sdelay $0x4  }
0xfa: {  	[tilespmem:s30], [sflag:$0x1] =	stream.indirect_vreg.gather [hbm4b:s3+s2], $0x80, v4, vm0, $0xb8;
	[tilespmem:$0x10100] =	vst v63  }
0xfb: {  	s23 =	simm.s32 $0x900;
	v3 =	vperm.xlane v3, v2  }
0xfc: {  	[tilespmem:s23], [sflag:$0x1] =	stream.indirect_vreg.gather [hbm4b:s4+s2], $0x80, v4, vm0, $0xb8;
	[tilespmem:$0x10100] =	vst v63  }
0xfd: {  	v3 =	vadd.s32 v1, v3;
	s23 =	simm.s32 $0x1100  }
0xfe: {  	[tilespmem:s23], [sflag:$0x1] =	stream.indirect_vreg.gather [hbm4b:s5+s2], $0x80, v4, vm0, $0xb8;
	[tilespmem:$0x10100] =	vst v63  }
0xff: {  	s23 =	simm.s32 $0x1900  }
0x100: {  	[tilespmem:s23], [sflag:$0x1] =	stream.indirect_vreg.gather [hbm4b:s6+s2], $0x80, v4, vm0, $0xb8;
	[tilespmem:$0x10100] =	vst v63  }
0x101: {  	_ = 	snop  }
0x102: {  	[tilespmem:s29], [sflag:$0x1] =	stream.indirect_vreg.gather [hbm4b:s3+s2], $0x80, v3, vm0, $0xb8;
	[tilespmem:$0x10100] =	vst v63  }
0x103: {  	_ = 	snop  }
0x104: {  	[tilespmem:s10], [sflag:$0x1] =	stream.indirect_vreg.gather [hbm4b:s4+s2], $0x80, v3, vm0, $0xb8;
	[tilespmem:$0x10100] =	vst v63  }
0x105: {  	_ = 	snop  }
0x106: {  	[tilespmem:s11], [sflag:$0x1] =	stream.indirect_vreg.gather [hbm4b:s5+s2], $0x80, v3, vm0, $0xb8;
	[tilespmem:$0x10100] =	vst v63  }
0x107: {  	s29 =	simm.s32 $0x3900  }
0x108: {  	[tilespmem:s29], [sflag:$0x1] =	stream.indirect_vreg.gather [hbm4b:s6+s2], $0x80, v3, vm0, $0xb8;
	[tilespmem:$0x10100] =	vst v63  }
0x109: {  	v3 =	vld [tilespmem:$0x10];
	_ =	sdelay $0x4  }
0x10a: {  	v57 =	vshll.u32 v3, $0x3  }
0x10b: {  	v3 =	vand.u32 $0x7, v3;
	v4 =	vand.u32 $0xFFFFFFC0, v57  }
0x10c: {  	v3 =	vor.u32 v3, v4  }
0x10d: {  	v4 =	vperm.xlane v3, v0;
	_ =	sdelay $0x1  }
0x10e: {  	v4 =	vadd.s32 v1, v4;
	_ =	sdelay $0x3  }
0x10f: {  	s29 =	simm.s32 $0x4100  }
0x110: {  	[tilespmem:s29], [sflag:$0x1] =	stream.indirect_vreg.gather [hbm4b:s3+s2], $0x80, v4, vm0, $0xb8;
	[tilespmem:$0x10100] =	vst v63  }
0x111: {  	v3 =	vperm.xlane v3, v2;
	s29 =	simm.s32 $0x4900  }
0x112: {  	[tilespmem:s29], [sflag:$0x1] =	stream.indirect_vreg.gather [hbm4b:s4+s2], $0x80, v4, vm0, $0xb8;
	[tilespmem:$0x10100] =	vst v63  }
0x113: {  	v3 =	vadd.s32 v1, v3  }
0x114: {  	[tilespmem:s12], [sflag:$0x1] =	stream.indirect_vreg.gather [hbm4b:s5+s2], $0x80, v4, vm0, $0xb8;
	[tilespmem:$0x10100] =	vst v63  }
0x115: {  	_ = 	snop  }
0x116: {  	[tilespmem:s13], [sflag:$0x1] =	stream.indirect_vreg.gather [hbm4b:s6+s2], $0x80, v4, vm0, $0xb8;
	[tilespmem:$0x10100] =	vst v63  }
0x117: {  	_ = 	snop  }
0x118: {  	[tilespmem:s14], [sflag:$0x1] =	stream.indirect_vreg.gather [hbm4b:s3+s2], $0x80, v3, vm0, $0xb8;
	[tilespmem:$0x10100] =	vst v63  }
0x119: {  	_ = 	snop  }
0x11a: {  	[tilespmem:s15], [sflag:$0x1] =	stream.indirect_vreg.gather [hbm4b:s4+s2], $0x80, v3, vm0, $0xb8;
	[tilespmem:$0x10100] =	vst v63  }
0x11b: {  	_ = 	snop  }
0x11c: {  	[tilespmem:s16], [sflag:$0x1] =	stream.indirect_vreg.gather [hbm4b:s5+s2], $0x80, v3, vm0, $0xb8;
	[tilespmem:$0x10100] =	vst v63  }
0x11d: {  	_ = 	snop  }
0x11e: {  	[tilespmem:s17], [sflag:$0x1] =	stream.indirect_vreg.gather [hbm4b:s6+s2], $0x80, v3, vm0, $0xb8;
	[tilespmem:$0x10100] =	vst v63  }
0x11f: {  	_ =	swait.ge [sflag:s20], $0x8000  }
0x120: {  	[sflag:s20] =	ssyncset.done $0x0  }
0x121: {  	s29 =	rddreg [dreg:$0xb];
	[sflag:s20] =	ssyncadd.s32 $0xFFFF8000  }
0x122: {  	[hbm4b:s29+s2] =	stream.linear.scatter [tilespmem:s26], [sflag:$0x3], $0x8000, $0x38;
	[tilespmem:$0x10100] =	vst v63  }
0x123: {  	_ =	swait.ge [sflag:s8], $0x8000  }
0x124: {  	[sflag:s8] =	ssyncset.done $0x0  }
0x125: {  	s29 =	rddreg [dreg:$0xc];
	[sflag:s8] =	ssyncadd.s32 $0xFFFF8000  }
0x126: {  	[tilespmem:s1], [sflag:$0x3] =	stream.linear.gather [hbm4b:s29+s2], $0x20, $0x38;
	[tilespmem:$0x10100] =	vst v63  }
0x127: {  	_ =	swait.ge [sflag:s8], $0x20  }
0x128: {  	[sflag:s8] =	ssyncset.done $0x0  }
0x129: {  	[sflag:s8] =	ssyncadd.s32 $0xFFFFFFE0  }
0x12a: {  	v3 =	vld [tilespmem:$0x80];
	_ =	sdelay $0x4  }
0x12b: {  	v58 =	vshll.u32 v3, $0x3  }
0x12c: {  	v3 =	vand.u32 $0x7, v3;
	v4 =	vand.u32 $0xFFFFFFC0, v58  }
0x12d: {  	v3 =	vor.u32 v3, v4  }
0x12e: {  	v4 =	vperm.xlane v3, v0;
	_ =	sdelay $0x1  }
0x12f: {  	v4 =	vadd.s32 v1, v4;
	_ =	sdelay $0x4  }
0x130: {  	[tilespmem:s26], [sflag:$0x2] =	stream.indirect_vreg.gather [hbm4b:s3+s2], $0x80, v4, vm0, $0xb8;
	[tilespmem:$0x10100] =	vst v63  }
0x131: {  	v3 =	vperm.xlane v3, v2  }
0x132: {  	[tilespmem:s9], [sflag:$0x2] =	stream.indirect_vreg.gather [hbm4b:s4+s2], $0x80, v4, vm0, $0xb8;
	[tilespmem:$0x10100] =	vst v63  }
0x133: {  	v3 =	vadd.s32 v1, v3  }
0x134: {  	[tilespmem:s0], [sflag:$0x2] =	stream.indirect_vreg.gather [hbm4b:s5+s2], $0x80, v4, vm0, $0xb8;
	[tilespmem:$0x10100] =	vst v63  }
0x135: {  	s29 =	simm.s32 $0x9900  }
0x136: {  	[tilespmem:s29], [sflag:$0x2] =	stream.indirect_vreg.gather [hbm4b:s6+s2], $0x80, v4, vm0, $0xb8;
	[tilespmem:$0x10100] =	vst v63  }
0x137: {  	s25 =	simm.s32 $0xA100  }
0x138: {  	[tilespmem:s25], [sflag:$0x2] =	stream.indirect_vreg.gather [hbm4b:s3+s2], $0x80, v3, vm0, $0xb8;
	[tilespmem:$0x10100] =	vst v63  }
0x139: {  	s28 =	simm.s32 $0xA900  }
0x13a: {  	[tilespmem:s28], [sflag:$0x2] =	stream.indirect_vreg.gather [hbm4b:s4+s2], $0x80, v3, vm0, $0xb8;
	[tilespmem:$0x10100] =	vst v63  }
0x13b: {  	s31 =	simm.s32 $0xB100  }
0x13c: {  	[tilespmem:s31], [sflag:$0x2] =	stream.indirect_vreg.gather [hbm4b:s5+s2], $0x80, v3, vm0, $0xb8;
	[tilespmem:$0x10100] =	vst v63  }
0x13d: {  	s31 =	simm.s32 $0xB900  }
0x13e: {  	[tilespmem:s31], [sflag:$0x2] =	stream.indirect_vreg.gather [hbm4b:s6+s2], $0x80, v3, vm0, $0xb8;
	[tilespmem:$0x10100] =	vst v63  }
0x13f: {  	v3 =	vld [tilespmem:$0x90];
	_ =	sdelay $0x4  }
0x140: {  	v59 =	vshll.u32 v3, $0x3  }
0x141: {  	v3 =	vand.u32 $0x7, v3;
	v4 =	vand.u32 $0xFFFFFFC0, v59  }
0x142: {  	v3 =	vor.u32 v3, v4  }
0x143: {  	v4 =	vperm.xlane v3, v0;
	_ =	sdelay $0x1  }
0x144: {  	v4 =	vadd.s32 v1, v4;
	_ =	sdelay $0x3  }
0x145: {  	s31 =	simm.s32 $0xC100  }
0x146: {  	[tilespmem:s31], [sflag:$0x2] =	stream.indirect_vreg.gather [hbm4b:s3+s2], $0x80, v4, vm0, $0xb8;
	[tilespmem:$0x10100] =	vst v63  }
0x147: {  	v3 =	vperm.xlane v3, v2;
	s31 =	simm.s32 $0xC900  }
0x148: {  	[tilespmem:s31], [sflag:$0x2] =	stream.indirect_vreg.gather [hbm4b:s4+s2], $0x80, v4, vm0, $0xb8;
	[tilespmem:$0x10100] =	vst v63  }
0x149: {  	s18 =	simm.s32 $0xD100;
	v3 =	vadd.s32 v1, v3  }
0x14a: {  	[tilespmem:s18], [sflag:$0x2] =	stream.indirect_vreg.gather [hbm4b:s5+s2], $0x80, v4, vm0, $0xb8;
	[tilespmem:$0x10100] =	vst v63  }
0x14b: {  	s21 =	simm.s32 $0xD900  }
0x14c: {  	[tilespmem:s21], [sflag:$0x2] =	stream.indirect_vreg.gather [hbm4b:s6+s2], $0x80, v4, vm0, $0xb8;
	[tilespmem:$0x10100] =	vst v63  }
0x14d: {  	s24 =	simm.s32 $0xE100  }
0x14e: {  	[tilespmem:s24], [sflag:$0x2] =	stream.indirect_vreg.gather [hbm4b:s3+s2], $0x80, v3, vm0, $0xb8;
	[tilespmem:$0x10100] =	vst v63  }
0x14f: {  	s22 =	simm.s32 $0xE900  }
0x150: {  	[tilespmem:s22], [sflag:$0x2] =	stream.indirect_vreg.gather [hbm4b:s4+s2], $0x80, v3, vm0, $0xb8;
	[tilespmem:$0x10100] =	vst v63  }
0x151: {  	s22 =	simm.s32 $0xF100  }
0x152: {  	[tilespmem:s22], [sflag:$0x2] =	stream.indirect_vreg.gather [hbm4b:s5+s2], $0x80, v3, vm0, $0xb8;
	[tilespmem:$0x10100] =	vst v63  }
0x153: {  	s21 =	simm.s32 $0xF900  }
0x154: {  	[tilespmem:s21], [sflag:$0x2] =	stream.indirect_vreg.gather [hbm4b:s6+s2], $0x80, v3, vm0, $0xb8;
	[tilespmem:$0x10100] =	vst v63  }
0x155: {  	_ =	swait.ge [sflag:s19], $0x8000  }
0x156: {  	[sflag:s19] =	ssyncset.done $0x0  }
0x157: {  	s21 =	rddreg [dreg:$0xd];
	[sflag:s19] =	ssyncadd.s32 $0xFFFF8000  }
0x158: {  	[hbm4b:s21+s2] =	stream.linear.scatter [tilespmem:s30], [sflag:$0x3], $0x8000, $0x38;
	[tilespmem:$0x10100] =	vst v63  }
0x159: {  	_ =	swait.ge [sflag:s8], $0x8000  }
0x15a: {  	[sflag:s8] =	ssyncset.done $0x0  }
0x15b: {  	s21 =	rddreg [dreg:$0xe];
	[sflag:s8] =	ssyncadd.s32 $0xFFFF8000  }
0x15c: {  	[tilespmem:s2], [sflag:$0x3] =	stream.linear.gather [hbm4b:s21+s2], $0x20, $0x38;
	[tilespmem:$0x10100] =	vst v63  }
0x15d: {  	_ =	swait.ge [sflag:s8], $0x20  }
0x15e: {  	[sflag:s8] =	ssyncset.done $0x0  }
0x15f: {  	[sflag:s8] =	ssyncadd.s32 $0xFFFFFFE0  }
0x160: {  	v3 =	vld [tilespmem:$0x0];
	_ =	sdelay $0x4  }
0x161: {  	v60 =	vshll.u32 v3, $0x3  }
0x162: {  	v3 =	vand.u32 $0x7, v3;
	v4 =	vand.u32 $0xFFFFFFC0, v60  }
0x163: {  	v3 =	vor.u32 v3, v4  }
0x164: {  	v4 =	vperm.xlane v3, v0;
	_ =	sdelay $0x1  }
0x165: {  	v4 =	vadd.s32 v1, v4;
	_ =	sdelay $0x4  }
0x166: {  	[tilespmem:s30], [sflag:$0x1] =	stream.indirect_vreg.gather [hbm4b:s3+s2], $0x80, v4, vm0, $0xb8;
	[tilespmem:$0x10100] =	vst v63  }
0x167: {  	s21 =	simm.s32 $0x900;
	v3 =	vperm.xlane v3, v2  }
0x168: {  	[tilespmem:s21], [sflag:$0x1] =	stream.indirect_vreg.gather [hbm4b:s4+s2], $0x80, v4, vm0, $0xb8;
	[tilespmem:$0x10100] =	vst v63  }
0x169: {  	v3 =	vadd.s32 v1, v3;
	s21 =	simm.s32 $0x1100  }
0x16a: {  	[tilespmem:s21], [sflag:$0x1] =	stream.indirect_vreg.gather [hbm4b:s5+s2], $0x80, v4, vm0, $0xb8;
	[tilespmem:$0x10100] =	vst v63  }
0x16b: {  	s21 =	simm.s32 $0x1900  }
0x16c: {  	[tilespmem:s21], [sflag:$0x1] =	stream.indirect_vreg.gather [hbm4b:s6+s2], $0x80, v4, vm0, $0xb8;
	[tilespmem:$0x10100] =	vst v63  }
0x16d: {  	s23 =	simm.s32 $0x2100  }
0x16e: {  	[tilespmem:s23], [sflag:$0x1] =	stream.indirect_vreg.gather [hbm4b:s3+s2], $0x80, v3, vm0, $0xb8;
	[tilespmem:$0x10100] =	vst v63  }
0x16f: {  	s10 =	simm.s32 $0x2900  }
0x170: {  	[tilespmem:s10], [sflag:$0x1] =	stream.indirect_vreg.gather [hbm4b:s4+s2], $0x80, v3, vm0, $0xb8;
	[tilespmem:$0x10100] =	vst v63  }
0x171: {  	s11 =	simm.s32 $0x3100  }
0x172: {  	[tilespmem:s11], [sflag:$0x1] =	stream.indirect_vreg.gather [hbm4b:s5+s2], $0x80, v3, vm0, $0xb8;
	[tilespmem:$0x10100] =	vst v63  }
0x173: {  	s21 =	simm.s32 $0x3900  }
0x174: {  	[tilespmem:s21], [sflag:$0x1] =	stream.indirect_vreg.gather [hbm4b:s6+s2], $0x80, v3, vm0, $0xb8;
	[tilespmem:$0x10100] =	vst v63  }
0x175: {  	v3 =	vld [tilespmem:$0x10];
	_ =	sdelay $0x4  }
0x176: {  	v61 =	vshll.u32 v3, $0x3  }
0x177: {  	v3 =	vand.u32 $0x7, v3;
	v4 =	vand.u32 $0xFFFFFFC0, v61  }
0x178: {  	v3 =	vor.u32 v3, v4  }
0x179: {  	v4 =	vperm.xlane v3, v0;
	_ =	sdelay $0x1  }
0x17a: {  	v4 =	vadd.s32 v1, v4;
	_ =	sdelay $0x3  }
0x17b: {  	s23 =	simm.s32 $0x4100  }
0x17c: {  	[tilespmem:s23], [sflag:$0x1] =	stream.indirect_vreg.gather [hbm4b:s3+s2], $0x80, v4, vm0, $0xb8;
	[tilespmem:$0x10100] =	vst v63  }
0x17d: {  	s11 =	simm.s32 $0x4900;
	v3 =	vperm.xlane v3, v2  }
0x17e: {  	[tilespmem:s11], [sflag:$0x1] =	stream.indirect_vreg.gather [hbm4b:s4+s2], $0x80, v4, vm0, $0xb8;
	[tilespmem:$0x10100] =	vst v63  }
0x17f: {  	s12 =	simm.s32 $0x5100;
	v3 =	vadd.s32 v1, v3  }
0x180: {  	[tilespmem:s12], [sflag:$0x1] =	stream.indirect_vreg.gather [hbm4b:s5+s2], $0x80, v4, vm0, $0xb8;
	[tilespmem:$0x10100] =	vst v63  }
0x181: {  	s13 =	simm.s32 $0x5900  }
0x182: {  	[tilespmem:s13], [sflag:$0x1] =	stream.indirect_vreg.gather [hbm4b:s6+s2], $0x80, v4, vm0, $0xb8;
	[tilespmem:$0x10100] =	vst v63  }
0x183: {  	s14 =	simm.s32 $0x6100  }
0x184: {  	[tilespmem:s14], [sflag:$0x1] =	stream.indirect_vreg.gather [hbm4b:s3+s2], $0x80, v3, vm0, $0xb8;
	[tilespmem:$0x10100] =	vst v63  }
0x185: {  	s15 =	simm.s32 $0x6900  }
0x186: {  	[tilespmem:s15], [sflag:$0x1] =	stream.indirect_vreg.gather [hbm4b:s4+s2], $0x80, v3, vm0, $0xb8;
	[tilespmem:$0x10100] =	vst v63  }
0x187: {  	s16 =	simm.s32 $0x7100  }
0x188: {  	[tilespmem:s16], [sflag:$0x1] =	stream.indirect_vreg.gather [hbm4b:s5+s2], $0x80, v3, vm0, $0xb8;
	[tilespmem:$0x10100] =	vst v63  }
0x189: {  	s17 =	simm.s32 $0x7900  }
0x18a: {  	[tilespmem:s17], [sflag:$0x1] =	stream.indirect_vreg.gather [hbm4b:s6+s2], $0x80, v3, vm0, $0xb8;
	[tilespmem:$0x10100] =	vst v63  }
0x18b: {  	_ =	swait.ge [sflag:s20], $0x8000  }
0x18c: {  	[sflag:s20] =	ssyncset.done $0x0  }
0x18d: {  	s14 =	rddreg [dreg:$0xf];
	[sflag:s20] =	ssyncadd.s32 $0xFFFF8000  }
0x18e: {  	[hbm4b:s14+s2] =	stream.linear.scatter [tilespmem:s26], [sflag:$0x3], $0x8000, $0x38;
	[tilespmem:$0x10100] =	vst v63  }
0x18f: {  	_ =	swait.ge [sflag:s8], $0x8000  }
0x190: {  	[sflag:s8] =	ssyncset.done $0x0  }
0x191: {  	s1 =	simm.s32 $0x80;
	s15 =	rddreg [dreg:$0x10];
	[sflag:s8] =	ssyncadd.s32 $0xFFFF8000  }
0x192: {  	[tilespmem:s1], [sflag:$0x3] =	stream.linear.gather [hbm4b:s15+s2], $0x20, $0x38;
	[tilespmem:$0x10100] =	vst v63  }
0x193: {  	_ =	swait.ge [sflag:s8], $0x20  }
0x194: {  	[sflag:s8] =	ssyncset.done $0x0  }
0x195: {  	[sflag:s8] =	ssyncadd.s32 $0xFFFFFFE0  }
0x196: {  	v3 =	vld [tilespmem:$0x80];
	_ =	sdelay $0x4  }
0x197: {  	v62 =	vshll.u32 v3, $0x3  }
0x198: {  	v3 =	vand.u32 $0x7, v3;
	v4 =	vand.u32 $0xFFFFFFC0, v62  }
0x199: {  	v3 =	vor.u32 v3, v4  }
0x19a: {  	v4 =	vperm.xlane v3, v0;
	_ =	sdelay $0x1  }
0x19b: {  	v4 =	vadd.s32 v1, v4;
	_ =	sdelay $0x4  }
0x19c: {  	[tilespmem:s26], [sflag:$0x2] =	stream.indirect_vreg.gather [hbm4b:s3+s2], $0x80, v4, vm0, $0xb8;
	[tilespmem:$0x10100] =	vst v63  }
0x19d: {  	s9 =	simm.s32 $0x8900;
	v3 =	vperm.xlane v3, v2  }
0x19e: {  	[tilespmem:s9], [sflag:$0x2] =	stream.indirect_vreg.gather [hbm4b:s4+s2], $0x80, v4, vm0, $0xb8;
	[tilespmem:$0x10100] =	vst v63  }
0x19f: {  	s0 =	simm.s32 $0x9100;
	v3 =	vadd.s32 v1, v3  }
0x1a0: {  	[tilespmem:s0], [sflag:$0x2] =	stream.indirect_vreg.gather [hbm4b:s5+s2], $0x80, v4, vm0, $0xb8;
	[tilespmem:$0x10100] =	vst v63  }
0x1a1: {  	s16 =	simm.s32 $0x9900  }
0x1a2: {  	[tilespmem:s16], [sflag:$0x2] =	stream.indirect_vreg.gather [hbm4b:s6+s2], $0x80, v4, vm0, $0xb8;
	[tilespmem:$0x10100] =	vst v63  }
0x1a3: {  	s29 =	simm.s32 $0xA100  }
0x1a4: {  	[tilespmem:s29], [sflag:$0x2] =	stream.indirect_vreg.gather [hbm4b:s3+s2], $0x80, v3, vm0, $0xb8;
	[tilespmem:$0x10100] =	vst v63  }
0x1a5: {  	s25 =	simm.s32 $0xA900  }
0x1a6: {  	[tilespmem:s25], [sflag:$0x2] =	stream.indirect_vreg.gather [hbm4b:s4+s2], $0x80, v3, vm0, $0xb8;
	[tilespmem:$0x10100] =	vst v63  }
0x1a7: {  	s28 =	simm.s32 $0xB100  }
0x1a8: {  	[tilespmem:s28], [sflag:$0x2] =	stream.indirect_vreg.gather [hbm4b:s5+s2], $0x80, v3, vm0, $0xb8;
	[tilespmem:$0x10100] =	vst v63  }
0x1a9: {  	s17 =	simm.s32 $0xB900  }
0x1aa: {  	[tilespmem:s17], [sflag:$0x2] =	stream.indirect_vreg.gather [hbm4b:s6+s2], $0x80, v3, vm0, $0xb8;
	[tilespmem:$0x10100] =	vst v63  }
0x1ab: {  	v3 =	vld [tilespmem:$0x90];
	_ =	sdelay $0x4  }
0x1ac: {  	v63 =	vshll.u32 v3, $0x3  }
0x1ad: {  	v3 =	vand.u32 $0x7, v3;
	v4 =	vand.u32 $0xFFFFFFC0, v63  }
0x1ae: {  	v3 =	vor.u32 v3, v4  }
0x1af: {  	v4 =	vperm.xlane v3, v0;
	_ =	sdelay $0x1  }
0x1b0: {  	v4 =	vadd.s32 v1, v4;
	_ =	sdelay $0x3  }
0x1b1: {  	s21 =	simm.s32 $0xC100  }
0x1b2: {  	[tilespmem:s21], [sflag:$0x2] =	stream.indirect_vreg.gather [hbm4b:s3+s2], $0x80, v4, vm0, $0xb8;
	[tilespmem:$0x10100] =	vst v63  }
0x1b3: {  	s23 =	simm.s32 $0xC900;
	v3 =	vperm.xlane v3, v2  }
0x1b4: {  	[tilespmem:s23], [sflag:$0x2] =	stream.indirect_vreg.gather [hbm4b:s4+s2], $0x80, v4, vm0, $0xb8;
	[tilespmem:$0x10100] =	vst v63  }
0x1b5: {  	s31 =	simm.s32 $0xD100;
	v3 =	vadd.s32 v1, v3  }
0x1b6: {  	[tilespmem:s31], [sflag:$0x2] =	stream.indirect_vreg.gather [hbm4b:s5+s2], $0x80, v4, vm0, $0xb8;
	[tilespmem:$0x10100] =	vst v63  }
0x1b7: {  	s25 =	simm.s32 $0xD900  }
0x1b8: {  	[tilespmem:s25], [sflag:$0x2] =	stream.indirect_vreg.gather [hbm4b:s6+s2], $0x80, v4, vm0, $0xb8;
	[tilespmem:$0x10100] =	vst v63  }
0x1b9: {  	s24 =	simm.s32 $0xE100  }
0x1ba: {  	[tilespmem:s24], [sflag:$0x2] =	stream.indirect_vreg.gather [hbm4b:s3+s2], $0x80, v3, vm0, $0xb8;
	[tilespmem:$0x10100] =	vst v63  }
0x1bb: {  	s18 =	simm.s32 $0xE900  }
0x1bc: {  	[tilespmem:s18], [sflag:$0x2] =	stream.indirect_vreg.gather [hbm4b:s4+s2], $0x80, v3, vm0, $0xb8;
	[tilespmem:$0x10100] =	vst v63  }
0x1bd: {  	s22 =	simm.s32 $0xF100  }
0x1be: {  	[tilespmem:s22], [sflag:$0x2] =	stream.indirect_vreg.gather [hbm4b:s5+s2], $0x80, v3, vm0, $0xb8;
	[tilespmem:$0x10100] =	vst v63  }
0x1bf: {  	s28 =	simm.s32 $0xF900  }
0x1c0: {  	[tilespmem:s28], [sflag:$0x2] =	stream.indirect_vreg.gather [hbm4b:s6+s2], $0x80, v3, vm0, $0xb8;
	[tilespmem:$0x10100] =	vst v63  }
0x1c1: {  	_ =	swait.ge [sflag:s19], $0x8000  }
0x1c2: {  	[sflag:s19] =	ssyncset.done $0x0  }
0x1c3: {  	s29 =	rddreg [dreg:$0x11];
	[sflag:s19] =	ssyncadd.s32 $0xFFFF8000  }
0x1c4: {  	[hbm4b:s29+s2] =	stream.linear.scatter [tilespmem:s30], [sflag:$0x3], $0x8000, $0x38;
	[tilespmem:$0x10100] =	vst v63  }
0x1c5: {  	_ =	swait.ge [sflag:s8], $0x8000  }
0x1c6: {  	[sflag:s8] =	ssyncset.done $0x0  }
0x1c7: {  	[sflag:s8] =	ssyncadd.s32 $0xFFFF8000  }
0x1c8: {  	_ =	swait.ge [sflag:s20], $0x8000  }
0x1c9: {  	p0 =	sne.s32 s7, $0x1;
	[sflag:s20] =	ssyncset.done $0x0  }
.Ltmp0:
0x1ca: {  	s31 =	rddreg [dreg:$0x12];
	[sflag:s20] =	ssyncadd.s32 $0xFFFF8000;
	(pc) =	sbr.rel @p0 .LBB2_1-.Ltmp0, $4  }
0x1cb: {  	[hbm4b:s31+s2] =	stream.linear.scatter [tilespmem:s26], [sflag:$0x3], $0x8000, $0x38;
	[tilespmem:$0x10100] =	vst v63  }
0x1cc: {  	_ =	swait.ge [sflag:s8], $0x8000  }
0x1cd: {  	[sflag:s8] =	ssyncset.done $0x0  }
0x1ce: {  	s7 =	sadd.s32 $0xFFFFFFFF, s7;
	[sflag:s8] =	ssyncadd.s32 $0xFFFF8000  }
0x1cf: {  	_ =	sfence.sel $0x180000  }
0x1d0: {  	[bflag:$0x0] =	sbarrier.arrive $0xFFFF  }
0x1d1: {  	_ =	strace $0x90000050  }
0x1d2: {  	s0 =	stileid.u32;
	[bflag:$0x2] =	sbarrier.arrive $0xFFFF  }
0x1d3: {  	p0 =	sne.s32 s0, $0x0;
	s0 =	rddreg [dreg:$0x2]  }
0x1d4: {  	s0 =	sadd.s32 @!p0 $0x100000, s0  }
0x1d5: {  	[sflag:s0] =	ssyncadd.tile.s32 @!p0 $0x1;
	_ =	shalt  }
.Lfunc_end2:
_tile_overlayer_lowered:
.L_overlay_start_2:
0x1d6: {  	(tag) =	ssettag $0x2  }
0x1d7: {  	s0 =	rddreg [dreg:$0x0];
	s2 =	stileid.u32  }
0x1d8: {  	s1 =	rddreg [dreg:$0x1];
	p0 =	sne.s32 s2, $0x0  }
0x1d9: {  	s3 =	rddreg [dreg:$0x2];
	[bflag:$0x3] =	sbarrier.arrive $0xFFFF;
	s2 =	simm.s32 @!p0 $0x1C03  }
0x1da: {  	[timem:s3], [sflag:s2] =	dma.local @!p0 [hbm:s0], s1  }
0x1db: {  	s0 =	simm.s32 @!p0 $0x3  }
0x1dc: {  	_ =	swait.ge @!p0 [sflag:s0], s1  }
0x1dd: {  	s1 =	ssub.s32 @!p0 $0x0, s1;
	[sflag:s0] =	ssyncset.done @!p0 $0x0  }
0x1de: {  	[sflag:s0] =	ssyncadd.s32 @!p0 s1  }
0x1df: {  	[bflag:$0x3] =	sbarrier.arrive $0xFFFF  }
0x1e0: {  	_ =	shalt  }

</sc_bundles>
